<compile_context>
chip_gen: v7x
topology: tpu7x:2x2x1
jax: 0.10.2.dev20260603
libtpu: 0.0.44.dev20260713+nightly
codegen_flags: <defaults>
</compile_context>

<pallas_src>
import functools
import math

import jax
import jax.numpy as jnp
from jax import lax
from jax.experimental import pallas as pl
from jax.experimental.pallas import tpu as pltpu
from jax.experimental.pallas import tpu_sc as plsc

_GHM = 0.75
_NBINS = 10
_ROWS, _COLS = 16384, 1024
_TOTAL = float(_ROWS * _COLS)

_SC_ROWS = 12288
_TC_ROWS = _ROWS - _SC_ROWS

_BLK = 1024
_NSTEPS = _TC_ROWS // _BLK
_LOGIT_EDGES = [math.log(i / (_NBINS - i)) for i in range(1, _NBINS)]


def _tc_body(pred_ref, tgt_ref, out_ref, acc_ref):
    step = pl.program_id(0)

    @pl.when(step == 0)
    def _init():
        for i in range(20):
            acc_ref[i] = 0.0

    p = pred_ref[...]
    t = tgt_ref[...].astype(jnp.float32)
    sp = p * (1.0 - 2.0 * t)
    u = jnp.exp(-jnp.abs(sp))
    loss_e = jnp.maximum(sp, 0.0) + jnp.log(1.0 + u)

    acc_ref[19] += jnp.sum(loss_e)
    for i, le in enumerate(_LOGIT_EDGES):
        m = sp < le
        acc_ref[i] += jnp.sum(m.astype(jnp.float32))
        acc_ref[9 + i] += jnp.sum(jnp.where(m, loss_e, 0.0))

    @pl.when(step == _NSTEPS - 1)
    def _fini():
        for i in range(20):
            out_ref[i] = acc_ref[i]


def _tc_partials(pred, target):
    return pl.pallas_call(
        _tc_body,
        grid=(_NSTEPS,),
        in_specs=[
            pl.BlockSpec((_BLK, _COLS), lambda i: (i, 0)),
            pl.BlockSpec((_BLK, _COLS), lambda i: (i, 0)),
        ],
        out_specs=pl.BlockSpec(memory_space=pltpu.SMEM),
        out_shape=jax.ShapeDtypeStruct((20,), jnp.float32),
        scratch_shapes=[pltpu.SMEM((20,), jnp.float32)],
    )(pred, target)


_NC, _NS = 2, 16
_NW = _NC * _NS
_WROWS = _SC_ROWS // _NW
_RCH = 16
_NCH = _WROWS // _RCH
_ABS_EDGES = [math.log(e / (1.0 - e)) for e in (0.6, 0.7, 0.8, 0.9)]
_LOG1P_C = [3.910905554960209e-08, 0.9999936302585147, -0.49982549864347925,
            0.33144665224343317, -0.23943337074600235, 0.16499812983410006,
            -0.09229041738055285, 0.03426459995555095, -0.006006605050865348]

@functools.cache
def _make_sc_partials():
    mesh = plsc.VectorSubcoreMesh(
        core_axis_name="c", subcore_axis_name="s", num_cores=_NC, num_subcores=_NS
    )
    return pl.kernel(
        _sc_body,
        out_type=(
            jax.ShapeDtypeStruct((_NW * 16, _NBINS), jnp.float32),
            jax.ShapeDtypeStruct((_NW * 16, _NBINS), jnp.float32),
        ),
        mesh=mesh,
        compiler_params=pltpu.CompilerParams(needs_layout_passes=False),
        scratch_types=[
            pltpu.VMEM((2, _RCH, _COLS), jnp.float32),
            pltpu.VMEM((2, _RCH, _COLS), jnp.int32),
            pltpu.VMEM((16, _NBINS), jnp.float32),
            pltpu.VMEM((16, _NBINS), jnp.float32),
            pltpu.SemaphoreType.DMA((2,)),
        ],
    )


def _sc_body(pred_hbm, tgt_hbm, cnt_hbm, sum_hbm, pbuf, tbuf, cnt_v, sum_v, sem):
    wid = lax.axis_index("s") * _NC + lax.axis_index("c")
    row0 = _TC_ROWS + wid * _WROWS
    lane = lax.iota(jnp.int32, 16)
    ones = jnp.ones((16,), jnp.float32)
    zeros16 = jnp.zeros((16,), jnp.float32)
    for j in range(_NBINS):
        colj = jnp.full((16,), j, jnp.int32)
        plsc.store_scatter(cnt_v, [lane, colj], zeros16)
        plsc.store_scatter(sum_v, [lane, colj], zeros16)

    def start(ci, slot):
        r = row0 + ci * _RCH
        return (
            pltpu.async_copy(pred_hbm.at[pl.ds(r, _RCH)], pbuf.at[slot], sem.at[slot]),
            pltpu.async_copy(tgt_hbm.at[pl.ds(r, _RCH)], tbuf.at[slot], sem.at[slot]),
        )

    pending = start(0, 0)
    for ci in range(_NCH):
        slot = ci % 2
        for d in pending:
            d.wait()
        if ci + 1 < _NCH:
            pending = start(ci + 1, 1 - slot)

        @functools.partial(plsc.parallel_loop, 0, _RCH * 16, unroll=2)
        def _chunk_loop(j):
            rr = lax.shift_right_logical(j, 4)
            cb = pl.multiple_of(lax.shift_left(jnp.bitwise_and(j, 15), 6), 64)
            for k in range(4):
                cc = pl.multiple_of(cb + 16 * k, 16)
                p = pbuf[slot, rr, pl.ds(cc, 16)]
                tf = tbuf[slot, rr, pl.ds(cc, 16)].astype(jnp.float32)
                sp = p * (1.0 - 2.0 * tf)
                a = jnp.abs(sp)
                u = jnp.exp(-a)
                q = jnp.zeros((16,), jnp.int32)
                for m in _ABS_EDGES:
                    q = q + jnp.where(a >= m, 1, 0)
                b = jnp.where(sp >= 0.0, q + 5, 4 - q)
                h = jnp.full((16,), _LOG1P_C[8], jnp.float32)
                for c in reversed(_LOG1P_C[:8]):
                    h = h * u + c
                loss_e = jnp.maximum(sp, 0.0) + h
                plsc.addupdate_scatter(cnt_v, [lane, b], ones)
                plsc.addupdate_scatter(sum_v, [lane, b], loss_e)

    pltpu.sync_copy(cnt_v, cnt_hbm.at[pl.ds(wid * 16, 16)])
    pltpu.sync_copy(sum_v, sum_hbm.at[pl.ds(wid * 16, 16)])


def _combine_body(acc_ref, cnt_ref, sum_ref, out_ref):
    cvec = jnp.sum(cnt_ref[...], axis=0, keepdims=True)
    svec = jnp.sum(sum_ref[...], axis=0, keepdims=True)
    iota = lax.broadcasted_iota(jnp.int32, (1, _NBINS), 1)
    lt = [0.0] + [acc_ref[i] for i in range(9)] + [float(_TC_ROWS * _COLS)]
    wlt = [0.0] + [acc_ref[9 + i] for i in range(9)] + [acc_ref[19]]
    for i in range(_NBINS):
        cvec = cvec + jnp.where(iota == i, lt[i + 1] - lt[i], 0.0)
        svec = svec + jnp.where(iota == i, wlt[i + 1] - wlt[i], 0.0)
    out_ref[0] = jnp.sum(svec / jnp.maximum(cvec, 1.0)) * (_GHM / 10.0)


def _combine(tc_acc, sc_cnt, sc_sum):
    return pl.pallas_call(
        _combine_body,
        in_specs=[
            pl.BlockSpec(memory_space=pltpu.SMEM),
            pl.BlockSpec((_NW * 16, _NBINS), lambda: (0, 0)),
            pl.BlockSpec((_NW * 16, _NBINS), lambda: (0, 0)),
        ],
        out_specs=pl.BlockSpec(memory_space=pltpu.SMEM),
        out_shape=jax.ShapeDtypeStruct((1,), jnp.float32),
    )(tc_acc, sc_cnt, sc_sum)


def kernel(pred, target):
    sc_cnt, sc_sum = _make_sc_partials()(pred, target)
    tc_acc = _tc_partials(pred, target)
    return _combine(tc_acc, sc_cnt, sc_sum).reshape(())

# --- scband reference (transcript-rebuilt; emitter-appended) ---
"""Pipeline reference for scband-ghmc-loss-63995012710873 (READ-ONLY COPY).

The authoritative reference and input builder live on the scoring server;
editing this copy changes nothing except your own understanding.
"""

import jax, jax.numpy as jnp
import numpy as np

GHM = 0.75
BINS = 10
EDGES = [float(x) / BINS for x in range(BINS + 1)]
EDGES[-1] += 1e-06


def setup_inputs(seed: int = 0) -> dict:
    key = jax.random.key(seed)
    k1, k2 = jax.random.split(key)
    pred = jax.random.normal(k1, (16384, 1024), dtype=jnp.float32)
    target = jax.random.randint(k2, (16384, 1024), 0, 2, dtype=jnp.int32)
    return {"pred": pred, "target": target}


def reference(pred, target):
    target = target.astype(jnp.float32)
    g = jnp.abs(jax.nn.sigmoid(pred) - target)
    total = 1
    for k in pred.shape:
        total *= k
    total = float(total)
    weights = jnp.zeros_like(pred)
    for i in range(BINS):
        inds = (g >= EDGES[i]) & (g <= EDGES[i + 1])
        num_in_bins = jnp.sum(inds)
        val = GHM * (total / jnp.maximum(num_in_bins, 1).astype(jnp.float32))
        # matches torch: assignment only happens when num_in_bins > 0;
        # any element with inds=True implies num_in_bins >= 1
        weights = jnp.where(inds & (num_in_bins > 0), val, weights)
    weights = weights / 10.0
    # weights carries no gradient in the torch original (built from bool masks
    # and python scalars via .item())
    weights = jax.lax.stop_gradient(weights)
    # binary_cross_entropy_with_logits with per-element weight, reduction='mean'
    loss_elem = jnp.maximum(pred, 0.0) - pred * target + jnp.log1p(jnp.exp(-jnp.abs(pred)))
    loss = jnp.mean(weights * loss_elem)
    return loss

if __name__ == "__main__":
    import jax
    _d = setup_inputs()
    print(jax.jit(kernel)(*tuple(_d.values())))

</pallas_src>

<mosaic_0001>
#map = affine_map<(d0, d1) -> (0, 0)>
module attributes {stable_mosaic.version = 14 : i64} {
  func.func @_sc_body(%arg0: i32, %arg1: i32, %arg2: memref<16384x1024xf32, #tpu.memory_space<hbm>>, %arg3: memref<16384x1024xi32, #tpu.memory_space<hbm>>, %arg4: memref<512x10xf32, #tpu.memory_space<hbm>>, %arg5: memref<512x10xf32, #tpu.memory_space<hbm>>, %arg6: memref<2x16x1024xf32, #tpu.memory_space<vmem>>, %arg7: memref<2x16x1024xi32, #tpu.memory_space<vmem>>, %arg8: memref<16x10xf32, #tpu.memory_space<vmem>>, %arg9: memref<16x10xf32, #tpu.memory_space<vmem>>, %arg10: memref<2x!tpu.dma_semaphore, #tpu.memory_space<semaphore_mem>>) attributes {dimension_semantics = [#tpu.dimension_semantics<core_parallel>, #tpu.dimension_semantics<subcore_parallel>], iteration_bounds = array<i64: 2, 16>, scalar_prefetch = 0 : i64, scratch_operands = 5 : i64, tpu.core_type = #tpu.core_type<sc_vector_subcore>, window_params = [{transform_indices = #map}, {transform_indices = #map}, {transform_indices = #map}, {transform_indices = #map}]} {
    %mul3A = arith.constant 2 : i32
    %mul3A_0 = arith.muli %arg1, %mul3A : i32
    %add3A = arith.addi %mul3A_0, %arg0 : i32
    %mul3A_1 = arith.constant 384 : i32
    %mul3A_2 = arith.muli %add3A, %mul3A_1 : i32
    %add3A_3 = arith.constant 4096 : i32
    %add3A_4 = arith.addi %add3A_3, %mul3A_2 : i32
    %iota3A = tpu.iota {dimensions = array<i32: 0>} : vector<16xi32>
    %broadcast_in_dim3A = arith.constant 1.000000e+00 : f32
    %broadcast_in_dim3A_5 = vector.broadcast %broadcast_in_dim3A : f32 to vector<16xf32>
    %broadcast_in_dim3A_6 = arith.constant 0.000000e+00 : f32
    %broadcast_in_dim3A_7 = vector.broadcast %broadcast_in_dim3A_6 : f32 to vector<16xf32>
    %broadcast_in_dim3A_8 = arith.constant 0 : i32
    %broadcast_in_dim3A_9 = vector.broadcast %broadcast_in_dim3A_8 : i32 to vector<16xi32>
    tpu.vector_store_idx %arg8[%iota3A, %broadcast_in_dim3A_9], %broadcast_in_dim3A_7 : memref<16x10xf32, #tpu.memory_space<vmem>>[vector<16xi32>, vector<16xi32>], vector<16xf32>,
    tpu.vector_store_idx %arg9[%iota3A, %broadcast_in_dim3A_9], %broadcast_in_dim3A_7 : memref<16x10xf32, #tpu.memory_space<vmem>>[vector<16xi32>, vector<16xi32>], vector<16xf32>,
    %broadcast_in_dim3A_10 = arith.constant 1 : i32
    %broadcast_in_dim3A_11 = vector.broadcast %broadcast_in_dim3A_10 : i32 to vector<16xi32>
    tpu.vector_store_idx %arg8[%iota3A, %broadcast_in_dim3A_11], %broadcast_in_dim3A_7 : memref<16x10xf32, #tpu.memory_space<vmem>>[vector<16xi32>, vector<16xi32>], vector<16xf32>,
    tpu.vector_store_idx %arg9[%iota3A, %broadcast_in_dim3A_11], %broadcast_in_dim3A_7 : memref<16x10xf32, #tpu.memory_space<vmem>>[vector<16xi32>, vector<16xi32>], vector<16xf32>,
    %broadcast_in_dim3A_12 = arith.constant 2 : i32
    %broadcast_in_dim3A_13 = vector.broadcast %broadcast_in_dim3A_12 : i32 to vector<16xi32>
    tpu.vector_store_idx %arg8[%iota3A, %broadcast_in_dim3A_13], %broadcast_in_dim3A_7 : memref<16x10xf32, #tpu.memory_space<vmem>>[vector<16xi32>, vector<16xi32>], vector<16xf32>,
    tpu.vector_store_idx %arg9[%iota3A, %broadcast_in_dim3A_13], %broadcast_in_dim3A_7 : memref<16x10xf32, #tpu.memory_space<vmem>>[vector<16xi32>, vector<16xi32>], vector<16xf32>,
    %broadcast_in_dim3A_14 = arith.constant 3 : i32
    %broadcast_in_dim3A_15 = vector.broadcast %broadcast_in_dim3A_14 : i32 to vector<16xi32>
    tpu.vector_store_idx %arg8[%iota3A, %broadcast_in_dim3A_15], %broadcast_in_dim3A_7 : memref<16x10xf32, #tpu.memory_space<vmem>>[vector<16xi32>, vector<16xi32>], vector<16xf32>,
    tpu.vector_store_idx %arg9[%iota3A, %broadcast_in_dim3A_15], %broadcast_in_dim3A_7 : memref<16x10xf32, #tpu.memory_space<vmem>>[vector<16xi32>, vector<16xi32>], vector<16xf32>,
    %broadcast_in_dim3A_16 = arith.constant 4 : i32
    %broadcast_in_dim3A_17 = vector.broadcast %broadcast_in_dim3A_16 : i32 to vector<16xi32>
    tpu.vector_store_idx %arg8[%iota3A, %broadcast_in_dim3A_17], %broadcast_in_dim3A_7 : memref<16x10xf32, #tpu.memory_space<vmem>>[vector<16xi32>, vector<16xi32>], vector<16xf32>,
    tpu.vector_store_idx %arg9[%iota3A, %broadcast_in_dim3A_17], %broadcast_in_dim3A_7 : memref<16x10xf32, #tpu.memory_space<vmem>>[vector<16xi32>, vector<16xi32>], vector<16xf32>,
    %broadcast_in_dim3A_18 = arith.constant 5 : i32
    %broadcast_in_dim3A_19 = vector.broadcast %broadcast_in_dim3A_18 : i32 to vector<16xi32>
    tpu.vector_store_idx %arg8[%iota3A, %broadcast_in_dim3A_19], %broadcast_in_dim3A_7 : memref<16x10xf32, #tpu.memory_space<vmem>>[vector<16xi32>, vector<16xi32>], vector<16xf32>,
    tpu.vector_store_idx %arg9[%iota3A, %broadcast_in_dim3A_19], %broadcast_in_dim3A_7 : memref<16x10xf32, #tpu.memory_space<vmem>>[vector<16xi32>, vector<16xi32>], vector<16xf32>,
    %broadcast_in_dim3A_20 = arith.constant 6 : i32
    %broadcast_in_dim3A_21 = vector.broadcast %broadcast_in_dim3A_20 : i32 to vector<16xi32>
    tpu.vector_store_idx %arg8[%iota3A, %broadcast_in_dim3A_21], %broadcast_in_dim3A_7 : memref<16x10xf32, #tpu.memory_space<vmem>>[vector<16xi32>, vector<16xi32>], vector<16xf32>,
    tpu.vector_store_idx %arg9[%iota3A, %broadcast_in_dim3A_21], %broadcast_in_dim3A_7 : memref<16x10xf32, #tpu.memory_space<vmem>>[vector<16xi32>, vector<16xi32>], vector<16xf32>,
    %broadcast_in_dim3A_22 = arith.constant 7 : i32
    %broadcast_in_dim3A_23 = vector.broadcast %broadcast_in_dim3A_22 : i32 to vector<16xi32>
    tpu.vector_store_idx %arg8[%iota3A, %broadcast_in_dim3A_23], %broadcast_in_dim3A_7 : memref<16x10xf32, #tpu.memory_space<vmem>>[vector<16xi32>, vector<16xi32>], vector<16xf32>,
    tpu.vector_store_idx %arg9[%iota3A, %broadcast_in_dim3A_23], %broadcast_in_dim3A_7 : memref<16x10xf32, #tpu.memory_space<vmem>>[vector<16xi32>, vector<16xi32>], vector<16xf32>,
    %broadcast_in_dim3A_24 = arith.constant 8 : i32
    %broadcast_in_dim3A_25 = vector.broadcast %broadcast_in_dim3A_24 : i32 to vector<16xi32>
    tpu.vector_store_idx %arg8[%iota3A, %broadcast_in_dim3A_25], %broadcast_in_dim3A_7 : memref<16x10xf32, #tpu.memory_space<vmem>>[vector<16xi32>, vector<16xi32>], vector<16xf32>,
    tpu.vector_store_idx %arg9[%iota3A, %broadcast_in_dim3A_25], %broadcast_in_dim3A_7 : memref<16x10xf32, #tpu.memory_space<vmem>>[vector<16xi32>, vector<16xi32>], vector<16xf32>,
    %broadcast_in_dim3A_26 = arith.constant 9 : i32
    %broadcast_in_dim3A_27 = vector.broadcast %broadcast_in_dim3A_26 : i32 to vector<16xi32>
    tpu.vector_store_idx %arg8[%iota3A, %broadcast_in_dim3A_27], %broadcast_in_dim3A_7 : memref<16x10xf32, #tpu.memory_space<vmem>>[vector<16xi32>, vector<16xi32>], vector<16xf32>,
    tpu.vector_store_idx %arg9[%iota3A, %broadcast_in_dim3A_27], %broadcast_in_dim3A_7 : memref<16x10xf32, #tpu.memory_space<vmem>>[vector<16xi32>, vector<16xi32>], vector<16xf32>,
    %add3A_28 = arith.constant 0 : i32
    %add3A_29 = arith.addi %add3A_4, %add3A_28 : i32
    %dma_start3A = arith.constant 0 : i32
    %dma_start3A_30 = arith.constant 0 : i32
    %dma_start3A_31 = arith.constant 0 : i32
    %dma_start3A_32 = arith.constant 0 : i32
    %dma_start3A_33 = tpu.memref_slice %arg6[%dma_start3A, %dma_start3A_31, %dma_start3A_32] : memref<2x16x1024xf32, #tpu.memory_space<vmem>> -> memref<1x16x1024xf32, #tpu.memory_space<vmem>>
    %dma_start3A_34 = tpu.memref_squeeze %dma_start3A_33 : memref<1x16x1024xf32, #tpu.memory_space<vmem>> -> memref<16x1024xf32, #tpu.memory_space<vmem>>
    %dma_start3A_35 = arith.constant 0 : i32
    %dma_start3A_36 = tpu.memref_slice %arg2[%add3A_29, %dma_start3A_35] : memref<16384x1024xf32, #tpu.memory_space<hbm>> -> memref<16x1024xf32, #tpu.memory_space<hbm>>
    %dma_start3A_37 = tpu.memref_slice %arg10[%dma_start3A_30] : memref<2x!tpu.dma_semaphore, #tpu.memory_space<semaphore_mem>> -> memref<1x!tpu.dma_semaphore, #tpu.memory_space<semaphore_mem>>
    %dma_start3A_38 = tpu.memref_squeeze %dma_start3A_37 : memref<1x!tpu.dma_semaphore, #tpu.memory_space<semaphore_mem>> -> memref<!tpu.dma_semaphore, #tpu.memory_space<semaphore_mem>>
    %dma_start3A_39 = arith.constant 0 : i32
    %dma_start3A_40 = arith.constant 0 : i32
    %dma_start3A_41 = tpu.memref_slice %arg6[%dma_start3A, %dma_start3A_39, %dma_start3A_40] : memref<2x16x1024xf32, #tpu.memory_space<vmem>> -> memref<1x16x1024xf32, #tpu.memory_space<vmem>>
    %dma_start3A_42 = tpu.memref_squeeze %dma_start3A_41 : memref<1x16x1024xf32, #tpu.memory_space<vmem>> -> memref<16x1024xf32, #tpu.memory_space<vmem>>
    %dma_start3A_43 = arith.constant 0 : i32
    %dma_start3A_44 = tpu.memref_slice %arg2[%add3A_29, %dma_start3A_43] : memref<16384x1024xf32, #tpu.memory_space<hbm>> -> memref<16x1024xf32, #tpu.memory_space<hbm>>
    tpu.enqueue_dma source(%dma_start3A_44 : memref<16x1024xf32, #tpu.memory_space<hbm>>) target(%dma_start3A_42 : memref<16x1024xf32, #tpu.memory_space<vmem>>) target_semaphore(%dma_start3A_38 : memref<!tpu.dma_semaphore, #tpu.memory_space<semaphore_mem>>)
    %dma_start3A_45 = arith.constant 0 : i32
    %dma_start3A_46 = arith.constant 0 : i32
    %dma_start3A_47 = arith.constant 0 : i32
    %dma_start3A_48 = arith.constant 0 : i32
    %dma_start3A_49 = tpu.memref_slice %arg7[%dma_start3A_45, %dma_start3A_47, %dma_start3A_48] : memref<2x16x1024xi32, #tpu.memory_space<vmem>> -> memref<1x16x1024xi32, #tpu.memory_space<vmem>>
    %dma_start3A_50 = tpu.memref_squeeze %dma_start3A_49 : memref<1x16x1024xi32, #tpu.memory_space<vmem>> -> memref<16x1024xi32, #tpu.memory_space<vmem>>
    %dma_start3A_51 = arith.constant 0 : i32
    %dma_start3A_52 = tpu.memref_slice %arg3[%add3A_29, %dma_start3A_51] : memref<16384x1024xi32, #tpu.memory_space<hbm>> -> memref<16x1024xi32, #tpu.memory_space<hbm>>
    %dma_start3A_53 = tpu.memref_slice %arg10[%dma_start3A_46] : memref<2x!tpu.dma_semaphore, #tpu.memory_space<semaphore_mem>> -> memref<1x!tpu.dma_semaphore, #tpu.memory_space<semaphore_mem>>
    %dma_start3A_54 = tpu.memref_squeeze %dma_start3A_53 : memref<1x!tpu.dma_semaphore, #tpu.memory_space<semaphore_mem>> -> memref<!tpu.dma_semaphore, #tpu.memory_space<semaphore_mem>>
    %dma_start3A_55 = arith.constant 0 : i32
    %dma_start3A_56 = arith.constant 0 : i32
    %dma_start3A_57 = tpu.memref_slice %arg7[%dma_start3A_45, %dma_start3A_55, %dma_start3A_56] : memref<2x16x1024xi32, #tpu.memory_space<vmem>> -> memref<1x16x1024xi32, #tpu.memory_space<vmem>>
    %dma_start3A_58 = tpu.memref_squeeze %dma_start3A_57 : memref<1x16x1024xi32, #tpu.memory_space<vmem>> -> memref<16x1024xi32, #tpu.memory_space<vmem>>
    %dma_start3A_59 = arith.constant 0 : i32
    %dma_start3A_60 = tpu.memref_slice %arg3[%add3A_29, %dma_start3A_59] : memref<16384x1024xi32, #tpu.memory_space<hbm>> -> memref<16x1024xi32, #tpu.memory_space<hbm>>
    tpu.enqueue_dma source(%dma_start3A_60 : memref<16x1024xi32, #tpu.memory_space<hbm>>) target(%dma_start3A_58 : memref<16x1024xi32, #tpu.memory_space<vmem>>) target_semaphore(%dma_start3A_54 : memref<!tpu.dma_semaphore, #tpu.memory_space<semaphore_mem>>)
    %dma_wait3A = arith.constant 0 : i32
    %dma_wait3A_61 = arith.constant 0 : i32
    %dma_wait3A_62 = arith.constant 0 : i32
    %dma_wait3A_63 = arith.constant 0 : i32
    %dma_wait3A_64 = tpu.memref_slice %arg6[%dma_wait3A, %dma_wait3A_62, %dma_wait3A_63] : memref<2x16x1024xf32, #tpu.memory_space<vmem>> -> memref<1x16x1024xf32, #tpu.memory_space<vmem>>
    %dma_wait3A_65 = tpu.memref_squeeze %dma_wait3A_64 : memref<1x16x1024xf32, #tpu.memory_space<vmem>> -> memref<16x1024xf32, #tpu.memory_space<vmem>>
    %dma_wait3A_66 = arith.constant 0 : i32
    %dma_wait3A_67 = tpu.memref_slice %arg2[%add3A_29, %dma_wait3A_66] : memref<16384x1024xf32, #tpu.memory_space<hbm>> -> memref<16x1024xf32, #tpu.memory_space<hbm>>
    %dma_wait3A_68 = tpu.memref_slice %arg10[%dma_wait3A_61] : memref<2x!tpu.dma_semaphore, #tpu.memory_space<semaphore_mem>> -> memref<1x!tpu.dma_semaphore, #tpu.memory_space<semaphore_mem>>
    %dma_wait3A_69 = tpu.memref_squeeze %dma_wait3A_68 : memref<1x!tpu.dma_semaphore, #tpu.memory_space<semaphore_mem>> -> memref<!tpu.dma_semaphore, #tpu.memory_space<semaphore_mem>>
    %dma_wait3A_70 = arith.constant 0 : i32
    %dma_wait3A_71 = arith.constant 0 : i32
    %dma_wait3A_72 = tpu.memref_slice %arg6[%dma_wait3A, %dma_wait3A_70, %dma_wait3A_71] : memref<2x16x1024xf32, #tpu.memory_space<vmem>> -> memref<1x16x1024xf32, #tpu.memory_space<vmem>>
    %dma_wait3A_73 = tpu.memref_squeeze %dma_wait3A_72 : memref<1x16x1024xf32, #tpu.memory_space<vmem>> -> memref<16x1024xf32, #tpu.memory_space<vmem>>
    %dma_wait3A_74 = arith.constant 0 : i32
    %dma_wait3A_75 = tpu.memref_slice %arg2[%add3A_29, %dma_wait3A_74] : memref<16384x1024xf32, #tpu.memory_space<hbm>> -> memref<16x1024xf32, #tpu.memory_space<hbm>>
    tpu.wait_dma2 semaphore(%dma_wait3A_69 : memref<!tpu.dma_semaphore, #tpu.memory_space<semaphore_mem>>) src(%dma_wait3A_75 : memref<16x1024xf32, #tpu.memory_space<hbm>>) dst(%dma_wait3A_73 : memref<16x1024xf32, #tpu.memory_space<vmem>>)
    %dma_wait3A_76 = arith.constant 0 : i32
    %dma_wait3A_77 = arith.constant 0 : i32
    %dma_wait3A_78 = arith.constant 0 : i32
    %dma_wait3A_79 = arith.constant 0 : i32
    %dma_wait3A_80 = tpu.memref_slice %arg7[%dma_wait3A_76, %dma_wait3A_78, %dma_wait3A_79] : memref<2x16x1024xi32, #tpu.memory_space<vmem>> -> memref<1x16x1024xi32, #tpu.memory_space<vmem>>
    %dma_wait3A_81 = tpu.memref_squeeze %dma_wait3A_80 : memref<1x16x1024xi32, #tpu.memory_space<vmem>> -> memref<16x1024xi32, #tpu.memory_space<vmem>>
    %dma_wait3A_82 = arith.constant 0 : i32
    %dma_wait3A_83 = tpu.memref_slice %arg3[%add3A_29, %dma_wait3A_82] : memref<16384x1024xi32, #tpu.memory_space<hbm>> -> memref<16x1024xi32, #tpu.memory_space<hbm>>
    %dma_wait3A_84 = tpu.memref_slice %arg10[%dma_wait3A_77] : memref<2x!tpu.dma_semaphore, #tpu.memory_space<semaphore_mem>> -> memref<1x!tpu.dma_semaphore, #tpu.memory_space<semaphore_mem>>
    %dma_wait3A_85 = tpu.memref_squeeze %dma_wait3A_84 : memref<1x!tpu.dma_semaphore, #tpu.memory_space<semaphore_mem>> -> memref<!tpu.dma_semaphore, #tpu.memory_space<semaphore_mem>>
    %dma_wait3A_86 = arith.constant 0 : i32
    %dma_wait3A_87 = arith.constant 0 : i32
    %dma_wait3A_88 = tpu.memref_slice %arg7[%dma_wait3A_76, %dma_wait3A_86, %dma_wait3A_87] : memref<2x16x1024xi32, #tpu.memory_space<vmem>> -> memref<1x16x1024xi32, #tpu.memory_space<vmem>>
    %dma_wait3A_89 = tpu.memref_squeeze %dma_wait3A_88 : memref<1x16x1024xi32, #tpu.memory_space<vmem>> -> memref<16x1024xi32, #tpu.memory_space<vmem>>
    %dma_wait3A_90 = arith.constant 0 : i32
    %dma_wait3A_91 = tpu.memref_slice %arg3[%add3A_29, %dma_wait3A_90] : memref<16384x1024xi32, #tpu.memory_space<hbm>> -> memref<16x1024xi32, #tpu.memory_space<hbm>>
    tpu.wait_dma2 semaphore(%dma_wait3A_85 : memref<!tpu.dma_semaphore, #tpu.memory_space<semaphore_mem>>) src(%dma_wait3A_91 : memref<16x1024xi32, #tpu.memory_space<hbm>>) dst(%dma_wait3A_89 : memref<16x1024xi32, #tpu.memory_space<vmem>>)
    %add3A_92 = arith.constant 16 : i32
    %add3A_93 = arith.addi %add3A_4, %add3A_92 : i32
    %dma_start3A_94 = arith.constant 1 : i32
    %dma_start3A_95 = arith.constant 1 : i32
    %dma_start3A_96 = arith.constant 0 : i32
    %dma_start3A_97 = arith.constant 0 : i32
    %dma_start3A_98 = tpu.memref_slice %arg6[%dma_start3A_94, %dma_start3A_96, %dma_start3A_97] : memref<2x16x1024xf32, #tpu.memory_space<vmem>> -> memref<1x16x1024xf32, #tpu.memory_space<vmem>>
    %dma_start3A_99 = tpu.memref_squeeze %dma_start3A_98 : memref<1x16x1024xf32, #tpu.memory_space<vmem>> -> memref<16x1024xf32, #tpu.memory_space<vmem>>
    %dma_start3A_100 = arith.constant 0 : i32
    %dma_start3A_101 = tpu.memref_slice %arg2[%add3A_93, %dma_start3A_100] : memref<16384x1024xf32, #tpu.memory_space<hbm>> -> memref<16x1024xf32, #tpu.memory_space<hbm>>
    %dma_start3A_102 = tpu.memref_slice %arg10[%dma_start3A_95] : memref<2x!tpu.dma_semaphore, #tpu.memory_space<semaphore_mem>> -> memref<1x!tpu.dma_semaphore, #tpu.memory_space<semaphore_mem>>
    %dma_start3A_103 = tpu.memref_squeeze %dma_start3A_102 : memref<1x!tpu.dma_semaphore, #tpu.memory_space<semaphore_mem>> -> memref<!tpu.dma_semaphore, #tpu.memory_space<semaphore_mem>>
    %dma_start3A_104 = arith.constant 0 : i32
    %dma_start3A_105 = arith.constant 0 : i32
    %dma_start3A_106 = tpu.memref_slice %arg6[%dma_start3A_94, %dma_start3A_104, %dma_start3A_105] : memref<2x16x1024xf32, #tpu.memory_space<vmem>> -> memref<1x16x1024xf32, #tpu.memory_space<vmem>>
    %dma_start3A_107 = tpu.memref_squeeze %dma_start3A_106 : memref<1x16x1024xf32, #tpu.memory_space<vmem>> -> memref<16x1024xf32, #tpu.memory_space<vmem>>
    %dma_start3A_108 = arith.constant 0 : i32
    %dma_start3A_109 = tpu.memref_slice %arg2[%add3A_93, %dma_start3A_108] : memref<16384x1024xf32, #tpu.memory_space<hbm>> -> memref<16x1024xf32, #tpu.memory_space<hbm>>
    tpu.enqueue_dma source(%dma_start3A_109 : memref<16x1024xf32, #tpu.memory_space<hbm>>) target(%dma_start3A_107 : memref<16x1024xf32, #tpu.memory_space<vmem>>) target_semaphore(%dma_start3A_103 : memref<!tpu.dma_semaphore, #tpu.memory_space<semaphore_mem>>)
    %dma_start3A_110 = arith.constant 1 : i32
    %dma_start3A_111 = arith.constant 1 : i32
    %dma_start3A_112 = arith.constant 0 : i32
    %dma_start3A_113 = arith.constant 0 : i32
    %dma_start3A_114 = tpu.memref_slice %arg7[%dma_start3A_110, %dma_start3A_112, %dma_start3A_113] : memref<2x16x1024xi32, #tpu.memory_space<vmem>> -> memref<1x16x1024xi32, #tpu.memory_space<vmem>>
    %dma_start3A_115 = tpu.memref_squeeze %dma_start3A_114 : memref<1x16x1024xi32, #tpu.memory_space<vmem>> -> memref<16x1024xi32, #tpu.memory_space<vmem>>
    %dma_start3A_116 = arith.constant 0 : i32
    %dma_start3A_117 = tpu.memref_slice %arg3[%add3A_93, %dma_start3A_116] : memref<16384x1024xi32, #tpu.memory_space<hbm>> -> memref<16x1024xi32, #tpu.memory_space<hbm>>
    %dma_start3A_118 = tpu.memref_slice %arg10[%dma_start3A_111] : memref<2x!tpu.dma_semaphore, #tpu.memory_space<semaphore_mem>> -> memref<1x!tpu.dma_semaphore, #tpu.memory_space<semaphore_mem>>
    %dma_start3A_119 = tpu.memref_squeeze %dma_start3A_118 : memref<1x!tpu.dma_semaphore, #tpu.memory_space<semaphore_mem>> -> memref<!tpu.dma_semaphore, #tpu.memory_space<semaphore_mem>>
    %dma_start3A_120 = arith.constant 0 : i32
    %dma_start3A_121 = arith.constant 0 : i32
    %dma_start3A_122 = tpu.memref_slice %arg7[%dma_start3A_110, %dma_start3A_120, %dma_start3A_121] : memref<2x16x1024xi32, #tpu.memory_space<vmem>> -> memref<1x16x1024xi32, #tpu.memory_space<vmem>>
    %dma_start3A_123 = tpu.memref_squeeze %dma_start3A_122 : memref<1x16x1024xi32, #tpu.memory_space<vmem>> -> memref<16x1024xi32, #tpu.memory_space<vmem>>
    %dma_start3A_124 = arith.constant 0 : i32
    %dma_start3A_125 = tpu.memref_slice %arg3[%add3A_93, %dma_start3A_124] : memref<16384x1024xi32, #tpu.memory_space<hbm>> -> memref<16x1024xi32, #tpu.memory_space<hbm>>
    tpu.enqueue_dma source(%dma_start3A_125 : memref<16x1024xi32, #tpu.memory_space<hbm>>) target(%dma_start3A_123 : memref<16x1024xi32, #tpu.memory_space<vmem>>) target_semaphore(%dma_start3A_119 : memref<!tpu.dma_semaphore, #tpu.memory_space<semaphore_mem>>)
    %dma_wait3A_126 = arith.constant 1 : i32
    %dma_wait3A_127 = arith.constant 1 : i32
    %dma_wait3A_128 = arith.constant 0 : i32
    %dma_wait3A_129 = arith.constant 0 : i32
    %dma_wait3A_130 = tpu.memref_slice %arg6[%dma_wait3A_126, %dma_wait3A_128, %dma_wait3A_129] : memref<2x16x1024xf32, #tpu.memory_space<vmem>> -> memref<1x16x1024xf32, #tpu.memory_space<vmem>>
    %dma_wait3A_131 = tpu.memref_squeeze %dma_wait3A_130 : memref<1x16x1024xf32, #tpu.memory_space<vmem>> -> memref<16x1024xf32, #tpu.memory_space<vmem>>
    %dma_wait3A_132 = arith.constant 0 : i32
    %dma_wait3A_133 = tpu.memref_slice %arg2[%add3A_93, %dma_wait3A_132] : memref<16384x1024xf32, #tpu.memory_space<hbm>> -> memref<16x1024xf32, #tpu.memory_space<hbm>>
    %dma_wait3A_134 = tpu.memref_slice %arg10[%dma_wait3A_127] : memref<2x!tpu.dma_semaphore, #tpu.memory_space<semaphore_mem>> -> memref<1x!tpu.dma_semaphore, #tpu.memory_space<semaphore_mem>>
    %dma_wait3A_135 = tpu.memref_squeeze %dma_wait3A_134 : memref<1x!tpu.dma_semaphore, #tpu.memory_space<semaphore_mem>> -> memref<!tpu.dma_semaphore, #tpu.memory_space<semaphore_mem>>
    %dma_wait3A_136 = arith.constant 0 : i32
    %dma_wait3A_137 = arith.constant 0 : i32
    %dma_wait3A_138 = tpu.memref_slice %arg6[%dma_wait3A_126, %dma_wait3A_136, %dma_wait3A_137] : memref<2x16x1024xf32, #tpu.memory_space<vmem>> -> memref<1x16x1024xf32, #tpu.memory_space<vmem>>
    %dma_wait3A_139 = tpu.memref_squeeze %dma_wait3A_138 : memref<1x16x1024xf32, #tpu.memory_space<vmem>> -> memref<16x1024xf32, #tpu.memory_space<vmem>>
    %dma_wait3A_140 = arith.constant 0 : i32
    %dma_wait3A_141 = tpu.memref_slice %arg2[%add3A_93, %dma_wait3A_140] : memref<16384x1024xf32, #tpu.memory_space<hbm>> -> memref<16x1024xf32, #tpu.memory_space<hbm>>
    tpu.wait_dma2 semaphore(%dma_wait3A_135 : memref<!tpu.dma_semaphore, #tpu.memory_space<semaphore_mem>>) src(%dma_wait3A_141 : memref<16x1024xf32, #tpu.memory_space<hbm>>) dst(%dma_wait3A_139 : memref<16x1024xf32, #tpu.memory_space<vmem>>)
    %dma_wait3A_142 = arith.constant 1 : i32
    %dma_wait3A_143 = arith.constant 1 : i32
    %dma_wait3A_144 = arith.constant 0 : i32
    %dma_wait3A_145 = arith.constant 0 : i32
    %dma_wait3A_146 = tpu.memref_slice %arg7[%dma_wait3A_142, %dma_wait3A_144, %dma_wait3A_145] : memref<2x16x1024xi32, #tpu.memory_space<vmem>> -> memref<1x16x1024xi32, #tpu.memory_space<vmem>>
    %dma_wait3A_147 = tpu.memref_squeeze %dma_wait3A_146 : memref<1x16x1024xi32, #tpu.memory_space<vmem>> -> memref<16x1024xi32, #tpu.memory_space<vmem>>
    %dma_wait3A_148 = arith.constant 0 : i32
    %dma_wait3A_149 = tpu.memref_slice %arg3[%add3A_93, %dma_wait3A_148] : memref<16384x1024xi32, #tpu.memory_space<hbm>> -> memref<16x1024xi32, #tpu.memory_space<hbm>>
    %dma_wait3A_150 = tpu.memref_slice %arg10[%dma_wait3A_143] : memref<2x!tpu.dma_semaphore, #tpu.memory_space<semaphore_mem>> -> memref<1x!tpu.dma_semaphore, #tpu.memory_space<semaphore_mem>>
    %dma_wait3A_151 = tpu.memref_squeeze %dma_wait3A_150 : memref<1x!tpu.dma_semaphore, #tpu.memory_space<semaphore_mem>> -> memref<!tpu.dma_semaphore, #tpu.memory_space<semaphore_mem>>
    %dma_wait3A_152 = arith.constant 0 : i32
    %dma_wait3A_153 = arith.constant 0 : i32
    %dma_wait3A_154 = tpu.memref_slice %arg7[%dma_wait3A_142, %dma_wait3A_152, %dma_wait3A_153] : memref<2x16x1024xi32, #tpu.memory_space<vmem>> -> memref<1x16x1024xi32, #tpu.memory_space<vmem>>
    %dma_wait3A_155 = tpu.memref_squeeze %dma_wait3A_154 : memref<1x16x1024xi32, #tpu.memory_space<vmem>> -> memref<16x1024xi32, #tpu.memory_space<vmem>>
    %dma_wait3A_156 = arith.constant 0 : i32
    %dma_wait3A_157 = tpu.memref_slice %arg3[%add3A_93, %dma_wait3A_156] : memref<16384x1024xi32, #tpu.memory_space<hbm>> -> memref<16x1024xi32, #tpu.memory_space<hbm>>
    tpu.wait_dma2 semaphore(%dma_wait3A_151 : memref<!tpu.dma_semaphore, #tpu.memory_space<semaphore_mem>>) src(%dma_wait3A_157 : memref<16x1024xi32, #tpu.memory_space<hbm>>) dst(%dma_wait3A_155 : memref<16x1024xi32, #tpu.memory_space<vmem>>)
    %add3A_158 = arith.constant 32 : i32
    %add3A_159 = arith.addi %add3A_4, %add3A_158 : i32
    %dma_start3A_160 = arith.constant 0 : i32
    %dma_start3A_161 = arith.constant 0 : i32
    %dma_start3A_162 = arith.constant 0 : i32
    %dma_start3A_163 = arith.constant 0 : i32
    %dma_start3A_164 = tpu.memref_slice %arg6[%dma_start3A_160, %dma_start3A_162, %dma_start3A_163] : memref<2x16x1024xf32, #tpu.memory_space<vmem>> -> memref<1x16x1024xf32, #tpu.memory_space<vmem>>
    %dma_start3A_165 = tpu.memref_squeeze %dma_start3A_164 : memref<1x16x1024xf32, #tpu.memory_space<vmem>> -> memref<16x1024xf32, #tpu.memory_space<vmem>>
    %dma_start3A_166 = arith.constant 0 : i32
    %dma_start3A_167 = tpu.memref_slice %arg2[%add3A_159, %dma_start3A_166] : memref<16384x1024xf32, #tpu.memory_space<hbm>> -> memref<16x1024xf32, #tpu.memory_space<hbm>>
    %dma_start3A_168 = tpu.memref_slice %arg10[%dma_start3A_161] : memref<2x!tpu.dma_semaphore, #tpu.memory_space<semaphore_mem>> -> memref<1x!tpu.dma_semaphore, #tpu.memory_space<semaphore_mem>>
    %dma_start3A_169 = tpu.memref_squeeze %dma_start3A_168 : memref<1x!tpu.dma_semaphore, #tpu.memory_space<semaphore_mem>> -> memref<!tpu.dma_semaphore, #tpu.memory_space<semaphore_mem>>
    %dma_start3A_170 = arith.constant 0 : i32
    %dma_start3A_171 = arith.constant 0 : i32
    %dma_start3A_172 = tpu.memref_slice %arg6[%dma_start3A_160, %dma_start3A_170, %dma_start3A_171] : memref<2x16x1024xf32, #tpu.memory_space<vmem>> -> memref<1x16x1024xf32, #tpu.memory_space<vmem>>
    %dma_start3A_173 = tpu.memref_squeeze %dma_start3A_172 : memref<1x16x1024xf32, #tpu.memory_space<vmem>> -> memref<16x1024xf32, #tpu.memory_space<vmem>>
    %dma_start3A_174 = arith.constant 0 : i32
    %dma_start3A_175 = tpu.memref_slice %arg2[%add3A_159, %dma_start3A_174] : memref<16384x1024xf32, #tpu.memory_space<hbm>> -> memref<16x1024xf32, #tpu.memory_space<hbm>>
    tpu.enqueue_dma source(%dma_start3A_175 : memref<16x1024xf32, #tpu.memory_space<hbm>>) target(%dma_start3A_173 : memref<16x1024xf32, #tpu.memory_space<vmem>>) target_semaphore(%dma_start3A_169 : memref<!tpu.dma_semaphore, #tpu.memory_space<semaphore_mem>>)
    %dma_start3A_176 = arith.constant 0 : i32
    %dma_start3A_177 = arith.constant 0 : i32
    %dma_start3A_178 = arith.constant 0 : i32
    %dma_start3A_179 = arith.constant 0 : i32
    %dma_start3A_180 = tpu.memref_slice %arg7[%dma_start3A_176, %dma_start3A_178, %dma_start3A_179] : memref<2x16x1024xi32, #tpu.memory_space<vmem>> -> memref<1x16x1024xi32, #tpu.memory_space<vmem>>
    %dma_start3A_181 = tpu.memref_squeeze %dma_start3A_180 : memref<1x16x1024xi32, #tpu.memory_space<vmem>> -> memref<16x1024xi32, #tpu.memory_space<vmem>>
    %dma_start3A_182 = arith.constant 0 : i32
    %dma_start3A_183 = tpu.memref_slice %arg3[%add3A_159, %dma_start3A_182] : memref<16384x1024xi32, #tpu.memory_space<hbm>> -> memref<16x1024xi32, #tpu.memory_space<hbm>>
    %dma_start3A_184 = tpu.memref_slice %arg10[%dma_start3A_177] : memref<2x!tpu.dma_semaphore, #tpu.memory_space<semaphore_mem>> -> memref<1x!tpu.dma_semaphore, #tpu.memory_space<semaphore_mem>>
    %dma_start3A_185 = tpu.memref_squeeze %dma_start3A_184 : memref<1x!tpu.dma_semaphore, #tpu.memory_space<semaphore_mem>> -> memref<!tpu.dma_semaphore, #tpu.memory_space<semaphore_mem>>
    %dma_start3A_186 = arith.constant 0 : i32
    %dma_start3A_187 = arith.constant 0 : i32
    %dma_start3A_188 = tpu.memref_slice %arg7[%dma_start3A_176, %dma_start3A_186, %dma_start3A_187] : memref<2x16x1024xi32, #tpu.memory_space<vmem>> -> memref<1x16x1024xi32, #tpu.memory_space<vmem>>
    %dma_start3A_189 = tpu.memref_squeeze %dma_start3A_188 : memref<1x16x1024xi32, #tpu.memory_space<vmem>> -> memref<16x1024xi32, #tpu.memory_space<vmem>>
    %dma_start3A_190 = arith.constant 0 : i32
    %dma_start3A_191 = tpu.memref_slice %arg3[%add3A_159, %dma_start3A_190] : memref<16384x1024xi32, #tpu.memory_space<hbm>> -> memref<16x1024xi32, #tpu.memory_space<hbm>>
    tpu.enqueue_dma source(%dma_start3A_191 : memref<16x1024xi32, #tpu.memory_space<hbm>>) target(%dma_start3A_189 : memref<16x1024xi32, #tpu.memory_space<vmem>>) target_semaphore(%dma_start3A_185 : memref<!tpu.dma_semaphore, #tpu.memory_space<semaphore_mem>>)
    %dma_wait3A_192 = arith.constant 0 : i32
    %dma_wait3A_193 = arith.constant 0 : i32
    %dma_wait3A_194 = arith.constant 0 : i32
    %dma_wait3A_195 = arith.constant 0 : i32
    %dma_wait3A_196 = tpu.memref_slice %arg6[%dma_wait3A_192, %dma_wait3A_194, %dma_wait3A_195] : memref<2x16x1024xf32, #tpu.memory_space<vmem>> -> memref<1x16x1024xf32, #tpu.memory_space<vmem>>
    %dma_wait3A_197 = tpu.memref_squeeze %dma_wait3A_196 : memref<1x16x1024xf32, #tpu.memory_space<vmem>> -> memref<16x1024xf32, #tpu.memory_space<vmem>>
    %dma_wait3A_198 = arith.constant 0 : i32
    %dma_wait3A_199 = tpu.memref_slice %arg2[%add3A_159, %dma_wait3A_198] : memref<16384x1024xf32, #tpu.memory_space<hbm>> -> memref<16x1024xf32, #tpu.memory_space<hbm>>
    %dma_wait3A_200 = tpu.memref_slice %arg10[%dma_wait3A_193] : memref<2x!tpu.dma_semaphore, #tpu.memory_space<semaphore_mem>> -> memref<1x!tpu.dma_semaphore, #tpu.memory_space<semaphore_mem>>
    %dma_wait3A_201 = tpu.memref_squeeze %dma_wait3A_200 : memref<1x!tpu.dma_semaphore, #tpu.memory_space<semaphore_mem>> -> memref<!tpu.dma_semaphore, #tpu.memory_space<semaphore_mem>>
    %dma_wait3A_202 = arith.constant 0 : i32
    %dma_wait3A_203 = arith.constant 0 : i32
    %dma_wait3A_204 = tpu.memref_slice %arg6[%dma_wait3A_192, %dma_wait3A_202, %dma_wait3A_203] : memref<2x16x1024xf32, #tpu.memory_space<vmem>> -> memref<1x16x1024xf32, #tpu.memory_space<vmem>>
    %dma_wait3A_205 = tpu.memref_squeeze %dma_wait3A_204 : memref<1x16x1024xf32, #tpu.memory_space<vmem>> -> memref<16x1024xf32, #tpu.memory_space<vmem>>
    %dma_wait3A_206 = arith.constant 0 : i32
    %dma_wait3A_207 = tpu.memref_slice %arg2[%add3A_159, %dma_wait3A_206] : memref<16384x1024xf32, #tpu.memory_space<hbm>> -> memref<16x1024xf32, #tpu.memory_space<hbm>>
    tpu.wait_dma2 semaphore(%dma_wait3A_201 : memref<!tpu.dma_semaphore, #tpu.memory_space<semaphore_mem>>) src(%dma_wait3A_207 : memref<16x1024xf32, #tpu.memory_space<hbm>>) dst(%dma_wait3A_205 : memref<16x1024xf32, #tpu.memory_space<vmem>>)
    %dma_wait3A_208 = arith.constant 0 : i32
    %dma_wait3A_209 = arith.constant 0 : i32
    %dma_wait3A_210 = arith.constant 0 : i32
    %dma_wait3A_211 = arith.constant 0 : i32
    %dma_wait3A_212 = tpu.memref_slice %arg7[%dma_wait3A_208, %dma_wait3A_210, %dma_wait3A_211] : memref<2x16x1024xi32, #tpu.memory_space<vmem>> -> memref<1x16x1024xi32, #tpu.memory_space<vmem>>
    %dma_wait3A_213 = tpu.memref_squeeze %dma_wait3A_212 : memref<1x16x1024xi32, #tpu.memory_space<vmem>> -> memref<16x1024xi32, #tpu.memory_space<vmem>>
    %dma_wait3A_214 = arith.constant 0 : i32
    %dma_wait3A_215 = tpu.memref_slice %arg3[%add3A_159, %dma_wait3A_214] : memref<16384x1024xi32, #tpu.memory_space<hbm>> -> memref<16x1024xi32, #tpu.memory_space<hbm>>
    %dma_wait3A_216 = tpu.memref_slice %arg10[%dma_wait3A_209] : memref<2x!tpu.dma_semaphore, #tpu.memory_space<semaphore_mem>> -> memref<1x!tpu.dma_semaphore, #tpu.memory_space<semaphore_mem>>
    %dma_wait3A_217 = tpu.memref_squeeze %dma_wait3A_216 : memref<1x!tpu.dma_semaphore, #tpu.memory_space<semaphore_mem>> -> memref<!tpu.dma_semaphore, #tpu.memory_space<semaphore_mem>>
    %dma_wait3A_218 = arith.constant 0 : i32
    %dma_wait3A_219 = arith.constant 0 : i32
    %dma_wait3A_220 = tpu.memref_slice %arg7[%dma_wait3A_208, %dma_wait3A_218, %dma_wait3A_219] : memref<2x16x1024xi32, #tpu.memory_space<vmem>> -> memref<1x16x1024xi32, #tpu.memory_space<vmem>>
    %dma_wait3A_221 = tpu.memref_squeeze %dma_wait3A_220 : memref<1x16x1024xi32, #tpu.memory_space<vmem>> -> memref<16x1024xi32, #tpu.memory_space<vmem>>
    %dma_wait3A_222 = arith.constant 0 : i32
    %dma_wait3A_223 = tpu.memref_slice %arg3[%add3A_159, %dma_wait3A_222] : memref<16384x1024xi32, #tpu.memory_space<hbm>> -> memref<16x1024xi32, #tpu.memory_space<hbm>>
    tpu.wait_dma2 semaphore(%dma_wait3A_217 : memref<!tpu.dma_semaphore, #tpu.memory_space<semaphore_mem>>) src(%dma_wait3A_223 : memref<16x1024xi32, #tpu.memory_space<hbm>>) dst(%dma_wait3A_221 : memref<16x1024xi32, #tpu.memory_space<vmem>>)
    %add3A_224 = arith.constant 48 : i32
    %add3A_225 = arith.addi %add3A_4, %add3A_224 : i32
    %dma_start3A_226 = arith.constant 1 : i32
    %dma_start3A_227 = arith.constant 1 : i32
    %dma_start3A_228 = arith.constant 0 : i32
    %dma_start3A_229 = arith.constant 0 : i32
    %dma_start3A_230 = tpu.memref_slice %arg6[%dma_start3A_226, %dma_start3A_228, %dma_start3A_229] : memref<2x16x1024xf32, #tpu.memory_space<vmem>> -> memref<1x16x1024xf32, #tpu.memory_space<vmem>>
    %dma_start3A_231 = tpu.memref_squeeze %dma_start3A_230 : memref<1x16x1024xf32, #tpu.memory_space<vmem>> -> memref<16x1024xf32, #tpu.memory_space<vmem>>
    %dma_start3A_232 = arith.constant 0 : i32
    %dma_start3A_233 = tpu.memref_slice %arg2[%add3A_225, %dma_start3A_232] : memref<16384x1024xf32, #tpu.memory_space<hbm>> -> memref<16x1024xf32, #tpu.memory_space<hbm>>
    %dma_start3A_234 = tpu.memref_slice %arg10[%dma_start3A_227] : memref<2x!tpu.dma_semaphore, #tpu.memory_space<semaphore_mem>> -> memref<1x!tpu.dma_semaphore, #tpu.memory_space<semaphore_mem>>
    %dma_start3A_235 = tpu.memref_squeeze %dma_start3A_234 : memref<1x!tpu.dma_semaphore, #tpu.memory_space<semaphore_mem>> -> memref<!tpu.dma_semaphore, #tpu.memory_space<semaphore_mem>>
    %dma_start3A_236 = arith.constant 0 : i32
    %dma_start3A_237 = arith.constant 0 : i32
    %dma_start3A_238 = tpu.memref_slice %arg6[%dma_start3A_226, %dma_start3A_236, %dma_start3A_237] : memref<2x16x1024xf32, #tpu.memory_space<vmem>> -> memref<1x16x1024xf32, #tpu.memory_space<vmem>>
    %dma_start3A_239 = tpu.memref_squeeze %dma_start3A_238 : memref<1x16x1024xf32, #tpu.memory_space<vmem>> -> memref<16x1024xf32, #tpu.memory_space<vmem>>
    %dma_start3A_240 = arith.constant 0 : i32
    %dma_start3A_241 = tpu.memref_slice %arg2[%add3A_225, %dma_start3A_240] : memref<16384x1024xf32, #tpu.memory_space<hbm>> -> memref<16x1024xf32, #tpu.memory_space<hbm>>
    tpu.enqueue_dma source(%dma_start3A_241 : memref<16x1024xf32, #tpu.memory_space<hbm>>) target(%dma_start3A_239 : memref<16x1024xf32, #tpu.memory_space<vmem>>) target_semaphore(%dma_start3A_235 : memref<!tpu.dma_semaphore, #tpu.memory_space<semaphore_mem>>)
    %dma_start3A_242 = arith.constant 1 : i32
    %dma_start3A_243 = arith.constant 1 : i32
    %dma_start3A_244 = arith.constant 0 : i32
    %dma_start3A_245 = arith.constant 0 : i32
    %dma_start3A_246 = tpu.memref_slice %arg7[%dma_start3A_242, %dma_start3A_244, %dma_start3A_245] : memref<2x16x1024xi32, #tpu.memory_space<vmem>> -> memref<1x16x1024xi32, #tpu.memory_space<vmem>>
    %dma_start3A_247 = tpu.memref_squeeze %dma_start3A_246 : memref<1x16x1024xi32, #tpu.memory_space<vmem>> -> memref<16x1024xi32, #tpu.memory_space<vmem>>
    %dma_start3A_248 = arith.constant 0 : i32
    %dma_start3A_249 = tpu.memref_slice %arg3[%add3A_225, %dma_start3A_248] : memref<16384x1024xi32, #tpu.memory_space<hbm>> -> memref<16x1024xi32, #tpu.memory_space<hbm>>
    %dma_start3A_250 = tpu.memref_slice %arg10[%dma_start3A_243] : memref<2x!tpu.dma_semaphore, #tpu.memory_space<semaphore_mem>> -> memref<1x!tpu.dma_semaphore, #tpu.memory_space<semaphore_mem>>
    %dma_start3A_251 = tpu.memref_squeeze %dma_start3A_250 : memref<1x!tpu.dma_semaphore, #tpu.memory_space<semaphore_mem>> -> memref<!tpu.dma_semaphore, #tpu.memory_space<semaphore_mem>>
    %dma_start3A_252 = arith.constant 0 : i32
    %dma_start3A_253 = arith.constant 0 : i32
    %dma_start3A_254 = tpu.memref_slice %arg7[%dma_start3A_242, %dma_start3A_252, %dma_start3A_253] : memref<2x16x1024xi32, #tpu.memory_space<vmem>> -> memref<1x16x1024xi32, #tpu.memory_space<vmem>>
    %dma_start3A_255 = tpu.memref_squeeze %dma_start3A_254 : memref<1x16x1024xi32, #tpu.memory_space<vmem>> -> memref<16x1024xi32, #tpu.memory_space<vmem>>
    %dma_start3A_256 = arith.constant 0 : i32
    %dma_start3A_257 = tpu.memref_slice %arg3[%add3A_225, %dma_start3A_256] : memref<16384x1024xi32, #tpu.memory_space<hbm>> -> memref<16x1024xi32, #tpu.memory_space<hbm>>
    tpu.enqueue_dma source(%dma_start3A_257 : memref<16x1024xi32, #tpu.memory_space<hbm>>) target(%dma_start3A_255 : memref<16x1024xi32, #tpu.memory_space<vmem>>) target_semaphore(%dma_start3A_251 : memref<!tpu.dma_semaphore, #tpu.memory_space<semaphore_mem>>)
    %dma_wait3A_258 = arith.constant 1 : i32
    %dma_wait3A_259 = arith.constant 1 : i32
    %dma_wait3A_260 = arith.constant 0 : i32
    %dma_wait3A_261 = arith.constant 0 : i32
    %dma_wait3A_262 = tpu.memref_slice %arg6[%dma_wait3A_258, %dma_wait3A_260, %dma_wait3A_261] : memref<2x16x1024xf32, #tpu.memory_space<vmem>> -> memref<1x16x1024xf32, #tpu.memory_space<vmem>>
    %dma_wait3A_263 = tpu.memref_squeeze %dma_wait3A_262 : memref<1x16x1024xf32, #tpu.memory_space<vmem>> -> memref<16x1024xf32, #tpu.memory_space<vmem>>
    %dma_wait3A_264 = arith.constant 0 : i32
    %dma_wait3A_265 = tpu.memref_slice %arg2[%add3A_225, %dma_wait3A_264] : memref<16384x1024xf32, #tpu.memory_space<hbm>> -> memref<16x1024xf32, #tpu.memory_space<hbm>>
    %dma_wait3A_266 = tpu.memref_slice %arg10[%dma_wait3A_259] : memref<2x!tpu.dma_semaphore, #tpu.memory_space<semaphore_mem>> -> memref<1x!tpu.dma_semaphore, #tpu.memory_space<semaphore_mem>>
    %dma_wait3A_267 = tpu.memref_squeeze %dma_wait3A_266 : memref<1x!tpu.dma_semaphore, #tpu.memory_space<semaphore_mem>> -> memref<!tpu.dma_semaphore, #tpu.memory_space<semaphore_mem>>
    %dma_wait3A_268 = arith.constant 0 : i32
    %dma_wait3A_269 = arith.constant 0 : i32
    %dma_wait3A_270 = tpu.memref_slice %arg6[%dma_wait3A_258, %dma_wait3A_268, %dma_wait3A_269] : memref<2x16x1024xf32, #tpu.memory_space<vmem>> -> memref<1x16x1024xf32, #tpu.memory_space<vmem>>
    %dma_wait3A_271 = tpu.memref_squeeze %dma_wait3A_270 : memref<1x16x1024xf32, #tpu.memory_space<vmem>> -> memref<16x1024xf32, #tpu.memory_space<vmem>>
    %dma_wait3A_272 = arith.constant 0 : i32
    %dma_wait3A_273 = tpu.memref_slice %arg2[%add3A_225, %dma_wait3A_272] : memref<16384x1024xf32, #tpu.memory_space<hbm>> -> memref<16x1024xf32, #tpu.memory_space<hbm>>
    tpu.wait_dma2 semaphore(%dma_wait3A_267 : memref<!tpu.dma_semaphore, #tpu.memory_space<semaphore_mem>>) src(%dma_wait3A_273 : memref<16x1024xf32, #tpu.memory_space<hbm>>) dst(%dma_wait3A_271 : memref<16x1024xf32, #tpu.memory_space<vmem>>)
    %dma_wait3A_274 = arith.constant 1 : i32
    %dma_wait3A_275 = arith.constant 1 : i32
    %dma_wait3A_276 = arith.constant 0 : i32
    %dma_wait3A_277 = arith.constant 0 : i32
    %dma_wait3A_278 = tpu.memref_slice %arg7[%dma_wait3A_274, %dma_wait3A_276, %dma_wait3A_277] : memref<2x16x1024xi32, #tpu.memory_space<vmem>> -> memref<1x16x1024xi32, #tpu.memory_space<vmem>>
    %dma_wait3A_279 = tpu.memref_squeeze %dma_wait3A_278 : memref<1x16x1024xi32, #tpu.memory_space<vmem>> -> memref<16x1024xi32, #tpu.memory_space<vmem>>
    %dma_wait3A_280 = arith.constant 0 : i32
    %dma_wait3A_281 = tpu.memref_slice %arg3[%add3A_225, %dma_wait3A_280] : memref<16384x1024xi32, #tpu.memory_space<hbm>> -> memref<16x1024xi32, #tpu.memory_space<hbm>>
    %dma_wait3A_282 = tpu.memref_slice %arg10[%dma_wait3A_275] : memref<2x!tpu.dma_semaphore, #tpu.memory_space<semaphore_mem>> -> memref<1x!tpu.dma_semaphore, #tpu.memory_space<semaphore_mem>>
    %dma_wait3A_283 = tpu.memref_squeeze %dma_wait3A_282 : memref<1x!tpu.dma_semaphore, #tpu.memory_space<semaphore_mem>> -> memref<!tpu.dma_semaphore, #tpu.memory_space<semaphore_mem>>
    %dma_wait3A_284 = arith.constant 0 : i32
    %dma_wait3A_285 = arith.constant 0 : i32
    %dma_wait3A_286 = tpu.memref_slice %arg7[%dma_wait3A_274, %dma_wait3A_284, %dma_wait3A_285] : memref<2x16x1024xi32, #tpu.memory_space<vmem>> -> memref<1x16x1024xi32, #tpu.memory_space<vmem>>
    %dma_wait3A_287 = tpu.memref_squeeze %dma_wait3A_286 : memref<1x16x1024xi32, #tpu.memory_space<vmem>> -> memref<16x1024xi32, #tpu.memory_space<vmem>>
    %dma_wait3A_288 = arith.constant 0 : i32
    %dma_wait3A_289 = tpu.memref_slice %arg3[%add3A_225, %dma_wait3A_288] : memref<16384x1024xi32, #tpu.memory_space<hbm>> -> memref<16x1024xi32, #tpu.memory_space<hbm>>
    tpu.wait_dma2 semaphore(%dma_wait3A_283 : memref<!tpu.dma_semaphore, #tpu.memory_space<semaphore_mem>>) src(%dma_wait3A_289 : memref<16x1024xi32, #tpu.memory_space<hbm>>) dst(%dma_wait3A_287 : memref<16x1024xi32, #tpu.memory_space<vmem>>)
    %add3A_290 = arith.constant 64 : i32
    %add3A_291 = arith.addi %add3A_4, %add3A_290 : i32
    %dma_start3A_292 = arith.constant 0 : i32
    %dma_start3A_293 = arith.constant 0 : i32
    %dma_start3A_294 = arith.constant 0 : i32
    %dma_start3A_295 = arith.constant 0 : i32
    %dma_start3A_296 = tpu.memref_slice %arg6[%dma_start3A_292, %dma_start3A_294, %dma_start3A_295] : memref<2x16x1024xf32, #tpu.memory_space<vmem>> -> memref<1x16x1024xf32, #tpu.memory_space<vmem>>
    %dma_start3A_297 = tpu.memref_squeeze %dma_start3A_296 : memref<1x16x1024xf32, #tpu.memory_space<vmem>> -> memref<16x1024xf32, #tpu.memory_space<vmem>>
    %dma_start3A_298 = arith.constant 0 : i32
    %dma_start3A_299 = tpu.memref_slice %arg2[%add3A_291, %dma_start3A_298] : memref<16384x1024xf32, #tpu.memory_space<hbm>> -> memref<16x1024xf32, #tpu.memory_space<hbm>>
    %dma_start3A_300 = tpu.memref_slice %arg10[%dma_start3A_293] : memref<2x!tpu.dma_semaphore, #tpu.memory_space<semaphore_mem>> -> memref<1x!tpu.dma_semaphore, #tpu.memory_space<semaphore_mem>>
    %dma_start3A_301 = tpu.memref_squeeze %dma_start3A_300 : memref<1x!tpu.dma_semaphore, #tpu.memory_space<semaphore_mem>> -> memref<!tpu.dma_semaphore, #tpu.memory_space<semaphore_mem>>
    %dma_start3A_302 = arith.constant 0 : i32
    %dma_start3A_303 = arith.constant 0 : i32
    %dma_start3A_304 = tpu.memref_slice %arg6[%dma_start3A_292, %dma_start3A_302, %dma_start3A_303] : memref<2x16x1024xf32, #tpu.memory_space<vmem>> -> memref<1x16x1024xf32, #tpu.memory_space<vmem>>
    %dma_start3A_305 = tpu.memref_squeeze %dma_start3A_304 : memref<1x16x1024xf32, #tpu.memory_space<vmem>> -> memref<16x1024xf32, #tpu.memory_space<vmem>>
    %dma_start3A_306 = arith.constant 0 : i32
    %dma_start3A_307 = tpu.memref_slice %arg2[%add3A_291, %dma_start3A_306] : memref<16384x1024xf32, #tpu.memory_space<hbm>> -> memref<16x1024xf32, #tpu.memory_space<hbm>>
    tpu.enqueue_dma source(%dma_start3A_307 : memref<16x1024xf32, #tpu.memory_space<hbm>>) target(%dma_start3A_305 : memref<16x1024xf32, #tpu.memory_space<vmem>>) target_semaphore(%dma_start3A_301 : memref<!tpu.dma_semaphore, #tpu.memory_space<semaphore_mem>>)
    %dma_start3A_308 = arith.constant 0 : i32
    %dma_start3A_309 = arith.constant 0 : i32
    %dma_start3A_310 = arith.constant 0 : i32
    %dma_start3A_311 = arith.constant 0 : i32
    %dma_start3A_312 = tpu.memref_slice %arg7[%dma_start3A_308, %dma_start3A_310, %dma_start3A_311] : memref<2x16x1024xi32, #tpu.memory_space<vmem>> -> memref<1x16x1024xi32, #tpu.memory_space<vmem>>
    %dma_start3A_313 = tpu.memref_squeeze %dma_start3A_312 : memref<1x16x1024xi32, #tpu.memory_space<vmem>> -> memref<16x1024xi32, #tpu.memory_space<vmem>>
    %dma_start3A_314 = arith.constant 0 : i32
    %dma_start3A_315 = tpu.memref_slice %arg3[%add3A_291, %dma_start3A_314] : memref<16384x1024xi32, #tpu.memory_space<hbm>> -> memref<16x1024xi32, #tpu.memory_space<hbm>>
    %dma_start3A_316 = tpu.memref_slice %arg10[%dma_start3A_309] : memref<2x!tpu.dma_semaphore, #tpu.memory_space<semaphore_mem>> -> memref<1x!tpu.dma_semaphore, #tpu.memory_space<semaphore_mem>>
    %dma_start3A_317 = tpu.memref_squeeze %dma_start3A_316 : memref<1x!tpu.dma_semaphore, #tpu.memory_space<semaphore_mem>> -> memref<!tpu.dma_semaphore, #tpu.memory_space<semaphore_mem>>
    %dma_start3A_318 = arith.constant 0 : i32
    %dma_start3A_319 = arith.constant 0 : i32
    %dma_start3A_320 = tpu.memref_slice %arg7[%dma_start3A_308, %dma_start3A_318, %dma_start3A_319] : memref<2x16x1024xi32, #tpu.memory_space<vmem>> -> memref<1x16x1024xi32, #tpu.memory_space<vmem>>
    %dma_start3A_321 = tpu.memref_squeeze %dma_start3A_320 : memref<1x16x1024xi32, #tpu.memory_space<vmem>> -> memref<16x1024xi32, #tpu.memory_space<vmem>>
    %dma_start3A_322 = arith.constant 0 : i32
    %dma_start3A_323 = tpu.memref_slice %arg3[%add3A_291, %dma_start3A_322] : memref<16384x1024xi32, #tpu.memory_space<hbm>> -> memref<16x1024xi32, #tpu.memory_space<hbm>>
    tpu.enqueue_dma source(%dma_start3A_323 : memref<16x1024xi32, #tpu.memory_space<hbm>>) target(%dma_start3A_321 : memref<16x1024xi32, #tpu.memory_space<vmem>>) target_semaphore(%dma_start3A_317 : memref<!tpu.dma_semaphore, #tpu.memory_space<semaphore_mem>>)
    %dma_wait3A_324 = arith.constant 0 : i32
    %dma_wait3A_325 = arith.constant 0 : i32
    %dma_wait3A_326 = arith.constant 0 : i32
    %dma_wait3A_327 = arith.constant 0 : i32
    %dma_wait3A_328 = tpu.memref_slice %arg6[%dma_wait3A_324, %dma_wait3A_326, %dma_wait3A_327] : memref<2x16x1024xf32, #tpu.memory_space<vmem>> -> memref<1x16x1024xf32, #tpu.memory_space<vmem>>
    %dma_wait3A_329 = tpu.memref_squeeze %dma_wait3A_328 : memref<1x16x1024xf32, #tpu.memory_space<vmem>> -> memref<16x1024xf32, #tpu.memory_space<vmem>>
    %dma_wait3A_330 = arith.constant 0 : i32
    %dma_wait3A_331 = tpu.memref_slice %arg2[%add3A_291, %dma_wait3A_330] : memref<16384x1024xf32, #tpu.memory_space<hbm>> -> memref<16x1024xf32, #tpu.memory_space<hbm>>
    %dma_wait3A_332 = tpu.memref_slice %arg10[%dma_wait3A_325] : memref<2x!tpu.dma_semaphore, #tpu.memory_space<semaphore_mem>> -> memref<1x!tpu.dma_semaphore, #tpu.memory_space<semaphore_mem>>
    %dma_wait3A_333 = tpu.memref_squeeze %dma_wait3A_332 : memref<1x!tpu.dma_semaphore, #tpu.memory_space<semaphore_mem>> -> memref<!tpu.dma_semaphore, #tpu.memory_space<semaphore_mem>>
    %dma_wait3A_334 = arith.constant 0 : i32
    %dma_wait3A_335 = arith.constant 0 : i32
    %dma_wait3A_336 = tpu.memref_slice %arg6[%dma_wait3A_324, %dma_wait3A_334, %dma_wait3A_335] : memref<2x16x1024xf32, #tpu.memory_space<vmem>> -> memref<1x16x1024xf32, #tpu.memory_space<vmem>>
    %dma_wait3A_337 = tpu.memref_squeeze %dma_wait3A_336 : memref<1x16x1024xf32, #tpu.memory_space<vmem>> -> memref<16x1024xf32, #tpu.memory_space<vmem>>
    %dma_wait3A_338 = arith.constant 0 : i32
    %dma_wait3A_339 = tpu.memref_slice %arg2[%add3A_291, %dma_wait3A_338] : memref<16384x1024xf32, #tpu.memory_space<hbm>> -> memref<16x1024xf32, #tpu.memory_space<hbm>>
    tpu.wait_dma2 semaphore(%dma_wait3A_333 : memref<!tpu.dma_semaphore, #tpu.memory_space<semaphore_mem>>) src(%dma_wait3A_339 : memref<16x1024xf32, #tpu.memory_space<hbm>>) dst(%dma_wait3A_337 : memref<16x1024xf32, #tpu.memory_space<vmem>>)
    %dma_wait3A_340 = arith.constant 0 : i32
    %dma_wait3A_341 = arith.constant 0 : i32
    %dma_wait3A_342 = arith.constant 0 : i32
    %dma_wait3A_343 = arith.constant 0 : i32
    %dma_wait3A_344 = tpu.memref_slice %arg7[%dma_wait3A_340, %dma_wait3A_342, %dma_wait3A_343] : memref<2x16x1024xi32, #tpu.memory_space<vmem>> -> memref<1x16x1024xi32, #tpu.memory_space<vmem>>
    %dma_wait3A_345 = tpu.memref_squeeze %dma_wait3A_344 : memref<1x16x1024xi32, #tpu.memory_space<vmem>> -> memref<16x1024xi32, #tpu.memory_space<vmem>>
    %dma_wait3A_346 = arith.constant 0 : i32
    %dma_wait3A_347 = tpu.memref_slice %arg3[%add3A_291, %dma_wait3A_346] : memref<16384x1024xi32, #tpu.memory_space<hbm>> -> memref<16x1024xi32, #tpu.memory_space<hbm>>
    %dma_wait3A_348 = tpu.memref_slice %arg10[%dma_wait3A_341] : memref<2x!tpu.dma_semaphore, #tpu.memory_space<semaphore_mem>> -> memref<1x!tpu.dma_semaphore, #tpu.memory_space<semaphore_mem>>
    %dma_wait3A_349 = tpu.memref_squeeze %dma_wait3A_348 : memref<1x!tpu.dma_semaphore, #tpu.memory_space<semaphore_mem>> -> memref<!tpu.dma_semaphore, #tpu.memory_space<semaphore_mem>>
    %dma_wait3A_350 = arith.constant 0 : i32
    %dma_wait3A_351 = arith.constant 0 : i32
    %dma_wait3A_352 = tpu.memref_slice %arg7[%dma_wait3A_340, %dma_wait3A_350, %dma_wait3A_351] : memref<2x16x1024xi32, #tpu.memory_space<vmem>> -> memref<1x16x1024xi32, #tpu.memory_space<vmem>>
    %dma_wait3A_353 = tpu.memref_squeeze %dma_wait3A_352 : memref<1x16x1024xi32, #tpu.memory_space<vmem>> -> memref<16x1024xi32, #tpu.memory_space<vmem>>
    %dma_wait3A_354 = arith.constant 0 : i32
    %dma_wait3A_355 = tpu.memref_slice %arg3[%add3A_291, %dma_wait3A_354] : memref<16384x1024xi32, #tpu.memory_space<hbm>> -> memref<16x1024xi32, #tpu.memory_space<hbm>>
    tpu.wait_dma2 semaphore(%dma_wait3A_349 : memref<!tpu.dma_semaphore, #tpu.memory_space<semaphore_mem>>) src(%dma_wait3A_355 : memref<16x1024xi32, #tpu.memory_space<hbm>>) dst(%dma_wait3A_353 : memref<16x1024xi32, #tpu.memory_space<vmem>>)
    %add3A_356 = arith.constant 80 : i32
    %add3A_357 = arith.addi %add3A_4, %add3A_356 : i32
    %dma_start3A_358 = arith.constant 1 : i32
    %dma_start3A_359 = arith.constant 1 : i32
    %dma_start3A_360 = arith.constant 0 : i32
    %dma_start3A_361 = arith.constant 0 : i32
    %dma_start3A_362 = tpu.memref_slice %arg6[%dma_start3A_358, %dma_start3A_360, %dma_start3A_361] : memref<2x16x1024xf32, #tpu.memory_space<vmem>> -> memref<1x16x1024xf32, #tpu.memory_space<vmem>>
    %dma_start3A_363 = tpu.memref_squeeze %dma_start3A_362 : memref<1x16x1024xf32, #tpu.memory_space<vmem>> -> memref<16x1024xf32, #tpu.memory_space<vmem>>
    %dma_start3A_364 = arith.constant 0 : i32
    %dma_start3A_365 = tpu.memref_slice %arg2[%add3A_357, %dma_start3A_364] : memref<16384x1024xf32, #tpu.memory_space<hbm>> -> memref<16x1024xf32, #tpu.memory_space<hbm>>
    %dma_start3A_366 = tpu.memref_slice %arg10[%dma_start3A_359] : memref<2x!tpu.dma_semaphore, #tpu.memory_space<semaphore_mem>> -> memref<1x!tpu.dma_semaphore, #tpu.memory_space<semaphore_mem>>
    %dma_start3A_367 = tpu.memref_squeeze %dma_start3A_366 : memref<1x!tpu.dma_semaphore, #tpu.memory_space<semaphore_mem>> -> memref<!tpu.dma_semaphore, #tpu.memory_space<semaphore_mem>>
    %dma_start3A_368 = arith.constant 0 : i32
    %dma_start3A_369 = arith.constant 0 : i32
    %dma_start3A_370 = tpu.memref_slice %arg6[%dma_start3A_358, %dma_start3A_368, %dma_start3A_369] : memref<2x16x1024xf32, #tpu.memory_space<vmem>> -> memref<1x16x1024xf32, #tpu.memory_space<vmem>>
    %dma_start3A_371 = tpu.memref_squeeze %dma_start3A_370 : memref<1x16x1024xf32, #tpu.memory_space<vmem>> -> memref<16x1024xf32, #tpu.memory_space<vmem>>
    %dma_start3A_372 = arith.constant 0 : i32
    %dma_start3A_373 = tpu.memref_slice %arg2[%add3A_357, %dma_start3A_372] : memref<16384x1024xf32, #tpu.memory_space<hbm>> -> memref<16x1024xf32, #tpu.memory_space<hbm>>
    tpu.enqueue_dma source(%dma_start3A_373 : memref<16x1024xf32, #tpu.memory_space<hbm>>) target(%dma_start3A_371 : memref<16x1024xf32, #tpu.memory_space<vmem>>) target_semaphore(%dma_start3A_367 : memref<!tpu.dma_semaphore, #tpu.memory_space<semaphore_mem>>)
    %dma_start3A_374 = arith.constant 1 : i32
    %dma_start3A_375 = arith.constant 1 : i32
    %dma_start3A_376 = arith.constant 0 : i32
    %dma_start3A_377 = arith.constant 0 : i32
    %dma_start3A_378 = tpu.memref_slice %arg7[%dma_start3A_374, %dma_start3A_376, %dma_start3A_377] : memref<2x16x1024xi32, #tpu.memory_space<vmem>> -> memref<1x16x1024xi32, #tpu.memory_space<vmem>>
    %dma_start3A_379 = tpu.memref_squeeze %dma_start3A_378 : memref<1x16x1024xi32, #tpu.memory_space<vmem>> -> memref<16x1024xi32, #tpu.memory_space<vmem>>
    %dma_start3A_380 = arith.constant 0 : i32
    %dma_start3A_381 = tpu.memref_slice %arg3[%add3A_357, %dma_start3A_380] : memref<16384x1024xi32, #tpu.memory_space<hbm>> -> memref<16x1024xi32, #tpu.memory_space<hbm>>
    %dma_start3A_382 = tpu.memref_slice %arg10[%dma_start3A_375] : memref<2x!tpu.dma_semaphore, #tpu.memory_space<semaphore_mem>> -> memref<1x!tpu.dma_semaphore, #tpu.memory_space<semaphore_mem>>
    %dma_start3A_383 = tpu.memref_squeeze %dma_start3A_382 : memref<1x!tpu.dma_semaphore, #tpu.memory_space<semaphore_mem>> -> memref<!tpu.dma_semaphore, #tpu.memory_space<semaphore_mem>>
    %dma_start3A_384 = arith.constant 0 : i32
    %dma_start3A_385 = arith.constant 0 : i32
    %dma_start3A_386 = tpu.memref_slice %arg7[%dma_start3A_374, %dma_start3A_384, %dma_start3A_385] : memref<2x16x1024xi32, #tpu.memory_space<vmem>> -> memref<1x16x1024xi32, #tpu.memory_space<vmem>>
    %dma_start3A_387 = tpu.memref_squeeze %dma_start3A_386 : memref<1x16x1024xi32, #tpu.memory_space<vmem>> -> memref<16x1024xi32, #tpu.memory_space<vmem>>
    %dma_start3A_388 = arith.constant 0 : i32
    %dma_start3A_389 = tpu.memref_slice %arg3[%add3A_357, %dma_start3A_388] : memref<16384x1024xi32, #tpu.memory_space<hbm>> -> memref<16x1024xi32, #tpu.memory_space<hbm>>
    tpu.enqueue_dma source(%dma_start3A_389 : memref<16x1024xi32, #tpu.memory_space<hbm>>) target(%dma_start3A_387 : memref<16x1024xi32, #tpu.memory_space<vmem>>) target_semaphore(%dma_start3A_383 : memref<!tpu.dma_semaphore, #tpu.memory_space<semaphore_mem>>)
    %dma_wait3A_390 = arith.constant 1 : i32
    %dma_wait3A_391 = arith.constant 1 : i32
    %dma_wait3A_392 = arith.constant 0 : i32
    %dma_wait3A_393 = arith.constant 0 : i32
    %dma_wait3A_394 = tpu.memref_slice %arg6[%dma_wait3A_390, %dma_wait3A_392, %dma_wait3A_393] : memref<2x16x1024xf32, #tpu.memory_space<vmem>> -> memref<1x16x1024xf32, #tpu.memory_space<vmem>>
    %dma_wait3A_395 = tpu.memref_squeeze %dma_wait3A_394 : memref<1x16x1024xf32, #tpu.memory_space<vmem>> -> memref<16x1024xf32, #tpu.memory_space<vmem>>
    %dma_wait3A_396 = arith.constant 0 : i32
    %dma_wait3A_397 = tpu.memref_slice %arg2[%add3A_357, %dma_wait3A_396] : memref<16384x1024xf32, #tpu.memory_space<hbm>> -> memref<16x1024xf32, #tpu.memory_space<hbm>>
    %dma_wait3A_398 = tpu.memref_slice %arg10[%dma_wait3A_391] : memref<2x!tpu.dma_semaphore, #tpu.memory_space<semaphore_mem>> -> memref<1x!tpu.dma_semaphore, #tpu.memory_space<semaphore_mem>>
    %dma_wait3A_399 = tpu.memref_squeeze %dma_wait3A_398 : memref<1x!tpu.dma_semaphore, #tpu.memory_space<semaphore_mem>> -> memref<!tpu.dma_semaphore, #tpu.memory_space<semaphore_mem>>
    %dma_wait3A_400 = arith.constant 0 : i32
    %dma_wait3A_401 = arith.constant 0 : i32
    %dma_wait3A_402 = tpu.memref_slice %arg6[%dma_wait3A_390, %dma_wait3A_400, %dma_wait3A_401] : memref<2x16x1024xf32, #tpu.memory_space<vmem>> -> memref<1x16x1024xf32, #tpu.memory_space<vmem>>
    %dma_wait3A_403 = tpu.memref_squeeze %dma_wait3A_402 : memref<1x16x1024xf32, #tpu.memory_space<vmem>> -> memref<16x1024xf32, #tpu.memory_space<vmem>>
    %dma_wait3A_404 = arith.constant 0 : i32
    %dma_wait3A_405 = tpu.memref_slice %arg2[%add3A_357, %dma_wait3A_404] : memref<16384x1024xf32, #tpu.memory_space<hbm>> -> memref<16x1024xf32, #tpu.memory_space<hbm>>
    tpu.wait_dma2 semaphore(%dma_wait3A_399 : memref<!tpu.dma_semaphore, #tpu.memory_space<semaphore_mem>>) src(%dma_wait3A_405 : memref<16x1024xf32, #tpu.memory_space<hbm>>) dst(%dma_wait3A_403 : memref<16x1024xf32, #tpu.memory_space<vmem>>)
    %dma_wait3A_406 = arith.constant 1 : i32
    %dma_wait3A_407 = arith.constant 1 : i32
    %dma_wait3A_408 = arith.constant 0 : i32
    %dma_wait3A_409 = arith.constant 0 : i32
    %dma_wait3A_410 = tpu.memref_slice %arg7[%dma_wait3A_406, %dma_wait3A_408, %dma_wait3A_409] : memref<2x16x1024xi32, #tpu.memory_space<vmem>> -> memref<1x16x1024xi32, #tpu.memory_space<vmem>>
    %dma_wait3A_411 = tpu.memref_squeeze %dma_wait3A_410 : memref<1x16x1024xi32, #tpu.memory_space<vmem>> -> memref<16x1024xi32, #tpu.memory_space<vmem>>
    %dma_wait3A_412 = arith.constant 0 : i32
    %dma_wait3A_413 = tpu.memref_slice %arg3[%add3A_357, %dma_wait3A_412] : memref<16384x1024xi32, #tpu.memory_space<hbm>> -> memref<16x1024xi32, #tpu.memory_space<hbm>>
    %dma_wait3A_414 = tpu.memref_slice %arg10[%dma_wait3A_407] : memref<2x!tpu.dma_semaphore, #tpu.memory_space<semaphore_mem>> -> memref<1x!tpu.dma_semaphore, #tpu.memory_space<semaphore_mem>>
    %dma_wait3A_415 = tpu.memref_squeeze %dma_wait3A_414 : memref<1x!tpu.dma_semaphore, #tpu.memory_space<semaphore_mem>> -> memref<!tpu.dma_semaphore, #tpu.memory_space<semaphore_mem>>
    %dma_wait3A_416 = arith.constant 0 : i32
    %dma_wait3A_417 = arith.constant 0 : i32
    %dma_wait3A_418 = tpu.memref_slice %arg7[%dma_wait3A_406, %dma_wait3A_416, %dma_wait3A_417] : memref<2x16x1024xi32, #tpu.memory_space<vmem>> -> memref<1x16x1024xi32, #tpu.memory_space<vmem>>
    %dma_wait3A_419 = tpu.memref_squeeze %dma_wait3A_418 : memref<1x16x1024xi32, #tpu.memory_space<vmem>> -> memref<16x1024xi32, #tpu.memory_space<vmem>>
    %dma_wait3A_420 = arith.constant 0 : i32
    %dma_wait3A_421 = tpu.memref_slice %arg3[%add3A_357, %dma_wait3A_420] : memref<16384x1024xi32, #tpu.memory_space<hbm>> -> memref<16x1024xi32, #tpu.memory_space<hbm>>
    tpu.wait_dma2 semaphore(%dma_wait3A_415 : memref<!tpu.dma_semaphore, #tpu.memory_space<semaphore_mem>>) src(%dma_wait3A_421 : memref<16x1024xi32, #tpu.memory_space<hbm>>) dst(%dma_wait3A_419 : memref<16x1024xi32, #tpu.memory_space<vmem>>)
    %add3A_422 = arith.constant 96 : i32
    %add3A_423 = arith.addi %add3A_4, %add3A_422 : i32
    %dma_start3A_424 = arith.constant 0 : i32
    %dma_start3A_425 = arith.constant 0 : i32
    %dma_start3A_426 = arith.constant 0 : i32
    %dma_start3A_427 = arith.constant 0 : i32
    %dma_start3A_428 = tpu.memref_slice %arg6[%dma_start3A_424, %dma_start3A_426, %dma_start3A_427] : memref<2x16x1024xf32, #tpu.memory_space<vmem>> -> memref<1x16x1024xf32, #tpu.memory_space<vmem>>
    %dma_start3A_429 = tpu.memref_squeeze %dma_start3A_428 : memref<1x16x1024xf32, #tpu.memory_space<vmem>> -> memref<16x1024xf32, #tpu.memory_space<vmem>>
    %dma_start3A_430 = arith.constant 0 : i32
    %dma_start3A_431 = tpu.memref_slice %arg2[%add3A_423, %dma_start3A_430] : memref<16384x1024xf32, #tpu.memory_space<hbm>> -> memref<16x1024xf32, #tpu.memory_space<hbm>>
    %dma_start3A_432 = tpu.memref_slice %arg10[%dma_start3A_425] : memref<2x!tpu.dma_semaphore, #tpu.memory_space<semaphore_mem>> -> memref<1x!tpu.dma_semaphore, #tpu.memory_space<semaphore_mem>>
    %dma_start3A_433 = tpu.memref_squeeze %dma_start3A_432 : memref<1x!tpu.dma_semaphore, #tpu.memory_space<semaphore_mem>> -> memref<!tpu.dma_semaphore, #tpu.memory_space<semaphore_mem>>
    %dma_start3A_434 = arith.constant 0 : i32
    %dma_start3A_435 = arith.constant 0 : i32
    %dma_start3A_436 = tpu.memref_slice %arg6[%dma_start3A_424, %dma_start3A_434, %dma_start3A_435] : memref<2x16x1024xf32, #tpu.memory_space<vmem>> -> memref<1x16x1024xf32, #tpu.memory_space<vmem>>
    %dma_start3A_437 = tpu.memref_squeeze %dma_start3A_436 : memref<1x16x1024xf32, #tpu.memory_space<vmem>> -> memref<16x1024xf32, #tpu.memory_space<vmem>>
    %dma_start3A_438 = arith.constant 0 : i32
    %dma_start3A_439 = tpu.memref_slice %arg2[%add3A_423, %dma_start3A_438] : memref<16384x1024xf32, #tpu.memory_space<hbm>> -> memref<16x1024xf32, #tpu.memory_space<hbm>>
    tpu.enqueue_dma source(%dma_start3A_439 : memref<16x1024xf32, #tpu.memory_space<hbm>>) target(%dma_start3A_437 : memref<16x1024xf32, #tpu.memory_space<vmem>>) target_semaphore(%dma_start3A_433 : memref<!tpu.dma_semaphore, #tpu.memory_space<semaphore_mem>>)
    %dma_start3A_440 = arith.constant 0 : i32
    %dma_start3A_441 = arith.constant 0 : i32
    %dma_start3A_442 = arith.constant 0 : i32
    %dma_start3A_443 = arith.constant 0 : i32
    %dma_start3A_444 = tpu.memref_slice %arg7[%dma_start3A_440, %dma_start3A_442, %dma_start3A_443] : memref<2x16x1024xi32, #tpu.memory_space<vmem>> -> memref<1x16x1024xi32, #tpu.memory_space<vmem>>
    %dma_start3A_445 = tpu.memref_squeeze %dma_start3A_444 : memref<1x16x1024xi32, #tpu.memory_space<vmem>> -> memref<16x1024xi32, #tpu.memory_space<vmem>>
    %dma_start3A_446 = arith.constant 0 : i32
    %dma_start3A_447 = tpu.memref_slice %arg3[%add3A_423, %dma_start3A_446] : memref<16384x1024xi32, #tpu.memory_space<hbm>> -> memref<16x1024xi32, #tpu.memory_space<hbm>>
    %dma_start3A_448 = tpu.memref_slice %arg10[%dma_start3A_441] : memref<2x!tpu.dma_semaphore, #tpu.memory_space<semaphore_mem>> -> memref<1x!tpu.dma_semaphore, #tpu.memory_space<semaphore_mem>>
    %dma_start3A_449 = tpu.memref_squeeze %dma_start3A_448 : memref<1x!tpu.dma_semaphore, #tpu.memory_space<semaphore_mem>> -> memref<!tpu.dma_semaphore, #tpu.memory_space<semaphore_mem>>
    %dma_start3A_450 = arith.constant 0 : i32
    %dma_start3A_451 = arith.constant 0 : i32
    %dma_start3A_452 = tpu.memref_slice %arg7[%dma_start3A_440, %dma_start3A_450, %dma_start3A_451] : memref<2x16x1024xi32, #tpu.memory_space<vmem>> -> memref<1x16x1024xi32, #tpu.memory_space<vmem>>
    %dma_start3A_453 = tpu.memref_squeeze %dma_start3A_452 : memref<1x16x1024xi32, #tpu.memory_space<vmem>> -> memref<16x1024xi32, #tpu.memory_space<vmem>>
    %dma_start3A_454 = arith.constant 0 : i32
    %dma_start3A_455 = tpu.memref_slice %arg3[%add3A_423, %dma_start3A_454] : memref<16384x1024xi32, #tpu.memory_space<hbm>> -> memref<16x1024xi32, #tpu.memory_space<hbm>>
    tpu.enqueue_dma source(%dma_start3A_455 : memref<16x1024xi32, #tpu.memory_space<hbm>>) target(%dma_start3A_453 : memref<16x1024xi32, #tpu.memory_space<vmem>>) target_semaphore(%dma_start3A_449 : memref<!tpu.dma_semaphore, #tpu.memory_space<semaphore_mem>>)
    %dma_wait3A_456 = arith.constant 0 : i32
    %dma_wait3A_457 = arith.constant 0 : i32
    %dma_wait3A_458 = arith.constant 0 : i32
    %dma_wait3A_459 = arith.constant 0 : i32
    %dma_wait3A_460 = tpu.memref_slice %arg6[%dma_wait3A_456, %dma_wait3A_458, %dma_wait3A_459] : memref<2x16x1024xf32, #tpu.memory_space<vmem>> -> memref<1x16x1024xf32, #tpu.memory_space<vmem>>
    %dma_wait3A_461 = tpu.memref_squeeze %dma_wait3A_460 : memref<1x16x1024xf32, #tpu.memory_space<vmem>> -> memref<16x1024xf32, #tpu.memory_space<vmem>>
    %dma_wait3A_462 = arith.constant 0 : i32
    %dma_wait3A_463 = tpu.memref_slice %arg2[%add3A_423, %dma_wait3A_462] : memref<16384x1024xf32, #tpu.memory_space<hbm>> -> memref<16x1024xf32, #tpu.memory_space<hbm>>
    %dma_wait3A_464 = tpu.memref_slice %arg10[%dma_wait3A_457] : memref<2x!tpu.dma_semaphore, #tpu.memory_space<semaphore_mem>> -> memref<1x!tpu.dma_semaphore, #tpu.memory_space<semaphore_mem>>
    %dma_wait3A_465 = tpu.memref_squeeze %dma_wait3A_464 : memref<1x!tpu.dma_semaphore, #tpu.memory_space<semaphore_mem>> -> memref<!tpu.dma_semaphore, #tpu.memory_space<semaphore_mem>>
    %dma_wait3A_466 = arith.constant 0 : i32
    %dma_wait3A_467 = arith.constant 0 : i32
    %dma_wait3A_468 = tpu.memref_slice %arg6[%dma_wait3A_456, %dma_wait3A_466, %dma_wait3A_467] : memref<2x16x1024xf32, #tpu.memory_space<vmem>> -> memref<1x16x1024xf32, #tpu.memory_space<vmem>>
    %dma_wait3A_469 = tpu.memref_squeeze %dma_wait3A_468 : memref<1x16x1024xf32, #tpu.memory_space<vmem>> -> memref<16x1024xf32, #tpu.memory_space<vmem>>
    %dma_wait3A_470 = arith.constant 0 : i32
    %dma_wait3A_471 = tpu.memref_slice %arg2[%add3A_423, %dma_wait3A_470] : memref<16384x1024xf32, #tpu.memory_space<hbm>> -> memref<16x1024xf32, #tpu.memory_space<hbm>>
    tpu.wait_dma2 semaphore(%dma_wait3A_465 : memref<!tpu.dma_semaphore, #tpu.memory_space<semaphore_mem>>) src(%dma_wait3A_471 : memref<16x1024xf32, #tpu.memory_space<hbm>>) dst(%dma_wait3A_469 : memref<16x1024xf32, #tpu.memory_space<vmem>>)
    %dma_wait3A_472 = arith.constant 0 : i32
    %dma_wait3A_473 = arith.constant 0 : i32
    %dma_wait3A_474 = arith.constant 0 : i32
    %dma_wait3A_475 = arith.constant 0 : i32
    %dma_wait3A_476 = tpu.memref_slice %arg7[%dma_wait3A_472, %dma_wait3A_474, %dma_wait3A_475] : memref<2x16x1024xi32, #tpu.memory_space<vmem>> -> memref<1x16x1024xi32, #tpu.memory_space<vmem>>
    %dma_wait3A_477 = tpu.memref_squeeze %dma_wait3A_476 : memref<1x16x1024xi32, #tpu.memory_space<vmem>> -> memref<16x1024xi32, #tpu.memory_space<vmem>>
    %dma_wait3A_478 = arith.constant 0 : i32
    %dma_wait3A_479 = tpu.memref_slice %arg3[%add3A_423, %dma_wait3A_478] : memref<16384x1024xi32, #tpu.memory_space<hbm>> -> memref<16x1024xi32, #tpu.memory_space<hbm>>
    %dma_wait3A_480 = tpu.memref_slice %arg10[%dma_wait3A_473] : memref<2x!tpu.dma_semaphore, #tpu.memory_space<semaphore_mem>> -> memref<1x!tpu.dma_semaphore, #tpu.memory_space<semaphore_mem>>
    %dma_wait3A_481 = tpu.memref_squeeze %dma_wait3A_480 : memref<1x!tpu.dma_semaphore, #tpu.memory_space<semaphore_mem>> -> memref<!tpu.dma_semaphore, #tpu.memory_space<semaphore_mem>>
    %dma_wait3A_482 = arith.constant 0 : i32
    %dma_wait3A_483 = arith.constant 0 : i32
    %dma_wait3A_484 = tpu.memref_slice %arg7[%dma_wait3A_472, %dma_wait3A_482, %dma_wait3A_483] : memref<2x16x1024xi32, #tpu.memory_space<vmem>> -> memref<1x16x1024xi32, #tpu.memory_space<vmem>>
    %dma_wait3A_485 = tpu.memref_squeeze %dma_wait3A_484 : memref<1x16x1024xi32, #tpu.memory_space<vmem>> -> memref<16x1024xi32, #tpu.memory_space<vmem>>
    %dma_wait3A_486 = arith.constant 0 : i32
    %dma_wait3A_487 = tpu.memref_slice %arg3[%add3A_423, %dma_wait3A_486] : memref<16384x1024xi32, #tpu.memory_space<hbm>> -> memref<16x1024xi32, #tpu.memory_space<hbm>>
    tpu.wait_dma2 semaphore(%dma_wait3A_481 : memref<!tpu.dma_semaphore, #tpu.memory_space<semaphore_mem>>) src(%dma_wait3A_487 : memref<16x1024xi32, #tpu.memory_space<hbm>>) dst(%dma_wait3A_485 : memref<16x1024xi32, #tpu.memory_space<vmem>>)
    %add3A_488 = arith.constant 112 : i32
    %add3A_489 = arith.addi %add3A_4, %add3A_488 : i32
    %dma_start3A_490 = arith.constant 1 : i32
    %dma_start3A_491 = arith.constant 1 : i32
    %dma_start3A_492 = arith.constant 0 : i32
    %dma_start3A_493 = arith.constant 0 : i32
    %dma_start3A_494 = tpu.memref_slice %arg6[%dma_start3A_490, %dma_start3A_492, %dma_start3A_493] : memref<2x16x1024xf32, #tpu.memory_space<vmem>> -> memref<1x16x1024xf32, #tpu.memory_space<vmem>>
    %dma_start3A_495 = tpu.memref_squeeze %dma_start3A_494 : memref<1x16x1024xf32, #tpu.memory_space<vmem>> -> memref<16x1024xf32, #tpu.memory_space<vmem>>
    %dma_start3A_496 = arith.constant 0 : i32
    %dma_start3A_497 = tpu.memref_slice %arg2[%add3A_489, %dma_start3A_496] : memref<16384x1024xf32, #tpu.memory_space<hbm>> -> memref<16x1024xf32, #tpu.memory_space<hbm>>
    %dma_start3A_498 = tpu.memref_slice %arg10[%dma_start3A_491] : memref<2x!tpu.dma_semaphore, #tpu.memory_space<semaphore_mem>> -> memref<1x!tpu.dma_semaphore, #tpu.memory_space<semaphore_mem>>
    %dma_start3A_499 = tpu.memref_squeeze %dma_start3A_498 : memref<1x!tpu.dma_semaphore, #tpu.memory_space<semaphore_mem>> -> memref<!tpu.dma_semaphore, #tpu.memory_space<semaphore_mem>>
    %dma_start3A_500 = arith.constant 0 : i32
    %dma_start3A_501 = arith.constant 0 : i32
    %dma_start3A_502 = tpu.memref_slice %arg6[%dma_start3A_490, %dma_start3A_500, %dma_start3A_501] : memref<2x16x1024xf32, #tpu.memory_space<vmem>> -> memref<1x16x1024xf32, #tpu.memory_space<vmem>>
    %dma_start3A_503 = tpu.memref_squeeze %dma_start3A_502 : memref<1x16x1024xf32, #tpu.memory_space<vmem>> -> memref<16x1024xf32, #tpu.memory_space<vmem>>
    %dma_start3A_504 = arith.constant 0 : i32
    %dma_start3A_505 = tpu.memref_slice %arg2[%add3A_489, %dma_start3A_504] : memref<16384x1024xf32, #tpu.memory_space<hbm>> -> memref<16x1024xf32, #tpu.memory_space<hbm>>
    tpu.enqueue_dma source(%dma_start3A_505 : memref<16x1024xf32, #tpu.memory_space<hbm>>) target(%dma_start3A_503 : memref<16x1024xf32, #tpu.memory_space<vmem>>) target_semaphore(%dma_start3A_499 : memref<!tpu.dma_semaphore, #tpu.memory_space<semaphore_mem>>)
    %dma_start3A_506 = arith.constant 1 : i32
    %dma_start3A_507 = arith.constant 1 : i32
    %dma_start3A_508 = arith.constant 0 : i32
    %dma_start3A_509 = arith.constant 0 : i32
    %dma_start3A_510 = tpu.memref_slice %arg7[%dma_start3A_506, %dma_start3A_508, %dma_start3A_509] : memref<2x16x1024xi32, #tpu.memory_space<vmem>> -> memref<1x16x1024xi32, #tpu.memory_space<vmem>>
    %dma_start3A_511 = tpu.memref_squeeze %dma_start3A_510 : memref<1x16x1024xi32, #tpu.memory_space<vmem>> -> memref<16x1024xi32, #tpu.memory_space<vmem>>
    %dma_start3A_512 = arith.constant 0 : i32
    %dma_start3A_513 = tpu.memref_slice %arg3[%add3A_489, %dma_start3A_512] : memref<16384x1024xi32, #tpu.memory_space<hbm>> -> memref<16x1024xi32, #tpu.memory_space<hbm>>
    %dma_start3A_514 = tpu.memref_slice %arg10[%dma_start3A_507] : memref<2x!tpu.dma_semaphore, #tpu.memory_space<semaphore_mem>> -> memref<1x!tpu.dma_semaphore, #tpu.memory_space<semaphore_mem>>
    %dma_start3A_515 = tpu.memref_squeeze %dma_start3A_514 : memref<1x!tpu.dma_semaphore, #tpu.memory_space<semaphore_mem>> -> memref<!tpu.dma_semaphore, #tpu.memory_space<semaphore_mem>>
    %dma_start3A_516 = arith.constant 0 : i32
    %dma_start3A_517 = arith.constant 0 : i32
    %dma_start3A_518 = tpu.memref_slice %arg7[%dma_start3A_506, %dma_start3A_516, %dma_start3A_517] : memref<2x16x1024xi32, #tpu.memory_space<vmem>> -> memref<1x16x1024xi32, #tpu.memory_space<vmem>>
    %dma_start3A_519 = tpu.memref_squeeze %dma_start3A_518 : memref<1x16x1024xi32, #tpu.memory_space<vmem>> -> memref<16x1024xi32, #tpu.memory_space<vmem>>
    %dma_start3A_520 = arith.constant 0 : i32
    %dma_start3A_521 = tpu.memref_slice %arg3[%add3A_489, %dma_start3A_520] : memref<16384x1024xi32, #tpu.memory_space<hbm>> -> memref<16x1024xi32, #tpu.memory_space<hbm>>
    tpu.enqueue_dma source(%dma_start3A_521 : memref<16x1024xi32, #tpu.memory_space<hbm>>) target(%dma_start3A_519 : memref<16x1024xi32, #tpu.memory_space<vmem>>) target_semaphore(%dma_start3A_515 : memref<!tpu.dma_semaphore, #tpu.memory_space<semaphore_mem>>)
    %dma_wait3A_522 = arith.constant 1 : i32
    %dma_wait3A_523 = arith.constant 1 : i32
    %dma_wait3A_524 = arith.constant 0 : i32
    %dma_wait3A_525 = arith.constant 0 : i32
    %dma_wait3A_526 = tpu.memref_slice %arg6[%dma_wait3A_522, %dma_wait3A_524, %dma_wait3A_525] : memref<2x16x1024xf32, #tpu.memory_space<vmem>> -> memref<1x16x1024xf32, #tpu.memory_space<vmem>>
    %dma_wait3A_527 = tpu.memref_squeeze %dma_wait3A_526 : memref<1x16x1024xf32, #tpu.memory_space<vmem>> -> memref<16x1024xf32, #tpu.memory_space<vmem>>
    %dma_wait3A_528 = arith.constant 0 : i32
    %dma_wait3A_529 = tpu.memref_slice %arg2[%add3A_489, %dma_wait3A_528] : memref<16384x1024xf32, #tpu.memory_space<hbm>> -> memref<16x1024xf32, #tpu.memory_space<hbm>>
    %dma_wait3A_530 = tpu.memref_slice %arg10[%dma_wait3A_523] : memref<2x!tpu.dma_semaphore, #tpu.memory_space<semaphore_mem>> -> memref<1x!tpu.dma_semaphore, #tpu.memory_space<semaphore_mem>>
    %dma_wait3A_531 = tpu.memref_squeeze %dma_wait3A_530 : memref<1x!tpu.dma_semaphore, #tpu.memory_space<semaphore_mem>> -> memref<!tpu.dma_semaphore, #tpu.memory_space<semaphore_mem>>
    %dma_wait3A_532 = arith.constant 0 : i32
    %dma_wait3A_533 = arith.constant 0 : i32
    %dma_wait3A_534 = tpu.memref_slice %arg6[%dma_wait3A_522, %dma_wait3A_532, %dma_wait3A_533] : memref<2x16x1024xf32, #tpu.memory_space<vmem>> -> memref<1x16x1024xf32, #tpu.memory_space<vmem>>
    %dma_wait3A_535 = tpu.memref_squeeze %dma_wait3A_534 : memref<1x16x1024xf32, #tpu.memory_space<vmem>> -> memref<16x1024xf32, #tpu.memory_space<vmem>>
    %dma_wait3A_536 = arith.constant 0 : i32
    %dma_wait3A_537 = tpu.memref_slice %arg2[%add3A_489, %dma_wait3A_536] : memref<16384x1024xf32, #tpu.memory_space<hbm>> -> memref<16x1024xf32, #tpu.memory_space<hbm>>
    tpu.wait_dma2 semaphore(%dma_wait3A_531 : memref<!tpu.dma_semaphore, #tpu.memory_space<semaphore_mem>>) src(%dma_wait3A_537 : memref<16x1024xf32, #tpu.memory_space<hbm>>) dst(%dma_wait3A_535 : memref<16x1024xf32, #tpu.memory_space<vmem>>)
    %dma_wait3A_538 = arith.constant 1 : i32
    %dma_wait3A_539 = arith.constant 1 : i32
    %dma_wait3A_540 = arith.constant 0 : i32
    %dma_wait3A_541 = arith.constant 0 : i32
    %dma_wait3A_542 = tpu.memref_slice %arg7[%dma_wait3A_538, %dma_wait3A_540, %dma_wait3A_541] : memref<2x16x1024xi32, #tpu.memory_space<vmem>> -> memref<1x16x1024xi32, #tpu.memory_space<vmem>>
    %dma_wait3A_543 = tpu.memref_squeeze %dma_wait3A_542 : memref<1x16x1024xi32, #tpu.memory_space<vmem>> -> memref<16x1024xi32, #tpu.memory_space<vmem>>
    %dma_wait3A_544 = arith.constant 0 : i32
    %dma_wait3A_545 = tpu.memref_slice %arg3[%add3A_489, %dma_wait3A_544] : memref<16384x1024xi32, #tpu.memory_space<hbm>> -> memref<16x1024xi32, #tpu.memory_space<hbm>>
    %dma_wait3A_546 = tpu.memref_slice %arg10[%dma_wait3A_539] : memref<2x!tpu.dma_semaphore, #tpu.memory_space<semaphore_mem>> -> memref<1x!tpu.dma_semaphore, #tpu.memory_space<semaphore_mem>>
    %dma_wait3A_547 = tpu.memref_squeeze %dma_wait3A_546 : memref<1x!tpu.dma_semaphore, #tpu.memory_space<semaphore_mem>> -> memref<!tpu.dma_semaphore, #tpu.memory_space<semaphore_mem>>
    %dma_wait3A_548 = arith.constant 0 : i32
    %dma_wait3A_549 = arith.constant 0 : i32
    %dma_wait3A_550 = tpu.memref_slice %arg7[%dma_wait3A_538, %dma_wait3A_548, %dma_wait3A_549] : memref<2x16x1024xi32, #tpu.memory_space<vmem>> -> memref<1x16x1024xi32, #tpu.memory_space<vmem>>
    %dma_wait3A_551 = tpu.memref_squeeze %dma_wait3A_550 : memref<1x16x1024xi32, #tpu.memory_space<vmem>> -> memref<16x1024xi32, #tpu.memory_space<vmem>>
    %dma_wait3A_552 = arith.constant 0 : i32
    %dma_wait3A_553 = tpu.memref_slice %arg3[%add3A_489, %dma_wait3A_552] : memref<16384x1024xi32, #tpu.memory_space<hbm>> -> memref<16x1024xi32, #tpu.memory_space<hbm>>
    tpu.wait_dma2 semaphore(%dma_wait3A_547 : memref<!tpu.dma_semaphore, #tpu.memory_space<semaphore_mem>>) src(%dma_wait3A_553 : memref<16x1024xi32, #tpu.memory_space<hbm>>) dst(%dma_wait3A_551 : memref<16x1024xi32, #tpu.memory_space<vmem>>)
    %add3A_554 = arith.constant 128 : i32
    %add3A_555 = arith.addi %add3A_4, %add3A_554 : i32
    %dma_start3A_556 = arith.constant 0 : i32
    %dma_start3A_557 = arith.constant 0 : i32
    %dma_start3A_558 = arith.constant 0 : i32
    %dma_start3A_559 = arith.constant 0 : i32
    %dma_start3A_560 = tpu.memref_slice %arg6[%dma_start3A_556, %dma_start3A_558, %dma_start3A_559] : memref<2x16x1024xf32, #tpu.memory_space<vmem>> -> memref<1x16x1024xf32, #tpu.memory_space<vmem>>
    %dma_start3A_561 = tpu.memref_squeeze %dma_start3A_560 : memref<1x16x1024xf32, #tpu.memory_space<vmem>> -> memref<16x1024xf32, #tpu.memory_space<vmem>>
    %dma_start3A_562 = arith.constant 0 : i32
    %dma_start3A_563 = tpu.memref_slice %arg2[%add3A_555, %dma_start3A_562] : memref<16384x1024xf32, #tpu.memory_space<hbm>> -> memref<16x1024xf32, #tpu.memory_space<hbm>>
    %dma_start3A_564 = tpu.memref_slice %arg10[%dma_start3A_557] : memref<2x!tpu.dma_semaphore, #tpu.memory_space<semaphore_mem>> -> memref<1x!tpu.dma_semaphore, #tpu.memory_space<semaphore_mem>>
    %dma_start3A_565 = tpu.memref_squeeze %dma_start3A_564 : memref<1x!tpu.dma_semaphore, #tpu.memory_space<semaphore_mem>> -> memref<!tpu.dma_semaphore, #tpu.memory_space<semaphore_mem>>
    %dma_start3A_566 = arith.constant 0 : i32
    %dma_start3A_567 = arith.constant 0 : i32
    %dma_start3A_568 = tpu.memref_slice %arg6[%dma_start3A_556, %dma_start3A_566, %dma_start3A_567] : memref<2x16x1024xf32, #tpu.memory_space<vmem>> -> memref<1x16x1024xf32, #tpu.memory_space<vmem>>
    %dma_start3A_569 = tpu.memref_squeeze %dma_start3A_568 : memref<1x16x1024xf32, #tpu.memory_space<vmem>> -> memref<16x1024xf32, #tpu.memory_space<vmem>>
    %dma_start3A_570 = arith.constant 0 : i32
    %dma_start3A_571 = tpu.memref_slice %arg2[%add3A_555, %dma_start3A_570] : memref<16384x1024xf32, #tpu.memory_space<hbm>> -> memref<16x1024xf32, #tpu.memory_space<hbm>>
    tpu.enqueue_dma source(%dma_start3A_571 : memref<16x1024xf32, #tpu.memory_space<hbm>>) target(%dma_start3A_569 : memref<16x1024xf32, #tpu.memory_space<vmem>>) target_semaphore(%dma_start3A_565 : memref<!tpu.dma_semaphore, #tpu.memory_space<semaphore_mem>>)
    %dma_start3A_572 = arith.constant 0 : i32
    %dma_start3A_573 = arith.constant 0 : i32
    %dma_start3A_574 = arith.constant 0 : i32
    %dma_start3A_575 = arith.constant 0 : i32
    %dma_start3A_576 = tpu.memref_slice %arg7[%dma_start3A_572, %dma_start3A_574, %dma_start3A_575] : memref<2x16x1024xi32, #tpu.memory_space<vmem>> -> memref<1x16x1024xi32, #tpu.memory_space<vmem>>
    %dma_start3A_577 = tpu.memref_squeeze %dma_start3A_576 : memref<1x16x1024xi32, #tpu.memory_space<vmem>> -> memref<16x1024xi32, #tpu.memory_space<vmem>>
    %dma_start3A_578 = arith.constant 0 : i32
    %dma_start3A_579 = tpu.memref_slice %arg3[%add3A_555, %dma_start3A_578] : memref<16384x1024xi32, #tpu.memory_space<hbm>> -> memref<16x1024xi32, #tpu.memory_space<hbm>>
    %dma_start3A_580 = tpu.memref_slice %arg10[%dma_start3A_573] : memref<2x!tpu.dma_semaphore, #tpu.memory_space<semaphore_mem>> -> memref<1x!tpu.dma_semaphore, #tpu.memory_space<semaphore_mem>>
    %dma_start3A_581 = tpu.memref_squeeze %dma_start3A_580 : memref<1x!tpu.dma_semaphore, #tpu.memory_space<semaphore_mem>> -> memref<!tpu.dma_semaphore, #tpu.memory_space<semaphore_mem>>
    %dma_start3A_582 = arith.constant 0 : i32
    %dma_start3A_583 = arith.constant 0 : i32
    %dma_start3A_584 = tpu.memref_slice %arg7[%dma_start3A_572, %dma_start3A_582, %dma_start3A_583] : memref<2x16x1024xi32, #tpu.memory_space<vmem>> -> memref<1x16x1024xi32, #tpu.memory_space<vmem>>
    %dma_start3A_585 = tpu.memref_squeeze %dma_start3A_584 : memref<1x16x1024xi32, #tpu.memory_space<vmem>> -> memref<16x1024xi32, #tpu.memory_space<vmem>>
    %dma_start3A_586 = arith.constant 0 : i32
    %dma_start3A_587 = tpu.memref_slice %arg3[%add3A_555, %dma_start3A_586] : memref<16384x1024xi32, #tpu.memory_space<hbm>> -> memref<16x1024xi32, #tpu.memory_space<hbm>>
    tpu.enqueue_dma source(%dma_start3A_587 : memref<16x1024xi32, #tpu.memory_space<hbm>>) target(%dma_start3A_585 : memref<16x1024xi32, #tpu.memory_space<vmem>>) target_semaphore(%dma_start3A_581 : memref<!tpu.dma_semaphore, #tpu.memory_space<semaphore_mem>>)
    %dma_wait3A_588 = arith.constant 0 : i32
    %dma_wait3A_589 = arith.constant 0 : i32
    %dma_wait3A_590 = arith.constant 0 : i32
    %dma_wait3A_591 = arith.constant 0 : i32
    %dma_wait3A_592 = tpu.memref_slice %arg6[%dma_wait3A_588, %dma_wait3A_590, %dma_wait3A_591] : memref<2x16x1024xf32, #tpu.memory_space<vmem>> -> memref<1x16x1024xf32, #tpu.memory_space<vmem>>
    %dma_wait3A_593 = tpu.memref_squeeze %dma_wait3A_592 : memref<1x16x1024xf32, #tpu.memory_space<vmem>> -> memref<16x1024xf32, #tpu.memory_space<vmem>>
    %dma_wait3A_594 = arith.constant 0 : i32
    %dma_wait3A_595 = tpu.memref_slice %arg2[%add3A_555, %dma_wait3A_594] : memref<16384x1024xf32, #tpu.memory_space<hbm>> -> memref<16x1024xf32, #tpu.memory_space<hbm>>
    %dma_wait3A_596 = tpu.memref_slice %arg10[%dma_wait3A_589] : memref<2x!tpu.dma_semaphore, #tpu.memory_space<semaphore_mem>> -> memref<1x!tpu.dma_semaphore, #tpu.memory_space<semaphore_mem>>
    %dma_wait3A_597 = tpu.memref_squeeze %dma_wait3A_596 : memref<1x!tpu.dma_semaphore, #tpu.memory_space<semaphore_mem>> -> memref<!tpu.dma_semaphore, #tpu.memory_space<semaphore_mem>>
    %dma_wait3A_598 = arith.constant 0 : i32
    %dma_wait3A_599 = arith.constant 0 : i32
    %dma_wait3A_600 = tpu.memref_slice %arg6[%dma_wait3A_588, %dma_wait3A_598, %dma_wait3A_599] : memref<2x16x1024xf32, #tpu.memory_space<vmem>> -> memref<1x16x1024xf32, #tpu.memory_space<vmem>>
    %dma_wait3A_601 = tpu.memref_squeeze %dma_wait3A_600 : memref<1x16x1024xf32, #tpu.memory_space<vmem>> -> memref<16x1024xf32, #tpu.memory_space<vmem>>
    %dma_wait3A_602 = arith.constant 0 : i32
    %dma_wait3A_603 = tpu.memref_slice %arg2[%add3A_555, %dma_wait3A_602] : memref<16384x1024xf32, #tpu.memory_space<hbm>> -> memref<16x1024xf32, #tpu.memory_space<hbm>>
    tpu.wait_dma2 semaphore(%dma_wait3A_597 : memref<!tpu.dma_semaphore, #tpu.memory_space<semaphore_mem>>) src(%dma_wait3A_603 : memref<16x1024xf32, #tpu.memory_space<hbm>>) dst(%dma_wait3A_601 : memref<16x1024xf32, #tpu.memory_space<vmem>>)
    %dma_wait3A_604 = arith.constant 0 : i32
    %dma_wait3A_605 = arith.constant 0 : i32
    %dma_wait3A_606 = arith.constant 0 : i32
    %dma_wait3A_607 = arith.constant 0 : i32
    %dma_wait3A_608 = tpu.memref_slice %arg7[%dma_wait3A_604, %dma_wait3A_606, %dma_wait3A_607] : memref<2x16x1024xi32, #tpu.memory_space<vmem>> -> memref<1x16x1024xi32, #tpu.memory_space<vmem>>
    %dma_wait3A_609 = tpu.memref_squeeze %dma_wait3A_608 : memref<1x16x1024xi32, #tpu.memory_space<vmem>> -> memref<16x1024xi32, #tpu.memory_space<vmem>>
    %dma_wait3A_610 = arith.constant 0 : i32
    %dma_wait3A_611 = tpu.memref_slice %arg3[%add3A_555, %dma_wait3A_610] : memref<16384x1024xi32, #tpu.memory_space<hbm>> -> memref<16x1024xi32, #tpu.memory_space<hbm>>
    %dma_wait3A_612 = tpu.memref_slice %arg10[%dma_wait3A_605] : memref<2x!tpu.dma_semaphore, #tpu.memory_space<semaphore_mem>> -> memref<1x!tpu.dma_semaphore, #tpu.memory_space<semaphore_mem>>
    %dma_wait3A_613 = tpu.memref_squeeze %dma_wait3A_612 : memref<1x!tpu.dma_semaphore, #tpu.memory_space<semaphore_mem>> -> memref<!tpu.dma_semaphore, #tpu.memory_space<semaphore_mem>>
    %dma_wait3A_614 = arith.constant 0 : i32
    %dma_wait3A_615 = arith.constant 0 : i32
    %dma_wait3A_616 = tpu.memref_slice %arg7[%dma_wait3A_604, %dma_wait3A_614, %dma_wait3A_615] : memref<2x16x1024xi32, #tpu.memory_space<vmem>> -> memref<1x16x1024xi32, #tpu.memory_space<vmem>>
    %dma_wait3A_617 = tpu.memref_squeeze %dma_wait3A_616 : memref<1x16x1024xi32, #tpu.memory_space<vmem>> -> memref<16x1024xi32, #tpu.memory_space<vmem>>
    %dma_wait3A_618 = arith.constant 0 : i32
    %dma_wait3A_619 = tpu.memref_slice %arg3[%add3A_555, %dma_wait3A_618] : memref<16384x1024xi32, #tpu.memory_space<hbm>> -> memref<16x1024xi32, #tpu.memory_space<hbm>>
    tpu.wait_dma2 semaphore(%dma_wait3A_613 : memref<!tpu.dma_semaphore, #tpu.memory_space<semaphore_mem>>) src(%dma_wait3A_619 : memref<16x1024xi32, #tpu.memory_space<hbm>>) dst(%dma_wait3A_617 : memref<16x1024xi32, #tpu.memory_space<vmem>>)
    %add3A_620 = arith.constant 144 : i32
    %add3A_621 = arith.addi %add3A_4, %add3A_620 : i32
    %dma_start3A_622 = arith.constant 1 : i32
    %dma_start3A_623 = arith.constant 1 : i32
    %dma_start3A_624 = arith.constant 0 : i32
    %dma_start3A_625 = arith.constant 0 : i32
    %dma_start3A_626 = tpu.memref_slice %arg6[%dma_start3A_622, %dma_start3A_624, %dma_start3A_625] : memref<2x16x1024xf32, #tpu.memory_space<vmem>> -> memref<1x16x1024xf32, #tpu.memory_space<vmem>>
    %dma_start3A_627 = tpu.memref_squeeze %dma_start3A_626 : memref<1x16x1024xf32, #tpu.memory_space<vmem>> -> memref<16x1024xf32, #tpu.memory_space<vmem>>
    %dma_start3A_628 = arith.constant 0 : i32
    %dma_start3A_629 = tpu.memref_slice %arg2[%add3A_621, %dma_start3A_628] : memref<16384x1024xf32, #tpu.memory_space<hbm>> -> memref<16x1024xf32, #tpu.memory_space<hbm>>
    %dma_start3A_630 = tpu.memref_slice %arg10[%dma_start3A_623] : memref<2x!tpu.dma_semaphore, #tpu.memory_space<semaphore_mem>> -> memref<1x!tpu.dma_semaphore, #tpu.memory_space<semaphore_mem>>
    %dma_start3A_631 = tpu.memref_squeeze %dma_start3A_630 : memref<1x!tpu.dma_semaphore, #tpu.memory_space<semaphore_mem>> -> memref<!tpu.dma_semaphore, #tpu.memory_space<semaphore_mem>>
    %dma_start3A_632 = arith.constant 0 : i32
    %dma_start3A_633 = arith.constant 0 : i32
    %dma_start3A_634 = tpu.memref_slice %arg6[%dma_start3A_622, %dma_start3A_632, %dma_start3A_633] : memref<2x16x1024xf32, #tpu.memory_space<vmem>> -> memref<1x16x1024xf32, #tpu.memory_space<vmem>>
    %dma_start3A_635 = tpu.memref_squeeze %dma_start3A_634 : memref<1x16x1024xf32, #tpu.memory_space<vmem>> -> memref<16x1024xf32, #tpu.memory_space<vmem>>
    %dma_start3A_636 = arith.constant 0 : i32
    %dma_start3A_637 = tpu.memref_slice %arg2[%add3A_621, %dma_start3A_636] : memref<16384x1024xf32, #tpu.memory_space<hbm>> -> memref<16x1024xf32, #tpu.memory_space<hbm>>
    tpu.enqueue_dma source(%dma_start3A_637 : memref<16x1024xf32, #tpu.memory_space<hbm>>) target(%dma_start3A_635 : memref<16x1024xf32, #tpu.memory_space<vmem>>) target_semaphore(%dma_start3A_631 : memref<!tpu.dma_semaphore, #tpu.memory_space<semaphore_mem>>)
    %dma_start3A_638 = arith.constant 1 : i32
    %dma_start3A_639 = arith.constant 1 : i32
    %dma_start3A_640 = arith.constant 0 : i32
    %dma_start3A_641 = arith.constant 0 : i32
    %dma_start3A_642 = tpu.memref_slice %arg7[%dma_start3A_638, %dma_start3A_640, %dma_start3A_641] : memref<2x16x1024xi32, #tpu.memory_space<vmem>> -> memref<1x16x1024xi32, #tpu.memory_space<vmem>>
    %dma_start3A_643 = tpu.memref_squeeze %dma_start3A_642 : memref<1x16x1024xi32, #tpu.memory_space<vmem>> -> memref<16x1024xi32, #tpu.memory_space<vmem>>
    %dma_start3A_644 = arith.constant 0 : i32
    %dma_start3A_645 = tpu.memref_slice %arg3[%add3A_621, %dma_start3A_644] : memref<16384x1024xi32, #tpu.memory_space<hbm>> -> memref<16x1024xi32, #tpu.memory_space<hbm>>
    %dma_start3A_646 = tpu.memref_slice %arg10[%dma_start3A_639] : memref<2x!tpu.dma_semaphore, #tpu.memory_space<semaphore_mem>> -> memref<1x!tpu.dma_semaphore, #tpu.memory_space<semaphore_mem>>
    %dma_start3A_647 = tpu.memref_squeeze %dma_start3A_646 : memref<1x!tpu.dma_semaphore, #tpu.memory_space<semaphore_mem>> -> memref<!tpu.dma_semaphore, #tpu.memory_space<semaphore_mem>>
    %dma_start3A_648 = arith.constant 0 : i32
    %dma_start3A_649 = arith.constant 0 : i32
    %dma_start3A_650 = tpu.memref_slice %arg7[%dma_start3A_638, %dma_start3A_648, %dma_start3A_649] : memref<2x16x1024xi32, #tpu.memory_space<vmem>> -> memref<1x16x1024xi32, #tpu.memory_space<vmem>>
    %dma_start3A_651 = tpu.memref_squeeze %dma_start3A_650 : memref<1x16x1024xi32, #tpu.memory_space<vmem>> -> memref<16x1024xi32, #tpu.memory_space<vmem>>
    %dma_start3A_652 = arith.constant 0 : i32
    %dma_start3A_653 = tpu.memref_slice %arg3[%add3A_621, %dma_start3A_652] : memref<16384x1024xi32, #tpu.memory_space<hbm>> -> memref<16x1024xi32, #tpu.memory_space<hbm>>
    tpu.enqueue_dma source(%dma_start3A_653 : memref<16x1024xi32, #tpu.memory_space<hbm>>) target(%dma_start3A_651 : memref<16x1024xi32, #tpu.memory_space<vmem>>) target_semaphore(%dma_start3A_647 : memref<!tpu.dma_semaphore, #tpu.memory_space<semaphore_mem>>)
    %dma_wait3A_654 = arith.constant 1 : i32
    %dma_wait3A_655 = arith.constant 1 : i32
    %dma_wait3A_656 = arith.constant 0 : i32
    %dma_wait3A_657 = arith.constant 0 : i32
    %dma_wait3A_658 = tpu.memref_slice %arg6[%dma_wait3A_654, %dma_wait3A_656, %dma_wait3A_657] : memref<2x16x1024xf32, #tpu.memory_space<vmem>> -> memref<1x16x1024xf32, #tpu.memory_space<vmem>>
    %dma_wait3A_659 = tpu.memref_squeeze %dma_wait3A_658 : memref<1x16x1024xf32, #tpu.memory_space<vmem>> -> memref<16x1024xf32, #tpu.memory_space<vmem>>
    %dma_wait3A_660 = arith.constant 0 : i32
    %dma_wait3A_661 = tpu.memref_slice %arg2[%add3A_621, %dma_wait3A_660] : memref<16384x1024xf32, #tpu.memory_space<hbm>> -> memref<16x1024xf32, #tpu.memory_space<hbm>>
    %dma_wait3A_662 = tpu.memref_slice %arg10[%dma_wait3A_655] : memref<2x!tpu.dma_semaphore, #tpu.memory_space<semaphore_mem>> -> memref<1x!tpu.dma_semaphore, #tpu.memory_space<semaphore_mem>>
    %dma_wait3A_663 = tpu.memref_squeeze %dma_wait3A_662 : memref<1x!tpu.dma_semaphore, #tpu.memory_space<semaphore_mem>> -> memref<!tpu.dma_semaphore, #tpu.memory_space<semaphore_mem>>
    %dma_wait3A_664 = arith.constant 0 : i32
    %dma_wait3A_665 = arith.constant 0 : i32
    %dma_wait3A_666 = tpu.memref_slice %arg6[%dma_wait3A_654, %dma_wait3A_664, %dma_wait3A_665] : memref<2x16x1024xf32, #tpu.memory_space<vmem>> -> memref<1x16x1024xf32, #tpu.memory_space<vmem>>
    %dma_wait3A_667 = tpu.memref_squeeze %dma_wait3A_666 : memref<1x16x1024xf32, #tpu.memory_space<vmem>> -> memref<16x1024xf32, #tpu.memory_space<vmem>>
    %dma_wait3A_668 = arith.constant 0 : i32
    %dma_wait3A_669 = tpu.memref_slice %arg2[%add3A_621, %dma_wait3A_668] : memref<16384x1024xf32, #tpu.memory_space<hbm>> -> memref<16x1024xf32, #tpu.memory_space<hbm>>
    tpu.wait_dma2 semaphore(%dma_wait3A_663 : memref<!tpu.dma_semaphore, #tpu.memory_space<semaphore_mem>>) src(%dma_wait3A_669 : memref<16x1024xf32, #tpu.memory_space<hbm>>) dst(%dma_wait3A_667 : memref<16x1024xf32, #tpu.memory_space<vmem>>)
    %dma_wait3A_670 = arith.constant 1 : i32
    %dma_wait3A_671 = arith.constant 1 : i32
    %dma_wait3A_672 = arith.constant 0 : i32
    %dma_wait3A_673 = arith.constant 0 : i32
    %dma_wait3A_674 = tpu.memref_slice %arg7[%dma_wait3A_670, %dma_wait3A_672, %dma_wait3A_673] : memref<2x16x1024xi32, #tpu.memory_space<vmem>> -> memref<1x16x1024xi32, #tpu.memory_space<vmem>>
    %dma_wait3A_675 = tpu.memref_squeeze %dma_wait3A_674 : memref<1x16x1024xi32, #tpu.memory_space<vmem>> -> memref<16x1024xi32, #tpu.memory_space<vmem>>
    %dma_wait3A_676 = arith.constant 0 : i32
    %dma_wait3A_677 = tpu.memref_slice %arg3[%add3A_621, %dma_wait3A_676] : memref<16384x1024xi32, #tpu.memory_space<hbm>> -> memref<16x1024xi32, #tpu.memory_space<hbm>>
    %dma_wait3A_678 = tpu.memref_slice %arg10[%dma_wait3A_671] : memref<2x!tpu.dma_semaphore, #tpu.memory_space<semaphore_mem>> -> memref<1x!tpu.dma_semaphore, #tpu.memory_space<semaphore_mem>>
    %dma_wait3A_679 = tpu.memref_squeeze %dma_wait3A_678 : memref<1x!tpu.dma_semaphore, #tpu.memory_space<semaphore_mem>> -> memref<!tpu.dma_semaphore, #tpu.memory_space<semaphore_mem>>
    %dma_wait3A_680 = arith.constant 0 : i32
    %dma_wait3A_681 = arith.constant 0 : i32
    %dma_wait3A_682 = tpu.memref_slice %arg7[%dma_wait3A_670, %dma_wait3A_680, %dma_wait3A_681] : memref<2x16x1024xi32, #tpu.memory_space<vmem>> -> memref<1x16x1024xi32, #tpu.memory_space<vmem>>
    %dma_wait3A_683 = tpu.memref_squeeze %dma_wait3A_682 : memref<1x16x1024xi32, #tpu.memory_space<vmem>> -> memref<16x1024xi32, #tpu.memory_space<vmem>>
    %dma_wait3A_684 = arith.constant 0 : i32
    %dma_wait3A_685 = tpu.memref_slice %arg3[%add3A_621, %dma_wait3A_684] : memref<16384x1024xi32, #tpu.memory_space<hbm>> -> memref<16x1024xi32, #tpu.memory_space<hbm>>
    tpu.wait_dma2 semaphore(%dma_wait3A_679 : memref<!tpu.dma_semaphore, #tpu.memory_space<semaphore_mem>>) src(%dma_wait3A_685 : memref<16x1024xi32, #tpu.memory_space<hbm>>) dst(%dma_wait3A_683 : memref<16x1024xi32, #tpu.memory_space<vmem>>)
    %add3A_686 = arith.constant 160 : i32
    %add3A_687 = arith.addi %add3A_4, %add3A_686 : i32
    %dma_start3A_688 = arith.constant 0 : i32
    %dma_start3A_689 = arith.constant 0 : i32
    %dma_start3A_690 = arith.constant 0 : i32
    %dma_start3A_691 = arith.constant 0 : i32
    %dma_start3A_692 = tpu.memref_slice %arg6[%dma_start3A_688, %dma_start3A_690, %dma_start3A_691] : memref<2x16x1024xf32, #tpu.memory_space<vmem>> -> memref<1x16x1024xf32, #tpu.memory_space<vmem>>
    %dma_start3A_693 = tpu.memref_squeeze %dma_start3A_692 : memref<1x16x1024xf32, #tpu.memory_space<vmem>> -> memref<16x1024xf32, #tpu.memory_space<vmem>>
    %dma_start3A_694 = arith.constant 0 : i32
    %dma_start3A_695 = tpu.memref_slice %arg2[%add3A_687, %dma_start3A_694] : memref<16384x1024xf32, #tpu.memory_space<hbm>> -> memref<16x1024xf32, #tpu.memory_space<hbm>>
    %dma_start3A_696 = tpu.memref_slice %arg10[%dma_start3A_689] : memref<2x!tpu.dma_semaphore, #tpu.memory_space<semaphore_mem>> -> memref<1x!tpu.dma_semaphore, #tpu.memory_space<semaphore_mem>>
    %dma_start3A_697 = tpu.memref_squeeze %dma_start3A_696 : memref<1x!tpu.dma_semaphore, #tpu.memory_space<semaphore_mem>> -> memref<!tpu.dma_semaphore, #tpu.memory_space<semaphore_mem>>
    %dma_start3A_698 = arith.constant 0 : i32
    %dma_start3A_699 = arith.constant 0 : i32
    %dma_start3A_700 = tpu.memref_slice %arg6[%dma_start3A_688, %dma_start3A_698, %dma_start3A_699] : memref<2x16x1024xf32, #tpu.memory_space<vmem>> -> memref<1x16x1024xf32, #tpu.memory_space<vmem>>
    %dma_start3A_701 = tpu.memref_squeeze %dma_start3A_700 : memref<1x16x1024xf32, #tpu.memory_space<vmem>> -> memref<16x1024xf32, #tpu.memory_space<vmem>>
    %dma_start3A_702 = arith.constant 0 : i32
    %dma_start3A_703 = tpu.memref_slice %arg2[%add3A_687, %dma_start3A_702] : memref<16384x1024xf32, #tpu.memory_space<hbm>> -> memref<16x1024xf32, #tpu.memory_space<hbm>>
    tpu.enqueue_dma source(%dma_start3A_703 : memref<16x1024xf32, #tpu.memory_space<hbm>>) target(%dma_start3A_701 : memref<16x1024xf32, #tpu.memory_space<vmem>>) target_semaphore(%dma_start3A_697 : memref<!tpu.dma_semaphore, #tpu.memory_space<semaphore_mem>>)
    %dma_start3A_704 = arith.constant 0 : i32
    %dma_start3A_705 = arith.constant 0 : i32
    %dma_start3A_706 = arith.constant 0 : i32
    %dma_start3A_707 = arith.constant 0 : i32
    %dma_start3A_708 = tpu.memref_slice %arg7[%dma_start3A_704, %dma_start3A_706, %dma_start3A_707] : memref<2x16x1024xi32, #tpu.memory_space<vmem>> -> memref<1x16x1024xi32, #tpu.memory_space<vmem>>
    %dma_start3A_709 = tpu.memref_squeeze %dma_start3A_708 : memref<1x16x1024xi32, #tpu.memory_space<vmem>> -> memref<16x1024xi32, #tpu.memory_space<vmem>>
    %dma_start3A_710 = arith.constant 0 : i32
    %dma_start3A_711 = tpu.memref_slice %arg3[%add3A_687, %dma_start3A_710] : memref<16384x1024xi32, #tpu.memory_space<hbm>> -> memref<16x1024xi32, #tpu.memory_space<hbm>>
    %dma_start3A_712 = tpu.memref_slice %arg10[%dma_start3A_705] : memref<2x!tpu.dma_semaphore, #tpu.memory_space<semaphore_mem>> -> memref<1x!tpu.dma_semaphore, #tpu.memory_space<semaphore_mem>>
    %dma_start3A_713 = tpu.memref_squeeze %dma_start3A_712 : memref<1x!tpu.dma_semaphore, #tpu.memory_space<semaphore_mem>> -> memref<!tpu.dma_semaphore, #tpu.memory_space<semaphore_mem>>
    %dma_start3A_714 = arith.constant 0 : i32
    %dma_start3A_715 = arith.constant 0 : i32
    %dma_start3A_716 = tpu.memref_slice %arg7[%dma_start3A_704, %dma_start3A_714, %dma_start3A_715] : memref<2x16x1024xi32, #tpu.memory_space<vmem>> -> memref<1x16x1024xi32, #tpu.memory_space<vmem>>
    %dma_start3A_717 = tpu.memref_squeeze %dma_start3A_716 : memref<1x16x1024xi32, #tpu.memory_space<vmem>> -> memref<16x1024xi32, #tpu.memory_space<vmem>>
    %dma_start3A_718 = arith.constant 0 : i32
    %dma_start3A_719 = tpu.memref_slice %arg3[%add3A_687, %dma_start3A_718] : memref<16384x1024xi32, #tpu.memory_space<hbm>> -> memref<16x1024xi32, #tpu.memory_space<hbm>>
    tpu.enqueue_dma source(%dma_start3A_719 : memref<16x1024xi32, #tpu.memory_space<hbm>>) target(%dma_start3A_717 : memref<16x1024xi32, #tpu.memory_space<vmem>>) target_semaphore(%dma_start3A_713 : memref<!tpu.dma_semaphore, #tpu.memory_space<semaphore_mem>>)
    %dma_wait3A_720 = arith.constant 0 : i32
    %dma_wait3A_721 = arith.constant 0 : i32
    %dma_wait3A_722 = arith.constant 0 : i32
    %dma_wait3A_723 = arith.constant 0 : i32
    %dma_wait3A_724 = tpu.memref_slice %arg6[%dma_wait3A_720, %dma_wait3A_722, %dma_wait3A_723] : memref<2x16x1024xf32, #tpu.memory_space<vmem>> -> memref<1x16x1024xf32, #tpu.memory_space<vmem>>
    %dma_wait3A_725 = tpu.memref_squeeze %dma_wait3A_724 : memref<1x16x1024xf32, #tpu.memory_space<vmem>> -> memref<16x1024xf32, #tpu.memory_space<vmem>>
    %dma_wait3A_726 = arith.constant 0 : i32
    %dma_wait3A_727 = tpu.memref_slice %arg2[%add3A_687, %dma_wait3A_726] : memref<16384x1024xf32, #tpu.memory_space<hbm>> -> memref<16x1024xf32, #tpu.memory_space<hbm>>
    %dma_wait3A_728 = tpu.memref_slice %arg10[%dma_wait3A_721] : memref<2x!tpu.dma_semaphore, #tpu.memory_space<semaphore_mem>> -> memref<1x!tpu.dma_semaphore, #tpu.memory_space<semaphore_mem>>
    %dma_wait3A_729 = tpu.memref_squeeze %dma_wait3A_728 : memref<1x!tpu.dma_semaphore, #tpu.memory_space<semaphore_mem>> -> memref<!tpu.dma_semaphore, #tpu.memory_space<semaphore_mem>>
    %dma_wait3A_730 = arith.constant 0 : i32
    %dma_wait3A_731 = arith.constant 0 : i32
    %dma_wait3A_732 = tpu.memref_slice %arg6[%dma_wait3A_720, %dma_wait3A_730, %dma_wait3A_731] : memref<2x16x1024xf32, #tpu.memory_space<vmem>> -> memref<1x16x1024xf32, #tpu.memory_space<vmem>>
    %dma_wait3A_733 = tpu.memref_squeeze %dma_wait3A_732 : memref<1x16x1024xf32, #tpu.memory_space<vmem>> -> memref<16x1024xf32, #tpu.memory_space<vmem>>
    %dma_wait3A_734 = arith.constant 0 : i32
    %dma_wait3A_735 = tpu.memref_slice %arg2[%add3A_687, %dma_wait3A_734] : memref<16384x1024xf32, #tpu.memory_space<hbm>> -> memref<16x1024xf32, #tpu.memory_space<hbm>>
    tpu.wait_dma2 semaphore(%dma_wait3A_729 : memref<!tpu.dma_semaphore, #tpu.memory_space<semaphore_mem>>) src(%dma_wait3A_735 : memref<16x1024xf32, #tpu.memory_space<hbm>>) dst(%dma_wait3A_733 : memref<16x1024xf32, #tpu.memory_space<vmem>>)
    %dma_wait3A_736 = arith.constant 0 : i32
    %dma_wait3A_737 = arith.constant 0 : i32
    %dma_wait3A_738 = arith.constant 0 : i32
    %dma_wait3A_739 = arith.constant 0 : i32
    %dma_wait3A_740 = tpu.memref_slice %arg7[%dma_wait3A_736, %dma_wait3A_738, %dma_wait3A_739] : memref<2x16x1024xi32, #tpu.memory_space<vmem>> -> memref<1x16x1024xi32, #tpu.memory_space<vmem>>
    %dma_wait3A_741 = tpu.memref_squeeze %dma_wait3A_740 : memref<1x16x1024xi32, #tpu.memory_space<vmem>> -> memref<16x1024xi32, #tpu.memory_space<vmem>>
    %dma_wait3A_742 = arith.constant 0 : i32
    %dma_wait3A_743 = tpu.memref_slice %arg3[%add3A_687, %dma_wait3A_742] : memref<16384x1024xi32, #tpu.memory_space<hbm>> -> memref<16x1024xi32, #tpu.memory_space<hbm>>
    %dma_wait3A_744 = tpu.memref_slice %arg10[%dma_wait3A_737] : memref<2x!tpu.dma_semaphore, #tpu.memory_space<semaphore_mem>> -> memref<1x!tpu.dma_semaphore, #tpu.memory_space<semaphore_mem>>
    %dma_wait3A_745 = tpu.memref_squeeze %dma_wait3A_744 : memref<1x!tpu.dma_semaphore, #tpu.memory_space<semaphore_mem>> -> memref<!tpu.dma_semaphore, #tpu.memory_space<semaphore_mem>>
    %dma_wait3A_746 = arith.constant 0 : i32
    %dma_wait3A_747 = arith.constant 0 : i32
    %dma_wait3A_748 = tpu.memref_slice %arg7[%dma_wait3A_736, %dma_wait3A_746, %dma_wait3A_747] : memref<2x16x1024xi32, #tpu.memory_space<vmem>> -> memref<1x16x1024xi32, #tpu.memory_space<vmem>>
    %dma_wait3A_749 = tpu.memref_squeeze %dma_wait3A_748 : memref<1x16x1024xi32, #tpu.memory_space<vmem>> -> memref<16x1024xi32, #tpu.memory_space<vmem>>
    %dma_wait3A_750 = arith.constant 0 : i32
    %dma_wait3A_751 = tpu.memref_slice %arg3[%add3A_687, %dma_wait3A_750] : memref<16384x1024xi32, #tpu.memory_space<hbm>> -> memref<16x1024xi32, #tpu.memory_space<hbm>>
    tpu.wait_dma2 semaphore(%dma_wait3A_745 : memref<!tpu.dma_semaphore, #tpu.memory_space<semaphore_mem>>) src(%dma_wait3A_751 : memref<16x1024xi32, #tpu.memory_space<hbm>>) dst(%dma_wait3A_749 : memref<16x1024xi32, #tpu.memory_space<vmem>>)
    %add3A_752 = arith.constant 176 : i32
    %add3A_753 = arith.addi %add3A_4, %add3A_752 : i32
    %dma_start3A_754 = arith.constant 1 : i32
    %dma_start3A_755 = arith.constant 1 : i32
    %dma_start3A_756 = arith.constant 0 : i32
    %dma_start3A_757 = arith.constant 0 : i32
    %dma_start3A_758 = tpu.memref_slice %arg6[%dma_start3A_754, %dma_start3A_756, %dma_start3A_757] : memref<2x16x1024xf32, #tpu.memory_space<vmem>> -> memref<1x16x1024xf32, #tpu.memory_space<vmem>>
    %dma_start3A_759 = tpu.memref_squeeze %dma_start3A_758 : memref<1x16x1024xf32, #tpu.memory_space<vmem>> -> memref<16x1024xf32, #tpu.memory_space<vmem>>
    %dma_start3A_760 = arith.constant 0 : i32
    %dma_start3A_761 = tpu.memref_slice %arg2[%add3A_753, %dma_start3A_760] : memref<16384x1024xf32, #tpu.memory_space<hbm>> -> memref<16x1024xf32, #tpu.memory_space<hbm>>
    %dma_start3A_762 = tpu.memref_slice %arg10[%dma_start3A_755] : memref<2x!tpu.dma_semaphore, #tpu.memory_space<semaphore_mem>> -> memref<1x!tpu.dma_semaphore, #tpu.memory_space<semaphore_mem>>
    %dma_start3A_763 = tpu.memref_squeeze %dma_start3A_762 : memref<1x!tpu.dma_semaphore, #tpu.memory_space<semaphore_mem>> -> memref<!tpu.dma_semaphore, #tpu.memory_space<semaphore_mem>>
    %dma_start3A_764 = arith.constant 0 : i32
    %dma_start3A_765 = arith.constant 0 : i32
    %dma_start3A_766 = tpu.memref_slice %arg6[%dma_start3A_754, %dma_start3A_764, %dma_start3A_765] : memref<2x16x1024xf32, #tpu.memory_space<vmem>> -> memref<1x16x1024xf32, #tpu.memory_space<vmem>>
    %dma_start3A_767 = tpu.memref_squeeze %dma_start3A_766 : memref<1x16x1024xf32, #tpu.memory_space<vmem>> -> memref<16x1024xf32, #tpu.memory_space<vmem>>
    %dma_start3A_768 = arith.constant 0 : i32
    %dma_start3A_769 = tpu.memref_slice %arg2[%add3A_753, %dma_start3A_768] : memref<16384x1024xf32, #tpu.memory_space<hbm>> -> memref<16x1024xf32, #tpu.memory_space<hbm>>
    tpu.enqueue_dma source(%dma_start3A_769 : memref<16x1024xf32, #tpu.memory_space<hbm>>) target(%dma_start3A_767 : memref<16x1024xf32, #tpu.memory_space<vmem>>) target_semaphore(%dma_start3A_763 : memref<!tpu.dma_semaphore, #tpu.memory_space<semaphore_mem>>)
    %dma_start3A_770 = arith.constant 1 : i32
    %dma_start3A_771 = arith.constant 1 : i32
    %dma_start3A_772 = arith.constant 0 : i32
    %dma_start3A_773 = arith.constant 0 : i32
    %dma_start3A_774 = tpu.memref_slice %arg7[%dma_start3A_770, %dma_start3A_772, %dma_start3A_773] : memref<2x16x1024xi32, #tpu.memory_space<vmem>> -> memref<1x16x1024xi32, #tpu.memory_space<vmem>>
    %dma_start3A_775 = tpu.memref_squeeze %dma_start3A_774 : memref<1x16x1024xi32, #tpu.memory_space<vmem>> -> memref<16x1024xi32, #tpu.memory_space<vmem>>
    %dma_start3A_776 = arith.constant 0 : i32
    %dma_start3A_777 = tpu.memref_slice %arg3[%add3A_753, %dma_start3A_776] : memref<16384x1024xi32, #tpu.memory_space<hbm>> -> memref<16x1024xi32, #tpu.memory_space<hbm>>
    %dma_start3A_778 = tpu.memref_slice %arg10[%dma_start3A_771] : memref<2x!tpu.dma_semaphore, #tpu.memory_space<semaphore_mem>> -> memref<1x!tpu.dma_semaphore, #tpu.memory_space<semaphore_mem>>
    %dma_start3A_779 = tpu.memref_squeeze %dma_start3A_778 : memref<1x!tpu.dma_semaphore, #tpu.memory_space<semaphore_mem>> -> memref<!tpu.dma_semaphore, #tpu.memory_space<semaphore_mem>>
    %dma_start3A_780 = arith.constant 0 : i32
    %dma_start3A_781 = arith.constant 0 : i32
    %dma_start3A_782 = tpu.memref_slice %arg7[%dma_start3A_770, %dma_start3A_780, %dma_start3A_781] : memref<2x16x1024xi32, #tpu.memory_space<vmem>> -> memref<1x16x1024xi32, #tpu.memory_space<vmem>>
    %dma_start3A_783 = tpu.memref_squeeze %dma_start3A_782 : memref<1x16x1024xi32, #tpu.memory_space<vmem>> -> memref<16x1024xi32, #tpu.memory_space<vmem>>
    %dma_start3A_784 = arith.constant 0 : i32
    %dma_start3A_785 = tpu.memref_slice %arg3[%add3A_753, %dma_start3A_784] : memref<16384x1024xi32, #tpu.memory_space<hbm>> -> memref<16x1024xi32, #tpu.memory_space<hbm>>
    tpu.enqueue_dma source(%dma_start3A_785 : memref<16x1024xi32, #tpu.memory_space<hbm>>) target(%dma_start3A_783 : memref<16x1024xi32, #tpu.memory_space<vmem>>) target_semaphore(%dma_start3A_779 : memref<!tpu.dma_semaphore, #tpu.memory_space<semaphore_mem>>)
    %dma_wait3A_786 = arith.constant 1 : i32
    %dma_wait3A_787 = arith.constant 1 : i32
    %dma_wait3A_788 = arith.constant 0 : i32
    %dma_wait3A_789 = arith.constant 0 : i32
    %dma_wait3A_790 = tpu.memref_slice %arg6[%dma_wait3A_786, %dma_wait3A_788, %dma_wait3A_789] : memref<2x16x1024xf32, #tpu.memory_space<vmem>> -> memref<1x16x1024xf32, #tpu.memory_space<vmem>>
    %dma_wait3A_791 = tpu.memref_squeeze %dma_wait3A_790 : memref<1x16x1024xf32, #tpu.memory_space<vmem>> -> memref<16x1024xf32, #tpu.memory_space<vmem>>
    %dma_wait3A_792 = arith.constant 0 : i32
    %dma_wait3A_793 = tpu.memref_slice %arg2[%add3A_753, %dma_wait3A_792] : memref<16384x1024xf32, #tpu.memory_space<hbm>> -> memref<16x1024xf32, #tpu.memory_space<hbm>>
    %dma_wait3A_794 = tpu.memref_slice %arg10[%dma_wait3A_787] : memref<2x!tpu.dma_semaphore, #tpu.memory_space<semaphore_mem>> -> memref<1x!tpu.dma_semaphore, #tpu.memory_space<semaphore_mem>>
    %dma_wait3A_795 = tpu.memref_squeeze %dma_wait3A_794 : memref<1x!tpu.dma_semaphore, #tpu.memory_space<semaphore_mem>> -> memref<!tpu.dma_semaphore, #tpu.memory_space<semaphore_mem>>
    %dma_wait3A_796 = arith.constant 0 : i32
    %dma_wait3A_797 = arith.constant 0 : i32
    %dma_wait3A_798 = tpu.memref_slice %arg6[%dma_wait3A_786, %dma_wait3A_796, %dma_wait3A_797] : memref<2x16x1024xf32, #tpu.memory_space<vmem>> -> memref<1x16x1024xf32, #tpu.memory_space<vmem>>
    %dma_wait3A_799 = tpu.memref_squeeze %dma_wait3A_798 : memref<1x16x1024xf32, #tpu.memory_space<vmem>> -> memref<16x1024xf32, #tpu.memory_space<vmem>>
    %dma_wait3A_800 = arith.constant 0 : i32
    %dma_wait3A_801 = tpu.memref_slice %arg2[%add3A_753, %dma_wait3A_800] : memref<16384x1024xf32, #tpu.memory_space<hbm>> -> memref<16x1024xf32, #tpu.memory_space<hbm>>
    tpu.wait_dma2 semaphore(%dma_wait3A_795 : memref<!tpu.dma_semaphore, #tpu.memory_space<semaphore_mem>>) src(%dma_wait3A_801 : memref<16x1024xf32, #tpu.memory_space<hbm>>) dst(%dma_wait3A_799 : memref<16x1024xf32, #tpu.memory_space<vmem>>)
    %dma_wait3A_802 = arith.constant 1 : i32
    %dma_wait3A_803 = arith.constant 1 : i32
    %dma_wait3A_804 = arith.constant 0 : i32
    %dma_wait3A_805 = arith.constant 0 : i32
    %dma_wait3A_806 = tpu.memref_slice %arg7[%dma_wait3A_802, %dma_wait3A_804, %dma_wait3A_805] : memref<2x16x1024xi32, #tpu.memory_space<vmem>> -> memref<1x16x1024xi32, #tpu.memory_space<vmem>>
    %dma_wait3A_807 = tpu.memref_squeeze %dma_wait3A_806 : memref<1x16x1024xi32, #tpu.memory_space<vmem>> -> memref<16x1024xi32, #tpu.memory_space<vmem>>
    %dma_wait3A_808 = arith.constant 0 : i32
    %dma_wait3A_809 = tpu.memref_slice %arg3[%add3A_753, %dma_wait3A_808] : memref<16384x1024xi32, #tpu.memory_space<hbm>> -> memref<16x1024xi32, #tpu.memory_space<hbm>>
    %dma_wait3A_810 = tpu.memref_slice %arg10[%dma_wait3A_803] : memref<2x!tpu.dma_semaphore, #tpu.memory_space<semaphore_mem>> -> memref<1x!tpu.dma_semaphore, #tpu.memory_space<semaphore_mem>>
    %dma_wait3A_811 = tpu.memref_squeeze %dma_wait3A_810 : memref<1x!tpu.dma_semaphore, #tpu.memory_space<semaphore_mem>> -> memref<!tpu.dma_semaphore, #tpu.memory_space<semaphore_mem>>
    %dma_wait3A_812 = arith.constant 0 : i32
    %dma_wait3A_813 = arith.constant 0 : i32
    %dma_wait3A_814 = tpu.memref_slice %arg7[%dma_wait3A_802, %dma_wait3A_812, %dma_wait3A_813] : memref<2x16x1024xi32, #tpu.memory_space<vmem>> -> memref<1x16x1024xi32, #tpu.memory_space<vmem>>
    %dma_wait3A_815 = tpu.memref_squeeze %dma_wait3A_814 : memref<1x16x1024xi32, #tpu.memory_space<vmem>> -> memref<16x1024xi32, #tpu.memory_space<vmem>>
    %dma_wait3A_816 = arith.constant 0 : i32
    %dma_wait3A_817 = tpu.memref_slice %arg3[%add3A_753, %dma_wait3A_816] : memref<16384x1024xi32, #tpu.memory_space<hbm>> -> memref<16x1024xi32, #tpu.memory_space<hbm>>
    tpu.wait_dma2 semaphore(%dma_wait3A_811 : memref<!tpu.dma_semaphore, #tpu.memory_space<semaphore_mem>>) src(%dma_wait3A_817 : memref<16x1024xi32, #tpu.memory_space<hbm>>) dst(%dma_wait3A_815 : memref<16x1024xi32, #tpu.memory_space<vmem>>)
    %add3A_818 = arith.constant 192 : i32
    %add3A_819 = arith.addi %add3A_4, %add3A_818 : i32
    %dma_start3A_820 = arith.constant 0 : i32
    %dma_start3A_821 = arith.constant 0 : i32
    %dma_start3A_822 = arith.constant 0 : i32
    %dma_start3A_823 = arith.constant 0 : i32
    %dma_start3A_824 = tpu.memref_slice %arg6[%dma_start3A_820, %dma_start3A_822, %dma_start3A_823] : memref<2x16x1024xf32, #tpu.memory_space<vmem>> -> memref<1x16x1024xf32, #tpu.memory_space<vmem>>
    %dma_start3A_825 = tpu.memref_squeeze %dma_start3A_824 : memref<1x16x1024xf32, #tpu.memory_space<vmem>> -> memref<16x1024xf32, #tpu.memory_space<vmem>>
    %dma_start3A_826 = arith.constant 0 : i32
    %dma_start3A_827 = tpu.memref_slice %arg2[%add3A_819, %dma_start3A_826] : memref<16384x1024xf32, #tpu.memory_space<hbm>> -> memref<16x1024xf32, #tpu.memory_space<hbm>>
    %dma_start3A_828 = tpu.memref_slice %arg10[%dma_start3A_821] : memref<2x!tpu.dma_semaphore, #tpu.memory_space<semaphore_mem>> -> memref<1x!tpu.dma_semaphore, #tpu.memory_space<semaphore_mem>>
    %dma_start3A_829 = tpu.memref_squeeze %dma_start3A_828 : memref<1x!tpu.dma_semaphore, #tpu.memory_space<semaphore_mem>> -> memref<!tpu.dma_semaphore, #tpu.memory_space<semaphore_mem>>
    %dma_start3A_830 = arith.constant 0 : i32
    %dma_start3A_831 = arith.constant 0 : i32
    %dma_start3A_832 = tpu.memref_slice %arg6[%dma_start3A_820, %dma_start3A_830, %dma_start3A_831] : memref<2x16x1024xf32, #tpu.memory_space<vmem>> -> memref<1x16x1024xf32, #tpu.memory_space<vmem>>
    %dma_start3A_833 = tpu.memref_squeeze %dma_start3A_832 : memref<1x16x1024xf32, #tpu.memory_space<vmem>> -> memref<16x1024xf32, #tpu.memory_space<vmem>>
    %dma_start3A_834 = arith.constant 0 : i32
    %dma_start3A_835 = tpu.memref_slice %arg2[%add3A_819, %dma_start3A_834] : memref<16384x1024xf32, #tpu.memory_space<hbm>> -> memref<16x1024xf32, #tpu.memory_space<hbm>>
    tpu.enqueue_dma source(%dma_start3A_835 : memref<16x1024xf32, #tpu.memory_space<hbm>>) target(%dma_start3A_833 : memref<16x1024xf32, #tpu.memory_space<vmem>>) target_semaphore(%dma_start3A_829 : memref<!tpu.dma_semaphore, #tpu.memory_space<semaphore_mem>>)
    %dma_start3A_836 = arith.constant 0 : i32
    %dma_start3A_837 = arith.constant 0 : i32
    %dma_start3A_838 = arith.constant 0 : i32
    %dma_start3A_839 = arith.constant 0 : i32
    %dma_start3A_840 = tpu.memref_slice %arg7[%dma_start3A_836, %dma_start3A_838, %dma_start3A_839] : memref<2x16x1024xi32, #tpu.memory_space<vmem>> -> memref<1x16x1024xi32, #tpu.memory_space<vmem>>
    %dma_start3A_841 = tpu.memref_squeeze %dma_start3A_840 : memref<1x16x1024xi32, #tpu.memory_space<vmem>> -> memref<16x1024xi32, #tpu.memory_space<vmem>>
    %dma_start3A_842 = arith.constant 0 : i32
    %dma_start3A_843 = tpu.memref_slice %arg3[%add3A_819, %dma_start3A_842] : memref<16384x1024xi32, #tpu.memory_space<hbm>> -> memref<16x1024xi32, #tpu.memory_space<hbm>>
    %dma_start3A_844 = tpu.memref_slice %arg10[%dma_start3A_837] : memref<2x!tpu.dma_semaphore, #tpu.memory_space<semaphore_mem>> -> memref<1x!tpu.dma_semaphore, #tpu.memory_space<semaphore_mem>>
    %dma_start3A_845 = tpu.memref_squeeze %dma_start3A_844 : memref<1x!tpu.dma_semaphore, #tpu.memory_space<semaphore_mem>> -> memref<!tpu.dma_semaphore, #tpu.memory_space<semaphore_mem>>
    %dma_start3A_846 = arith.constant 0 : i32
    %dma_start3A_847 = arith.constant 0 : i32
    %dma_start3A_848 = tpu.memref_slice %arg7[%dma_start3A_836, %dma_start3A_846, %dma_start3A_847] : memref<2x16x1024xi32, #tpu.memory_space<vmem>> -> memref<1x16x1024xi32, #tpu.memory_space<vmem>>
    %dma_start3A_849 = tpu.memref_squeeze %dma_start3A_848 : memref<1x16x1024xi32, #tpu.memory_space<vmem>> -> memref<16x1024xi32, #tpu.memory_space<vmem>>
    %dma_start3A_850 = arith.constant 0 : i32
    %dma_start3A_851 = tpu.memref_slice %arg3[%add3A_819, %dma_start3A_850] : memref<16384x1024xi32, #tpu.memory_space<hbm>> -> memref<16x1024xi32, #tpu.memory_space<hbm>>
    tpu.enqueue_dma source(%dma_start3A_851 : memref<16x1024xi32, #tpu.memory_space<hbm>>) target(%dma_start3A_849 : memref<16x1024xi32, #tpu.memory_space<vmem>>) target_semaphore(%dma_start3A_845 : memref<!tpu.dma_semaphore, #tpu.memory_space<semaphore_mem>>)
    %dma_wait3A_852 = arith.constant 0 : i32
    %dma_wait3A_853 = arith.constant 0 : i32
    %dma_wait3A_854 = arith.constant 0 : i32
    %dma_wait3A_855 = arith.constant 0 : i32
    %dma_wait3A_856 = tpu.memref_slice %arg6[%dma_wait3A_852, %dma_wait3A_854, %dma_wait3A_855] : memref<2x16x1024xf32, #tpu.memory_space<vmem>> -> memref<1x16x1024xf32, #tpu.memory_space<vmem>>
    %dma_wait3A_857 = tpu.memref_squeeze %dma_wait3A_856 : memref<1x16x1024xf32, #tpu.memory_space<vmem>> -> memref<16x1024xf32, #tpu.memory_space<vmem>>
    %dma_wait3A_858 = arith.constant 0 : i32
    %dma_wait3A_859 = tpu.memref_slice %arg2[%add3A_819, %dma_wait3A_858] : memref<16384x1024xf32, #tpu.memory_space<hbm>> -> memref<16x1024xf32, #tpu.memory_space<hbm>>
    %dma_wait3A_860 = tpu.memref_slice %arg10[%dma_wait3A_853] : memref<2x!tpu.dma_semaphore, #tpu.memory_space<semaphore_mem>> -> memref<1x!tpu.dma_semaphore, #tpu.memory_space<semaphore_mem>>
    %dma_wait3A_861 = tpu.memref_squeeze %dma_wait3A_860 : memref<1x!tpu.dma_semaphore, #tpu.memory_space<semaphore_mem>> -> memref<!tpu.dma_semaphore, #tpu.memory_space<semaphore_mem>>
    %dma_wait3A_862 = arith.constant 0 : i32
    %dma_wait3A_863 = arith.constant 0 : i32
    %dma_wait3A_864 = tpu.memref_slice %arg6[%dma_wait3A_852, %dma_wait3A_862, %dma_wait3A_863] : memref<2x16x1024xf32, #tpu.memory_space<vmem>> -> memref<1x16x1024xf32, #tpu.memory_space<vmem>>
    %dma_wait3A_865 = tpu.memref_squeeze %dma_wait3A_864 : memref<1x16x1024xf32, #tpu.memory_space<vmem>> -> memref<16x1024xf32, #tpu.memory_space<vmem>>
    %dma_wait3A_866 = arith.constant 0 : i32
    %dma_wait3A_867 = tpu.memref_slice %arg2[%add3A_819, %dma_wait3A_866] : memref<16384x1024xf32, #tpu.memory_space<hbm>> -> memref<16x1024xf32, #tpu.memory_space<hbm>>
    tpu.wait_dma2 semaphore(%dma_wait3A_861 : memref<!tpu.dma_semaphore, #tpu.memory_space<semaphore_mem>>) src(%dma_wait3A_867 : memref<16x1024xf32, #tpu.memory_space<hbm>>) dst(%dma_wait3A_865 : memref<16x1024xf32, #tpu.memory_space<vmem>>)
    %dma_wait3A_868 = arith.constant 0 : i32
    %dma_wait3A_869 = arith.constant 0 : i32
    %dma_wait3A_870 = arith.constant 0 : i32
    %dma_wait3A_871 = arith.constant 0 : i32
    %dma_wait3A_872 = tpu.memref_slice %arg7[%dma_wait3A_868, %dma_wait3A_870, %dma_wait3A_871] : memref<2x16x1024xi32, #tpu.memory_space<vmem>> -> memref<1x16x1024xi32, #tpu.memory_space<vmem>>
    %dma_wait3A_873 = tpu.memref_squeeze %dma_wait3A_872 : memref<1x16x1024xi32, #tpu.memory_space<vmem>> -> memref<16x1024xi32, #tpu.memory_space<vmem>>
    %dma_wait3A_874 = arith.constant 0 : i32
    %dma_wait3A_875 = tpu.memref_slice %arg3[%add3A_819, %dma_wait3A_874] : memref<16384x1024xi32, #tpu.memory_space<hbm>> -> memref<16x1024xi32, #tpu.memory_space<hbm>>
    %dma_wait3A_876 = tpu.memref_slice %arg10[%dma_wait3A_869] : memref<2x!tpu.dma_semaphore, #tpu.memory_space<semaphore_mem>> -> memref<1x!tpu.dma_semaphore, #tpu.memory_space<semaphore_mem>>
    %dma_wait3A_877 = tpu.memref_squeeze %dma_wait3A_876 : memref<1x!tpu.dma_semaphore, #tpu.memory_space<semaphore_mem>> -> memref<!tpu.dma_semaphore, #tpu.memory_space<semaphore_mem>>
    %dma_wait3A_878 = arith.constant 0 : i32
    %dma_wait3A_879 = arith.constant 0 : i32
    %dma_wait3A_880 = tpu.memref_slice %arg7[%dma_wait3A_868, %dma_wait3A_878, %dma_wait3A_879] : memref<2x16x1024xi32, #tpu.memory_space<vmem>> -> memref<1x16x1024xi32, #tpu.memory_space<vmem>>
    %dma_wait3A_881 = tpu.memref_squeeze %dma_wait3A_880 : memref<1x16x1024xi32, #tpu.memory_space<vmem>> -> memref<16x1024xi32, #tpu.memory_space<vmem>>
    %dma_wait3A_882 = arith.constant 0 : i32
    %dma_wait3A_883 = tpu.memref_slice %arg3[%add3A_819, %dma_wait3A_882] : memref<16384x1024xi32, #tpu.memory_space<hbm>> -> memref<16x1024xi32, #tpu.memory_space<hbm>>
    tpu.wait_dma2 semaphore(%dma_wait3A_877 : memref<!tpu.dma_semaphore, #tpu.memory_space<semaphore_mem>>) src(%dma_wait3A_883 : memref<16x1024xi32, #tpu.memory_space<hbm>>) dst(%dma_wait3A_881 : memref<16x1024xi32, #tpu.memory_space<vmem>>)
    %add3A_884 = arith.constant 208 : i32
    %add3A_885 = arith.addi %add3A_4, %add3A_884 : i32
    %dma_start3A_886 = arith.constant 1 : i32
    %dma_start3A_887 = arith.constant 1 : i32
    %dma_start3A_888 = arith.constant 0 : i32
    %dma_start3A_889 = arith.constant 0 : i32
    %dma_start3A_890 = tpu.memref_slice %arg6[%dma_start3A_886, %dma_start3A_888, %dma_start3A_889] : memref<2x16x1024xf32, #tpu.memory_space<vmem>> -> memref<1x16x1024xf32, #tpu.memory_space<vmem>>
    %dma_start3A_891 = tpu.memref_squeeze %dma_start3A_890 : memref<1x16x1024xf32, #tpu.memory_space<vmem>> -> memref<16x1024xf32, #tpu.memory_space<vmem>>
    %dma_start3A_892 = arith.constant 0 : i32
    %dma_start3A_893 = tpu.memref_slice %arg2[%add3A_885, %dma_start3A_892] : memref<16384x1024xf32, #tpu.memory_space<hbm>> -> memref<16x1024xf32, #tpu.memory_space<hbm>>
    %dma_start3A_894 = tpu.memref_slice %arg10[%dma_start3A_887] : memref<2x!tpu.dma_semaphore, #tpu.memory_space<semaphore_mem>> -> memref<1x!tpu.dma_semaphore, #tpu.memory_space<semaphore_mem>>
    %dma_start3A_895 = tpu.memref_squeeze %dma_start3A_894 : memref<1x!tpu.dma_semaphore, #tpu.memory_space<semaphore_mem>> -> memref<!tpu.dma_semaphore, #tpu.memory_space<semaphore_mem>>
    %dma_start3A_896 = arith.constant 0 : i32
    %dma_start3A_897 = arith.constant 0 : i32
    %dma_start3A_898 = tpu.memref_slice %arg6[%dma_start3A_886, %dma_start3A_896, %dma_start3A_897] : memref<2x16x1024xf32, #tpu.memory_space<vmem>> -> memref<1x16x1024xf32, #tpu.memory_space<vmem>>
    %dma_start3A_899 = tpu.memref_squeeze %dma_start3A_898 : memref<1x16x1024xf32, #tpu.memory_space<vmem>> -> memref<16x1024xf32, #tpu.memory_space<vmem>>
    %dma_start3A_900 = arith.constant 0 : i32
    %dma_start3A_901 = tpu.memref_slice %arg2[%add3A_885, %dma_start3A_900] : memref<16384x1024xf32, #tpu.memory_space<hbm>> -> memref<16x1024xf32, #tpu.memory_space<hbm>>
    tpu.enqueue_dma source(%dma_start3A_901 : memref<16x1024xf32, #tpu.memory_space<hbm>>) target(%dma_start3A_899 : memref<16x1024xf32, #tpu.memory_space<vmem>>) target_semaphore(%dma_start3A_895 : memref<!tpu.dma_semaphore, #tpu.memory_space<semaphore_mem>>)
    %dma_start3A_902 = arith.constant 1 : i32
    %dma_start3A_903 = arith.constant 1 : i32
    %dma_start3A_904 = arith.constant 0 : i32
    %dma_start3A_905 = arith.constant 0 : i32
    %dma_start3A_906 = tpu.memref_slice %arg7[%dma_start3A_902, %dma_start3A_904, %dma_start3A_905] : memref<2x16x1024xi32, #tpu.memory_space<vmem>> -> memref<1x16x1024xi32, #tpu.memory_space<vmem>>
    %dma_start3A_907 = tpu.memref_squeeze %dma_start3A_906 : memref<1x16x1024xi32, #tpu.memory_space<vmem>> -> memref<16x1024xi32, #tpu.memory_space<vmem>>
    %dma_start3A_908 = arith.constant 0 : i32
    %dma_start3A_909 = tpu.memref_slice %arg3[%add3A_885, %dma_start3A_908] : memref<16384x1024xi32, #tpu.memory_space<hbm>> -> memref<16x1024xi32, #tpu.memory_space<hbm>>
    %dma_start3A_910 = tpu.memref_slice %arg10[%dma_start3A_903] : memref<2x!tpu.dma_semaphore, #tpu.memory_space<semaphore_mem>> -> memref<1x!tpu.dma_semaphore, #tpu.memory_space<semaphore_mem>>
    %dma_start3A_911 = tpu.memref_squeeze %dma_start3A_910 : memref<1x!tpu.dma_semaphore, #tpu.memory_space<semaphore_mem>> -> memref<!tpu.dma_semaphore, #tpu.memory_space<semaphore_mem>>
    %dma_start3A_912 = arith.constant 0 : i32
    %dma_start3A_913 = arith.constant 0 : i32
    %dma_start3A_914 = tpu.memref_slice %arg7[%dma_start3A_902, %dma_start3A_912, %dma_start3A_913] : memref<2x16x1024xi32, #tpu.memory_space<vmem>> -> memref<1x16x1024xi32, #tpu.memory_space<vmem>>
    %dma_start3A_915 = tpu.memref_squeeze %dma_start3A_914 : memref<1x16x1024xi32, #tpu.memory_space<vmem>> -> memref<16x1024xi32, #tpu.memory_space<vmem>>
    %dma_start3A_916 = arith.constant 0 : i32
    %dma_start3A_917 = tpu.memref_slice %arg3[%add3A_885, %dma_start3A_916] : memref<16384x1024xi32, #tpu.memory_space<hbm>> -> memref<16x1024xi32, #tpu.memory_space<hbm>>
    tpu.enqueue_dma source(%dma_start3A_917 : memref<16x1024xi32, #tpu.memory_space<hbm>>) target(%dma_start3A_915 : memref<16x1024xi32, #tpu.memory_space<vmem>>) target_semaphore(%dma_start3A_911 : memref<!tpu.dma_semaphore, #tpu.memory_space<semaphore_mem>>)
    %dma_wait3A_918 = arith.constant 1 : i32
    %dma_wait3A_919 = arith.constant 1 : i32
    %dma_wait3A_920 = arith.constant 0 : i32
    %dma_wait3A_921 = arith.constant 0 : i32
    %dma_wait3A_922 = tpu.memref_slice %arg6[%dma_wait3A_918, %dma_wait3A_920, %dma_wait3A_921] : memref<2x16x1024xf32, #tpu.memory_space<vmem>> -> memref<1x16x1024xf32, #tpu.memory_space<vmem>>
    %dma_wait3A_923 = tpu.memref_squeeze %dma_wait3A_922 : memref<1x16x1024xf32, #tpu.memory_space<vmem>> -> memref<16x1024xf32, #tpu.memory_space<vmem>>
    %dma_wait3A_924 = arith.constant 0 : i32
    %dma_wait3A_925 = tpu.memref_slice %arg2[%add3A_885, %dma_wait3A_924] : memref<16384x1024xf32, #tpu.memory_space<hbm>> -> memref<16x1024xf32, #tpu.memory_space<hbm>>
    %dma_wait3A_926 = tpu.memref_slice %arg10[%dma_wait3A_919] : memref<2x!tpu.dma_semaphore, #tpu.memory_space<semaphore_mem>> -> memref<1x!tpu.dma_semaphore, #tpu.memory_space<semaphore_mem>>
    %dma_wait3A_927 = tpu.memref_squeeze %dma_wait3A_926 : memref<1x!tpu.dma_semaphore, #tpu.memory_space<semaphore_mem>> -> memref<!tpu.dma_semaphore, #tpu.memory_space<semaphore_mem>>
    %dma_wait3A_928 = arith.constant 0 : i32
    %dma_wait3A_929 = arith.constant 0 : i32
    %dma_wait3A_930 = tpu.memref_slice %arg6[%dma_wait3A_918, %dma_wait3A_928, %dma_wait3A_929] : memref<2x16x1024xf32, #tpu.memory_space<vmem>> -> memref<1x16x1024xf32, #tpu.memory_space<vmem>>
    %dma_wait3A_931 = tpu.memref_squeeze %dma_wait3A_930 : memref<1x16x1024xf32, #tpu.memory_space<vmem>> -> memref<16x1024xf32, #tpu.memory_space<vmem>>
    %dma_wait3A_932 = arith.constant 0 : i32
    %dma_wait3A_933 = tpu.memref_slice %arg2[%add3A_885, %dma_wait3A_932] : memref<16384x1024xf32, #tpu.memory_space<hbm>> -> memref<16x1024xf32, #tpu.memory_space<hbm>>
    tpu.wait_dma2 semaphore(%dma_wait3A_927 : memref<!tpu.dma_semaphore, #tpu.memory_space<semaphore_mem>>) src(%dma_wait3A_933 : memref<16x1024xf32, #tpu.memory_space<hbm>>) dst(%dma_wait3A_931 : memref<16x1024xf32, #tpu.memory_space<vmem>>)
    %dma_wait3A_934 = arith.constant 1 : i32
    %dma_wait3A_935 = arith.constant 1 : i32
    %dma_wait3A_936 = arith.constant 0 : i32
    %dma_wait3A_937 = arith.constant 0 : i32
    %dma_wait3A_938 = tpu.memref_slice %arg7[%dma_wait3A_934, %dma_wait3A_936, %dma_wait3A_937] : memref<2x16x1024xi32, #tpu.memory_space<vmem>> -> memref<1x16x1024xi32, #tpu.memory_space<vmem>>
    %dma_wait3A_939 = tpu.memref_squeeze %dma_wait3A_938 : memref<1x16x1024xi32, #tpu.memory_space<vmem>> -> memref<16x1024xi32, #tpu.memory_space<vmem>>
    %dma_wait3A_940 = arith.constant 0 : i32
    %dma_wait3A_941 = tpu.memref_slice %arg3[%add3A_885, %dma_wait3A_940] : memref<16384x1024xi32, #tpu.memory_space<hbm>> -> memref<16x1024xi32, #tpu.memory_space<hbm>>
    %dma_wait3A_942 = tpu.memref_slice %arg10[%dma_wait3A_935] : memref<2x!tpu.dma_semaphore, #tpu.memory_space<semaphore_mem>> -> memref<1x!tpu.dma_semaphore, #tpu.memory_space<semaphore_mem>>
    %dma_wait3A_943 = tpu.memref_squeeze %dma_wait3A_942 : memref<1x!tpu.dma_semaphore, #tpu.memory_space<semaphore_mem>> -> memref<!tpu.dma_semaphore, #tpu.memory_space<semaphore_mem>>
    %dma_wait3A_944 = arith.constant 0 : i32
    %dma_wait3A_945 = arith.constant 0 : i32
    %dma_wait3A_946 = tpu.memref_slice %arg7[%dma_wait3A_934, %dma_wait3A_944, %dma_wait3A_945] : memref<2x16x1024xi32, #tpu.memory_space<vmem>> -> memref<1x16x1024xi32, #tpu.memory_space<vmem>>
    %dma_wait3A_947 = tpu.memref_squeeze %dma_wait3A_946 : memref<1x16x1024xi32, #tpu.memory_space<vmem>> -> memref<16x1024xi32, #tpu.memory_space<vmem>>
    %dma_wait3A_948 = arith.constant 0 : i32
    %dma_wait3A_949 = tpu.memref_slice %arg3[%add3A_885, %dma_wait3A_948] : memref<16384x1024xi32, #tpu.memory_space<hbm>> -> memref<16x1024xi32, #tpu.memory_space<hbm>>
    tpu.wait_dma2 semaphore(%dma_wait3A_943 : memref<!tpu.dma_semaphore, #tpu.memory_space<semaphore_mem>>) src(%dma_wait3A_949 : memref<16x1024xi32, #tpu.memory_space<hbm>>) dst(%dma_wait3A_947 : memref<16x1024xi32, #tpu.memory_space<vmem>>)
    %add3A_950 = arith.constant 224 : i32
    %add3A_951 = arith.addi %add3A_4, %add3A_950 : i32
    %dma_start3A_952 = arith.constant 0 : i32
    %dma_start3A_953 = arith.constant 0 : i32
    %dma_start3A_954 = arith.constant 0 : i32
    %dma_start3A_955 = arith.constant 0 : i32
    %dma_start3A_956 = tpu.memref_slice %arg6[%dma_start3A_952, %dma_start3A_954, %dma_start3A_955] : memref<2x16x1024xf32, #tpu.memory_space<vmem>> -> memref<1x16x1024xf32, #tpu.memory_space<vmem>>
    %dma_start3A_957 = tpu.memref_squeeze %dma_start3A_956 : memref<1x16x1024xf32, #tpu.memory_space<vmem>> -> memref<16x1024xf32, #tpu.memory_space<vmem>>
    %dma_start3A_958 = arith.constant 0 : i32
    %dma_start3A_959 = tpu.memref_slice %arg2[%add3A_951, %dma_start3A_958] : memref<16384x1024xf32, #tpu.memory_space<hbm>> -> memref<16x1024xf32, #tpu.memory_space<hbm>>
    %dma_start3A_960 = tpu.memref_slice %arg10[%dma_start3A_953] : memref<2x!tpu.dma_semaphore, #tpu.memory_space<semaphore_mem>> -> memref<1x!tpu.dma_semaphore, #tpu.memory_space<semaphore_mem>>
    %dma_start3A_961 = tpu.memref_squeeze %dma_start3A_960 : memref<1x!tpu.dma_semaphore, #tpu.memory_space<semaphore_mem>> -> memref<!tpu.dma_semaphore, #tpu.memory_space<semaphore_mem>>
    %dma_start3A_962 = arith.constant 0 : i32
    %dma_start3A_963 = arith.constant 0 : i32
    %dma_start3A_964 = tpu.memref_slice %arg6[%dma_start3A_952, %dma_start3A_962, %dma_start3A_963] : memref<2x16x1024xf32, #tpu.memory_space<vmem>> -> memref<1x16x1024xf32, #tpu.memory_space<vmem>>
    %dma_start3A_965 = tpu.memref_squeeze %dma_start3A_964 : memref<1x16x1024xf32, #tpu.memory_space<vmem>> -> memref<16x1024xf32, #tpu.memory_space<vmem>>
    %dma_start3A_966 = arith.constant 0 : i32
    %dma_start3A_967 = tpu.memref_slice %arg2[%add3A_951, %dma_start3A_966] : memref<16384x1024xf32, #tpu.memory_space<hbm>> -> memref<16x1024xf32, #tpu.memory_space<hbm>>
    tpu.enqueue_dma source(%dma_start3A_967 : memref<16x1024xf32, #tpu.memory_space<hbm>>) target(%dma_start3A_965 : memref<16x1024xf32, #tpu.memory_space<vmem>>) target_semaphore(%dma_start3A_961 : memref<!tpu.dma_semaphore, #tpu.memory_space<semaphore_mem>>)
    %dma_start3A_968 = arith.constant 0 : i32
    %dma_start3A_969 = arith.constant 0 : i32
    %dma_start3A_970 = arith.constant 0 : i32
    %dma_start3A_971 = arith.constant 0 : i32
    %dma_start3A_972 = tpu.memref_slice %arg7[%dma_start3A_968, %dma_start3A_970, %dma_start3A_971] : memref<2x16x1024xi32, #tpu.memory_space<vmem>> -> memref<1x16x1024xi32, #tpu.memory_space<vmem>>
    %dma_start3A_973 = tpu.memref_squeeze %dma_start3A_972 : memref<1x16x1024xi32, #tpu.memory_space<vmem>> -> memref<16x1024xi32, #tpu.memory_space<vmem>>
    %dma_start3A_974 = arith.constant 0 : i32
    %dma_start3A_975 = tpu.memref_slice %arg3[%add3A_951, %dma_start3A_974] : memref<16384x1024xi32, #tpu.memory_space<hbm>> -> memref<16x1024xi32, #tpu.memory_space<hbm>>
    %dma_start3A_976 = tpu.memref_slice %arg10[%dma_start3A_969] : memref<2x!tpu.dma_semaphore, #tpu.memory_space<semaphore_mem>> -> memref<1x!tpu.dma_semaphore, #tpu.memory_space<semaphore_mem>>
    %dma_start3A_977 = tpu.memref_squeeze %dma_start3A_976 : memref<1x!tpu.dma_semaphore, #tpu.memory_space<semaphore_mem>> -> memref<!tpu.dma_semaphore, #tpu.memory_space<semaphore_mem>>
    %dma_start3A_978 = arith.constant 0 : i32
    %dma_start3A_979 = arith.constant 0 : i32
    %dma_start3A_980 = tpu.memref_slice %arg7[%dma_start3A_968, %dma_start3A_978, %dma_start3A_979] : memref<2x16x1024xi32, #tpu.memory_space<vmem>> -> memref<1x16x1024xi32, #tpu.memory_space<vmem>>
    %dma_start3A_981 = tpu.memref_squeeze %dma_start3A_980 : memref<1x16x1024xi32, #tpu.memory_space<vmem>> -> memref<16x1024xi32, #tpu.memory_space<vmem>>
    %dma_start3A_982 = arith.constant 0 : i32
    %dma_start3A_983 = tpu.memref_slice %arg3[%add3A_951, %dma_start3A_982] : memref<16384x1024xi32, #tpu.memory_space<hbm>> -> memref<16x1024xi32, #tpu.memory_space<hbm>>
    tpu.enqueue_dma source(%dma_start3A_983 : memref<16x1024xi32, #tpu.memory_space<hbm>>) target(%dma_start3A_981 : memref<16x1024xi32, #tpu.memory_space<vmem>>) target_semaphore(%dma_start3A_977 : memref<!tpu.dma_semaphore, #tpu.memory_space<semaphore_mem>>)
    %dma_wait3A_984 = arith.constant 0 : i32
    %dma_wait3A_985 = arith.constant 0 : i32
    %dma_wait3A_986 = arith.constant 0 : i32
    %dma_wait3A_987 = arith.constant 0 : i32
    %dma_wait3A_988 = tpu.memref_slice %arg6[%dma_wait3A_984, %dma_wait3A_986, %dma_wait3A_987] : memref<2x16x1024xf32, #tpu.memory_space<vmem>> -> memref<1x16x1024xf32, #tpu.memory_space<vmem>>
    %dma_wait3A_989 = tpu.memref_squeeze %dma_wait3A_988 : memref<1x16x1024xf32, #tpu.memory_space<vmem>> -> memref<16x1024xf32, #tpu.memory_space<vmem>>
    %dma_wait3A_990 = arith.constant 0 : i32
    %dma_wait3A_991 = tpu.memref_slice %arg2[%add3A_951, %dma_wait3A_990] : memref<16384x1024xf32, #tpu.memory_space<hbm>> -> memref<16x1024xf32, #tpu.memory_space<hbm>>
    %dma_wait3A_992 = tpu.memref_slice %arg10[%dma_wait3A_985] : memref<2x!tpu.dma_semaphore, #tpu.memory_space<semaphore_mem>> -> memref<1x!tpu.dma_semaphore, #tpu.memory_space<semaphore_mem>>
    %dma_wait3A_993 = tpu.memref_squeeze %dma_wait3A_992 : memref<1x!tpu.dma_semaphore, #tpu.memory_space<semaphore_mem>> -> memref<!tpu.dma_semaphore, #tpu.memory_space<semaphore_mem>>
    %dma_wait3A_994 = arith.constant 0 : i32
    %dma_wait3A_995 = arith.constant 0 : i32
    %dma_wait3A_996 = tpu.memref_slice %arg6[%dma_wait3A_984, %dma_wait3A_994, %dma_wait3A_995] : memref<2x16x1024xf32, #tpu.memory_space<vmem>> -> memref<1x16x1024xf32, #tpu.memory_space<vmem>>
    %dma_wait3A_997 = tpu.memref_squeeze %dma_wait3A_996 : memref<1x16x1024xf32, #tpu.memory_space<vmem>> -> memref<16x1024xf32, #tpu.memory_space<vmem>>
    %dma_wait3A_998 = arith.constant 0 : i32
    %dma_wait3A_999 = tpu.memref_slice %arg2[%add3A_951, %dma_wait3A_998] : memref<16384x1024xf32, #tpu.memory_space<hbm>> -> memref<16x1024xf32, #tpu.memory_space<hbm>>
    tpu.wait_dma2 semaphore(%dma_wait3A_993 : memref<!tpu.dma_semaphore, #tpu.memory_space<semaphore_mem>>) src(%dma_wait3A_999 : memref<16x1024xf32, #tpu.memory_space<hbm>>) dst(%dma_wait3A_997 : memref<16x1024xf32, #tpu.memory_space<vmem>>)
    %dma_wait3A_1000 = arith.constant 0 : i32
    %dma_wait3A_1001 = arith.constant 0 : i32
    %dma_wait3A_1002 = arith.constant 0 : i32
    %dma_wait3A_1003 = arith.constant 0 : i32
    %dma_wait3A_1004 = tpu.memref_slice %arg7[%dma_wait3A_1000, %dma_wait3A_1002, %dma_wait3A_1003] : memref<2x16x1024xi32, #tpu.memory_space<vmem>> -> memref<1x16x1024xi32, #tpu.memory_space<vmem>>
    %dma_wait3A_1005 = tpu.memref_squeeze %dma_wait3A_1004 : memref<1x16x1024xi32, #tpu.memory_space<vmem>> -> memref<16x1024xi32, #tpu.memory_space<vmem>>
    %dma_wait3A_1006 = arith.constant 0 : i32
    %dma_wait3A_1007 = tpu.memref_slice %arg3[%add3A_951, %dma_wait3A_1006] : memref<16384x1024xi32, #tpu.memory_space<hbm>> -> memref<16x1024xi32, #tpu.memory_space<hbm>>
    %dma_wait3A_1008 = tpu.memref_slice %arg10[%dma_wait3A_1001] : memref<2x!tpu.dma_semaphore, #tpu.memory_space<semaphore_mem>> -> memref<1x!tpu.dma_semaphore, #tpu.memory_space<semaphore_mem>>
    %dma_wait3A_1009 = tpu.memref_squeeze %dma_wait3A_1008 : memref<1x!tpu.dma_semaphore, #tpu.memory_space<semaphore_mem>> -> memref<!tpu.dma_semaphore, #tpu.memory_space<semaphore_mem>>
    %dma_wait3A_1010 = arith.constant 0 : i32
    %dma_wait3A_1011 = arith.constant 0 : i32
    %dma_wait3A_1012 = tpu.memref_slice %arg7[%dma_wait3A_1000, %dma_wait3A_1010, %dma_wait3A_1011] : memref<2x16x1024xi32, #tpu.memory_space<vmem>> -> memref<1x16x1024xi32, #tpu.memory_space<vmem>>
    %dma_wait3A_1013 = tpu.memref_squeeze %dma_wait3A_1012 : memref<1x16x1024xi32, #tpu.memory_space<vmem>> -> memref<16x1024xi32, #tpu.memory_space<vmem>>
    %dma_wait3A_1014 = arith.constant 0 : i32
    %dma_wait3A_1015 = tpu.memref_slice %arg3[%add3A_951, %dma_wait3A_1014] : memref<16384x1024xi32, #tpu.memory_space<hbm>> -> memref<16x1024xi32, #tpu.memory_space<hbm>>
    tpu.wait_dma2 semaphore(%dma_wait3A_1009 : memref<!tpu.dma_semaphore, #tpu.memory_space<semaphore_mem>>) src(%dma_wait3A_1015 : memref<16x1024xi32, #tpu.memory_space<hbm>>) dst(%dma_wait3A_1013 : memref<16x1024xi32, #tpu.memory_space<vmem>>)
    %add3A_1016 = arith.constant 240 : i32
    %add3A_1017 = arith.addi %add3A_4, %add3A_1016 : i32
    %dma_start3A_1018 = arith.constant 1 : i32
    %dma_start3A_1019 = arith.constant 1 : i32
    %dma_start3A_1020 = arith.constant 0 : i32
    %dma_start3A_1021 = arith.constant 0 : i32
    %dma_start3A_1022 = tpu.memref_slice %arg6[%dma_start3A_1018, %dma_start3A_1020, %dma_start3A_1021] : memref<2x16x1024xf32, #tpu.memory_space<vmem>> -> memref<1x16x1024xf32, #tpu.memory_space<vmem>>
    %dma_start3A_1023 = tpu.memref_squeeze %dma_start3A_1022 : memref<1x16x1024xf32, #tpu.memory_space<vmem>> -> memref<16x1024xf32, #tpu.memory_space<vmem>>
    %dma_start3A_1024 = arith.constant 0 : i32
    %dma_start3A_1025 = tpu.memref_slice %arg2[%add3A_1017, %dma_start3A_1024] : memref<16384x1024xf32, #tpu.memory_space<hbm>> -> memref<16x1024xf32, #tpu.memory_space<hbm>>
    %dma_start3A_1026 = tpu.memref_slice %arg10[%dma_start3A_1019] : memref<2x!tpu.dma_semaphore, #tpu.memory_space<semaphore_mem>> -> memref<1x!tpu.dma_semaphore, #tpu.memory_space<semaphore_mem>>
    %dma_start3A_1027 = tpu.memref_squeeze %dma_start3A_1026 : memref<1x!tpu.dma_semaphore, #tpu.memory_space<semaphore_mem>> -> memref<!tpu.dma_semaphore, #tpu.memory_space<semaphore_mem>>
    %dma_start3A_1028 = arith.constant 0 : i32
    %dma_start3A_1029 = arith.constant 0 : i32
    %dma_start3A_1030 = tpu.memref_slice %arg6[%dma_start3A_1018, %dma_start3A_1028, %dma_start3A_1029] : memref<2x16x1024xf32, #tpu.memory_space<vmem>> -> memref<1x16x1024xf32, #tpu.memory_space<vmem>>
    %dma_start3A_1031 = tpu.memref_squeeze %dma_start3A_1030 : memref<1x16x1024xf32, #tpu.memory_space<vmem>> -> memref<16x1024xf32, #tpu.memory_space<vmem>>
    %dma_start3A_1032 = arith.constant 0 : i32
    %dma_start3A_1033 = tpu.memref_slice %arg2[%add3A_1017, %dma_start3A_1032] : memref<16384x1024xf32, #tpu.memory_space<hbm>> -> memref<16x1024xf32, #tpu.memory_space<hbm>>
    tpu.enqueue_dma source(%dma_start3A_1033 : memref<16x1024xf32, #tpu.memory_space<hbm>>) target(%dma_start3A_1031 : memref<16x1024xf32, #tpu.memory_space<vmem>>) target_semaphore(%dma_start3A_1027 : memref<!tpu.dma_semaphore, #tpu.memory_space<semaphore_mem>>)
    %dma_start3A_1034 = arith.constant 1 : i32
    %dma_start3A_1035 = arith.constant 1 : i32
    %dma_start3A_1036 = arith.constant 0 : i32
    %dma_start3A_1037 = arith.constant 0 : i32
    %dma_start3A_1038 = tpu.memref_slice %arg7[%dma_start3A_1034, %dma_start3A_1036, %dma_start3A_1037] : memref<2x16x1024xi32, #tpu.memory_space<vmem>> -> memref<1x16x1024xi32, #tpu.memory_space<vmem>>
    %dma_start3A_1039 = tpu.memref_squeeze %dma_start3A_1038 : memref<1x16x1024xi32, #tpu.memory_space<vmem>> -> memref<16x1024xi32, #tpu.memory_space<vmem>>
    %dma_start3A_1040 = arith.constant 0 : i32
    %dma_start3A_1041 = tpu.memref_slice %arg3[%add3A_1017, %dma_start3A_1040] : memref<16384x1024xi32, #tpu.memory_space<hbm>> -> memref<16x1024xi32, #tpu.memory_space<hbm>>
    %dma_start3A_1042 = tpu.memref_slice %arg10[%dma_start3A_1035] : memref<2x!tpu.dma_semaphore, #tpu.memory_space<semaphore_mem>> -> memref<1x!tpu.dma_semaphore, #tpu.memory_space<semaphore_mem>>
    %dma_start3A_1043 = tpu.memref_squeeze %dma_start3A_1042 : memref<1x!tpu.dma_semaphore, #tpu.memory_space<semaphore_mem>> -> memref<!tpu.dma_semaphore, #tpu.memory_space<semaphore_mem>>
    %dma_start3A_1044 = arith.constant 0 : i32
    %dma_start3A_1045 = arith.constant 0 : i32
    %dma_start3A_1046 = tpu.memref_slice %arg7[%dma_start3A_1034, %dma_start3A_1044, %dma_start3A_1045] : memref<2x16x1024xi32, #tpu.memory_space<vmem>> -> memref<1x16x1024xi32, #tpu.memory_space<vmem>>
    %dma_start3A_1047 = tpu.memref_squeeze %dma_start3A_1046 : memref<1x16x1024xi32, #tpu.memory_space<vmem>> -> memref<16x1024xi32, #tpu.memory_space<vmem>>
    %dma_start3A_1048 = arith.constant 0 : i32
    %dma_start3A_1049 = tpu.memref_slice %arg3[%add3A_1017, %dma_start3A_1048] : memref<16384x1024xi32, #tpu.memory_space<hbm>> -> memref<16x1024xi32, #tpu.memory_space<hbm>>
    tpu.enqueue_dma source(%dma_start3A_1049 : memref<16x1024xi32, #tpu.memory_space<hbm>>) target(%dma_start3A_1047 : memref<16x1024xi32, #tpu.memory_space<vmem>>) target_semaphore(%dma_start3A_1043 : memref<!tpu.dma_semaphore, #tpu.memory_space<semaphore_mem>>)
    %dma_wait3A_1050 = arith.constant 1 : i32
    %dma_wait3A_1051 = arith.constant 1 : i32
    %dma_wait3A_1052 = arith.constant 0 : i32
    %dma_wait3A_1053 = arith.constant 0 : i32
    %dma_wait3A_1054 = tpu.memref_slice %arg6[%dma_wait3A_1050, %dma_wait3A_1052, %dma_wait3A_1053] : memref<2x16x1024xf32, #tpu.memory_space<vmem>> -> memref<1x16x1024xf32, #tpu.memory_space<vmem>>
    %dma_wait3A_1055 = tpu.memref_squeeze %dma_wait3A_1054 : memref<1x16x1024xf32, #tpu.memory_space<vmem>> -> memref<16x1024xf32, #tpu.memory_space<vmem>>
    %dma_wait3A_1056 = arith.constant 0 : i32
    %dma_wait3A_1057 = tpu.memref_slice %arg2[%add3A_1017, %dma_wait3A_1056] : memref<16384x1024xf32, #tpu.memory_space<hbm>> -> memref<16x1024xf32, #tpu.memory_space<hbm>>
    %dma_wait3A_1058 = tpu.memref_slice %arg10[%dma_wait3A_1051] : memref<2x!tpu.dma_semaphore, #tpu.memory_space<semaphore_mem>> -> memref<1x!tpu.dma_semaphore, #tpu.memory_space<semaphore_mem>>
    %dma_wait3A_1059 = tpu.memref_squeeze %dma_wait3A_1058 : memref<1x!tpu.dma_semaphore, #tpu.memory_space<semaphore_mem>> -> memref<!tpu.dma_semaphore, #tpu.memory_space<semaphore_mem>>
    %dma_wait3A_1060 = arith.constant 0 : i32
    %dma_wait3A_1061 = arith.constant 0 : i32
    %dma_wait3A_1062 = tpu.memref_slice %arg6[%dma_wait3A_1050, %dma_wait3A_1060, %dma_wait3A_1061] : memref<2x16x1024xf32, #tpu.memory_space<vmem>> -> memref<1x16x1024xf32, #tpu.memory_space<vmem>>
    %dma_wait3A_1063 = tpu.memref_squeeze %dma_wait3A_1062 : memref<1x16x1024xf32, #tpu.memory_space<vmem>> -> memref<16x1024xf32, #tpu.memory_space<vmem>>
    %dma_wait3A_1064 = arith.constant 0 : i32
    %dma_wait3A_1065 = tpu.memref_slice %arg2[%add3A_1017, %dma_wait3A_1064] : memref<16384x1024xf32, #tpu.memory_space<hbm>> -> memref<16x1024xf32, #tpu.memory_space<hbm>>
    tpu.wait_dma2 semaphore(%dma_wait3A_1059 : memref<!tpu.dma_semaphore, #tpu.memory_space<semaphore_mem>>) src(%dma_wait3A_1065 : memref<16x1024xf32, #tpu.memory_space<hbm>>) dst(%dma_wait3A_1063 : memref<16x1024xf32, #tpu.memory_space<vmem>>)
    %dma_wait3A_1066 = arith.constant 1 : i32
    %dma_wait3A_1067 = arith.constant 1 : i32
    %dma_wait3A_1068 = arith.constant 0 : i32
    %dma_wait3A_1069 = arith.constant 0 : i32
    %dma_wait3A_1070 = tpu.memref_slice %arg7[%dma_wait3A_1066, %dma_wait3A_1068, %dma_wait3A_1069] : memref<2x16x1024xi32, #tpu.memory_space<vmem>> -> memref<1x16x1024xi32, #tpu.memory_space<vmem>>
    %dma_wait3A_1071 = tpu.memref_squeeze %dma_wait3A_1070 : memref<1x16x1024xi32, #tpu.memory_space<vmem>> -> memref<16x1024xi32, #tpu.memory_space<vmem>>
    %dma_wait3A_1072 = arith.constant 0 : i32
    %dma_wait3A_1073 = tpu.memref_slice %arg3[%add3A_1017, %dma_wait3A_1072] : memref<16384x1024xi32, #tpu.memory_space<hbm>> -> memref<16x1024xi32, #tpu.memory_space<hbm>>
    %dma_wait3A_1074 = tpu.memref_slice %arg10[%dma_wait3A_1067] : memref<2x!tpu.dma_semaphore, #tpu.memory_space<semaphore_mem>> -> memref<1x!tpu.dma_semaphore, #tpu.memory_space<semaphore_mem>>
    %dma_wait3A_1075 = tpu.memref_squeeze %dma_wait3A_1074 : memref<1x!tpu.dma_semaphore, #tpu.memory_space<semaphore_mem>> -> memref<!tpu.dma_semaphore, #tpu.memory_space<semaphore_mem>>
    %dma_wait3A_1076 = arith.constant 0 : i32
    %dma_wait3A_1077 = arith.constant 0 : i32
    %dma_wait3A_1078 = tpu.memref_slice %arg7[%dma_wait3A_1066, %dma_wait3A_1076, %dma_wait3A_1077] : memref<2x16x1024xi32, #tpu.memory_space<vmem>> -> memref<1x16x1024xi32, #tpu.memory_space<vmem>>
    %dma_wait3A_1079 = tpu.memref_squeeze %dma_wait3A_1078 : memref<1x16x1024xi32, #tpu.memory_space<vmem>> -> memref<16x1024xi32, #tpu.memory_space<vmem>>
    %dma_wait3A_1080 = arith.constant 0 : i32
    %dma_wait3A_1081 = tpu.memref_slice %arg3[%add3A_1017, %dma_wait3A_1080] : memref<16384x1024xi32, #tpu.memory_space<hbm>> -> memref<16x1024xi32, #tpu.memory_space<hbm>>
    tpu.wait_dma2 semaphore(%dma_wait3A_1075 : memref<!tpu.dma_semaphore, #tpu.memory_space<semaphore_mem>>) src(%dma_wait3A_1081 : memref<16x1024xi32, #tpu.memory_space<hbm>>) dst(%dma_wait3A_1079 : memref<16x1024xi32, #tpu.memory_space<vmem>>)
    %add3A_1082 = arith.constant 256 : i32
    %add3A_1083 = arith.addi %add3A_4, %add3A_1082 : i32
    %dma_start3A_1084 = arith.constant 0 : i32
    %dma_start3A_1085 = arith.constant 0 : i32
    %dma_start3A_1086 = arith.constant 0 : i32
    %dma_start3A_1087 = arith.constant 0 : i32
    %dma_start3A_1088 = tpu.memref_slice %arg6[%dma_start3A_1084, %dma_start3A_1086, %dma_start3A_1087] : memref<2x16x1024xf32, #tpu.memory_space<vmem>> -> memref<1x16x1024xf32, #tpu.memory_space<vmem>>
    %dma_start3A_1089 = tpu.memref_squeeze %dma_start3A_1088 : memref<1x16x1024xf32, #tpu.memory_space<vmem>> -> memref<16x1024xf32, #tpu.memory_space<vmem>>
    %dma_start3A_1090 = arith.constant 0 : i32
    %dma_start3A_1091 = tpu.memref_slice %arg2[%add3A_1083, %dma_start3A_1090] : memref<16384x1024xf32, #tpu.memory_space<hbm>> -> memref<16x1024xf32, #tpu.memory_space<hbm>>
    %dma_start3A_1092 = tpu.memref_slice %arg10[%dma_start3A_1085] : memref<2x!tpu.dma_semaphore, #tpu.memory_space<semaphore_mem>> -> memref<1x!tpu.dma_semaphore, #tpu.memory_space<semaphore_mem>>
    %dma_start3A_1093 = tpu.memref_squeeze %dma_start3A_1092 : memref<1x!tpu.dma_semaphore, #tpu.memory_space<semaphore_mem>> -> memref<!tpu.dma_semaphore, #tpu.memory_space<semaphore_mem>>
    %dma_start3A_1094 = arith.constant 0 : i32
    %dma_start3A_1095 = arith.constant 0 : i32
    %dma_start3A_1096 = tpu.memref_slice %arg6[%dma_start3A_1084, %dma_start3A_1094, %dma_start3A_1095] : memref<2x16x1024xf32, #tpu.memory_space<vmem>> -> memref<1x16x1024xf32, #tpu.memory_space<vmem>>
    %dma_start3A_1097 = tpu.memref_squeeze %dma_start3A_1096 : memref<1x16x1024xf32, #tpu.memory_space<vmem>> -> memref<16x1024xf32, #tpu.memory_space<vmem>>
    %dma_start3A_1098 = arith.constant 0 : i32
    %dma_start3A_1099 = tpu.memref_slice %arg2[%add3A_1083, %dma_start3A_1098] : memref<16384x1024xf32, #tpu.memory_space<hbm>> -> memref<16x1024xf32, #tpu.memory_space<hbm>>
    tpu.enqueue_dma source(%dma_start3A_1099 : memref<16x1024xf32, #tpu.memory_space<hbm>>) target(%dma_start3A_1097 : memref<16x1024xf32, #tpu.memory_space<vmem>>) target_semaphore(%dma_start3A_1093 : memref<!tpu.dma_semaphore, #tpu.memory_space<semaphore_mem>>)
    %dma_start3A_1100 = arith.constant 0 : i32
    %dma_start3A_1101 = arith.constant 0 : i32
    %dma_start3A_1102 = arith.constant 0 : i32
    %dma_start3A_1103 = arith.constant 0 : i32
    %dma_start3A_1104 = tpu.memref_slice %arg7[%dma_start3A_1100, %dma_start3A_1102, %dma_start3A_1103] : memref<2x16x1024xi32, #tpu.memory_space<vmem>> -> memref<1x16x1024xi32, #tpu.memory_space<vmem>>
    %dma_start3A_1105 = tpu.memref_squeeze %dma_start3A_1104 : memref<1x16x1024xi32, #tpu.memory_space<vmem>> -> memref<16x1024xi32, #tpu.memory_space<vmem>>
    %dma_start3A_1106 = arith.constant 0 : i32
    %dma_start3A_1107 = tpu.memref_slice %arg3[%add3A_1083, %dma_start3A_1106] : memref<16384x1024xi32, #tpu.memory_space<hbm>> -> memref<16x1024xi32, #tpu.memory_space<hbm>>
    %dma_start3A_1108 = tpu.memref_slice %arg10[%dma_start3A_1101] : memref<2x!tpu.dma_semaphore, #tpu.memory_space<semaphore_mem>> -> memref<1x!tpu.dma_semaphore, #tpu.memory_space<semaphore_mem>>
    %dma_start3A_1109 = tpu.memref_squeeze %dma_start3A_1108 : memref<1x!tpu.dma_semaphore, #tpu.memory_space<semaphore_mem>> -> memref<!tpu.dma_semaphore, #tpu.memory_space<semaphore_mem>>
    %dma_start3A_1110 = arith.constant 0 : i32
    %dma_start3A_1111 = arith.constant 0 : i32
    %dma_start3A_1112 = tpu.memref_slice %arg7[%dma_start3A_1100, %dma_start3A_1110, %dma_start3A_1111] : memref<2x16x1024xi32, #tpu.memory_space<vmem>> -> memref<1x16x1024xi32, #tpu.memory_space<vmem>>
    %dma_start3A_1113 = tpu.memref_squeeze %dma_start3A_1112 : memref<1x16x1024xi32, #tpu.memory_space<vmem>> -> memref<16x1024xi32, #tpu.memory_space<vmem>>
    %dma_start3A_1114 = arith.constant 0 : i32
    %dma_start3A_1115 = tpu.memref_slice %arg3[%add3A_1083, %dma_start3A_1114] : memref<16384x1024xi32, #tpu.memory_space<hbm>> -> memref<16x1024xi32, #tpu.memory_space<hbm>>
    tpu.enqueue_dma source(%dma_start3A_1115 : memref<16x1024xi32, #tpu.memory_space<hbm>>) target(%dma_start3A_1113 : memref<16x1024xi32, #tpu.memory_space<vmem>>) target_semaphore(%dma_start3A_1109 : memref<!tpu.dma_semaphore, #tpu.memory_space<semaphore_mem>>)
    %dma_wait3A_1116 = arith.constant 0 : i32
    %dma_wait3A_1117 = arith.constant 0 : i32
    %dma_wait3A_1118 = arith.constant 0 : i32
    %dma_wait3A_1119 = arith.constant 0 : i32
    %dma_wait3A_1120 = tpu.memref_slice %arg6[%dma_wait3A_1116, %dma_wait3A_1118, %dma_wait3A_1119] : memref<2x16x1024xf32, #tpu.memory_space<vmem>> -> memref<1x16x1024xf32, #tpu.memory_space<vmem>>
    %dma_wait3A_1121 = tpu.memref_squeeze %dma_wait3A_1120 : memref<1x16x1024xf32, #tpu.memory_space<vmem>> -> memref<16x1024xf32, #tpu.memory_space<vmem>>
    %dma_wait3A_1122 = arith.constant 0 : i32
    %dma_wait3A_1123 = tpu.memref_slice %arg2[%add3A_1083, %dma_wait3A_1122] : memref<16384x1024xf32, #tpu.memory_space<hbm>> -> memref<16x1024xf32, #tpu.memory_space<hbm>>
    %dma_wait3A_1124 = tpu.memref_slice %arg10[%dma_wait3A_1117] : memref<2x!tpu.dma_semaphore, #tpu.memory_space<semaphore_mem>> -> memref<1x!tpu.dma_semaphore, #tpu.memory_space<semaphore_mem>>
    %dma_wait3A_1125 = tpu.memref_squeeze %dma_wait3A_1124 : memref<1x!tpu.dma_semaphore, #tpu.memory_space<semaphore_mem>> -> memref<!tpu.dma_semaphore, #tpu.memory_space<semaphore_mem>>
    %dma_wait3A_1126 = arith.constant 0 : i32
    %dma_wait3A_1127 = arith.constant 0 : i32
    %dma_wait3A_1128 = tpu.memref_slice %arg6[%dma_wait3A_1116, %dma_wait3A_1126, %dma_wait3A_1127] : memref<2x16x1024xf32, #tpu.memory_space<vmem>> -> memref<1x16x1024xf32, #tpu.memory_space<vmem>>
    %dma_wait3A_1129 = tpu.memref_squeeze %dma_wait3A_1128 : memref<1x16x1024xf32, #tpu.memory_space<vmem>> -> memref<16x1024xf32, #tpu.memory_space<vmem>>
    %dma_wait3A_1130 = arith.constant 0 : i32
    %dma_wait3A_1131 = tpu.memref_slice %arg2[%add3A_1083, %dma_wait3A_1130] : memref<16384x1024xf32, #tpu.memory_space<hbm>> -> memref<16x1024xf32, #tpu.memory_space<hbm>>
    tpu.wait_dma2 semaphore(%dma_wait3A_1125 : memref<!tpu.dma_semaphore, #tpu.memory_space<semaphore_mem>>) src(%dma_wait3A_1131 : memref<16x1024xf32, #tpu.memory_space<hbm>>) dst(%dma_wait3A_1129 : memref<16x1024xf32, #tpu.memory_space<vmem>>)
    %dma_wait3A_1132 = arith.constant 0 : i32
    %dma_wait3A_1133 = arith.constant 0 : i32
    %dma_wait3A_1134 = arith.constant 0 : i32
    %dma_wait3A_1135 = arith.constant 0 : i32
    %dma_wait3A_1136 = tpu.memref_slice %arg7[%dma_wait3A_1132, %dma_wait3A_1134, %dma_wait3A_1135] : memref<2x16x1024xi32, #tpu.memory_space<vmem>> -> memref<1x16x1024xi32, #tpu.memory_space<vmem>>
    %dma_wait3A_1137 = tpu.memref_squeeze %dma_wait3A_1136 : memref<1x16x1024xi32, #tpu.memory_space<vmem>> -> memref<16x1024xi32, #tpu.memory_space<vmem>>
    %dma_wait3A_1138 = arith.constant 0 : i32
    %dma_wait3A_1139 = tpu.memref_slice %arg3[%add3A_1083, %dma_wait3A_1138] : memref<16384x1024xi32, #tpu.memory_space<hbm>> -> memref<16x1024xi32, #tpu.memory_space<hbm>>
    %dma_wait3A_1140 = tpu.memref_slice %arg10[%dma_wait3A_1133] : memref<2x!tpu.dma_semaphore, #tpu.memory_space<semaphore_mem>> -> memref<1x!tpu.dma_semaphore, #tpu.memory_space<semaphore_mem>>
    %dma_wait3A_1141 = tpu.memref_squeeze %dma_wait3A_1140 : memref<1x!tpu.dma_semaphore, #tpu.memory_space<semaphore_mem>> -> memref<!tpu.dma_semaphore, #tpu.memory_space<semaphore_mem>>
    %dma_wait3A_1142 = arith.constant 0 : i32
    %dma_wait3A_1143 = arith.constant 0 : i32
    %dma_wait3A_1144 = tpu.memref_slice %arg7[%dma_wait3A_1132, %dma_wait3A_1142, %dma_wait3A_1143] : memref<2x16x1024xi32, #tpu.memory_space<vmem>> -> memref<1x16x1024xi32, #tpu.memory_space<vmem>>
    %dma_wait3A_1145 = tpu.memref_squeeze %dma_wait3A_1144 : memref<1x16x1024xi32, #tpu.memory_space<vmem>> -> memref<16x1024xi32, #tpu.memory_space<vmem>>
    %dma_wait3A_1146 = arith.constant 0 : i32
    %dma_wait3A_1147 = tpu.memref_slice %arg3[%add3A_1083, %dma_wait3A_1146] : memref<16384x1024xi32, #tpu.memory_space<hbm>> -> memref<16x1024xi32, #tpu.memory_space<hbm>>
    tpu.wait_dma2 semaphore(%dma_wait3A_1141 : memref<!tpu.dma_semaphore, #tpu.memory_space<semaphore_mem>>) src(%dma_wait3A_1147 : memref<16x1024xi32, #tpu.memory_space<hbm>>) dst(%dma_wait3A_1145 : memref<16x1024xi32, #tpu.memory_space<vmem>>)
    %add3A_1148 = arith.constant 272 : i32
    %add3A_1149 = arith.addi %add3A_4, %add3A_1148 : i32
    %dma_start3A_1150 = arith.constant 1 : i32
    %dma_start3A_1151 = arith.constant 1 : i32
    %dma_start3A_1152 = arith.constant 0 : i32
    %dma_start3A_1153 = arith.constant 0 : i32
    %dma_start3A_1154 = tpu.memref_slice %arg6[%dma_start3A_1150, %dma_start3A_1152, %dma_start3A_1153] : memref<2x16x1024xf32, #tpu.memory_space<vmem>> -> memref<1x16x1024xf32, #tpu.memory_space<vmem>>
    %dma_start3A_1155 = tpu.memref_squeeze %dma_start3A_1154 : memref<1x16x1024xf32, #tpu.memory_space<vmem>> -> memref<16x1024xf32, #tpu.memory_space<vmem>>
    %dma_start3A_1156 = arith.constant 0 : i32
    %dma_start3A_1157 = tpu.memref_slice %arg2[%add3A_1149, %dma_start3A_1156] : memref<16384x1024xf32, #tpu.memory_space<hbm>> -> memref<16x1024xf32, #tpu.memory_space<hbm>>
    %dma_start3A_1158 = tpu.memref_slice %arg10[%dma_start3A_1151] : memref<2x!tpu.dma_semaphore, #tpu.memory_space<semaphore_mem>> -> memref<1x!tpu.dma_semaphore, #tpu.memory_space<semaphore_mem>>
    %dma_start3A_1159 = tpu.memref_squeeze %dma_start3A_1158 : memref<1x!tpu.dma_semaphore, #tpu.memory_space<semaphore_mem>> -> memref<!tpu.dma_semaphore, #tpu.memory_space<semaphore_mem>>
    %dma_start3A_1160 = arith.constant 0 : i32
    %dma_start3A_1161 = arith.constant 0 : i32
    %dma_start3A_1162 = tpu.memref_slice %arg6[%dma_start3A_1150, %dma_start3A_1160, %dma_start3A_1161] : memref<2x16x1024xf32, #tpu.memory_space<vmem>> -> memref<1x16x1024xf32, #tpu.memory_space<vmem>>
    %dma_start3A_1163 = tpu.memref_squeeze %dma_start3A_1162 : memref<1x16x1024xf32, #tpu.memory_space<vmem>> -> memref<16x1024xf32, #tpu.memory_space<vmem>>
    %dma_start3A_1164 = arith.constant 0 : i32
    %dma_start3A_1165 = tpu.memref_slice %arg2[%add3A_1149, %dma_start3A_1164] : memref<16384x1024xf32, #tpu.memory_space<hbm>> -> memref<16x1024xf32, #tpu.memory_space<hbm>>
    tpu.enqueue_dma source(%dma_start3A_1165 : memref<16x1024xf32, #tpu.memory_space<hbm>>) target(%dma_start3A_1163 : memref<16x1024xf32, #tpu.memory_space<vmem>>) target_semaphore(%dma_start3A_1159 : memref<!tpu.dma_semaphore, #tpu.memory_space<semaphore_mem>>)
    %dma_start3A_1166 = arith.constant 1 : i32
    %dma_start3A_1167 = arith.constant 1 : i32
    %dma_start3A_1168 = arith.constant 0 : i32
    %dma_start3A_1169 = arith.constant 0 : i32
    %dma_start3A_1170 = tpu.memref_slice %arg7[%dma_start3A_1166, %dma_start3A_1168, %dma_start3A_1169] : memref<2x16x1024xi32, #tpu.memory_space<vmem>> -> memref<1x16x1024xi32, #tpu.memory_space<vmem>>
    %dma_start3A_1171 = tpu.memref_squeeze %dma_start3A_1170 : memref<1x16x1024xi32, #tpu.memory_space<vmem>> -> memref<16x1024xi32, #tpu.memory_space<vmem>>
    %dma_start3A_1172 = arith.constant 0 : i32
    %dma_start3A_1173 = tpu.memref_slice %arg3[%add3A_1149, %dma_start3A_1172] : memref<16384x1024xi32, #tpu.memory_space<hbm>> -> memref<16x1024xi32, #tpu.memory_space<hbm>>
    %dma_start3A_1174 = tpu.memref_slice %arg10[%dma_start3A_1167] : memref<2x!tpu.dma_semaphore, #tpu.memory_space<semaphore_mem>> -> memref<1x!tpu.dma_semaphore, #tpu.memory_space<semaphore_mem>>
    %dma_start3A_1175 = tpu.memref_squeeze %dma_start3A_1174 : memref<1x!tpu.dma_semaphore, #tpu.memory_space<semaphore_mem>> -> memref<!tpu.dma_semaphore, #tpu.memory_space<semaphore_mem>>
    %dma_start3A_1176 = arith.constant 0 : i32
    %dma_start3A_1177 = arith.constant 0 : i32
    %dma_start3A_1178 = tpu.memref_slice %arg7[%dma_start3A_1166, %dma_start3A_1176, %dma_start3A_1177] : memref<2x16x1024xi32, #tpu.memory_space<vmem>> -> memref<1x16x1024xi32, #tpu.memory_space<vmem>>
    %dma_start3A_1179 = tpu.memref_squeeze %dma_start3A_1178 : memref<1x16x1024xi32, #tpu.memory_space<vmem>> -> memref<16x1024xi32, #tpu.memory_space<vmem>>
    %dma_start3A_1180 = arith.constant 0 : i32
    %dma_start3A_1181 = tpu.memref_slice %arg3[%add3A_1149, %dma_start3A_1180] : memref<16384x1024xi32, #tpu.memory_space<hbm>> -> memref<16x1024xi32, #tpu.memory_space<hbm>>
    tpu.enqueue_dma source(%dma_start3A_1181 : memref<16x1024xi32, #tpu.memory_space<hbm>>) target(%dma_start3A_1179 : memref<16x1024xi32, #tpu.memory_space<vmem>>) target_semaphore(%dma_start3A_1175 : memref<!tpu.dma_semaphore, #tpu.memory_space<semaphore_mem>>)
    %dma_wait3A_1182 = arith.constant 1 : i32
    %dma_wait3A_1183 = arith.constant 1 : i32
    %dma_wait3A_1184 = arith.constant 0 : i32
    %dma_wait3A_1185 = arith.constant 0 : i32
    %dma_wait3A_1186 = tpu.memref_slice %arg6[%dma_wait3A_1182, %dma_wait3A_1184, %dma_wait3A_1185] : memref<2x16x1024xf32, #tpu.memory_space<vmem>> -> memref<1x16x1024xf32, #tpu.memory_space<vmem>>
    %dma_wait3A_1187 = tpu.memref_squeeze %dma_wait3A_1186 : memref<1x16x1024xf32, #tpu.memory_space<vmem>> -> memref<16x1024xf32, #tpu.memory_space<vmem>>
    %dma_wait3A_1188 = arith.constant 0 : i32
    %dma_wait3A_1189 = tpu.memref_slice %arg2[%add3A_1149, %dma_wait3A_1188] : memref<16384x1024xf32, #tpu.memory_space<hbm>> -> memref<16x1024xf32, #tpu.memory_space<hbm>>
    %dma_wait3A_1190 = tpu.memref_slice %arg10[%dma_wait3A_1183] : memref<2x!tpu.dma_semaphore, #tpu.memory_space<semaphore_mem>> -> memref<1x!tpu.dma_semaphore, #tpu.memory_space<semaphore_mem>>
    %dma_wait3A_1191 = tpu.memref_squeeze %dma_wait3A_1190 : memref<1x!tpu.dma_semaphore, #tpu.memory_space<semaphore_mem>> -> memref<!tpu.dma_semaphore, #tpu.memory_space<semaphore_mem>>
    %dma_wait3A_1192 = arith.constant 0 : i32
    %dma_wait3A_1193 = arith.constant 0 : i32
    %dma_wait3A_1194 = tpu.memref_slice %arg6[%dma_wait3A_1182, %dma_wait3A_1192, %dma_wait3A_1193] : memref<2x16x1024xf32, #tpu.memory_space<vmem>> -> memref<1x16x1024xf32, #tpu.memory_space<vmem>>
    %dma_wait3A_1195 = tpu.memref_squeeze %dma_wait3A_1194 : memref<1x16x1024xf32, #tpu.memory_space<vmem>> -> memref<16x1024xf32, #tpu.memory_space<vmem>>
    %dma_wait3A_1196 = arith.constant 0 : i32
    %dma_wait3A_1197 = tpu.memref_slice %arg2[%add3A_1149, %dma_wait3A_1196] : memref<16384x1024xf32, #tpu.memory_space<hbm>> -> memref<16x1024xf32, #tpu.memory_space<hbm>>
    tpu.wait_dma2 semaphore(%dma_wait3A_1191 : memref<!tpu.dma_semaphore, #tpu.memory_space<semaphore_mem>>) src(%dma_wait3A_1197 : memref<16x1024xf32, #tpu.memory_space<hbm>>) dst(%dma_wait3A_1195 : memref<16x1024xf32, #tpu.memory_space<vmem>>)
    %dma_wait3A_1198 = arith.constant 1 : i32
    %dma_wait3A_1199 = arith.constant 1 : i32
    %dma_wait3A_1200 = arith.constant 0 : i32
    %dma_wait3A_1201 = arith.constant 0 : i32
    %dma_wait3A_1202 = tpu.memref_slice %arg7[%dma_wait3A_1198, %dma_wait3A_1200, %dma_wait3A_1201] : memref<2x16x1024xi32, #tpu.memory_space<vmem>> -> memref<1x16x1024xi32, #tpu.memory_space<vmem>>
    %dma_wait3A_1203 = tpu.memref_squeeze %dma_wait3A_1202 : memref<1x16x1024xi32, #tpu.memory_space<vmem>> -> memref<16x1024xi32, #tpu.memory_space<vmem>>
    %dma_wait3A_1204 = arith.constant 0 : i32
    %dma_wait3A_1205 = tpu.memref_slice %arg3[%add3A_1149, %dma_wait3A_1204] : memref<16384x1024xi32, #tpu.memory_space<hbm>> -> memref<16x1024xi32, #tpu.memory_space<hbm>>
    %dma_wait3A_1206 = tpu.memref_slice %arg10[%dma_wait3A_1199] : memref<2x!tpu.dma_semaphore, #tpu.memory_space<semaphore_mem>> -> memref<1x!tpu.dma_semaphore, #tpu.memory_space<semaphore_mem>>
    %dma_wait3A_1207 = tpu.memref_squeeze %dma_wait3A_1206 : memref<1x!tpu.dma_semaphore, #tpu.memory_space<semaphore_mem>> -> memref<!tpu.dma_semaphore, #tpu.memory_space<semaphore_mem>>
    %dma_wait3A_1208 = arith.constant 0 : i32
    %dma_wait3A_1209 = arith.constant 0 : i32
    %dma_wait3A_1210 = tpu.memref_slice %arg7[%dma_wait3A_1198, %dma_wait3A_1208, %dma_wait3A_1209] : memref<2x16x1024xi32, #tpu.memory_space<vmem>> -> memref<1x16x1024xi32, #tpu.memory_space<vmem>>
    %dma_wait3A_1211 = tpu.memref_squeeze %dma_wait3A_1210 : memref<1x16x1024xi32, #tpu.memory_space<vmem>> -> memref<16x1024xi32, #tpu.memory_space<vmem>>
    %dma_wait3A_1212 = arith.constant 0 : i32
    %dma_wait3A_1213 = tpu.memref_slice %arg3[%add3A_1149, %dma_wait3A_1212] : memref<16384x1024xi32, #tpu.memory_space<hbm>> -> memref<16x1024xi32, #tpu.memory_space<hbm>>
    tpu.wait_dma2 semaphore(%dma_wait3A_1207 : memref<!tpu.dma_semaphore, #tpu.memory_space<semaphore_mem>>) src(%dma_wait3A_1213 : memref<16x1024xi32, #tpu.memory_space<hbm>>) dst(%dma_wait3A_1211 : memref<16x1024xi32, #tpu.memory_space<vmem>>)
    %add3A_1214 = arith.constant 288 : i32
    %add3A_1215 = arith.addi %add3A_4, %add3A_1214 : i32
    %dma_start3A_1216 = arith.constant 0 : i32
    %dma_start3A_1217 = arith.constant 0 : i32
    %dma_start3A_1218 = arith.constant 0 : i32
    %dma_start3A_1219 = arith.constant 0 : i32
    %dma_start3A_1220 = tpu.memref_slice %arg6[%dma_start3A_1216, %dma_start3A_1218, %dma_start3A_1219] : memref<2x16x1024xf32, #tpu.memory_space<vmem>> -> memref<1x16x1024xf32, #tpu.memory_space<vmem>>
    %dma_start3A_1221 = tpu.memref_squeeze %dma_start3A_1220 : memref<1x16x1024xf32, #tpu.memory_space<vmem>> -> memref<16x1024xf32, #tpu.memory_space<vmem>>
    %dma_start3A_1222 = arith.constant 0 : i32
    %dma_start3A_1223 = tpu.memref_slice %arg2[%add3A_1215, %dma_start3A_1222] : memref<16384x1024xf32, #tpu.memory_space<hbm>> -> memref<16x1024xf32, #tpu.memory_space<hbm>>
    %dma_start3A_1224 = tpu.memref_slice %arg10[%dma_start3A_1217] : memref<2x!tpu.dma_semaphore, #tpu.memory_space<semaphore_mem>> -> memref<1x!tpu.dma_semaphore, #tpu.memory_space<semaphore_mem>>
    %dma_start3A_1225 = tpu.memref_squeeze %dma_start3A_1224 : memref<1x!tpu.dma_semaphore, #tpu.memory_space<semaphore_mem>> -> memref<!tpu.dma_semaphore, #tpu.memory_space<semaphore_mem>>
    %dma_start3A_1226 = arith.constant 0 : i32
    %dma_start3A_1227 = arith.constant 0 : i32
    %dma_start3A_1228 = tpu.memref_slice %arg6[%dma_start3A_1216, %dma_start3A_1226, %dma_start3A_1227] : memref<2x16x1024xf32, #tpu.memory_space<vmem>> -> memref<1x16x1024xf32, #tpu.memory_space<vmem>>
    %dma_start3A_1229 = tpu.memref_squeeze %dma_start3A_1228 : memref<1x16x1024xf32, #tpu.memory_space<vmem>> -> memref<16x1024xf32, #tpu.memory_space<vmem>>
    %dma_start3A_1230 = arith.constant 0 : i32
    %dma_start3A_1231 = tpu.memref_slice %arg2[%add3A_1215, %dma_start3A_1230] : memref<16384x1024xf32, #tpu.memory_space<hbm>> -> memref<16x1024xf32, #tpu.memory_space<hbm>>
    tpu.enqueue_dma source(%dma_start3A_1231 : memref<16x1024xf32, #tpu.memory_space<hbm>>) target(%dma_start3A_1229 : memref<16x1024xf32, #tpu.memory_space<vmem>>) target_semaphore(%dma_start3A_1225 : memref<!tpu.dma_semaphore, #tpu.memory_space<semaphore_mem>>)
    %dma_start3A_1232 = arith.constant 0 : i32
    %dma_start3A_1233 = arith.constant 0 : i32
    %dma_start3A_1234 = arith.constant 0 : i32
    %dma_start3A_1235 = arith.constant 0 : i32
    %dma_start3A_1236 = tpu.memref_slice %arg7[%dma_start3A_1232, %dma_start3A_1234, %dma_start3A_1235] : memref<2x16x1024xi32, #tpu.memory_space<vmem>> -> memref<1x16x1024xi32, #tpu.memory_space<vmem>>
    %dma_start3A_1237 = tpu.memref_squeeze %dma_start3A_1236 : memref<1x16x1024xi32, #tpu.memory_space<vmem>> -> memref<16x1024xi32, #tpu.memory_space<vmem>>
    %dma_start3A_1238 = arith.constant 0 : i32
    %dma_start3A_1239 = tpu.memref_slice %arg3[%add3A_1215, %dma_start3A_1238] : memref<16384x1024xi32, #tpu.memory_space<hbm>> -> memref<16x1024xi32, #tpu.memory_space<hbm>>
    %dma_start3A_1240 = tpu.memref_slice %arg10[%dma_start3A_1233] : memref<2x!tpu.dma_semaphore, #tpu.memory_space<semaphore_mem>> -> memref<1x!tpu.dma_semaphore, #tpu.memory_space<semaphore_mem>>
    %dma_start3A_1241 = tpu.memref_squeeze %dma_start3A_1240 : memref<1x!tpu.dma_semaphore, #tpu.memory_space<semaphore_mem>> -> memref<!tpu.dma_semaphore, #tpu.memory_space<semaphore_mem>>
    %dma_start3A_1242 = arith.constant 0 : i32
    %dma_start3A_1243 = arith.constant 0 : i32
    %dma_start3A_1244 = tpu.memref_slice %arg7[%dma_start3A_1232, %dma_start3A_1242, %dma_start3A_1243] : memref<2x16x1024xi32, #tpu.memory_space<vmem>> -> memref<1x16x1024xi32, #tpu.memory_space<vmem>>
    %dma_start3A_1245 = tpu.memref_squeeze %dma_start3A_1244 : memref<1x16x1024xi32, #tpu.memory_space<vmem>> -> memref<16x1024xi32, #tpu.memory_space<vmem>>
    %dma_start3A_1246 = arith.constant 0 : i32
    %dma_start3A_1247 = tpu.memref_slice %arg3[%add3A_1215, %dma_start3A_1246] : memref<16384x1024xi32, #tpu.memory_space<hbm>> -> memref<16x1024xi32, #tpu.memory_space<hbm>>
    tpu.enqueue_dma source(%dma_start3A_1247 : memref<16x1024xi32, #tpu.memory_space<hbm>>) target(%dma_start3A_1245 : memref<16x1024xi32, #tpu.memory_space<vmem>>) target_semaphore(%dma_start3A_1241 : memref<!tpu.dma_semaphore, #tpu.memory_space<semaphore_mem>>)
    %dma_wait3A_1248 = arith.constant 0 : i32
    %dma_wait3A_1249 = arith.constant 0 : i32
    %dma_wait3A_1250 = arith.constant 0 : i32
    %dma_wait3A_1251 = arith.constant 0 : i32
    %dma_wait3A_1252 = tpu.memref_slice %arg6[%dma_wait3A_1248, %dma_wait3A_1250, %dma_wait3A_1251] : memref<2x16x1024xf32, #tpu.memory_space<vmem>> -> memref<1x16x1024xf32, #tpu.memory_space<vmem>>
    %dma_wait3A_1253 = tpu.memref_squeeze %dma_wait3A_1252 : memref<1x16x1024xf32, #tpu.memory_space<vmem>> -> memref<16x1024xf32, #tpu.memory_space<vmem>>
    %dma_wait3A_1254 = arith.constant 0 : i32
    %dma_wait3A_1255 = tpu.memref_slice %arg2[%add3A_1215, %dma_wait3A_1254] : memref<16384x1024xf32, #tpu.memory_space<hbm>> -> memref<16x1024xf32, #tpu.memory_space<hbm>>
    %dma_wait3A_1256 = tpu.memref_slice %arg10[%dma_wait3A_1249] : memref<2x!tpu.dma_semaphore, #tpu.memory_space<semaphore_mem>> -> memref<1x!tpu.dma_semaphore, #tpu.memory_space<semaphore_mem>>
    %dma_wait3A_1257 = tpu.memref_squeeze %dma_wait3A_1256 : memref<1x!tpu.dma_semaphore, #tpu.memory_space<semaphore_mem>> -> memref<!tpu.dma_semaphore, #tpu.memory_space<semaphore_mem>>
    %dma_wait3A_1258 = arith.constant 0 : i32
    %dma_wait3A_1259 = arith.constant 0 : i32
    %dma_wait3A_1260 = tpu.memref_slice %arg6[%dma_wait3A_1248, %dma_wait3A_1258, %dma_wait3A_1259] : memref<2x16x1024xf32, #tpu.memory_space<vmem>> -> memref<1x16x1024xf32, #tpu.memory_space<vmem>>
    %dma_wait3A_1261 = tpu.memref_squeeze %dma_wait3A_1260 : memref<1x16x1024xf32, #tpu.memory_space<vmem>> -> memref<16x1024xf32, #tpu.memory_space<vmem>>
    %dma_wait3A_1262 = arith.constant 0 : i32
    %dma_wait3A_1263 = tpu.memref_slice %arg2[%add3A_1215, %dma_wait3A_1262] : memref<16384x1024xf32, #tpu.memory_space<hbm>> -> memref<16x1024xf32, #tpu.memory_space<hbm>>
    tpu.wait_dma2 semaphore(%dma_wait3A_1257 : memref<!tpu.dma_semaphore, #tpu.memory_space<semaphore_mem>>) src(%dma_wait3A_1263 : memref<16x1024xf32, #tpu.memory_space<hbm>>) dst(%dma_wait3A_1261 : memref<16x1024xf32, #tpu.memory_space<vmem>>)
    %dma_wait3A_1264 = arith.constant 0 : i32
    %dma_wait3A_1265 = arith.constant 0 : i32
    %dma_wait3A_1266 = arith.constant 0 : i32
    %dma_wait3A_1267 = arith.constant 0 : i32
    %dma_wait3A_1268 = tpu.memref_slice %arg7[%dma_wait3A_1264, %dma_wait3A_1266, %dma_wait3A_1267] : memref<2x16x1024xi32, #tpu.memory_space<vmem>> -> memref<1x16x1024xi32, #tpu.memory_space<vmem>>
    %dma_wait3A_1269 = tpu.memref_squeeze %dma_wait3A_1268 : memref<1x16x1024xi32, #tpu.memory_space<vmem>> -> memref<16x1024xi32, #tpu.memory_space<vmem>>
    %dma_wait3A_1270 = arith.constant 0 : i32
    %dma_wait3A_1271 = tpu.memref_slice %arg3[%add3A_1215, %dma_wait3A_1270] : memref<16384x1024xi32, #tpu.memory_space<hbm>> -> memref<16x1024xi32, #tpu.memory_space<hbm>>
    %dma_wait3A_1272 = tpu.memref_slice %arg10[%dma_wait3A_1265] : memref<2x!tpu.dma_semaphore, #tpu.memory_space<semaphore_mem>> -> memref<1x!tpu.dma_semaphore, #tpu.memory_space<semaphore_mem>>
    %dma_wait3A_1273 = tpu.memref_squeeze %dma_wait3A_1272 : memref<1x!tpu.dma_semaphore, #tpu.memory_space<semaphore_mem>> -> memref<!tpu.dma_semaphore, #tpu.memory_space<semaphore_mem>>
    %dma_wait3A_1274 = arith.constant 0 : i32
    %dma_wait3A_1275 = arith.constant 0 : i32
    %dma_wait3A_1276 = tpu.memref_slice %arg7[%dma_wait3A_1264, %dma_wait3A_1274, %dma_wait3A_1275] : memref<2x16x1024xi32, #tpu.memory_space<vmem>> -> memref<1x16x1024xi32, #tpu.memory_space<vmem>>
    %dma_wait3A_1277 = tpu.memref_squeeze %dma_wait3A_1276 : memref<1x16x1024xi32, #tpu.memory_space<vmem>> -> memref<16x1024xi32, #tpu.memory_space<vmem>>
    %dma_wait3A_1278 = arith.constant 0 : i32
    %dma_wait3A_1279 = tpu.memref_slice %arg3[%add3A_1215, %dma_wait3A_1278] : memref<16384x1024xi32, #tpu.memory_space<hbm>> -> memref<16x1024xi32, #tpu.memory_space<hbm>>
    tpu.wait_dma2 semaphore(%dma_wait3A_1273 : memref<!tpu.dma_semaphore, #tpu.memory_space<semaphore_mem>>) src(%dma_wait3A_1279 : memref<16x1024xi32, #tpu.memory_space<hbm>>) dst(%dma_wait3A_1277 : memref<16x1024xi32, #tpu.memory_space<vmem>>)
    %add3A_1280 = arith.constant 304 : i32
    %add3A_1281 = arith.addi %add3A_4, %add3A_1280 : i32
    %dma_start3A_1282 = arith.constant 1 : i32
    %dma_start3A_1283 = arith.constant 1 : i32
    %dma_start3A_1284 = arith.constant 0 : i32
    %dma_start3A_1285 = arith.constant 0 : i32
    %dma_start3A_1286 = tpu.memref_slice %arg6[%dma_start3A_1282, %dma_start3A_1284, %dma_start3A_1285] : memref<2x16x1024xf32, #tpu.memory_space<vmem>> -> memref<1x16x1024xf32, #tpu.memory_space<vmem>>
    %dma_start3A_1287 = tpu.memref_squeeze %dma_start3A_1286 : memref<1x16x1024xf32, #tpu.memory_space<vmem>> -> memref<16x1024xf32, #tpu.memory_space<vmem>>
    %dma_start3A_1288 = arith.constant 0 : i32
    %dma_start3A_1289 = tpu.memref_slice %arg2[%add3A_1281, %dma_start3A_1288] : memref<16384x1024xf32, #tpu.memory_space<hbm>> -> memref<16x1024xf32, #tpu.memory_space<hbm>>
    %dma_start3A_1290 = tpu.memref_slice %arg10[%dma_start3A_1283] : memref<2x!tpu.dma_semaphore, #tpu.memory_space<semaphore_mem>> -> memref<1x!tpu.dma_semaphore, #tpu.memory_space<semaphore_mem>>
    %dma_start3A_1291 = tpu.memref_squeeze %dma_start3A_1290 : memref<1x!tpu.dma_semaphore, #tpu.memory_space<semaphore_mem>> -> memref<!tpu.dma_semaphore, #tpu.memory_space<semaphore_mem>>
    %dma_start3A_1292 = arith.constant 0 : i32
    %dma_start3A_1293 = arith.constant 0 : i32
    %dma_start3A_1294 = tpu.memref_slice %arg6[%dma_start3A_1282, %dma_start3A_1292, %dma_start3A_1293] : memref<2x16x1024xf32, #tpu.memory_space<vmem>> -> memref<1x16x1024xf32, #tpu.memory_space<vmem>>
    %dma_start3A_1295 = tpu.memref_squeeze %dma_start3A_1294 : memref<1x16x1024xf32, #tpu.memory_space<vmem>> -> memref<16x1024xf32, #tpu.memory_space<vmem>>
    %dma_start3A_1296 = arith.constant 0 : i32
    %dma_start3A_1297 = tpu.memref_slice %arg2[%add3A_1281, %dma_start3A_1296] : memref<16384x1024xf32, #tpu.memory_space<hbm>> -> memref<16x1024xf32, #tpu.memory_space<hbm>>
    tpu.enqueue_dma source(%dma_start3A_1297 : memref<16x1024xf32, #tpu.memory_space<hbm>>) target(%dma_start3A_1295 : memref<16x1024xf32, #tpu.memory_space<vmem>>) target_semaphore(%dma_start3A_1291 : memref<!tpu.dma_semaphore, #tpu.memory_space<semaphore_mem>>)
    %dma_start3A_1298 = arith.constant 1 : i32
    %dma_start3A_1299 = arith.constant 1 : i32
    %dma_start3A_1300 = arith.constant 0 : i32
    %dma_start3A_1301 = arith.constant 0 : i32
    %dma_start3A_1302 = tpu.memref_slice %arg7[%dma_start3A_1298, %dma_start3A_1300, %dma_start3A_1301] : memref<2x16x1024xi32, #tpu.memory_space<vmem>> -> memref<1x16x1024xi32, #tpu.memory_space<vmem>>
    %dma_start3A_1303 = tpu.memref_squeeze %dma_start3A_1302 : memref<1x16x1024xi32, #tpu.memory_space<vmem>> -> memref<16x1024xi32, #tpu.memory_space<vmem>>
    %dma_start3A_1304 = arith.constant 0 : i32
    %dma_start3A_1305 = tpu.memref_slice %arg3[%add3A_1281, %dma_start3A_1304] : memref<16384x1024xi32, #tpu.memory_space<hbm>> -> memref<16x1024xi32, #tpu.memory_space<hbm>>
    %dma_start3A_1306 = tpu.memref_slice %arg10[%dma_start3A_1299] : memref<2x!tpu.dma_semaphore, #tpu.memory_space<semaphore_mem>> -> memref<1x!tpu.dma_semaphore, #tpu.memory_space<semaphore_mem>>
    %dma_start3A_1307 = tpu.memref_squeeze %dma_start3A_1306 : memref<1x!tpu.dma_semaphore, #tpu.memory_space<semaphore_mem>> -> memref<!tpu.dma_semaphore, #tpu.memory_space<semaphore_mem>>
    %dma_start3A_1308 = arith.constant 0 : i32
    %dma_start3A_1309 = arith.constant 0 : i32
    %dma_start3A_1310 = tpu.memref_slice %arg7[%dma_start3A_1298, %dma_start3A_1308, %dma_start3A_1309] : memref<2x16x1024xi32, #tpu.memory_space<vmem>> -> memref<1x16x1024xi32, #tpu.memory_space<vmem>>
    %dma_start3A_1311 = tpu.memref_squeeze %dma_start3A_1310 : memref<1x16x1024xi32, #tpu.memory_space<vmem>> -> memref<16x1024xi32, #tpu.memory_space<vmem>>
    %dma_start3A_1312 = arith.constant 0 : i32
    %dma_start3A_1313 = tpu.memref_slice %arg3[%add3A_1281, %dma_start3A_1312] : memref<16384x1024xi32, #tpu.memory_space<hbm>> -> memref<16x1024xi32, #tpu.memory_space<hbm>>
    tpu.enqueue_dma source(%dma_start3A_1313 : memref<16x1024xi32, #tpu.memory_space<hbm>>) target(%dma_start3A_1311 : memref<16x1024xi32, #tpu.memory_space<vmem>>) target_semaphore(%dma_start3A_1307 : memref<!tpu.dma_semaphore, #tpu.memory_space<semaphore_mem>>)
    %dma_wait3A_1314 = arith.constant 1 : i32
    %dma_wait3A_1315 = arith.constant 1 : i32
    %dma_wait3A_1316 = arith.constant 0 : i32
    %dma_wait3A_1317 = arith.constant 0 : i32
    %dma_wait3A_1318 = tpu.memref_slice %arg6[%dma_wait3A_1314, %dma_wait3A_1316, %dma_wait3A_1317] : memref<2x16x1024xf32, #tpu.memory_space<vmem>> -> memref<1x16x1024xf32, #tpu.memory_space<vmem>>
    %dma_wait3A_1319 = tpu.memref_squeeze %dma_wait3A_1318 : memref<1x16x1024xf32, #tpu.memory_space<vmem>> -> memref<16x1024xf32, #tpu.memory_space<vmem>>
    %dma_wait3A_1320 = arith.constant 0 : i32
    %dma_wait3A_1321 = tpu.memref_slice %arg2[%add3A_1281, %dma_wait3A_1320] : memref<16384x1024xf32, #tpu.memory_space<hbm>> -> memref<16x1024xf32, #tpu.memory_space<hbm>>
    %dma_wait3A_1322 = tpu.memref_slice %arg10[%dma_wait3A_1315] : memref<2x!tpu.dma_semaphore, #tpu.memory_space<semaphore_mem>> -> memref<1x!tpu.dma_semaphore, #tpu.memory_space<semaphore_mem>>
    %dma_wait3A_1323 = tpu.memref_squeeze %dma_wait3A_1322 : memref<1x!tpu.dma_semaphore, #tpu.memory_space<semaphore_mem>> -> memref<!tpu.dma_semaphore, #tpu.memory_space<semaphore_mem>>
    %dma_wait3A_1324 = arith.constant 0 : i32
    %dma_wait3A_1325 = arith.constant 0 : i32
    %dma_wait3A_1326 = tpu.memref_slice %arg6[%dma_wait3A_1314, %dma_wait3A_1324, %dma_wait3A_1325] : memref<2x16x1024xf32, #tpu.memory_space<vmem>> -> memref<1x16x1024xf32, #tpu.memory_space<vmem>>
    %dma_wait3A_1327 = tpu.memref_squeeze %dma_wait3A_1326 : memref<1x16x1024xf32, #tpu.memory_space<vmem>> -> memref<16x1024xf32, #tpu.memory_space<vmem>>
    %dma_wait3A_1328 = arith.constant 0 : i32
    %dma_wait3A_1329 = tpu.memref_slice %arg2[%add3A_1281, %dma_wait3A_1328] : memref<16384x1024xf32, #tpu.memory_space<hbm>> -> memref<16x1024xf32, #tpu.memory_space<hbm>>
    tpu.wait_dma2 semaphore(%dma_wait3A_1323 : memref<!tpu.dma_semaphore, #tpu.memory_space<semaphore_mem>>) src(%dma_wait3A_1329 : memref<16x1024xf32, #tpu.memory_space<hbm>>) dst(%dma_wait3A_1327 : memref<16x1024xf32, #tpu.memory_space<vmem>>)
    %dma_wait3A_1330 = arith.constant 1 : i32
    %dma_wait3A_1331 = arith.constant 1 : i32
    %dma_wait3A_1332 = arith.constant 0 : i32
    %dma_wait3A_1333 = arith.constant 0 : i32
    %dma_wait3A_1334 = tpu.memref_slice %arg7[%dma_wait3A_1330, %dma_wait3A_1332, %dma_wait3A_1333] : memref<2x16x1024xi32, #tpu.memory_space<vmem>> -> memref<1x16x1024xi32, #tpu.memory_space<vmem>>
    %dma_wait3A_1335 = tpu.memref_squeeze %dma_wait3A_1334 : memref<1x16x1024xi32, #tpu.memory_space<vmem>> -> memref<16x1024xi32, #tpu.memory_space<vmem>>
    %dma_wait3A_1336 = arith.constant 0 : i32
    %dma_wait3A_1337 = tpu.memref_slice %arg3[%add3A_1281, %dma_wait3A_1336] : memref<16384x1024xi32, #tpu.memory_space<hbm>> -> memref<16x1024xi32, #tpu.memory_space<hbm>>
    %dma_wait3A_1338 = tpu.memref_slice %arg10[%dma_wait3A_1331] : memref<2x!tpu.dma_semaphore, #tpu.memory_space<semaphore_mem>> -> memref<1x!tpu.dma_semaphore, #tpu.memory_space<semaphore_mem>>
    %dma_wait3A_1339 = tpu.memref_squeeze %dma_wait3A_1338 : memref<1x!tpu.dma_semaphore, #tpu.memory_space<semaphore_mem>> -> memref<!tpu.dma_semaphore, #tpu.memory_space<semaphore_mem>>
    %dma_wait3A_1340 = arith.constant 0 : i32
    %dma_wait3A_1341 = arith.constant 0 : i32
    %dma_wait3A_1342 = tpu.memref_slice %arg7[%dma_wait3A_1330, %dma_wait3A_1340, %dma_wait3A_1341] : memref<2x16x1024xi32, #tpu.memory_space<vmem>> -> memref<1x16x1024xi32, #tpu.memory_space<vmem>>
    %dma_wait3A_1343 = tpu.memref_squeeze %dma_wait3A_1342 : memref<1x16x1024xi32, #tpu.memory_space<vmem>> -> memref<16x1024xi32, #tpu.memory_space<vmem>>
    %dma_wait3A_1344 = arith.constant 0 : i32
    %dma_wait3A_1345 = tpu.memref_slice %arg3[%add3A_1281, %dma_wait3A_1344] : memref<16384x1024xi32, #tpu.memory_space<hbm>> -> memref<16x1024xi32, #tpu.memory_space<hbm>>
    tpu.wait_dma2 semaphore(%dma_wait3A_1339 : memref<!tpu.dma_semaphore, #tpu.memory_space<semaphore_mem>>) src(%dma_wait3A_1345 : memref<16x1024xi32, #tpu.memory_space<hbm>>) dst(%dma_wait3A_1343 : memref<16x1024xi32, #tpu.memory_space<vmem>>)
    %add3A_1346 = arith.constant 320 : i32
    %add3A_1347 = arith.addi %add3A_4, %add3A_1346 : i32
    %dma_start3A_1348 = arith.constant 0 : i32
    %dma_start3A_1349 = arith.constant 0 : i32
    %dma_start3A_1350 = arith.constant 0 : i32
    %dma_start3A_1351 = arith.constant 0 : i32
    %dma_start3A_1352 = tpu.memref_slice %arg6[%dma_start3A_1348, %dma_start3A_1350, %dma_start3A_1351] : memref<2x16x1024xf32, #tpu.memory_space<vmem>> -> memref<1x16x1024xf32, #tpu.memory_space<vmem>>
    %dma_start3A_1353 = tpu.memref_squeeze %dma_start3A_1352 : memref<1x16x1024xf32, #tpu.memory_space<vmem>> -> memref<16x1024xf32, #tpu.memory_space<vmem>>
    %dma_start3A_1354 = arith.constant 0 : i32
    %dma_start3A_1355 = tpu.memref_slice %arg2[%add3A_1347, %dma_start3A_1354] : memref<16384x1024xf32, #tpu.memory_space<hbm>> -> memref<16x1024xf32, #tpu.memory_space<hbm>>
    %dma_start3A_1356 = tpu.memref_slice %arg10[%dma_start3A_1349] : memref<2x!tpu.dma_semaphore, #tpu.memory_space<semaphore_mem>> -> memref<1x!tpu.dma_semaphore, #tpu.memory_space<semaphore_mem>>
    %dma_start3A_1357 = tpu.memref_squeeze %dma_start3A_1356 : memref<1x!tpu.dma_semaphore, #tpu.memory_space<semaphore_mem>> -> memref<!tpu.dma_semaphore, #tpu.memory_space<semaphore_mem>>
    %dma_start3A_1358 = arith.constant 0 : i32
    %dma_start3A_1359 = arith.constant 0 : i32
    %dma_start3A_1360 = tpu.memref_slice %arg6[%dma_start3A_1348, %dma_start3A_1358, %dma_start3A_1359] : memref<2x16x1024xf32, #tpu.memory_space<vmem>> -> memref<1x16x1024xf32, #tpu.memory_space<vmem>>
    %dma_start3A_1361 = tpu.memref_squeeze %dma_start3A_1360 : memref<1x16x1024xf32, #tpu.memory_space<vmem>> -> memref<16x1024xf32, #tpu.memory_space<vmem>>
    %dma_start3A_1362 = arith.constant 0 : i32
    %dma_start3A_1363 = tpu.memref_slice %arg2[%add3A_1347, %dma_start3A_1362] : memref<16384x1024xf32, #tpu.memory_space<hbm>> -> memref<16x1024xf32, #tpu.memory_space<hbm>>
    tpu.enqueue_dma source(%dma_start3A_1363 : memref<16x1024xf32, #tpu.memory_space<hbm>>) target(%dma_start3A_1361 : memref<16x1024xf32, #tpu.memory_space<vmem>>) target_semaphore(%dma_start3A_1357 : memref<!tpu.dma_semaphore, #tpu.memory_space<semaphore_mem>>)
    %dma_start3A_1364 = arith.constant 0 : i32
    %dma_start3A_1365 = arith.constant 0 : i32
    %dma_start3A_1366 = arith.constant 0 : i32
    %dma_start3A_1367 = arith.constant 0 : i32
    %dma_start3A_1368 = tpu.memref_slice %arg7[%dma_start3A_1364, %dma_start3A_1366, %dma_start3A_1367] : memref<2x16x1024xi32, #tpu.memory_space<vmem>> -> memref<1x16x1024xi32, #tpu.memory_space<vmem>>
    %dma_start3A_1369 = tpu.memref_squeeze %dma_start3A_1368 : memref<1x16x1024xi32, #tpu.memory_space<vmem>> -> memref<16x1024xi32, #tpu.memory_space<vmem>>
    %dma_start3A_1370 = arith.constant 0 : i32
    %dma_start3A_1371 = tpu.memref_slice %arg3[%add3A_1347, %dma_start3A_1370] : memref<16384x1024xi32, #tpu.memory_space<hbm>> -> memref<16x1024xi32, #tpu.memory_space<hbm>>
    %dma_start3A_1372 = tpu.memref_slice %arg10[%dma_start3A_1365] : memref<2x!tpu.dma_semaphore, #tpu.memory_space<semaphore_mem>> -> memref<1x!tpu.dma_semaphore, #tpu.memory_space<semaphore_mem>>
    %dma_start3A_1373 = tpu.memref_squeeze %dma_start3A_1372 : memref<1x!tpu.dma_semaphore, #tpu.memory_space<semaphore_mem>> -> memref<!tpu.dma_semaphore, #tpu.memory_space<semaphore_mem>>
    %dma_start3A_1374 = arith.constant 0 : i32
    %dma_start3A_1375 = arith.constant 0 : i32
    %dma_start3A_1376 = tpu.memref_slice %arg7[%dma_start3A_1364, %dma_start3A_1374, %dma_start3A_1375] : memref<2x16x1024xi32, #tpu.memory_space<vmem>> -> memref<1x16x1024xi32, #tpu.memory_space<vmem>>
    %dma_start3A_1377 = tpu.memref_squeeze %dma_start3A_1376 : memref<1x16x1024xi32, #tpu.memory_space<vmem>> -> memref<16x1024xi32, #tpu.memory_space<vmem>>
    %dma_start3A_1378 = arith.constant 0 : i32
    %dma_start3A_1379 = tpu.memref_slice %arg3[%add3A_1347, %dma_start3A_1378] : memref<16384x1024xi32, #tpu.memory_space<hbm>> -> memref<16x1024xi32, #tpu.memory_space<hbm>>
    tpu.enqueue_dma source(%dma_start3A_1379 : memref<16x1024xi32, #tpu.memory_space<hbm>>) target(%dma_start3A_1377 : memref<16x1024xi32, #tpu.memory_space<vmem>>) target_semaphore(%dma_start3A_1373 : memref<!tpu.dma_semaphore, #tpu.memory_space<semaphore_mem>>)
    %dma_wait3A_1380 = arith.constant 0 : i32
    %dma_wait3A_1381 = arith.constant 0 : i32
    %dma_wait3A_1382 = arith.constant 0 : i32
    %dma_wait3A_1383 = arith.constant 0 : i32
    %dma_wait3A_1384 = tpu.memref_slice %arg6[%dma_wait3A_1380, %dma_wait3A_1382, %dma_wait3A_1383] : memref<2x16x1024xf32, #tpu.memory_space<vmem>> -> memref<1x16x1024xf32, #tpu.memory_space<vmem>>
    %dma_wait3A_1385 = tpu.memref_squeeze %dma_wait3A_1384 : memref<1x16x1024xf32, #tpu.memory_space<vmem>> -> memref<16x1024xf32, #tpu.memory_space<vmem>>
    %dma_wait3A_1386 = arith.constant 0 : i32
    %dma_wait3A_1387 = tpu.memref_slice %arg2[%add3A_1347, %dma_wait3A_1386] : memref<16384x1024xf32, #tpu.memory_space<hbm>> -> memref<16x1024xf32, #tpu.memory_space<hbm>>
    %dma_wait3A_1388 = tpu.memref_slice %arg10[%dma_wait3A_1381] : memref<2x!tpu.dma_semaphore, #tpu.memory_space<semaphore_mem>> -> memref<1x!tpu.dma_semaphore, #tpu.memory_space<semaphore_mem>>
    %dma_wait3A_1389 = tpu.memref_squeeze %dma_wait3A_1388 : memref<1x!tpu.dma_semaphore, #tpu.memory_space<semaphore_mem>> -> memref<!tpu.dma_semaphore, #tpu.memory_space<semaphore_mem>>
    %dma_wait3A_1390 = arith.constant 0 : i32
    %dma_wait3A_1391 = arith.constant 0 : i32
    %dma_wait3A_1392 = tpu.memref_slice %arg6[%dma_wait3A_1380, %dma_wait3A_1390, %dma_wait3A_1391] : memref<2x16x1024xf32, #tpu.memory_space<vmem>> -> memref<1x16x1024xf32, #tpu.memory_space<vmem>>
    %dma_wait3A_1393 = tpu.memref_squeeze %dma_wait3A_1392 : memref<1x16x1024xf32, #tpu.memory_space<vmem>> -> memref<16x1024xf32, #tpu.memory_space<vmem>>
    %dma_wait3A_1394 = arith.constant 0 : i32
    %dma_wait3A_1395 = tpu.memref_slice %arg2[%add3A_1347, %dma_wait3A_1394] : memref<16384x1024xf32, #tpu.memory_space<hbm>> -> memref<16x1024xf32, #tpu.memory_space<hbm>>
    tpu.wait_dma2 semaphore(%dma_wait3A_1389 : memref<!tpu.dma_semaphore, #tpu.memory_space<semaphore_mem>>) src(%dma_wait3A_1395 : memref<16x1024xf32, #tpu.memory_space<hbm>>) dst(%dma_wait3A_1393 : memref<16x1024xf32, #tpu.memory_space<vmem>>)
    %dma_wait3A_1396 = arith.constant 0 : i32
    %dma_wait3A_1397 = arith.constant 0 : i32
    %dma_wait3A_1398 = arith.constant 0 : i32
    %dma_wait3A_1399 = arith.constant 0 : i32
    %dma_wait3A_1400 = tpu.memref_slice %arg7[%dma_wait3A_1396, %dma_wait3A_1398, %dma_wait3A_1399] : memref<2x16x1024xi32, #tpu.memory_space<vmem>> -> memref<1x16x1024xi32, #tpu.memory_space<vmem>>
    %dma_wait3A_1401 = tpu.memref_squeeze %dma_wait3A_1400 : memref<1x16x1024xi32, #tpu.memory_space<vmem>> -> memref<16x1024xi32, #tpu.memory_space<vmem>>
    %dma_wait3A_1402 = arith.constant 0 : i32
    %dma_wait3A_1403 = tpu.memref_slice %arg3[%add3A_1347, %dma_wait3A_1402] : memref<16384x1024xi32, #tpu.memory_space<hbm>> -> memref<16x1024xi32, #tpu.memory_space<hbm>>
    %dma_wait3A_1404 = tpu.memref_slice %arg10[%dma_wait3A_1397] : memref<2x!tpu.dma_semaphore, #tpu.memory_space<semaphore_mem>> -> memref<1x!tpu.dma_semaphore, #tpu.memory_space<semaphore_mem>>
    %dma_wait3A_1405 = tpu.memref_squeeze %dma_wait3A_1404 : memref<1x!tpu.dma_semaphore, #tpu.memory_space<semaphore_mem>> -> memref<!tpu.dma_semaphore, #tpu.memory_space<semaphore_mem>>
    %dma_wait3A_1406 = arith.constant 0 : i32
    %dma_wait3A_1407 = arith.constant 0 : i32
    %dma_wait3A_1408 = tpu.memref_slice %arg7[%dma_wait3A_1396, %dma_wait3A_1406, %dma_wait3A_1407] : memref<2x16x1024xi32, #tpu.memory_space<vmem>> -> memref<1x16x1024xi32, #tpu.memory_space<vmem>>
    %dma_wait3A_1409 = tpu.memref_squeeze %dma_wait3A_1408 : memref<1x16x1024xi32, #tpu.memory_space<vmem>> -> memref<16x1024xi32, #tpu.memory_space<vmem>>
    %dma_wait3A_1410 = arith.constant 0 : i32
    %dma_wait3A_1411 = tpu.memref_slice %arg3[%add3A_1347, %dma_wait3A_1410] : memref<16384x1024xi32, #tpu.memory_space<hbm>> -> memref<16x1024xi32, #tpu.memory_space<hbm>>
    tpu.wait_dma2 semaphore(%dma_wait3A_1405 : memref<!tpu.dma_semaphore, #tpu.memory_space<semaphore_mem>>) src(%dma_wait3A_1411 : memref<16x1024xi32, #tpu.memory_space<hbm>>) dst(%dma_wait3A_1409 : memref<16x1024xi32, #tpu.memory_space<vmem>>)
    %add3A_1412 = arith.constant 336 : i32
    %add3A_1413 = arith.addi %add3A_4, %add3A_1412 : i32
    %dma_start3A_1414 = arith.constant 1 : i32
    %dma_start3A_1415 = arith.constant 1 : i32
    %dma_start3A_1416 = arith.constant 0 : i32
    %dma_start3A_1417 = arith.constant 0 : i32
    %dma_start3A_1418 = tpu.memref_slice %arg6[%dma_start3A_1414, %dma_start3A_1416, %dma_start3A_1417] : memref<2x16x1024xf32, #tpu.memory_space<vmem>> -> memref<1x16x1024xf32, #tpu.memory_space<vmem>>
    %dma_start3A_1419 = tpu.memref_squeeze %dma_start3A_1418 : memref<1x16x1024xf32, #tpu.memory_space<vmem>> -> memref<16x1024xf32, #tpu.memory_space<vmem>>
    %dma_start3A_1420 = arith.constant 0 : i32
    %dma_start3A_1421 = tpu.memref_slice %arg2[%add3A_1413, %dma_start3A_1420] : memref<16384x1024xf32, #tpu.memory_space<hbm>> -> memref<16x1024xf32, #tpu.memory_space<hbm>>
    %dma_start3A_1422 = tpu.memref_slice %arg10[%dma_start3A_1415] : memref<2x!tpu.dma_semaphore, #tpu.memory_space<semaphore_mem>> -> memref<1x!tpu.dma_semaphore, #tpu.memory_space<semaphore_mem>>
    %dma_start3A_1423 = tpu.memref_squeeze %dma_start3A_1422 : memref<1x!tpu.dma_semaphore, #tpu.memory_space<semaphore_mem>> -> memref<!tpu.dma_semaphore, #tpu.memory_space<semaphore_mem>>
    %dma_start3A_1424 = arith.constant 0 : i32
    %dma_start3A_1425 = arith.constant 0 : i32
    %dma_start3A_1426 = tpu.memref_slice %arg6[%dma_start3A_1414, %dma_start3A_1424, %dma_start3A_1425] : memref<2x16x1024xf32, #tpu.memory_space<vmem>> -> memref<1x16x1024xf32, #tpu.memory_space<vmem>>
    %dma_start3A_1427 = tpu.memref_squeeze %dma_start3A_1426 : memref<1x16x1024xf32, #tpu.memory_space<vmem>> -> memref<16x1024xf32, #tpu.memory_space<vmem>>
    %dma_start3A_1428 = arith.constant 0 : i32
    %dma_start3A_1429 = tpu.memref_slice %arg2[%add3A_1413, %dma_start3A_1428] : memref<16384x1024xf32, #tpu.memory_space<hbm>> -> memref<16x1024xf32, #tpu.memory_space<hbm>>
    tpu.enqueue_dma source(%dma_start3A_1429 : memref<16x1024xf32, #tpu.memory_space<hbm>>) target(%dma_start3A_1427 : memref<16x1024xf32, #tpu.memory_space<vmem>>) target_semaphore(%dma_start3A_1423 : memref<!tpu.dma_semaphore, #tpu.memory_space<semaphore_mem>>)
    %dma_start3A_1430 = arith.constant 1 : i32
    %dma_start3A_1431 = arith.constant 1 : i32
    %dma_start3A_1432 = arith.constant 0 : i32
    %dma_start3A_1433 = arith.constant 0 : i32
    %dma_start3A_1434 = tpu.memref_slice %arg7[%dma_start3A_1430, %dma_start3A_1432, %dma_start3A_1433] : memref<2x16x1024xi32, #tpu.memory_space<vmem>> -> memref<1x16x1024xi32, #tpu.memory_space<vmem>>
    %dma_start3A_1435 = tpu.memref_squeeze %dma_start3A_1434 : memref<1x16x1024xi32, #tpu.memory_space<vmem>> -> memref<16x1024xi32, #tpu.memory_space<vmem>>
    %dma_start3A_1436 = arith.constant 0 : i32
    %dma_start3A_1437 = tpu.memref_slice %arg3[%add3A_1413, %dma_start3A_1436] : memref<16384x1024xi32, #tpu.memory_space<hbm>> -> memref<16x1024xi32, #tpu.memory_space<hbm>>
    %dma_start3A_1438 = tpu.memref_slice %arg10[%dma_start3A_1431] : memref<2x!tpu.dma_semaphore, #tpu.memory_space<semaphore_mem>> -> memref<1x!tpu.dma_semaphore, #tpu.memory_space<semaphore_mem>>
    %dma_start3A_1439 = tpu.memref_squeeze %dma_start3A_1438 : memref<1x!tpu.dma_semaphore, #tpu.memory_space<semaphore_mem>> -> memref<!tpu.dma_semaphore, #tpu.memory_space<semaphore_mem>>
    %dma_start3A_1440 = arith.constant 0 : i32
    %dma_start3A_1441 = arith.constant 0 : i32
    %dma_start3A_1442 = tpu.memref_slice %arg7[%dma_start3A_1430, %dma_start3A_1440, %dma_start3A_1441] : memref<2x16x1024xi32, #tpu.memory_space<vmem>> -> memref<1x16x1024xi32, #tpu.memory_space<vmem>>
    %dma_start3A_1443 = tpu.memref_squeeze %dma_start3A_1442 : memref<1x16x1024xi32, #tpu.memory_space<vmem>> -> memref<16x1024xi32, #tpu.memory_space<vmem>>
    %dma_start3A_1444 = arith.constant 0 : i32
    %dma_start3A_1445 = tpu.memref_slice %arg3[%add3A_1413, %dma_start3A_1444] : memref<16384x1024xi32, #tpu.memory_space<hbm>> -> memref<16x1024xi32, #tpu.memory_space<hbm>>
    tpu.enqueue_dma source(%dma_start3A_1445 : memref<16x1024xi32, #tpu.memory_space<hbm>>) target(%dma_start3A_1443 : memref<16x1024xi32, #tpu.memory_space<vmem>>) target_semaphore(%dma_start3A_1439 : memref<!tpu.dma_semaphore, #tpu.memory_space<semaphore_mem>>)
    %dma_wait3A_1446 = arith.constant 1 : i32
    %dma_wait3A_1447 = arith.constant 1 : i32
    %dma_wait3A_1448 = arith.constant 0 : i32
    %dma_wait3A_1449 = arith.constant 0 : i32
    %dma_wait3A_1450 = tpu.memref_slice %arg6[%dma_wait3A_1446, %dma_wait3A_1448, %dma_wait3A_1449] : memref<2x16x1024xf32, #tpu.memory_space<vmem>> -> memref<1x16x1024xf32, #tpu.memory_space<vmem>>
    %dma_wait3A_1451 = tpu.memref_squeeze %dma_wait3A_1450 : memref<1x16x1024xf32, #tpu.memory_space<vmem>> -> memref<16x1024xf32, #tpu.memory_space<vmem>>
    %dma_wait3A_1452 = arith.constant 0 : i32
    %dma_wait3A_1453 = tpu.memref_slice %arg2[%add3A_1413, %dma_wait3A_1452] : memref<16384x1024xf32, #tpu.memory_space<hbm>> -> memref<16x1024xf32, #tpu.memory_space<hbm>>
    %dma_wait3A_1454 = tpu.memref_slice %arg10[%dma_wait3A_1447] : memref<2x!tpu.dma_semaphore, #tpu.memory_space<semaphore_mem>> -> memref<1x!tpu.dma_semaphore, #tpu.memory_space<semaphore_mem>>
    %dma_wait3A_1455 = tpu.memref_squeeze %dma_wait3A_1454 : memref<1x!tpu.dma_semaphore, #tpu.memory_space<semaphore_mem>> -> memref<!tpu.dma_semaphore, #tpu.memory_space<semaphore_mem>>
    %dma_wait3A_1456 = arith.constant 0 : i32
    %dma_wait3A_1457 = arith.constant 0 : i32
    %dma_wait3A_1458 = tpu.memref_slice %arg6[%dma_wait3A_1446, %dma_wait3A_1456, %dma_wait3A_1457] : memref<2x16x1024xf32, #tpu.memory_space<vmem>> -> memref<1x16x1024xf32, #tpu.memory_space<vmem>>
    %dma_wait3A_1459 = tpu.memref_squeeze %dma_wait3A_1458 : memref<1x16x1024xf32, #tpu.memory_space<vmem>> -> memref<16x1024xf32, #tpu.memory_space<vmem>>
    %dma_wait3A_1460 = arith.constant 0 : i32
    %dma_wait3A_1461 = tpu.memref_slice %arg2[%add3A_1413, %dma_wait3A_1460] : memref<16384x1024xf32, #tpu.memory_space<hbm>> -> memref<16x1024xf32, #tpu.memory_space<hbm>>
    tpu.wait_dma2 semaphore(%dma_wait3A_1455 : memref<!tpu.dma_semaphore, #tpu.memory_space<semaphore_mem>>) src(%dma_wait3A_1461 : memref<16x1024xf32, #tpu.memory_space<hbm>>) dst(%dma_wait3A_1459 : memref<16x1024xf32, #tpu.memory_space<vmem>>)
    %dma_wait3A_1462 = arith.constant 1 : i32
    %dma_wait3A_1463 = arith.constant 1 : i32
    %dma_wait3A_1464 = arith.constant 0 : i32
    %dma_wait3A_1465 = arith.constant 0 : i32
    %dma_wait3A_1466 = tpu.memref_slice %arg7[%dma_wait3A_1462, %dma_wait3A_1464, %dma_wait3A_1465] : memref<2x16x1024xi32, #tpu.memory_space<vmem>> -> memref<1x16x1024xi32, #tpu.memory_space<vmem>>
    %dma_wait3A_1467 = tpu.memref_squeeze %dma_wait3A_1466 : memref<1x16x1024xi32, #tpu.memory_space<vmem>> -> memref<16x1024xi32, #tpu.memory_space<vmem>>
    %dma_wait3A_1468 = arith.constant 0 : i32
    %dma_wait3A_1469 = tpu.memref_slice %arg3[%add3A_1413, %dma_wait3A_1468] : memref<16384x1024xi32, #tpu.memory_space<hbm>> -> memref<16x1024xi32, #tpu.memory_space<hbm>>
    %dma_wait3A_1470 = tpu.memref_slice %arg10[%dma_wait3A_1463] : memref<2x!tpu.dma_semaphore, #tpu.memory_space<semaphore_mem>> -> memref<1x!tpu.dma_semaphore, #tpu.memory_space<semaphore_mem>>
    %dma_wait3A_1471 = tpu.memref_squeeze %dma_wait3A_1470 : memref<1x!tpu.dma_semaphore, #tpu.memory_space<semaphore_mem>> -> memref<!tpu.dma_semaphore, #tpu.memory_space<semaphore_mem>>
    %dma_wait3A_1472 = arith.constant 0 : i32
    %dma_wait3A_1473 = arith.constant 0 : i32
    %dma_wait3A_1474 = tpu.memref_slice %arg7[%dma_wait3A_1462, %dma_wait3A_1472, %dma_wait3A_1473] : memref<2x16x1024xi32, #tpu.memory_space<vmem>> -> memref<1x16x1024xi32, #tpu.memory_space<vmem>>
    %dma_wait3A_1475 = tpu.memref_squeeze %dma_wait3A_1474 : memref<1x16x1024xi32, #tpu.memory_space<vmem>> -> memref<16x1024xi32, #tpu.memory_space<vmem>>
    %dma_wait3A_1476 = arith.constant 0 : i32
    %dma_wait3A_1477 = tpu.memref_slice %arg3[%add3A_1413, %dma_wait3A_1476] : memref<16384x1024xi32, #tpu.memory_space<hbm>> -> memref<16x1024xi32, #tpu.memory_space<hbm>>
    tpu.wait_dma2 semaphore(%dma_wait3A_1471 : memref<!tpu.dma_semaphore, #tpu.memory_space<semaphore_mem>>) src(%dma_wait3A_1477 : memref<16x1024xi32, #tpu.memory_space<hbm>>) dst(%dma_wait3A_1475 : memref<16x1024xi32, #tpu.memory_space<vmem>>)
    %add3A_1478 = arith.constant 352 : i32
    %add3A_1479 = arith.addi %add3A_4, %add3A_1478 : i32
    %dma_start3A_1480 = arith.constant 0 : i32
    %dma_start3A_1481 = arith.constant 0 : i32
    %dma_start3A_1482 = arith.constant 0 : i32
    %dma_start3A_1483 = arith.constant 0 : i32
    %dma_start3A_1484 = tpu.memref_slice %arg6[%dma_start3A_1480, %dma_start3A_1482, %dma_start3A_1483] : memref<2x16x1024xf32, #tpu.memory_space<vmem>> -> memref<1x16x1024xf32, #tpu.memory_space<vmem>>
    %dma_start3A_1485 = tpu.memref_squeeze %dma_start3A_1484 : memref<1x16x1024xf32, #tpu.memory_space<vmem>> -> memref<16x1024xf32, #tpu.memory_space<vmem>>
    %dma_start3A_1486 = arith.constant 0 : i32
    %dma_start3A_1487 = tpu.memref_slice %arg2[%add3A_1479, %dma_start3A_1486] : memref<16384x1024xf32, #tpu.memory_space<hbm>> -> memref<16x1024xf32, #tpu.memory_space<hbm>>
    %dma_start3A_1488 = tpu.memref_slice %arg10[%dma_start3A_1481] : memref<2x!tpu.dma_semaphore, #tpu.memory_space<semaphore_mem>> -> memref<1x!tpu.dma_semaphore, #tpu.memory_space<semaphore_mem>>
    %dma_start3A_1489 = tpu.memref_squeeze %dma_start3A_1488 : memref<1x!tpu.dma_semaphore, #tpu.memory_space<semaphore_mem>> -> memref<!tpu.dma_semaphore, #tpu.memory_space<semaphore_mem>>
    %dma_start3A_1490 = arith.constant 0 : i32
    %dma_start3A_1491 = arith.constant 0 : i32
    %dma_start3A_1492 = tpu.memref_slice %arg6[%dma_start3A_1480, %dma_start3A_1490, %dma_start3A_1491] : memref<2x16x1024xf32, #tpu.memory_space<vmem>> -> memref<1x16x1024xf32, #tpu.memory_space<vmem>>
    %dma_start3A_1493 = tpu.memref_squeeze %dma_start3A_1492 : memref<1x16x1024xf32, #tpu.memory_space<vmem>> -> memref<16x1024xf32, #tpu.memory_space<vmem>>
    %dma_start3A_1494 = arith.constant 0 : i32
    %dma_start3A_1495 = tpu.memref_slice %arg2[%add3A_1479, %dma_start3A_1494] : memref<16384x1024xf32, #tpu.memory_space<hbm>> -> memref<16x1024xf32, #tpu.memory_space<hbm>>
    tpu.enqueue_dma source(%dma_start3A_1495 : memref<16x1024xf32, #tpu.memory_space<hbm>>) target(%dma_start3A_1493 : memref<16x1024xf32, #tpu.memory_space<vmem>>) target_semaphore(%dma_start3A_1489 : memref<!tpu.dma_semaphore, #tpu.memory_space<semaphore_mem>>)
    %dma_start3A_1496 = arith.constant 0 : i32
    %dma_start3A_1497 = arith.constant 0 : i32
    %dma_start3A_1498 = arith.constant 0 : i32
    %dma_start3A_1499 = arith.constant 0 : i32
    %dma_start3A_1500 = tpu.memref_slice %arg7[%dma_start3A_1496, %dma_start3A_1498, %dma_start3A_1499] : memref<2x16x1024xi32, #tpu.memory_space<vmem>> -> memref<1x16x1024xi32, #tpu.memory_space<vmem>>
    %dma_start3A_1501 = tpu.memref_squeeze %dma_start3A_1500 : memref<1x16x1024xi32, #tpu.memory_space<vmem>> -> memref<16x1024xi32, #tpu.memory_space<vmem>>
    %dma_start3A_1502 = arith.constant 0 : i32
    %dma_start3A_1503 = tpu.memref_slice %arg3[%add3A_1479, %dma_start3A_1502] : memref<16384x1024xi32, #tpu.memory_space<hbm>> -> memref<16x1024xi32, #tpu.memory_space<hbm>>
    %dma_start3A_1504 = tpu.memref_slice %arg10[%dma_start3A_1497] : memref<2x!tpu.dma_semaphore, #tpu.memory_space<semaphore_mem>> -> memref<1x!tpu.dma_semaphore, #tpu.memory_space<semaphore_mem>>
    %dma_start3A_1505 = tpu.memref_squeeze %dma_start3A_1504 : memref<1x!tpu.dma_semaphore, #tpu.memory_space<semaphore_mem>> -> memref<!tpu.dma_semaphore, #tpu.memory_space<semaphore_mem>>
    %dma_start3A_1506 = arith.constant 0 : i32
    %dma_start3A_1507 = arith.constant 0 : i32
    %dma_start3A_1508 = tpu.memref_slice %arg7[%dma_start3A_1496, %dma_start3A_1506, %dma_start3A_1507] : memref<2x16x1024xi32, #tpu.memory_space<vmem>> -> memref<1x16x1024xi32, #tpu.memory_space<vmem>>
    %dma_start3A_1509 = tpu.memref_squeeze %dma_start3A_1508 : memref<1x16x1024xi32, #tpu.memory_space<vmem>> -> memref<16x1024xi32, #tpu.memory_space<vmem>>
    %dma_start3A_1510 = arith.constant 0 : i32
    %dma_start3A_1511 = tpu.memref_slice %arg3[%add3A_1479, %dma_start3A_1510] : memref<16384x1024xi32, #tpu.memory_space<hbm>> -> memref<16x1024xi32, #tpu.memory_space<hbm>>
    tpu.enqueue_dma source(%dma_start3A_1511 : memref<16x1024xi32, #tpu.memory_space<hbm>>) target(%dma_start3A_1509 : memref<16x1024xi32, #tpu.memory_space<vmem>>) target_semaphore(%dma_start3A_1505 : memref<!tpu.dma_semaphore, #tpu.memory_space<semaphore_mem>>)
    %dma_wait3A_1512 = arith.constant 0 : i32
    %dma_wait3A_1513 = arith.constant 0 : i32
    %dma_wait3A_1514 = arith.constant 0 : i32
    %dma_wait3A_1515 = arith.constant 0 : i32
    %dma_wait3A_1516 = tpu.memref_slice %arg6[%dma_wait3A_1512, %dma_wait3A_1514, %dma_wait3A_1515] : memref<2x16x1024xf32, #tpu.memory_space<vmem>> -> memref<1x16x1024xf32, #tpu.memory_space<vmem>>
    %dma_wait3A_1517 = tpu.memref_squeeze %dma_wait3A_1516 : memref<1x16x1024xf32, #tpu.memory_space<vmem>> -> memref<16x1024xf32, #tpu.memory_space<vmem>>
    %dma_wait3A_1518 = arith.constant 0 : i32
    %dma_wait3A_1519 = tpu.memref_slice %arg2[%add3A_1479, %dma_wait3A_1518] : memref<16384x1024xf32, #tpu.memory_space<hbm>> -> memref<16x1024xf32, #tpu.memory_space<hbm>>
    %dma_wait3A_1520 = tpu.memref_slice %arg10[%dma_wait3A_1513] : memref<2x!tpu.dma_semaphore, #tpu.memory_space<semaphore_mem>> -> memref<1x!tpu.dma_semaphore, #tpu.memory_space<semaphore_mem>>
    %dma_wait3A_1521 = tpu.memref_squeeze %dma_wait3A_1520 : memref<1x!tpu.dma_semaphore, #tpu.memory_space<semaphore_mem>> -> memref<!tpu.dma_semaphore, #tpu.memory_space<semaphore_mem>>
    %dma_wait3A_1522 = arith.constant 0 : i32
    %dma_wait3A_1523 = arith.constant 0 : i32
    %dma_wait3A_1524 = tpu.memref_slice %arg6[%dma_wait3A_1512, %dma_wait3A_1522, %dma_wait3A_1523] : memref<2x16x1024xf32, #tpu.memory_space<vmem>> -> memref<1x16x1024xf32, #tpu.memory_space<vmem>>
    %dma_wait3A_1525 = tpu.memref_squeeze %dma_wait3A_1524 : memref<1x16x1024xf32, #tpu.memory_space<vmem>> -> memref<16x1024xf32, #tpu.memory_space<vmem>>
    %dma_wait3A_1526 = arith.constant 0 : i32
    %dma_wait3A_1527 = tpu.memref_slice %arg2[%add3A_1479, %dma_wait3A_1526] : memref<16384x1024xf32, #tpu.memory_space<hbm>> -> memref<16x1024xf32, #tpu.memory_space<hbm>>
    tpu.wait_dma2 semaphore(%dma_wait3A_1521 : memref<!tpu.dma_semaphore, #tpu.memory_space<semaphore_mem>>) src(%dma_wait3A_1527 : memref<16x1024xf32, #tpu.memory_space<hbm>>) dst(%dma_wait3A_1525 : memref<16x1024xf32, #tpu.memory_space<vmem>>)
    %dma_wait3A_1528 = arith.constant 0 : i32
    %dma_wait3A_1529 = arith.constant 0 : i32
    %dma_wait3A_1530 = arith.constant 0 : i32
    %dma_wait3A_1531 = arith.constant 0 : i32
    %dma_wait3A_1532 = tpu.memref_slice %arg7[%dma_wait3A_1528, %dma_wait3A_1530, %dma_wait3A_1531] : memref<2x16x1024xi32, #tpu.memory_space<vmem>> -> memref<1x16x1024xi32, #tpu.memory_space<vmem>>
    %dma_wait3A_1533 = tpu.memref_squeeze %dma_wait3A_1532 : memref<1x16x1024xi32, #tpu.memory_space<vmem>> -> memref<16x1024xi32, #tpu.memory_space<vmem>>
    %dma_wait3A_1534 = arith.constant 0 : i32
    %dma_wait3A_1535 = tpu.memref_slice %arg3[%add3A_1479, %dma_wait3A_1534] : memref<16384x1024xi32, #tpu.memory_space<hbm>> -> memref<16x1024xi32, #tpu.memory_space<hbm>>
    %dma_wait3A_1536 = tpu.memref_slice %arg10[%dma_wait3A_1529] : memref<2x!tpu.dma_semaphore, #tpu.memory_space<semaphore_mem>> -> memref<1x!tpu.dma_semaphore, #tpu.memory_space<semaphore_mem>>
    %dma_wait3A_1537 = tpu.memref_squeeze %dma_wait3A_1536 : memref<1x!tpu.dma_semaphore, #tpu.memory_space<semaphore_mem>> -> memref<!tpu.dma_semaphore, #tpu.memory_space<semaphore_mem>>
    %dma_wait3A_1538 = arith.constant 0 : i32
    %dma_wait3A_1539 = arith.constant 0 : i32
    %dma_wait3A_1540 = tpu.memref_slice %arg7[%dma_wait3A_1528, %dma_wait3A_1538, %dma_wait3A_1539] : memref<2x16x1024xi32, #tpu.memory_space<vmem>> -> memref<1x16x1024xi32, #tpu.memory_space<vmem>>
    %dma_wait3A_1541 = tpu.memref_squeeze %dma_wait3A_1540 : memref<1x16x1024xi32, #tpu.memory_space<vmem>> -> memref<16x1024xi32, #tpu.memory_space<vmem>>
    %dma_wait3A_1542 = arith.constant 0 : i32
    %dma_wait3A_1543 = tpu.memref_slice %arg3[%add3A_1479, %dma_wait3A_1542] : memref<16384x1024xi32, #tpu.memory_space<hbm>> -> memref<16x1024xi32, #tpu.memory_space<hbm>>
    tpu.wait_dma2 semaphore(%dma_wait3A_1537 : memref<!tpu.dma_semaphore, #tpu.memory_space<semaphore_mem>>) src(%dma_wait3A_1543 : memref<16x1024xi32, #tpu.memory_space<hbm>>) dst(%dma_wait3A_1541 : memref<16x1024xi32, #tpu.memory_space<vmem>>)
    %add3A_1544 = arith.constant 368 : i32
    %add3A_1545 = arith.addi %add3A_4, %add3A_1544 : i32
    %dma_start3A_1546 = arith.constant 1 : i32
    %dma_start3A_1547 = arith.constant 1 : i32
    %dma_start3A_1548 = arith.constant 0 : i32
    %dma_start3A_1549 = arith.constant 0 : i32
    %dma_start3A_1550 = tpu.memref_slice %arg6[%dma_start3A_1546, %dma_start3A_1548, %dma_start3A_1549] : memref<2x16x1024xf32, #tpu.memory_space<vmem>> -> memref<1x16x1024xf32, #tpu.memory_space<vmem>>
    %dma_start3A_1551 = tpu.memref_squeeze %dma_start3A_1550 : memref<1x16x1024xf32, #tpu.memory_space<vmem>> -> memref<16x1024xf32, #tpu.memory_space<vmem>>
    %dma_start3A_1552 = arith.constant 0 : i32
    %dma_start3A_1553 = tpu.memref_slice %arg2[%add3A_1545, %dma_start3A_1552] : memref<16384x1024xf32, #tpu.memory_space<hbm>> -> memref<16x1024xf32, #tpu.memory_space<hbm>>
    %dma_start3A_1554 = tpu.memref_slice %arg10[%dma_start3A_1547] : memref<2x!tpu.dma_semaphore, #tpu.memory_space<semaphore_mem>> -> memref<1x!tpu.dma_semaphore, #tpu.memory_space<semaphore_mem>>
    %dma_start3A_1555 = tpu.memref_squeeze %dma_start3A_1554 : memref<1x!tpu.dma_semaphore, #tpu.memory_space<semaphore_mem>> -> memref<!tpu.dma_semaphore, #tpu.memory_space<semaphore_mem>>
    %dma_start3A_1556 = arith.constant 0 : i32
    %dma_start3A_1557 = arith.constant 0 : i32
    %dma_start3A_1558 = tpu.memref_slice %arg6[%dma_start3A_1546, %dma_start3A_1556, %dma_start3A_1557] : memref<2x16x1024xf32, #tpu.memory_space<vmem>> -> memref<1x16x1024xf32, #tpu.memory_space<vmem>>
    %dma_start3A_1559 = tpu.memref_squeeze %dma_start3A_1558 : memref<1x16x1024xf32, #tpu.memory_space<vmem>> -> memref<16x1024xf32, #tpu.memory_space<vmem>>
    %dma_start3A_1560 = arith.constant 0 : i32
    %dma_start3A_1561 = tpu.memref_slice %arg2[%add3A_1545, %dma_start3A_1560] : memref<16384x1024xf32, #tpu.memory_space<hbm>> -> memref<16x1024xf32, #tpu.memory_space<hbm>>
    tpu.enqueue_dma source(%dma_start3A_1561 : memref<16x1024xf32, #tpu.memory_space<hbm>>) target(%dma_start3A_1559 : memref<16x1024xf32, #tpu.memory_space<vmem>>) target_semaphore(%dma_start3A_1555 : memref<!tpu.dma_semaphore, #tpu.memory_space<semaphore_mem>>)
    %dma_start3A_1562 = arith.constant 1 : i32
    %dma_start3A_1563 = arith.constant 1 : i32
    %dma_start3A_1564 = arith.constant 0 : i32
    %dma_start3A_1565 = arith.constant 0 : i32
    %dma_start3A_1566 = tpu.memref_slice %arg7[%dma_start3A_1562, %dma_start3A_1564, %dma_start3A_1565] : memref<2x16x1024xi32, #tpu.memory_space<vmem>> -> memref<1x16x1024xi32, #tpu.memory_space<vmem>>
    %dma_start3A_1567 = tpu.memref_squeeze %dma_start3A_1566 : memref<1x16x1024xi32, #tpu.memory_space<vmem>> -> memref<16x1024xi32, #tpu.memory_space<vmem>>
    %dma_start3A_1568 = arith.constant 0 : i32
    %dma_start3A_1569 = tpu.memref_slice %arg3[%add3A_1545, %dma_start3A_1568] : memref<16384x1024xi32, #tpu.memory_space<hbm>> -> memref<16x1024xi32, #tpu.memory_space<hbm>>
    %dma_start3A_1570 = tpu.memref_slice %arg10[%dma_start3A_1563] : memref<2x!tpu.dma_semaphore, #tpu.memory_space<semaphore_mem>> -> memref<1x!tpu.dma_semaphore, #tpu.memory_space<semaphore_mem>>
    %dma_start3A_1571 = tpu.memref_squeeze %dma_start3A_1570 : memref<1x!tpu.dma_semaphore, #tpu.memory_space<semaphore_mem>> -> memref<!tpu.dma_semaphore, #tpu.memory_space<semaphore_mem>>
    %dma_start3A_1572 = arith.constant 0 : i32
    %dma_start3A_1573 = arith.constant 0 : i32
    %dma_start3A_1574 = tpu.memref_slice %arg7[%dma_start3A_1562, %dma_start3A_1572, %dma_start3A_1573] : memref<2x16x1024xi32, #tpu.memory_space<vmem>> -> memref<1x16x1024xi32, #tpu.memory_space<vmem>>
    %dma_start3A_1575 = tpu.memref_squeeze %dma_start3A_1574 : memref<1x16x1024xi32, #tpu.memory_space<vmem>> -> memref<16x1024xi32, #tpu.memory_space<vmem>>
    %dma_start3A_1576 = arith.constant 0 : i32
    %dma_start3A_1577 = tpu.memref_slice %arg3[%add3A_1545, %dma_start3A_1576] : memref<16384x1024xi32, #tpu.memory_space<hbm>> -> memref<16x1024xi32, #tpu.memory_space<hbm>>
    tpu.enqueue_dma source(%dma_start3A_1577 : memref<16x1024xi32, #tpu.memory_space<hbm>>) target(%dma_start3A_1575 : memref<16x1024xi32, #tpu.memory_space<vmem>>) target_semaphore(%dma_start3A_1571 : memref<!tpu.dma_semaphore, #tpu.memory_space<semaphore_mem>>)
    %dma_wait3A_1578 = arith.constant 1 : i32
    %dma_wait3A_1579 = arith.constant 1 : i32
    %dma_wait3A_1580 = arith.constant 0 : i32
    %dma_wait3A_1581 = arith.constant 0 : i32
    %dma_wait3A_1582 = tpu.memref_slice %arg6[%dma_wait3A_1578, %dma_wait3A_1580, %dma_wait3A_1581] : memref<2x16x1024xf32, #tpu.memory_space<vmem>> -> memref<1x16x1024xf32, #tpu.memory_space<vmem>>
    %dma_wait3A_1583 = tpu.memref_squeeze %dma_wait3A_1582 : memref<1x16x1024xf32, #tpu.memory_space<vmem>> -> memref<16x1024xf32, #tpu.memory_space<vmem>>
    %dma_wait3A_1584 = arith.constant 0 : i32
    %dma_wait3A_1585 = tpu.memref_slice %arg2[%add3A_1545, %dma_wait3A_1584] : memref<16384x1024xf32, #tpu.memory_space<hbm>> -> memref<16x1024xf32, #tpu.memory_space<hbm>>
    %dma_wait3A_1586 = tpu.memref_slice %arg10[%dma_wait3A_1579] : memref<2x!tpu.dma_semaphore, #tpu.memory_space<semaphore_mem>> -> memref<1x!tpu.dma_semaphore, #tpu.memory_space<semaphore_mem>>
    %dma_wait3A_1587 = tpu.memref_squeeze %dma_wait3A_1586 : memref<1x!tpu.dma_semaphore, #tpu.memory_space<semaphore_mem>> -> memref<!tpu.dma_semaphore, #tpu.memory_space<semaphore_mem>>
    %dma_wait3A_1588 = arith.constant 0 : i32
    %dma_wait3A_1589 = arith.constant 0 : i32
    %dma_wait3A_1590 = tpu.memref_slice %arg6[%dma_wait3A_1578, %dma_wait3A_1588, %dma_wait3A_1589] : memref<2x16x1024xf32, #tpu.memory_space<vmem>> -> memref<1x16x1024xf32, #tpu.memory_space<vmem>>
    %dma_wait3A_1591 = tpu.memref_squeeze %dma_wait3A_1590 : memref<1x16x1024xf32, #tpu.memory_space<vmem>> -> memref<16x1024xf32, #tpu.memory_space<vmem>>
    %dma_wait3A_1592 = arith.constant 0 : i32
    %dma_wait3A_1593 = tpu.memref_slice %arg2[%add3A_1545, %dma_wait3A_1592] : memref<16384x1024xf32, #tpu.memory_space<hbm>> -> memref<16x1024xf32, #tpu.memory_space<hbm>>
    tpu.wait_dma2 semaphore(%dma_wait3A_1587 : memref<!tpu.dma_semaphore, #tpu.memory_space<semaphore_mem>>) src(%dma_wait3A_1593 : memref<16x1024xf32, #tpu.memory_space<hbm>>) dst(%dma_wait3A_1591 : memref<16x1024xf32, #tpu.memory_space<vmem>>)
    %dma_wait3A_1594 = arith.constant 1 : i32
    %dma_wait3A_1595 = arith.constant 1 : i32
    %dma_wait3A_1596 = arith.constant 0 : i32
    %dma_wait3A_1597 = arith.constant 0 : i32
    %dma_wait3A_1598 = tpu.memref_slice %arg7[%dma_wait3A_1594, %dma_wait3A_1596, %dma_wait3A_1597] : memref<2x16x1024xi32, #tpu.memory_space<vmem>> -> memref<1x16x1024xi32, #tpu.memory_space<vmem>>
    %dma_wait3A_1599 = tpu.memref_squeeze %dma_wait3A_1598 : memref<1x16x1024xi32, #tpu.memory_space<vmem>> -> memref<16x1024xi32, #tpu.memory_space<vmem>>
    %dma_wait3A_1600 = arith.constant 0 : i32
    %dma_wait3A_1601 = tpu.memref_slice %arg3[%add3A_1545, %dma_wait3A_1600] : memref<16384x1024xi32, #tpu.memory_space<hbm>> -> memref<16x1024xi32, #tpu.memory_space<hbm>>
    %dma_wait3A_1602 = tpu.memref_slice %arg10[%dma_wait3A_1595] : memref<2x!tpu.dma_semaphore, #tpu.memory_space<semaphore_mem>> -> memref<1x!tpu.dma_semaphore, #tpu.memory_space<semaphore_mem>>
    %dma_wait3A_1603 = tpu.memref_squeeze %dma_wait3A_1602 : memref<1x!tpu.dma_semaphore, #tpu.memory_space<semaphore_mem>> -> memref<!tpu.dma_semaphore, #tpu.memory_space<semaphore_mem>>
    %dma_wait3A_1604 = arith.constant 0 : i32
    %dma_wait3A_1605 = arith.constant 0 : i32
    %dma_wait3A_1606 = tpu.memref_slice %arg7[%dma_wait3A_1594, %dma_wait3A_1604, %dma_wait3A_1605] : memref<2x16x1024xi32, #tpu.memory_space<vmem>> -> memref<1x16x1024xi32, #tpu.memory_space<vmem>>
    %dma_wait3A_1607 = tpu.memref_squeeze %dma_wait3A_1606 : memref<1x16x1024xi32, #tpu.memory_space<vmem>> -> memref<16x1024xi32, #tpu.memory_space<vmem>>
    %dma_wait3A_1608 = arith.constant 0 : i32
    %dma_wait3A_1609 = tpu.memref_slice %arg3[%add3A_1545, %dma_wait3A_1608] : memref<16384x1024xi32, #tpu.memory_space<hbm>> -> memref<16x1024xi32, #tpu.memory_space<hbm>>
    tpu.wait_dma2 semaphore(%dma_wait3A_1603 : memref<!tpu.dma_semaphore, #tpu.memory_space<semaphore_mem>>) src(%dma_wait3A_1609 : memref<16x1024xi32, #tpu.memory_space<hbm>>) dst(%dma_wait3A_1607 : memref<16x1024xi32, #tpu.memory_space<vmem>>)
    %mul3A_1610 = arith.constant 16 : i32
    %mul3A_1611 = arith.muli %add3A, %mul3A_1610 : i32
    "tpu.region"() ({
      %run_scoped3A = tpu.sem_alloc : memref<!tpu.dma_semaphore, #tpu.memory_space<semaphore_mem>>
      %dma_start3A_1614 = arith.constant 0 : i32
      %dma_start3A_1615 = tpu.memref_slice %arg4[%mul3A_1611, %dma_start3A_1614] : memref<512x10xf32, #tpu.memory_space<hbm>> -> memref<16x10xf32, #tpu.memory_space<hbm>>
      %dma_start3A_1616 = arith.constant 0 : i32
      %dma_start3A_1617 = tpu.memref_slice %arg4[%mul3A_1611, %dma_start3A_1616] : memref<512x10xf32, #tpu.memory_space<hbm>> -> memref<16x10xf32, #tpu.memory_space<hbm>>
      tpu.enqueue_dma source(%arg8 : memref<16x10xf32, #tpu.memory_space<vmem>>) target(%dma_start3A_1617 : memref<16x10xf32, #tpu.memory_space<hbm>>) target_semaphore(%run_scoped3A : memref<!tpu.dma_semaphore, #tpu.memory_space<semaphore_mem>>)
      %dma_wait3A_1618 = arith.constant 0 : i32
      %dma_wait3A_1619 = tpu.memref_slice %arg4[%mul3A_1611, %dma_wait3A_1618] : memref<512x10xf32, #tpu.memory_space<hbm>> -> memref<16x10xf32, #tpu.memory_space<hbm>>
      %dma_wait3A_1620 = arith.constant 0 : i32
      %dma_wait3A_1621 = tpu.memref_slice %arg4[%mul3A_1611, %dma_wait3A_1620] : memref<512x10xf32, #tpu.memory_space<hbm>> -> memref<16x10xf32, #tpu.memory_space<hbm>>
      tpu.wait_dma2 semaphore(%run_scoped3A : memref<!tpu.dma_semaphore, #tpu.memory_space<semaphore_mem>>) src(%arg8 : memref<16x10xf32, #tpu.memory_space<vmem>>) dst(%dma_wait3A_1621 : memref<16x10xf32, #tpu.memory_space<hbm>>)
      tpu.yield
    }) : () -> ()
    %mul3A_1612 = arith.constant 16 : i32
    %mul3A_1613 = arith.muli %add3A, %mul3A_1612 : i32
    "tpu.region"() ({
      %run_scoped3A = tpu.sem_alloc : memref<!tpu.dma_semaphore, #tpu.memory_space<semaphore_mem>>
      %dma_start3A_1614 = arith.constant 0 : i32
      %dma_start3A_1615 = tpu.memref_slice %arg5[%mul3A_1613, %dma_start3A_1614] : memref<512x10xf32, #tpu.memory_space<hbm>> -> memref<16x10xf32, #tpu.memory_space<hbm>>
      %dma_start3A_1616 = arith.constant 0 : i32
      %dma_start3A_1617 = tpu.memref_slice %arg5[%mul3A_1613, %dma_start3A_1616] : memref<512x10xf32, #tpu.memory_space<hbm>> -> memref<16x10xf32, #tpu.memory_space<hbm>>
      tpu.enqueue_dma source(%arg9 : memref<16x10xf32, #tpu.memory_space<vmem>>) target(%dma_start3A_1617 : memref<16x10xf32, #tpu.memory_space<hbm>>) target_semaphore(%run_scoped3A : memref<!tpu.dma_semaphore, #tpu.memory_space<semaphore_mem>>)
      %dma_wait3A_1618 = arith.constant 0 : i32
      %dma_wait3A_1619 = tpu.memref_slice %arg5[%mul3A_1613, %dma_wait3A_1618] : memref<512x10xf32, #tpu.memory_space<hbm>> -> memref<16x10xf32, #tpu.memory_space<hbm>>
      %dma_wait3A_1620 = arith.constant 0 : i32
      %dma_wait3A_1621 = tpu.memref_slice %arg5[%mul3A_1613, %dma_wait3A_1620] : memref<512x10xf32, #tpu.memory_space<hbm>> -> memref<16x10xf32, #tpu.memory_space<hbm>>
      tpu.wait_dma2 semaphore(%run_scoped3A : memref<!tpu.dma_semaphore, #tpu.memory_space<semaphore_mem>>) src(%arg9 : memref<16x10xf32, #tpu.memory_space<vmem>>) dst(%dma_wait3A_1621 : memref<16x10xf32, #tpu.memory_space<hbm>>)
      tpu.yield
    }) : () -> ()
    return
  }
}

module attributes {stable_mosaic.version = 14 : i64} {
  func.func @_tc_body(%arg0: i32, %arg1: memref<1024x1024xf32, #tpu.memory_space<vmem>>, %arg2: memref<1024x1024xi32, #tpu.memory_space<vmem>>, %arg3: memref<20xf32, #tpu.memory_space<smem>>, %arg4: memref<20xf32, #tpu.memory_space<smem>>) attributes {dimension_semantics = [#tpu.dimension_semantics<arbitrary>], iteration_bounds = array<i64: 4>, scalar_prefetch = 0 : i64, scratch_operands = 1 : i64, tpu.core_type = #tpu.core_type<tc>, window_params = [{transform_indices = @transform_0, window_bounds = array<i64: 1024, 1024>}, {transform_indices = @transform_1, window_bounds = array<i64: 1024, 1024>}, {transform_indices = @transform_2, window_bounds = array<i64: 20>}]} {
    %eq3A = arith.constant 0 : i32
    %eq3A_0 = arith.cmpi eq, %arg0, %eq3A : i32
    %convert_element_type3A = arith.extui %eq3A_0 : i1 to i32
    %cond3A = arith.constant 0 : i32
    %cond3A_1 = arith.cmpi ne, %convert_element_type3A, %cond3A : i32
    scf.if %cond3A_1 {
      %swap3A_281 = arith.constant 0.000000e+00 : f32
      %swap3A_282 = arith.constant 0 : index
      %swap3A_283 = memref.load %arg4[%swap3A_282] : memref<20xf32, #tpu.memory_space<smem>>
      memref.store %swap3A_281, %arg4[%swap3A_282] : memref<20xf32, #tpu.memory_space<smem>>
      %swap3A_284 = arith.constant 0.000000e+00 : f32
      %swap3A_285 = arith.constant 1 : index
      %swap3A_286 = memref.load %arg4[%swap3A_285] : memref<20xf32, #tpu.memory_space<smem>>
      memref.store %swap3A_284, %arg4[%swap3A_285] : memref<20xf32, #tpu.memory_space<smem>>
      %swap3A_287 = arith.constant 0.000000e+00 : f32
      %swap3A_288 = arith.constant 2 : index
      %swap3A_289 = memref.load %arg4[%swap3A_288] : memref<20xf32, #tpu.memory_space<smem>>
      memref.store %swap3A_287, %arg4[%swap3A_288] : memref<20xf32, #tpu.memory_space<smem>>
      %swap3A_290 = arith.constant 0.000000e+00 : f32
      %swap3A_291 = arith.constant 3 : index
      %swap3A_292 = memref.load %arg4[%swap3A_291] : memref<20xf32, #tpu.memory_space<smem>>
      memref.store %swap3A_290, %arg4[%swap3A_291] : memref<20xf32, #tpu.memory_space<smem>>
      %swap3A_293 = arith.constant 0.000000e+00 : f32
      %swap3A_294 = arith.constant 4 : index
      %swap3A_295 = memref.load %arg4[%swap3A_294] : memref<20xf32, #tpu.memory_space<smem>>
      memref.store %swap3A_293, %arg4[%swap3A_294] : memref<20xf32, #tpu.memory_space<smem>>
      %swap3A_296 = arith.constant 0.000000e+00 : f32
      %swap3A_297 = arith.constant 5 : index
      %swap3A_298 = memref.load %arg4[%swap3A_297] : memref<20xf32, #tpu.memory_space<smem>>
      memref.store %swap3A_296, %arg4[%swap3A_297] : memref<20xf32, #tpu.memory_space<smem>>
      %swap3A_299 = arith.constant 0.000000e+00 : f32
      %swap3A_300 = arith.constant 6 : index
      %swap3A_301 = memref.load %arg4[%swap3A_300] : memref<20xf32, #tpu.memory_space<smem>>
      memref.store %swap3A_299, %arg4[%swap3A_300] : memref<20xf32, #tpu.memory_space<smem>>
      %swap3A_302 = arith.constant 0.000000e+00 : f32
      %swap3A_303 = arith.constant 7 : index
      %swap3A_304 = memref.load %arg4[%swap3A_303] : memref<20xf32, #tpu.memory_space<smem>>
      memref.store %swap3A_302, %arg4[%swap3A_303] : memref<20xf32, #tpu.memory_space<smem>>
      %swap3A_305 = arith.constant 0.000000e+00 : f32
      %swap3A_306 = arith.constant 8 : index
      %swap3A_307 = memref.load %arg4[%swap3A_306] : memref<20xf32, #tpu.memory_space<smem>>
      memref.store %swap3A_305, %arg4[%swap3A_306] : memref<20xf32, #tpu.memory_space<smem>>
      %swap3A_308 = arith.constant 0.000000e+00 : f32
      %swap3A_309 = arith.constant 9 : index
      %swap3A_310 = memref.load %arg4[%swap3A_309] : memref<20xf32, #tpu.memory_space<smem>>
      memref.store %swap3A_308, %arg4[%swap3A_309] : memref<20xf32, #tpu.memory_space<smem>>
      %swap3A_311 = arith.constant 0.000000e+00 : f32
      %swap3A_312 = arith.constant 10 : index
      %swap3A_313 = memref.load %arg4[%swap3A_312] : memref<20xf32, #tpu.memory_space<smem>>
      memref.store %swap3A_311, %arg4[%swap3A_312] : memref<20xf32, #tpu.memory_space<smem>>
      %swap3A_314 = arith.constant 0.000000e+00 : f32
      %swap3A_315 = arith.constant 11 : index
      %swap3A_316 = memref.load %arg4[%swap3A_315] : memref<20xf32, #tpu.memory_space<smem>>
      memref.store %swap3A_314, %arg4[%swap3A_315] : memref<20xf32, #tpu.memory_space<smem>>
      %swap3A_317 = arith.constant 0.000000e+00 : f32
      %swap3A_318 = arith.constant 12 : index
      %swap3A_319 = memref.load %arg4[%swap3A_318] : memref<20xf32, #tpu.memory_space<smem>>
      memref.store %swap3A_317, %arg4[%swap3A_318] : memref<20xf32, #tpu.memory_space<smem>>
      %swap3A_320 = arith.constant 0.000000e+00 : f32
      %swap3A_321 = arith.constant 13 : index
      %swap3A_322 = memref.load %arg4[%swap3A_321] : memref<20xf32, #tpu.memory_space<smem>>
      memref.store %swap3A_320, %arg4[%swap3A_321] : memref<20xf32, #tpu.memory_space<smem>>
      %swap3A_323 = arith.constant 0.000000e+00 : f32
      %swap3A_324 = arith.constant 14 : index
      %swap3A_325 = memref.load %arg4[%swap3A_324] : memref<20xf32, #tpu.memory_space<smem>>
      memref.store %swap3A_323, %arg4[%swap3A_324] : memref<20xf32, #tpu.memory_space<smem>>
      %swap3A_326 = arith.constant 0.000000e+00 : f32
      %swap3A_327 = arith.constant 15 : index
      %swap3A_328 = memref.load %arg4[%swap3A_327] : memref<20xf32, #tpu.memory_space<smem>>
      memref.store %swap3A_326, %arg4[%swap3A_327] : memref<20xf32, #tpu.memory_space<smem>>
      %swap3A_329 = arith.constant 0.000000e+00 : f32
      %swap3A_330 = arith.constant 16 : index
      %swap3A_331 = memref.load %arg4[%swap3A_330] : memref<20xf32, #tpu.memory_space<smem>>
      memref.store %swap3A_329, %arg4[%swap3A_330] : memref<20xf32, #tpu.memory_space<smem>>
      %swap3A_332 = arith.constant 0.000000e+00 : f32
      %swap3A_333 = arith.constant 17 : index
      %swap3A_334 = memref.load %arg4[%swap3A_333] : memref<20xf32, #tpu.memory_space<smem>>
      memref.store %swap3A_332, %arg4[%swap3A_333] : memref<20xf32, #tpu.memory_space<smem>>
      %swap3A_335 = arith.constant 0.000000e+00 : f32
      %swap3A_336 = arith.constant 18 : index
      %swap3A_337 = memref.load %arg4[%swap3A_336] : memref<20xf32, #tpu.memory_space<smem>>
      memref.store %swap3A_335, %arg4[%swap3A_336] : memref<20xf32, #tpu.memory_space<smem>>
      %swap3A_338 = arith.constant 0.000000e+00 : f32
      %swap3A_339 = arith.constant 19 : index
      %swap3A_340 = memref.load %arg4[%swap3A_339] : memref<20xf32, #tpu.memory_space<smem>>
      memref.store %swap3A_338, %arg4[%swap3A_339] : memref<20xf32, #tpu.memory_space<smem>>
    } else {
    }
    %get3A = arith.constant 0 : index
    %get3A_2 = arith.constant 0 : index
    %get3A_3 = vector.load %arg1[%get3A, %get3A_2] : memref<1024x1024xf32, #tpu.memory_space<vmem>>, vector<1024x1024xf32>
    %get3A_4 = arith.constant 0 : index
    %get3A_5 = arith.constant 0 : index
    %get3A_6 = vector.load %arg2[%get3A_4, %get3A_5] : memref<1024x1024xi32, #tpu.memory_space<vmem>>, vector<1024x1024xi32>
    %convert_element_type3A_7 = arith.sitofp %get3A_6 : vector<1024x1024xi32> to vector<1024x1024xf32>
    %mul3A = arith.constant 2.000000e+00 : f32
    %mul3A_8 = vector.broadcast %mul3A : f32 to vector<1024x1024xf32>
    %mul3A_9 = arith.mulf %mul3A_8, %convert_element_type3A_7 : vector<1024x1024xf32>
    %sub3A = arith.constant 1.000000e+00 : f32
    %sub3A_10 = vector.broadcast %sub3A : f32 to vector<1024x1024xf32>
    %sub3A_11 = arith.subf %sub3A_10, %mul3A_9 : vector<1024x1024xf32>
    %mul3A_12 = arith.mulf %get3A_3, %sub3A_11 : vector<1024x1024xf32>
    %abs3A = math.absf %mul3A_12 : vector<1024x1024xf32>
    %neg3A = arith.constant 0.000000e+00 : f32
    %neg3A_13 = vector.broadcast %neg3A : f32 to vector<1024x1024xf32>
    %neg3A_14 = arith.subf %neg3A_13, %abs3A : vector<1024x1024xf32>
    %exp3A = math.exp %neg3A_14 : vector<1024x1024xf32>
    %max3A = arith.constant 0.000000e+00 : f32
    %max3A_15 = vector.broadcast %max3A : f32 to vector<1024x1024xf32>
    %max3A_16 = arith.maximumf %mul3A_12, %max3A_15 : vector<1024x1024xf32>
    %add3A = arith.constant 1.000000e+00 : f32
    %add3A_17 = vector.broadcast %add3A : f32 to vector<1024x1024xf32>
    %add3A_18 = arith.addf %add3A_17, %exp3A : vector<1024x1024xf32>
    %log3A = math.log %add3A_18 : vector<1024x1024xf32>
    %add3A_19 = arith.addf %max3A_16, %log3A : vector<1024x1024xf32>
    %get3A_20 = arith.constant 19 : index
    %get3A_21 = memref.load %arg4[%get3A_20] : memref<20xf32, #tpu.memory_space<smem>>
    %reduce_sum3A = vector.shape_cast %add3A_19 : vector<1024x1024xf32> to vector<1x1024x1024xf32>
    %reduce_sum3A_22 = arith.constant dense<0.000000e+00> : vector<1xf32>
    %reduce_sum3A_23 = vector.multi_reduction <add>, %reduce_sum3A, %reduce_sum3A_22 [1, 2] : vector<1x1024x1024xf32> to vector<1xf32>
    %reduce_sum3A_24 = vector.shape_cast %reduce_sum3A_23 : vector<1xf32> to vector<1x1x1xf32>
    %reduce_sum3A_25 = vector.extract %reduce_sum3A_24[0, 0, 0] : f32 from vector<1x1x1xf32>
    %add3A_26 = arith.addf %get3A_21, %reduce_sum3A_25 : f32
    %swap3A = arith.constant 19 : index
    %swap3A_27 = memref.load %arg4[%swap3A] : memref<20xf32, #tpu.memory_space<smem>>
    memref.store %add3A_26, %arg4[%swap3A] : memref<20xf32, #tpu.memory_space<smem>>
    %lt3A = arith.constant -2.19722462 : f32
    %lt3A_28 = vector.broadcast %lt3A : f32 to vector<1024x1024xf32>
    %lt3A_29 = arith.cmpf olt, %mul3A_12, %lt3A_28 : vector<1024x1024xf32>
    %get3A_30 = arith.constant 0 : index
    %get3A_31 = memref.load %arg4[%get3A_30] : memref<20xf32, #tpu.memory_space<smem>>
    %convert_element_type3A_32 = arith.extui %lt3A_29 : vector<1024x1024xi1> to vector<1024x1024xi32>
    %convert_element_type3A_33 = arith.sitofp %convert_element_type3A_32 : vector<1024x1024xi32> to vector<1024x1024xf32>
    %reduce_sum3A_34 = vector.shape_cast %convert_element_type3A_33 : vector<1024x1024xf32> to vector<1x1024x1024xf32>
    %reduce_sum3A_35 = arith.constant dense<0.000000e+00> : vector<1xf32>
    %reduce_sum3A_36 = vector.multi_reduction <add>, %reduce_sum3A_34, %reduce_sum3A_35 [1, 2] : vector<1x1024x1024xf32> to vector<1xf32>
    %reduce_sum3A_37 = vector.shape_cast %reduce_sum3A_36 : vector<1xf32> to vector<1x1x1xf32>
    %reduce_sum3A_38 = vector.extract %reduce_sum3A_37[0, 0, 0] : f32 from vector<1x1x1xf32>
    %add3A_39 = arith.addf %get3A_31, %reduce_sum3A_38 : f32
    %swap3A_40 = arith.constant 0 : index
    %swap3A_41 = memref.load %arg4[%swap3A_40] : memref<20xf32, #tpu.memory_space<smem>>
    memref.store %add3A_39, %arg4[%swap3A_40] : memref<20xf32, #tpu.memory_space<smem>>
    %get3A_42 = arith.constant 9 : index
    %get3A_43 = memref.load %arg4[%get3A_42] : memref<20xf32, #tpu.memory_space<smem>>
    %jit3A = arith.constant 0.000000e+00 : f32
    %broadcast_in_dim3A = vector.broadcast %jit3A : f32 to vector<1024x1024xf32>
    %select_n3A = arith.select %lt3A_29, %add3A_19, %broadcast_in_dim3A : vector<1024x1024xi1>, vector<1024x1024xf32>
    %reduce_sum3A_44 = vector.shape_cast %select_n3A : vector<1024x1024xf32> to vector<1x1024x1024xf32>
    %reduce_sum3A_45 = arith.constant dense<0.000000e+00> : vector<1xf32>
    %reduce_sum3A_46 = vector.multi_reduction <add>, %reduce_sum3A_44, %reduce_sum3A_45 [1, 2] : vector<1x1024x1024xf32> to vector<1xf32>
    %reduce_sum3A_47 = vector.shape_cast %reduce_sum3A_46 : vector<1xf32> to vector<1x1x1xf32>
    %reduce_sum3A_48 = vector.extract %reduce_sum3A_47[0, 0, 0] : f32 from vector<1x1x1xf32>
    %add3A_49 = arith.addf %get3A_43, %reduce_sum3A_48 : f32
    %swap3A_50 = arith.constant 9 : index
    %swap3A_51 = memref.load %arg4[%swap3A_50] : memref<20xf32, #tpu.memory_space<smem>>
    memref.store %add3A_49, %arg4[%swap3A_50] : memref<20xf32, #tpu.memory_space<smem>>
    %lt3A_52 = arith.constant -1.38629436 : f32
    %lt3A_53 = vector.broadcast %lt3A_52 : f32 to vector<1024x1024xf32>
    %lt3A_54 = arith.cmpf olt, %mul3A_12, %lt3A_53 : vector<1024x1024xf32>
    %get3A_55 = arith.constant 1 : index
    %get3A_56 = memref.load %arg4[%get3A_55] : memref<20xf32, #tpu.memory_space<smem>>
    %convert_element_type3A_57 = arith.extui %lt3A_54 : vector<1024x1024xi1> to vector<1024x1024xi32>
    %convert_element_type3A_58 = arith.sitofp %convert_element_type3A_57 : vector<1024x1024xi32> to vector<1024x1024xf32>
    %reduce_sum3A_59 = vector.shape_cast %convert_element_type3A_58 : vector<1024x1024xf32> to vector<1x1024x1024xf32>
    %reduce_sum3A_60 = arith.constant dense<0.000000e+00> : vector<1xf32>
    %reduce_sum3A_61 = vector.multi_reduction <add>, %reduce_sum3A_59, %reduce_sum3A_60 [1, 2] : vector<1x1024x1024xf32> to vector<1xf32>
    %reduce_sum3A_62 = vector.shape_cast %reduce_sum3A_61 : vector<1xf32> to vector<1x1x1xf32>
    %reduce_sum3A_63 = vector.extract %reduce_sum3A_62[0, 0, 0] : f32 from vector<1x1x1xf32>
    %add3A_64 = arith.addf %get3A_56, %reduce_sum3A_63 : f32
    %swap3A_65 = arith.constant 1 : index
    %swap3A_66 = memref.load %arg4[%swap3A_65] : memref<20xf32, #tpu.memory_space<smem>>
    memref.store %add3A_64, %arg4[%swap3A_65] : memref<20xf32, #tpu.memory_space<smem>>
    %get3A_67 = arith.constant 10 : index
    %get3A_68 = memref.load %arg4[%get3A_67] : memref<20xf32, #tpu.memory_space<smem>>
    %jit3A_69 = arith.constant 0.000000e+00 : f32
    %broadcast_in_dim3A_70 = vector.broadcast %jit3A_69 : f32 to vector<1024x1024xf32>
    %select_n3A_71 = arith.select %lt3A_54, %add3A_19, %broadcast_in_dim3A_70 : vector<1024x1024xi1>, vector<1024x1024xf32>
    %reduce_sum3A_72 = vector.shape_cast %select_n3A_71 : vector<1024x1024xf32> to vector<1x1024x1024xf32>
    %reduce_sum3A_73 = arith.constant dense<0.000000e+00> : vector<1xf32>
    %reduce_sum3A_74 = vector.multi_reduction <add>, %reduce_sum3A_72, %reduce_sum3A_73 [1, 2] : vector<1x1024x1024xf32> to vector<1xf32>
    %reduce_sum3A_75 = vector.shape_cast %reduce_sum3A_74 : vector<1xf32> to vector<1x1x1xf32>
    %reduce_sum3A_76 = vector.extract %reduce_sum3A_75[0, 0, 0] : f32 from vector<1x1x1xf32>
    %add3A_77 = arith.addf %get3A_68, %reduce_sum3A_76 : f32
    %swap3A_78 = arith.constant 10 : index
    %swap3A_79 = memref.load %arg4[%swap3A_78] : memref<20xf32, #tpu.memory_space<smem>>
    memref.store %add3A_77, %arg4[%swap3A_78] : memref<20xf32, #tpu.memory_space<smem>>
    %lt3A_80 = arith.constant -0.847297847 : f32
    %lt3A_81 = vector.broadcast %lt3A_80 : f32 to vector<1024x1024xf32>
    %lt3A_82 = arith.cmpf olt, %mul3A_12, %lt3A_81 : vector<1024x1024xf32>
    %get3A_83 = arith.constant 2 : index
    %get3A_84 = memref.load %arg4[%get3A_83] : memref<20xf32, #tpu.memory_space<smem>>
    %convert_element_type3A_85 = arith.extui %lt3A_82 : vector<1024x1024xi1> to vector<1024x1024xi32>
    %convert_element_type3A_86 = arith.sitofp %convert_element_type3A_85 : vector<1024x1024xi32> to vector<1024x1024xf32>
    %reduce_sum3A_87 = vector.shape_cast %convert_element_type3A_86 : vector<1024x1024xf32> to vector<1x1024x1024xf32>
    %reduce_sum3A_88 = arith.constant dense<0.000000e+00> : vector<1xf32>
    %reduce_sum3A_89 = vector.multi_reduction <add>, %reduce_sum3A_87, %reduce_sum3A_88 [1, 2] : vector<1x1024x1024xf32> to vector<1xf32>
    %reduce_sum3A_90 = vector.shape_cast %reduce_sum3A_89 : vector<1xf32> to vector<1x1x1xf32>
    %reduce_sum3A_91 = vector.extract %reduce_sum3A_90[0, 0, 0] : f32 from vector<1x1x1xf32>
    %add3A_92 = arith.addf %get3A_84, %reduce_sum3A_91 : f32
    %swap3A_93 = arith.constant 2 : index
    %swap3A_94 = memref.load %arg4[%swap3A_93] : memref<20xf32, #tpu.memory_space<smem>>
    memref.store %add3A_92, %arg4[%swap3A_93] : memref<20xf32, #tpu.memory_space<smem>>
    %get3A_95 = arith.constant 11 : index
    %get3A_96 = memref.load %arg4[%get3A_95] : memref<20xf32, #tpu.memory_space<smem>>
    %jit3A_97 = arith.constant 0.000000e+00 : f32
    %broadcast_in_dim3A_98 = vector.broadcast %jit3A_97 : f32 to vector<1024x1024xf32>
    %select_n3A_99 = arith.select %lt3A_82, %add3A_19, %broadcast_in_dim3A_98 : vector<1024x1024xi1>, vector<1024x1024xf32>
    %reduce_sum3A_100 = vector.shape_cast %select_n3A_99 : vector<1024x1024xf32> to vector<1x1024x1024xf32>
    %reduce_sum3A_101 = arith.constant dense<0.000000e+00> : vector<1xf32>
    %reduce_sum3A_102 = vector.multi_reduction <add>, %reduce_sum3A_100, %reduce_sum3A_101 [1, 2] : vector<1x1024x1024xf32> to vector<1xf32>
    %reduce_sum3A_103 = vector.shape_cast %reduce_sum3A_102 : vector<1xf32> to vector<1x1x1xf32>
    %reduce_sum3A_104 = vector.extract %reduce_sum3A_103[0, 0, 0] : f32 from vector<1x1x1xf32>
    %add3A_105 = arith.addf %get3A_96, %reduce_sum3A_104 : f32
    %swap3A_106 = arith.constant 11 : index
    %swap3A_107 = memref.load %arg4[%swap3A_106] : memref<20xf32, #tpu.memory_space<smem>>
    memref.store %add3A_105, %arg4[%swap3A_106] : memref<20xf32, #tpu.memory_space<smem>>
    %lt3A_108 = arith.constant -0.405465096 : f32
    %lt3A_109 = vector.broadcast %lt3A_108 : f32 to vector<1024x1024xf32>
    %lt3A_110 = arith.cmpf olt, %mul3A_12, %lt3A_109 : vector<1024x1024xf32>
    %get3A_111 = arith.constant 3 : index
    %get3A_112 = memref.load %arg4[%get3A_111] : memref<20xf32, #tpu.memory_space<smem>>
    %convert_element_type3A_113 = arith.extui %lt3A_110 : vector<1024x1024xi1> to vector<1024x1024xi32>
    %convert_element_type3A_114 = arith.sitofp %convert_element_type3A_113 : vector<1024x1024xi32> to vector<1024x1024xf32>
    %reduce_sum3A_115 = vector.shape_cast %convert_element_type3A_114 : vector<1024x1024xf32> to vector<1x1024x1024xf32>
    %reduce_sum3A_116 = arith.constant dense<0.000000e+00> : vector<1xf32>
    %reduce_sum3A_117 = vector.multi_reduction <add>, %reduce_sum3A_115, %reduce_sum3A_116 [1, 2] : vector<1x1024x1024xf32> to vector<1xf32>
    %reduce_sum3A_118 = vector.shape_cast %reduce_sum3A_117 : vector<1xf32> to vector<1x1x1xf32>
    %reduce_sum3A_119 = vector.extract %reduce_sum3A_118[0, 0, 0] : f32 from vector<1x1x1xf32>
    %add3A_120 = arith.addf %get3A_112, %reduce_sum3A_119 : f32
    %swap3A_121 = arith.constant 3 : index
    %swap3A_122 = memref.load %arg4[%swap3A_121] : memref<20xf32, #tpu.memory_space<smem>>
    memref.store %add3A_120, %arg4[%swap3A_121] : memref<20xf32, #tpu.memory_space<smem>>
    %get3A_123 = arith.constant 12 : index
    %get3A_124 = memref.load %arg4[%get3A_123] : memref<20xf32, #tpu.memory_space<smem>>
    %jit3A_125 = arith.constant 0.000000e+00 : f32
    %broadcast_in_dim3A_126 = vector.broadcast %jit3A_125 : f32 to vector<1024x1024xf32>
    %select_n3A_127 = arith.select %lt3A_110, %add3A_19, %broadcast_in_dim3A_126 : vector<1024x1024xi1>, vector<1024x1024xf32>
    %reduce_sum3A_128 = vector.shape_cast %select_n3A_127 : vector<1024x1024xf32> to vector<1x1024x1024xf32>
    %reduce_sum3A_129 = arith.constant dense<0.000000e+00> : vector<1xf32>
    %reduce_sum3A_130 = vector.multi_reduction <add>, %reduce_sum3A_128, %reduce_sum3A_129 [1, 2] : vector<1x1024x1024xf32> to vector<1xf32>
    %reduce_sum3A_131 = vector.shape_cast %reduce_sum3A_130 : vector<1xf32> to vector<1x1x1xf32>
    %reduce_sum3A_132 = vector.extract %reduce_sum3A_131[0, 0, 0] : f32 from vector<1x1x1xf32>
    %add3A_133 = arith.addf %get3A_124, %reduce_sum3A_132 : f32
    %swap3A_134 = arith.constant 12 : index
    %swap3A_135 = memref.load %arg4[%swap3A_134] : memref<20xf32, #tpu.memory_space<smem>>
    memref.store %add3A_133, %arg4[%swap3A_134] : memref<20xf32, #tpu.memory_space<smem>>
    %lt3A_136 = arith.constant 0.000000e+00 : f32
    %lt3A_137 = vector.broadcast %lt3A_136 : f32 to vector<1024x1024xf32>
    %lt3A_138 = arith.cmpf olt, %mul3A_12, %lt3A_137 : vector<1024x1024xf32>
    %get3A_139 = arith.constant 4 : index
    %get3A_140 = memref.load %arg4[%get3A_139] : memref<20xf32, #tpu.memory_space<smem>>
    %convert_element_type3A_141 = arith.extui %lt3A_138 : vector<1024x1024xi1> to vector<1024x1024xi32>
    %convert_element_type3A_142 = arith.sitofp %convert_element_type3A_141 : vector<1024x1024xi32> to vector<1024x1024xf32>
    %reduce_sum3A_143 = vector.shape_cast %convert_element_type3A_142 : vector<1024x1024xf32> to vector<1x1024x1024xf32>
    %reduce_sum3A_144 = arith.constant dense<0.000000e+00> : vector<1xf32>
    %reduce_sum3A_145 = vector.multi_reduction <add>, %reduce_sum3A_143, %reduce_sum3A_144 [1, 2] : vector<1x1024x1024xf32> to vector<1xf32>
    %reduce_sum3A_146 = vector.shape_cast %reduce_sum3A_145 : vector<1xf32> to vector<1x1x1xf32>
    %reduce_sum3A_147 = vector.extract %reduce_sum3A_146[0, 0, 0] : f32 from vector<1x1x1xf32>
    %add3A_148 = arith.addf %get3A_140, %reduce_sum3A_147 : f32
    %swap3A_149 = arith.constant 4 : index
    %swap3A_150 = memref.load %arg4[%swap3A_149] : memref<20xf32, #tpu.memory_space<smem>>
    memref.store %add3A_148, %arg4[%swap3A_149] : memref<20xf32, #tpu.memory_space<smem>>
    %get3A_151 = arith.constant 13 : index
    %get3A_152 = memref.load %arg4[%get3A_151] : memref<20xf32, #tpu.memory_space<smem>>
    %jit3A_153 = arith.constant 0.000000e+00 : f32
    %broadcast_in_dim3A_154 = vector.broadcast %jit3A_153 : f32 to vector<1024x1024xf32>
    %select_n3A_155 = arith.select %lt3A_138, %add3A_19, %broadcast_in_dim3A_154 : vector<1024x1024xi1>, vector<1024x1024xf32>
    %reduce_sum3A_156 = vector.shape_cast %select_n3A_155 : vector<1024x1024xf32> to vector<1x1024x1024xf32>
    %reduce_sum3A_157 = arith.constant dense<0.000000e+00> : vector<1xf32>
    %reduce_sum3A_158 = vector.multi_reduction <add>, %reduce_sum3A_156, %reduce_sum3A_157 [1, 2] : vector<1x1024x1024xf32> to vector<1xf32>
    %reduce_sum3A_159 = vector.shape_cast %reduce_sum3A_158 : vector<1xf32> to vector<1x1x1xf32>
    %reduce_sum3A_160 = vector.extract %reduce_sum3A_159[0, 0, 0] : f32 from vector<1x1x1xf32>
    %add3A_161 = arith.addf %get3A_152, %reduce_sum3A_160 : f32
    %swap3A_162 = arith.constant 13 : index
    %swap3A_163 = memref.load %arg4[%swap3A_162] : memref<20xf32, #tpu.memory_space<smem>>
    memref.store %add3A_161, %arg4[%swap3A_162] : memref<20xf32, #tpu.memory_space<smem>>
    %lt3A_164 = arith.constant 0.405465096 : f32
    %lt3A_165 = vector.broadcast %lt3A_164 : f32 to vector<1024x1024xf32>
    %lt3A_166 = arith.cmpf olt, %mul3A_12, %lt3A_165 : vector<1024x1024xf32>
    %get3A_167 = arith.constant 5 : index
    %get3A_168 = memref.load %arg4[%get3A_167] : memref<20xf32, #tpu.memory_space<smem>>
    %convert_element_type3A_169 = arith.extui %lt3A_166 : vector<1024x1024xi1> to vector<1024x1024xi32>
    %convert_element_type3A_170 = arith.sitofp %convert_element_type3A_169 : vector<1024x1024xi32> to vector<1024x1024xf32>
    %reduce_sum3A_171 = vector.shape_cast %convert_element_type3A_170 : vector<1024x1024xf32> to vector<1x1024x1024xf32>
    %reduce_sum3A_172 = arith.constant dense<0.000000e+00> : vector<1xf32>
    %reduce_sum3A_173 = vector.multi_reduction <add>, %reduce_sum3A_171, %reduce_sum3A_172 [1, 2] : vector<1x1024x1024xf32> to vector<1xf32>
    %reduce_sum3A_174 = vector.shape_cast %reduce_sum3A_173 : vector<1xf32> to vector<1x1x1xf32>
    %reduce_sum3A_175 = vector.extract %reduce_sum3A_174[0, 0, 0] : f32 from vector<1x1x1xf32>
    %add3A_176 = arith.addf %get3A_168, %reduce_sum3A_175 : f32
    %swap3A_177 = arith.constant 5 : index
    %swap3A_178 = memref.load %arg4[%swap3A_177] : memref<20xf32, #tpu.memory_space<smem>>
    memref.store %add3A_176, %arg4[%swap3A_177] : memref<20xf32, #tpu.memory_space<smem>>
    %get3A_179 = arith.constant 14 : index
    %get3A_180 = memref.load %arg4[%get3A_179] : memref<20xf32, #tpu.memory_space<smem>>
    %jit3A_181 = arith.constant 0.000000e+00 : f32
    %broadcast_in_dim3A_182 = vector.broadcast %jit3A_181 : f32 to vector<1024x1024xf32>
    %select_n3A_183 = arith.select %lt3A_166, %add3A_19, %broadcast_in_dim3A_182 : vector<1024x1024xi1>, vector<1024x1024xf32>
    %reduce_sum3A_184 = vector.shape_cast %select_n3A_183 : vector<1024x1024xf32> to vector<1x1024x1024xf32>
    %reduce_sum3A_185 = arith.constant dense<0.000000e+00> : vector<1xf32>
    %reduce_sum3A_186 = vector.multi_reduction <add>, %reduce_sum3A_184, %reduce_sum3A_185 [1, 2] : vector<1x1024x1024xf32> to vector<1xf32>
    %reduce_sum3A_187 = vector.shape_cast %reduce_sum3A_186 : vector<1xf32> to vector<1x1x1xf32>
    %reduce_sum3A_188 = vector.extract %reduce_sum3A_187[0, 0, 0] : f32 from vector<1x1x1xf32>
    %add3A_189 = arith.addf %get3A_180, %reduce_sum3A_188 : f32
    %swap3A_190 = arith.constant 14 : index
    %swap3A_191 = memref.load %arg4[%swap3A_190] : memref<20xf32, #tpu.memory_space<smem>>
    memref.store %add3A_189, %arg4[%swap3A_190] : memref<20xf32, #tpu.memory_space<smem>>
    %lt3A_192 = arith.constant 0.847297847 : f32
    %lt3A_193 = vector.broadcast %lt3A_192 : f32 to vector<1024x1024xf32>
    %lt3A_194 = arith.cmpf olt, %mul3A_12, %lt3A_193 : vector<1024x1024xf32>
    %get3A_195 = arith.constant 6 : index
    %get3A_196 = memref.load %arg4[%get3A_195] : memref<20xf32, #tpu.memory_space<smem>>
    %convert_element_type3A_197 = arith.extui %lt3A_194 : vector<1024x1024xi1> to vector<1024x1024xi32>
    %convert_element_type3A_198 = arith.sitofp %convert_element_type3A_197 : vector<1024x1024xi32> to vector<1024x1024xf32>
    %reduce_sum3A_199 = vector.shape_cast %convert_element_type3A_198 : vector<1024x1024xf32> to vector<1x1024x1024xf32>
    %reduce_sum3A_200 = arith.constant dense<0.000000e+00> : vector<1xf32>
    %reduce_sum3A_201 = vector.multi_reduction <add>, %reduce_sum3A_199, %reduce_sum3A_200 [1, 2] : vector<1x1024x1024xf32> to vector<1xf32>
    %reduce_sum3A_202 = vector.shape_cast %reduce_sum3A_201 : vector<1xf32> to vector<1x1x1xf32>
    %reduce_sum3A_203 = vector.extract %reduce_sum3A_202[0, 0, 0] : f32 from vector<1x1x1xf32>
    %add3A_204 = arith.addf %get3A_196, %reduce_sum3A_203 : f32
    %swap3A_205 = arith.constant 6 : index
    %swap3A_206 = memref.load %arg4[%swap3A_205] : memref<20xf32, #tpu.memory_space<smem>>
    memref.store %add3A_204, %arg4[%swap3A_205] : memref<20xf32, #tpu.memory_space<smem>>
    %get3A_207 = arith.constant 15 : index
    %get3A_208 = memref.load %arg4[%get3A_207] : memref<20xf32, #tpu.memory_space<smem>>
    %jit3A_209 = arith.constant 0.000000e+00 : f32
    %broadcast_in_dim3A_210 = vector.broadcast %jit3A_209 : f32 to vector<1024x1024xf32>
    %select_n3A_211 = arith.select %lt3A_194, %add3A_19, %broadcast_in_dim3A_210 : vector<1024x1024xi1>, vector<1024x1024xf32>
    %reduce_sum3A_212 = vector.shape_cast %select_n3A_211 : vector<1024x1024xf32> to vector<1x1024x1024xf32>
    %reduce_sum3A_213 = arith.constant dense<0.000000e+00> : vector<1xf32>
    %reduce_sum3A_214 = vector.multi_reduction <add>, %reduce_sum3A_212, %reduce_sum3A_213 [1, 2] : vector<1x1024x1024xf32> to vector<1xf32>
    %reduce_sum3A_215 = vector.shape_cast %reduce_sum3A_214 : vector<1xf32> to vector<1x1x1xf32>
    %reduce_sum3A_216 = vector.extract %reduce_sum3A_215[0, 0, 0] : f32 from vector<1x1x1xf32>
    %add3A_217 = arith.addf %get3A_208, %reduce_sum3A_216 : f32
    %swap3A_218 = arith.constant 15 : index
    %swap3A_219 = memref.load %arg4[%swap3A_218] : memref<20xf32, #tpu.memory_space<smem>>
    memref.store %add3A_217, %arg4[%swap3A_218] : memref<20xf32, #tpu.memory_space<smem>>
    %lt3A_220 = arith.constant 1.38629436 : f32
    %lt3A_221 = vector.broadcast %lt3A_220 : f32 to vector<1024x1024xf32>
    %lt3A_222 = arith.cmpf olt, %mul3A_12, %lt3A_221 : vector<1024x1024xf32>
    %get3A_223 = arith.constant 7 : index
    %get3A_224 = memref.load %arg4[%get3A_223] : memref<20xf32, #tpu.memory_space<smem>>
    %convert_element_type3A_225 = arith.extui %lt3A_222 : vector<1024x1024xi1> to vector<1024x1024xi32>
    %convert_element_type3A_226 = arith.sitofp %convert_element_type3A_225 : vector<1024x1024xi32> to vector<1024x1024xf32>
    %reduce_sum3A_227 = vector.shape_cast %convert_element_type3A_226 : vector<1024x1024xf32> to vector<1x1024x1024xf32>
    %reduce_sum3A_228 = arith.constant dense<0.000000e+00> : vector<1xf32>
    %reduce_sum3A_229 = vector.multi_reduction <add>, %reduce_sum3A_227, %reduce_sum3A_228 [1, 2] : vector<1x1024x1024xf32> to vector<1xf32>
    %reduce_sum3A_230 = vector.shape_cast %reduce_sum3A_229 : vector<1xf32> to vector<1x1x1xf32>
    %reduce_sum3A_231 = vector.extract %reduce_sum3A_230[0, 0, 0] : f32 from vector<1x1x1xf32>
    %add3A_232 = arith.addf %get3A_224, %reduce_sum3A_231 : f32
    %swap3A_233 = arith.constant 7 : index
    %swap3A_234 = memref.load %arg4[%swap3A_233] : memref<20xf32, #tpu.memory_space<smem>>
    memref.store %add3A_232, %arg4[%swap3A_233] : memref<20xf32, #tpu.memory_space<smem>>
    %get3A_235 = arith.constant 16 : index
    %get3A_236 = memref.load %arg4[%get3A_235] : memref<20xf32, #tpu.memory_space<smem>>
    %jit3A_237 = arith.constant 0.000000e+00 : f32
    %broadcast_in_dim3A_238 = vector.broadcast %jit3A_237 : f32 to vector<1024x1024xf32>
    %select_n3A_239 = arith.select %lt3A_222, %add3A_19, %broadcast_in_dim3A_238 : vector<1024x1024xi1>, vector<1024x1024xf32>
    %reduce_sum3A_240 = vector.shape_cast %select_n3A_239 : vector<1024x1024xf32> to vector<1x1024x1024xf32>
    %reduce_sum3A_241 = arith.constant dense<0.000000e+00> : vector<1xf32>
    %reduce_sum3A_242 = vector.multi_reduction <add>, %reduce_sum3A_240, %reduce_sum3A_241 [1, 2] : vector<1x1024x1024xf32> to vector<1xf32>
    %reduce_sum3A_243 = vector.shape_cast %reduce_sum3A_242 : vector<1xf32> to vector<1x1x1xf32>
    %reduce_sum3A_244 = vector.extract %reduce_sum3A_243[0, 0, 0] : f32 from vector<1x1x1xf32>
    %add3A_245 = arith.addf %get3A_236, %reduce_sum3A_244 : f32
    %swap3A_246 = arith.constant 16 : index
    %swap3A_247 = memref.load %arg4[%swap3A_246] : memref<20xf32, #tpu.memory_space<smem>>
    memref.store %add3A_245, %arg4[%swap3A_246] : memref<20xf32, #tpu.memory_space<smem>>
    %lt3A_248 = arith.constant 2.19722462 : f32
    %lt3A_249 = vector.broadcast %lt3A_248 : f32 to vector<1024x1024xf32>
    %lt3A_250 = arith.cmpf olt, %mul3A_12, %lt3A_249 : vector<1024x1024xf32>
    %get3A_251 = arith.constant 8 : index
    %get3A_252 = memref.load %arg4[%get3A_251] : memref<20xf32, #tpu.memory_space<smem>>
    %convert_element_type3A_253 = arith.extui %lt3A_250 : vector<1024x1024xi1> to vector<1024x1024xi32>
    %convert_element_type3A_254 = arith.sitofp %convert_element_type3A_253 : vector<1024x1024xi32> to vector<1024x1024xf32>
    %reduce_sum3A_255 = vector.shape_cast %convert_element_type3A_254 : vector<1024x1024xf32> to vector<1x1024x1024xf32>
    %reduce_sum3A_256 = arith.constant dense<0.000000e+00> : vector<1xf32>
    %reduce_sum3A_257 = vector.multi_reduction <add>, %reduce_sum3A_255, %reduce_sum3A_256 [1, 2] : vector<1x1024x1024xf32> to vector<1xf32>
    %reduce_sum3A_258 = vector.shape_cast %reduce_sum3A_257 : vector<1xf32> to vector<1x1x1xf32>
    %reduce_sum3A_259 = vector.extract %reduce_sum3A_258[0, 0, 0] : f32 from vector<1x1x1xf32>
    %add3A_260 = arith.addf %get3A_252, %reduce_sum3A_259 : f32
    %swap3A_261 = arith.constant 8 : index
    %swap3A_262 = memref.load %arg4[%swap3A_261] : memref<20xf32, #tpu.memory_space<smem>>
    memref.store %add3A_260, %arg4[%swap3A_261] : memref<20xf32, #tpu.memory_space<smem>>
    %get3A_263 = arith.constant 17 : index
    %get3A_264 = memref.load %arg4[%get3A_263] : memref<20xf32, #tpu.memory_space<smem>>
    %jit3A_265 = arith.constant 0.000000e+00 : f32
    %broadcast_in_dim3A_266 = vector.broadcast %jit3A_265 : f32 to vector<1024x1024xf32>
    %select_n3A_267 = arith.select %lt3A_250, %add3A_19, %broadcast_in_dim3A_266 : vector<1024x1024xi1>, vector<1024x1024xf32>
    %reduce_sum3A_268 = vector.shape_cast %select_n3A_267 : vector<1024x1024xf32> to vector<1x1024x1024xf32>
    %reduce_sum3A_269 = arith.constant dense<0.000000e+00> : vector<1xf32>
    %reduce_sum3A_270 = vector.multi_reduction <add>, %reduce_sum3A_268, %reduce_sum3A_269 [1, 2] : vector<1x1024x1024xf32> to vector<1xf32>
    %reduce_sum3A_271 = vector.shape_cast %reduce_sum3A_270 : vector<1xf32> to vector<1x1x1xf32>
    %reduce_sum3A_272 = vector.extract %reduce_sum3A_271[0, 0, 0] : f32 from vector<1x1x1xf32>
    %add3A_273 = arith.addf %get3A_264, %reduce_sum3A_272 : f32
    %swap3A_274 = arith.constant 17 : index
    %swap3A_275 = memref.load %arg4[%swap3A_274] : memref<20xf32, #tpu.memory_space<smem>>
    memref.store %add3A_273, %arg4[%swap3A_274] : memref<20xf32, #tpu.memory_space<smem>>
    %eq3A_276 = arith.constant 3 : i32
    %eq3A_277 = arith.cmpi eq, %arg0, %eq3A_276 : i32
    %convert_element_type3A_278 = arith.extui %eq3A_277 : i1 to i32
    %cond3A_279 = arith.constant 0 : i32
    %cond3A_280 = arith.cmpi ne, %convert_element_type3A_278, %cond3A_279 : i32
    scf.if %cond3A_280 {
      %get3A_281 = arith.constant 0 : index
      %get3A_282 = memref.load %arg4[%get3A_281] : memref<20xf32, #tpu.memory_space<smem>>
      %swap3A_283 = arith.constant 0 : index
      %swap3A_284 = memref.load %arg3[%swap3A_283] : memref<20xf32, #tpu.memory_space<smem>>
      memref.store %get3A_282, %arg3[%swap3A_283] : memref<20xf32, #tpu.memory_space<smem>>
      %get3A_285 = arith.constant 1 : index
      %get3A_286 = memref.load %arg4[%get3A_285] : memref<20xf32, #tpu.memory_space<smem>>
      %swap3A_287 = arith.constant 1 : index
      %swap3A_288 = memref.load %arg3[%swap3A_287] : memref<20xf32, #tpu.memory_space<smem>>
      memref.store %get3A_286, %arg3[%swap3A_287] : memref<20xf32, #tpu.memory_space<smem>>
      %get3A_289 = arith.constant 2 : index
      %get3A_290 = memref.load %arg4[%get3A_289] : memref<20xf32, #tpu.memory_space<smem>>
      %swap3A_291 = arith.constant 2 : index
      %swap3A_292 = memref.load %arg3[%swap3A_291] : memref<20xf32, #tpu.memory_space<smem>>
      memref.store %get3A_290, %arg3[%swap3A_291] : memref<20xf32, #tpu.memory_space<smem>>
      %get3A_293 = arith.constant 3 : index
      %get3A_294 = memref.load %arg4[%get3A_293] : memref<20xf32, #tpu.memory_space<smem>>
      %swap3A_295 = arith.constant 3 : index
      %swap3A_296 = memref.load %arg3[%swap3A_295] : memref<20xf32, #tpu.memory_space<smem>>
      memref.store %get3A_294, %arg3[%swap3A_295] : memref<20xf32, #tpu.memory_space<smem>>
      %get3A_297 = arith.constant 4 : index
      %get3A_298 = memref.load %arg4[%get3A_297] : memref<20xf32, #tpu.memory_space<smem>>
      %swap3A_299 = arith.constant 4 : index
      %swap3A_300 = memref.load %arg3[%swap3A_299] : memref<20xf32, #tpu.memory_space<smem>>
      memref.store %get3A_298, %arg3[%swap3A_299] : memref<20xf32, #tpu.memory_space<smem>>
      %get3A_301 = arith.constant 5 : index
      %get3A_302 = memref.load %arg4[%get3A_301] : memref<20xf32, #tpu.memory_space<smem>>
      %swap3A_303 = arith.constant 5 : index
      %swap3A_304 = memref.load %arg3[%swap3A_303] : memref<20xf32, #tpu.memory_space<smem>>
      memref.store %get3A_302, %arg3[%swap3A_303] : memref<20xf32, #tpu.memory_space<smem>>
      %get3A_305 = arith.constant 6 : index
      %get3A_306 = memref.load %arg4[%get3A_305] : memref<20xf32, #tpu.memory_space<smem>>
      %swap3A_307 = arith.constant 6 : index
      %swap3A_308 = memref.load %arg3[%swap3A_307] : memref<20xf32, #tpu.memory_space<smem>>
      memref.store %get3A_306, %arg3[%swap3A_307] : memref<20xf32, #tpu.memory_space<smem>>
      %get3A_309 = arith.constant 7 : index
      %get3A_310 = memref.load %arg4[%get3A_309] : memref<20xf32, #tpu.memory_space<smem>>
      %swap3A_311 = arith.constant 7 : index
      %swap3A_312 = memref.load %arg3[%swap3A_311] : memref<20xf32, #tpu.memory_space<smem>>
      memref.store %get3A_310, %arg3[%swap3A_311] : memref<20xf32, #tpu.memory_space<smem>>
      %get3A_313 = arith.constant 8 : index
      %get3A_314 = memref.load %arg4[%get3A_313] : memref<20xf32, #tpu.memory_space<smem>>
      %swap3A_315 = arith.constant 8 : index
      %swap3A_316 = memref.load %arg3[%swap3A_315] : memref<20xf32, #tpu.memory_space<smem>>
      memref.store %get3A_314, %arg3[%swap3A_315] : memref<20xf32, #tpu.memory_space<smem>>
      %get3A_317 = arith.constant 9 : index
      %get3A_318 = memref.load %arg4[%get3A_317] : memref<20xf32, #tpu.memory_space<smem>>
      %swap3A_319 = arith.constant 9 : index
      %swap3A_320 = memref.load %arg3[%swap3A_319] : memref<20xf32, #tpu.memory_space<smem>>
      memref.store %get3A_318, %arg3[%swap3A_319] : memref<20xf32, #tpu.memory_space<smem>>
      %get3A_321 = arith.constant 10 : index
      %get3A_322 = memref.load %arg4[%get3A_321] : memref<20xf32, #tpu.memory_space<smem>>
      %swap3A_323 = arith.constant 10 : index
      %swap3A_324 = memref.load %arg3[%swap3A_323] : memref<20xf32, #tpu.memory_space<smem>>
      memref.store %get3A_322, %arg3[%swap3A_323] : memref<20xf32, #tpu.memory_space<smem>>
      %get3A_325 = arith.constant 11 : index
      %get3A_326 = memref.load %arg4[%get3A_325] : memref<20xf32, #tpu.memory_space<smem>>
      %swap3A_327 = arith.constant 11 : index
      %swap3A_328 = memref.load %arg3[%swap3A_327] : memref<20xf32, #tpu.memory_space<smem>>
      memref.store %get3A_326, %arg3[%swap3A_327] : memref<20xf32, #tpu.memory_space<smem>>
      %get3A_329 = arith.constant 12 : index
      %get3A_330 = memref.load %arg4[%get3A_329] : memref<20xf32, #tpu.memory_space<smem>>
      %swap3A_331 = arith.constant 12 : index
      %swap3A_332 = memref.load %arg3[%swap3A_331] : memref<20xf32, #tpu.memory_space<smem>>
      memref.store %get3A_330, %arg3[%swap3A_331] : memref<20xf32, #tpu.memory_space<smem>>
      %get3A_333 = arith.constant 13 : index
      %get3A_334 = memref.load %arg4[%get3A_333] : memref<20xf32, #tpu.memory_space<smem>>
      %swap3A_335 = arith.constant 13 : index
      %swap3A_336 = memref.load %arg3[%swap3A_335] : memref<20xf32, #tpu.memory_space<smem>>
      memref.store %get3A_334, %arg3[%swap3A_335] : memref<20xf32, #tpu.memory_space<smem>>
      %get3A_337 = arith.constant 14 : index
      %get3A_338 = memref.load %arg4[%get3A_337] : memref<20xf32, #tpu.memory_space<smem>>
      %swap3A_339 = arith.constant 14 : index
      %swap3A_340 = memref.load %arg3[%swap3A_339] : memref<20xf32, #tpu.memory_space<smem>>
      memref.store %get3A_338, %arg3[%swap3A_339] : memref<20xf32, #tpu.memory_space<smem>>
      %get3A_341 = arith.constant 15 : index
      %get3A_342 = memref.load %arg4[%get3A_341] : memref<20xf32, #tpu.memory_space<smem>>
      %swap3A_343 = arith.constant 15 : index
      %swap3A_344 = memref.load %arg3[%swap3A_343] : memref<20xf32, #tpu.memory_space<smem>>
      memref.store %get3A_342, %arg3[%swap3A_343] : memref<20xf32, #tpu.memory_space<smem>>
      %get3A_345 = arith.constant 16 : index
      %get3A_346 = memref.load %arg4[%get3A_345] : memref<20xf32, #tpu.memory_space<smem>>
      %swap3A_347 = arith.constant 16 : index
      %swap3A_348 = memref.load %arg3[%swap3A_347] : memref<20xf32, #tpu.memory_space<smem>>
      memref.store %get3A_346, %arg3[%swap3A_347] : memref<20xf32, #tpu.memory_space<smem>>
      %get3A_349 = arith.constant 17 : index
      %get3A_350 = memref.load %arg4[%get3A_349] : memref<20xf32, #tpu.memory_space<smem>>
      %swap3A_351 = arith.constant 17 : index
      %swap3A_352 = memref.load %arg3[%swap3A_351] : memref<20xf32, #tpu.memory_space<smem>>
      memref.store %get3A_350, %arg3[%swap3A_351] : memref<20xf32, #tpu.memory_space<smem>>
      %get3A_353 = arith.constant 18 : index
      %get3A_354 = memref.load %arg4[%get3A_353] : memref<20xf32, #tpu.memory_space<smem>>
      %swap3A_355 = arith.constant 18 : index
      %swap3A_356 = memref.load %arg3[%swap3A_355] : memref<20xf32, #tpu.memory_space<smem>>
      memref.store %get3A_354, %arg3[%swap3A_355] : memref<20xf32, #tpu.memory_space<smem>>
      %get3A_357 = arith.constant 19 : index
      %get3A_358 = memref.load %arg4[%get3A_357] : memref<20xf32, #tpu.memory_space<smem>>
      %swap3A_359 = arith.constant 19 : index
      %swap3A_360 = memref.load %arg3[%swap3A_359] : memref<20xf32, #tpu.memory_space<smem>>
      memref.store %get3A_358, %arg3[%swap3A_359] : memref<20xf32, #tpu.memory_space<smem>>
    } else {
    }
    return
  }
  func.func @transform_0(%arg0: i32) -> (i32, i32) {
    %c0_i32 = arith.constant 0 : i32
    %c0_i32_0 = arith.constant 0 : i32
    return %arg0, %c0_i32 : i32, i32
  }
  func.func @transform_1(%arg0: i32) -> (i32, i32) {
    %c0_i32 = arith.constant 0 : i32
    %c0_i32_0 = arith.constant 0 : i32
    return %arg0, %c0_i32 : i32, i32
  }
  func.func @transform_2(%arg0: i32) -> i32 {
    %c0_i32 = arith.constant 0 : i32
    %c0_i32_0 = arith.constant 0 : i32
    return %c0_i32 : i32
  }
}

module attributes {stable_mosaic.version = 14 : i64} {
  func.func @_combine_body(%arg0: memref<20xf32, #tpu.memory_space<smem>>, %arg1: memref<512x10xf32, #tpu.memory_space<vmem>>, %arg2: memref<512x10xf32, #tpu.memory_space<vmem>>, %arg3: memref<1xf32, #tpu.memory_space<smem>>) attributes {dimension_semantics = [], scalar_prefetch = 0 : i64, scratch_operands = 0 : i64, tpu.core_type = #tpu.core_type<tc>} {
    %get3A = arith.constant 0 : index
    %get3A_0 = arith.constant 0 : index
    %get3A_1 = vector.load %arg1[%get3A, %get3A_0] : memref<512x10xf32, #tpu.memory_space<vmem>>, vector<512x10xf32>
    %reduce_sum3A = arith.constant dense<0.000000e+00> : vector<10xf32>
    %reduce_sum3A_2 = vector.multi_reduction <add>, %get3A_1, %reduce_sum3A [0] : vector<512x10xf32> to vector<10xf32>
    %broadcast_in_dim3A = vector.shape_cast %reduce_sum3A_2 : vector<10xf32> to vector<1x10xf32>
    %get3A_3 = arith.constant 0 : index
    %get3A_4 = arith.constant 0 : index
    %get3A_5 = vector.load %arg2[%get3A_3, %get3A_4] : memref<512x10xf32, #tpu.memory_space<vmem>>, vector<512x10xf32>
    %reduce_sum3A_6 = arith.constant dense<0.000000e+00> : vector<10xf32>
    %reduce_sum3A_7 = vector.multi_reduction <add>, %get3A_5, %reduce_sum3A_6 [0] : vector<512x10xf32> to vector<10xf32>
    %broadcast_in_dim3A_8 = vector.shape_cast %reduce_sum3A_7 : vector<10xf32> to vector<1x10xf32>
    %iota3A = tpu.iota {dimensions = array<i32: 1>} : vector<1x10xi32>
    %get3A_9 = arith.constant 0 : index
    %get3A_10 = memref.load %arg0[%get3A_9] : memref<20xf32, #tpu.memory_space<smem>>
    %get3A_11 = arith.constant 1 : index
    %get3A_12 = memref.load %arg0[%get3A_11] : memref<20xf32, #tpu.memory_space<smem>>
    %get3A_13 = arith.constant 2 : index
    %get3A_14 = memref.load %arg0[%get3A_13] : memref<20xf32, #tpu.memory_space<smem>>
    %get3A_15 = arith.constant 3 : index
    %get3A_16 = memref.load %arg0[%get3A_15] : memref<20xf32, #tpu.memory_space<smem>>
    %get3A_17 = arith.constant 4 : index
    %get3A_18 = memref.load %arg0[%get3A_17] : memref<20xf32, #tpu.memory_space<smem>>
    %get3A_19 = arith.constant 5 : index
    %get3A_20 = memref.load %arg0[%get3A_19] : memref<20xf32, #tpu.memory_space<smem>>
    %get3A_21 = arith.constant 6 : index
    %get3A_22 = memref.load %arg0[%get3A_21] : memref<20xf32, #tpu.memory_space<smem>>
    %get3A_23 = arith.constant 7 : index
    %get3A_24 = memref.load %arg0[%get3A_23] : memref<20xf32, #tpu.memory_space<smem>>
    %get3A_25 = arith.constant 8 : index
    %get3A_26 = memref.load %arg0[%get3A_25] : memref<20xf32, #tpu.memory_space<smem>>
    %get3A_27 = arith.constant 9 : index
    %get3A_28 = memref.load %arg0[%get3A_27] : memref<20xf32, #tpu.memory_space<smem>>
    %get3A_29 = arith.constant 10 : index
    %get3A_30 = memref.load %arg0[%get3A_29] : memref<20xf32, #tpu.memory_space<smem>>
    %get3A_31 = arith.constant 11 : index
    %get3A_32 = memref.load %arg0[%get3A_31] : memref<20xf32, #tpu.memory_space<smem>>
    %get3A_33 = arith.constant 12 : index
    %get3A_34 = memref.load %arg0[%get3A_33] : memref<20xf32, #tpu.memory_space<smem>>
    %get3A_35 = arith.constant 13 : index
    %get3A_36 = memref.load %arg0[%get3A_35] : memref<20xf32, #tpu.memory_space<smem>>
    %get3A_37 = arith.constant 14 : index
    %get3A_38 = memref.load %arg0[%get3A_37] : memref<20xf32, #tpu.memory_space<smem>>
    %get3A_39 = arith.constant 15 : index
    %get3A_40 = memref.load %arg0[%get3A_39] : memref<20xf32, #tpu.memory_space<smem>>
    %get3A_41 = arith.constant 16 : index
    %get3A_42 = memref.load %arg0[%get3A_41] : memref<20xf32, #tpu.memory_space<smem>>
    %get3A_43 = arith.constant 17 : index
    %get3A_44 = memref.load %arg0[%get3A_43] : memref<20xf32, #tpu.memory_space<smem>>
    %get3A_45 = arith.constant 19 : index
    %get3A_46 = memref.load %arg0[%get3A_45] : memref<20xf32, #tpu.memory_space<smem>>
    %eq3A = arith.constant 0 : i32
    %eq3A_47 = vector.broadcast %eq3A : i32 to vector<1x10xi32>
    %eq3A_48 = arith.cmpi eq, %iota3A, %eq3A_47 : vector<1x10xi32>
    %sub3A = arith.constant 0.000000e+00 : f32
    %sub3A_49 = arith.subf %get3A_10, %sub3A : f32
    %jit3A = arith.constant 0.000000e+00 : f32
    %broadcast_in_dim3A_50 = vector.broadcast %sub3A_49 : f32 to vector<1x10xf32>
    %broadcast_in_dim3A_51 = vector.broadcast %jit3A : f32 to vector<1x10xf32>
    %select_n3A = arith.select %eq3A_48, %broadcast_in_dim3A_50, %broadcast_in_dim3A_51 : vector<1x10xi1>, vector<1x10xf32>
    %add3A = arith.addf %broadcast_in_dim3A, %select_n3A : vector<1x10xf32>
    %eq3A_52 = arith.constant 0 : i32
    %eq3A_53 = vector.broadcast %eq3A_52 : i32 to vector<1x10xi32>
    %eq3A_54 = arith.cmpi eq, %iota3A, %eq3A_53 : vector<1x10xi32>
    %sub3A_55 = arith.constant 0.000000e+00 : f32
    %sub3A_56 = arith.subf %get3A_28, %sub3A_55 : f32
    %jit3A_57 = arith.constant 0.000000e+00 : f32
    %broadcast_in_dim3A_58 = vector.broadcast %sub3A_56 : f32 to vector<1x10xf32>
    %broadcast_in_dim3A_59 = vector.broadcast %jit3A_57 : f32 to vector<1x10xf32>
    %select_n3A_60 = arith.select %eq3A_54, %broadcast_in_dim3A_58, %broadcast_in_dim3A_59 : vector<1x10xi1>, vector<1x10xf32>
    %add3A_61 = arith.addf %broadcast_in_dim3A_8, %select_n3A_60 : vector<1x10xf32>
    %eq3A_62 = arith.constant 1 : i32
    %eq3A_63 = vector.broadcast %eq3A_62 : i32 to vector<1x10xi32>
    %eq3A_64 = arith.cmpi eq, %iota3A, %eq3A_63 : vector<1x10xi32>
    %sub3A_65 = arith.subf %get3A_12, %get3A_10 : f32
    %jit3A_66 = arith.constant 0.000000e+00 : f32
    %broadcast_in_dim3A_67 = vector.broadcast %sub3A_65 : f32 to vector<1x10xf32>
    %broadcast_in_dim3A_68 = vector.broadcast %jit3A_66 : f32 to vector<1x10xf32>
    %select_n3A_69 = arith.select %eq3A_64, %broadcast_in_dim3A_67, %broadcast_in_dim3A_68 : vector<1x10xi1>, vector<1x10xf32>
    %add3A_70 = arith.addf %add3A, %select_n3A_69 : vector<1x10xf32>
    %eq3A_71 = arith.constant 1 : i32
    %eq3A_72 = vector.broadcast %eq3A_71 : i32 to vector<1x10xi32>
    %eq3A_73 = arith.cmpi eq, %iota3A, %eq3A_72 : vector<1x10xi32>
    %sub3A_74 = arith.subf %get3A_30, %get3A_28 : f32
    %jit3A_75 = arith.constant 0.000000e+00 : f32
    %broadcast_in_dim3A_76 = vector.broadcast %sub3A_74 : f32 to vector<1x10xf32>
    %broadcast_in_dim3A_77 = vector.broadcast %jit3A_75 : f32 to vector<1x10xf32>
    %select_n3A_78 = arith.select %eq3A_73, %broadcast_in_dim3A_76, %broadcast_in_dim3A_77 : vector<1x10xi1>, vector<1x10xf32>
    %add3A_79 = arith.addf %add3A_61, %select_n3A_78 : vector<1x10xf32>
    %eq3A_80 = arith.constant 2 : i32
    %eq3A_81 = vector.broadcast %eq3A_80 : i32 to vector<1x10xi32>
    %eq3A_82 = arith.cmpi eq, %iota3A, %eq3A_81 : vector<1x10xi32>
    %sub3A_83 = arith.subf %get3A_14, %get3A_12 : f32
    %jit3A_84 = arith.constant 0.000000e+00 : f32
    %broadcast_in_dim3A_85 = vector.broadcast %sub3A_83 : f32 to vector<1x10xf32>
    %broadcast_in_dim3A_86 = vector.broadcast %jit3A_84 : f32 to vector<1x10xf32>
    %select_n3A_87 = arith.select %eq3A_82, %broadcast_in_dim3A_85, %broadcast_in_dim3A_86 : vector<1x10xi1>, vector<1x10xf32>
    %add3A_88 = arith.addf %add3A_70, %select_n3A_87 : vector<1x10xf32>
    %eq3A_89 = arith.constant 2 : i32
    %eq3A_90 = vector.broadcast %eq3A_89 : i32 to vector<1x10xi32>
    %eq3A_91 = arith.cmpi eq, %iota3A, %eq3A_90 : vector<1x10xi32>
    %sub3A_92 = arith.subf %get3A_32, %get3A_30 : f32
    %jit3A_93 = arith.constant 0.000000e+00 : f32
    %broadcast_in_dim3A_94 = vector.broadcast %sub3A_92 : f32 to vector<1x10xf32>
    %broadcast_in_dim3A_95 = vector.broadcast %jit3A_93 : f32 to vector<1x10xf32>
    %select_n3A_96 = arith.select %eq3A_91, %broadcast_in_dim3A_94, %broadcast_in_dim3A_95 : vector<1x10xi1>, vector<1x10xf32>
    %add3A_97 = arith.addf %add3A_79, %select_n3A_96 : vector<1x10xf32>
    %eq3A_98 = arith.constant 3 : i32
    %eq3A_99 = vector.broadcast %eq3A_98 : i32 to vector<1x10xi32>
    %eq3A_100 = arith.cmpi eq, %iota3A, %eq3A_99 : vector<1x10xi32>
    %sub3A_101 = arith.subf %get3A_16, %get3A_14 : f32
    %jit3A_102 = arith.constant 0.000000e+00 : f32
    %broadcast_in_dim3A_103 = vector.broadcast %sub3A_101 : f32 to vector<1x10xf32>
    %broadcast_in_dim3A_104 = vector.broadcast %jit3A_102 : f32 to vector<1x10xf32>
    %select_n3A_105 = arith.select %eq3A_100, %broadcast_in_dim3A_103, %broadcast_in_dim3A_104 : vector<1x10xi1>, vector<1x10xf32>
    %add3A_106 = arith.addf %add3A_88, %select_n3A_105 : vector<1x10xf32>
    %eq3A_107 = arith.constant 3 : i32
    %eq3A_108 = vector.broadcast %eq3A_107 : i32 to vector<1x10xi32>
    %eq3A_109 = arith.cmpi eq, %iota3A, %eq3A_108 : vector<1x10xi32>
    %sub3A_110 = arith.subf %get3A_34, %get3A_32 : f32
    %jit3A_111 = arith.constant 0.000000e+00 : f32
    %broadcast_in_dim3A_112 = vector.broadcast %sub3A_110 : f32 to vector<1x10xf32>
    %broadcast_in_dim3A_113 = vector.broadcast %jit3A_111 : f32 to vector<1x10xf32>
    %select_n3A_114 = arith.select %eq3A_109, %broadcast_in_dim3A_112, %broadcast_in_dim3A_113 : vector<1x10xi1>, vector<1x10xf32>
    %add3A_115 = arith.addf %add3A_97, %select_n3A_114 : vector<1x10xf32>
    %eq3A_116 = arith.constant 4 : i32
    %eq3A_117 = vector.broadcast %eq3A_116 : i32 to vector<1x10xi32>
    %eq3A_118 = arith.cmpi eq, %iota3A, %eq3A_117 : vector<1x10xi32>
    %sub3A_119 = arith.subf %get3A_18, %get3A_16 : f32
    %jit3A_120 = arith.constant 0.000000e+00 : f32
    %broadcast_in_dim3A_121 = vector.broadcast %sub3A_119 : f32 to vector<1x10xf32>
    %broadcast_in_dim3A_122 = vector.broadcast %jit3A_120 : f32 to vector<1x10xf32>
    %select_n3A_123 = arith.select %eq3A_118, %broadcast_in_dim3A_121, %broadcast_in_dim3A_122 : vector<1x10xi1>, vector<1x10xf32>
    %add3A_124 = arith.addf %add3A_106, %select_n3A_123 : vector<1x10xf32>
    %eq3A_125 = arith.constant 4 : i32
    %eq3A_126 = vector.broadcast %eq3A_125 : i32 to vector<1x10xi32>
    %eq3A_127 = arith.cmpi eq, %iota3A, %eq3A_126 : vector<1x10xi32>
    %sub3A_128 = arith.subf %get3A_36, %get3A_34 : f32
    %jit3A_129 = arith.constant 0.000000e+00 : f32
    %broadcast_in_dim3A_130 = vector.broadcast %sub3A_128 : f32 to vector<1x10xf32>
    %broadcast_in_dim3A_131 = vector.broadcast %jit3A_129 : f32 to vector<1x10xf32>
    %select_n3A_132 = arith.select %eq3A_127, %broadcast_in_dim3A_130, %broadcast_in_dim3A_131 : vector<1x10xi1>, vector<1x10xf32>
    %add3A_133 = arith.addf %add3A_115, %select_n3A_132 : vector<1x10xf32>
    %eq3A_134 = arith.constant 5 : i32
    %eq3A_135 = vector.broadcast %eq3A_134 : i32 to vector<1x10xi32>
    %eq3A_136 = arith.cmpi eq, %iota3A, %eq3A_135 : vector<1x10xi32>
    %sub3A_137 = arith.subf %get3A_20, %get3A_18 : f32
    %jit3A_138 = arith.constant 0.000000e+00 : f32
    %broadcast_in_dim3A_139 = vector.broadcast %sub3A_137 : f32 to vector<1x10xf32>
    %broadcast_in_dim3A_140 = vector.broadcast %jit3A_138 : f32 to vector<1x10xf32>
    %select_n3A_141 = arith.select %eq3A_136, %broadcast_in_dim3A_139, %broadcast_in_dim3A_140 : vector<1x10xi1>, vector<1x10xf32>
    %add3A_142 = arith.addf %add3A_124, %select_n3A_141 : vector<1x10xf32>
    %eq3A_143 = arith.constant 5 : i32
    %eq3A_144 = vector.broadcast %eq3A_143 : i32 to vector<1x10xi32>
    %eq3A_145 = arith.cmpi eq, %iota3A, %eq3A_144 : vector<1x10xi32>
    %sub3A_146 = arith.subf %get3A_38, %get3A_36 : f32
    %jit3A_147 = arith.constant 0.000000e+00 : f32
    %broadcast_in_dim3A_148 = vector.broadcast %sub3A_146 : f32 to vector<1x10xf32>
    %broadcast_in_dim3A_149 = vector.broadcast %jit3A_147 : f32 to vector<1x10xf32>
    %select_n3A_150 = arith.select %eq3A_145, %broadcast_in_dim3A_148, %broadcast_in_dim3A_149 : vector<1x10xi1>, vector<1x10xf32>
    %add3A_151 = arith.addf %add3A_133, %select_n3A_150 : vector<1x10xf32>
    %eq3A_152 = arith.constant 6 : i32
    %eq3A_153 = vector.broadcast %eq3A_152 : i32 to vector<1x10xi32>
    %eq3A_154 = arith.cmpi eq, %iota3A, %eq3A_153 : vector<1x10xi32>
    %sub3A_155 = arith.subf %get3A_22, %get3A_20 : f32
    %jit3A_156 = arith.constant 0.000000e+00 : f32
    %broadcast_in_dim3A_157 = vector.broadcast %sub3A_155 : f32 to vector<1x10xf32>
    %broadcast_in_dim3A_158 = vector.broadcast %jit3A_156 : f32 to vector<1x10xf32>
    %select_n3A_159 = arith.select %eq3A_154, %broadcast_in_dim3A_157, %broadcast_in_dim3A_158 : vector<1x10xi1>, vector<1x10xf32>
    %add3A_160 = arith.addf %add3A_142, %select_n3A_159 : vector<1x10xf32>
    %eq3A_161 = arith.constant 6 : i32
    %eq3A_162 = vector.broadcast %eq3A_161 : i32 to vector<1x10xi32>
    %eq3A_163 = arith.cmpi eq, %iota3A, %eq3A_162 : vector<1x10xi32>
    %sub3A_164 = arith.subf %get3A_40, %get3A_38 : f32
    %jit3A_165 = arith.constant 0.000000e+00 : f32
    %broadcast_in_dim3A_166 = vector.broadcast %sub3A_164 : f32 to vector<1x10xf32>
    %broadcast_in_dim3A_167 = vector.broadcast %jit3A_165 : f32 to vector<1x10xf32>
    %select_n3A_168 = arith.select %eq3A_163, %broadcast_in_dim3A_166, %broadcast_in_dim3A_167 : vector<1x10xi1>, vector<1x10xf32>
    %add3A_169 = arith.addf %add3A_151, %select_n3A_168 : vector<1x10xf32>
    %eq3A_170 = arith.constant 7 : i32
    %eq3A_171 = vector.broadcast %eq3A_170 : i32 to vector<1x10xi32>
    %eq3A_172 = arith.cmpi eq, %iota3A, %eq3A_171 : vector<1x10xi32>
    %sub3A_173 = arith.subf %get3A_24, %get3A_22 : f32
    %jit3A_174 = arith.constant 0.000000e+00 : f32
    %broadcast_in_dim3A_175 = vector.broadcast %sub3A_173 : f32 to vector<1x10xf32>
    %broadcast_in_dim3A_176 = vector.broadcast %jit3A_174 : f32 to vector<1x10xf32>
    %select_n3A_177 = arith.select %eq3A_172, %broadcast_in_dim3A_175, %broadcast_in_dim3A_176 : vector<1x10xi1>, vector<1x10xf32>
    %add3A_178 = arith.addf %add3A_160, %select_n3A_177 : vector<1x10xf32>
    %eq3A_179 = arith.constant 7 : i32
    %eq3A_180 = vector.broadcast %eq3A_179 : i32 to vector<1x10xi32>
    %eq3A_181 = arith.cmpi eq, %iota3A, %eq3A_180 : vector<1x10xi32>
    %sub3A_182 = arith.subf %get3A_42, %get3A_40 : f32
    %jit3A_183 = arith.constant 0.000000e+00 : f32
    %broadcast_in_dim3A_184 = vector.broadcast %sub3A_182 : f32 to vector<1x10xf32>
    %broadcast_in_dim3A_185 = vector.broadcast %jit3A_183 : f32 to vector<1x10xf32>
    %select_n3A_186 = arith.select %eq3A_181, %broadcast_in_dim3A_184, %broadcast_in_dim3A_185 : vector<1x10xi1>, vector<1x10xf32>
    %add3A_187 = arith.addf %add3A_169, %select_n3A_186 : vector<1x10xf32>
    %eq3A_188 = arith.constant 8 : i32
    %eq3A_189 = vector.broadcast %eq3A_188 : i32 to vector<1x10xi32>
    %eq3A_190 = arith.cmpi eq, %iota3A, %eq3A_189 : vector<1x10xi32>
    %sub3A_191 = arith.subf %get3A_26, %get3A_24 : f32
    %jit3A_192 = arith.constant 0.000000e+00 : f32
    %broadcast_in_dim3A_193 = vector.broadcast %sub3A_191 : f32 to vector<1x10xf32>
    %broadcast_in_dim3A_194 = vector.broadcast %jit3A_192 : f32 to vector<1x10xf32>
    %select_n3A_195 = arith.select %eq3A_190, %broadcast_in_dim3A_193, %broadcast_in_dim3A_194 : vector<1x10xi1>, vector<1x10xf32>
    %add3A_196 = arith.addf %add3A_178, %select_n3A_195 : vector<1x10xf32>
    %eq3A_197 = arith.constant 8 : i32
    %eq3A_198 = vector.broadcast %eq3A_197 : i32 to vector<1x10xi32>
    %eq3A_199 = arith.cmpi eq, %iota3A, %eq3A_198 : vector<1x10xi32>
    %sub3A_200 = arith.subf %get3A_44, %get3A_42 : f32
    %jit3A_201 = arith.constant 0.000000e+00 : f32
    %broadcast_in_dim3A_202 = vector.broadcast %sub3A_200 : f32 to vector<1x10xf32>
    %broadcast_in_dim3A_203 = vector.broadcast %jit3A_201 : f32 to vector<1x10xf32>
    %select_n3A_204 = arith.select %eq3A_199, %broadcast_in_dim3A_202, %broadcast_in_dim3A_203 : vector<1x10xi1>, vector<1x10xf32>
    %add3A_205 = arith.addf %add3A_187, %select_n3A_204 : vector<1x10xf32>
    %eq3A_206 = arith.constant 9 : i32
    %eq3A_207 = vector.broadcast %eq3A_206 : i32 to vector<1x10xi32>
    %eq3A_208 = arith.cmpi eq, %iota3A, %eq3A_207 : vector<1x10xi32>
    %sub3A_209 = arith.constant 0x4A800000 : f32
    %sub3A_210 = arith.subf %sub3A_209, %get3A_26 : f32
    %jit3A_211 = arith.constant 0.000000e+00 : f32
    %broadcast_in_dim3A_212 = vector.broadcast %sub3A_210 : f32 to vector<1x10xf32>
    %broadcast_in_dim3A_213 = vector.broadcast %jit3A_211 : f32 to vector<1x10xf32>
    %select_n3A_214 = arith.select %eq3A_208, %broadcast_in_dim3A_212, %broadcast_in_dim3A_213 : vector<1x10xi1>, vector<1x10xf32>
    %add3A_215 = arith.addf %add3A_196, %select_n3A_214 : vector<1x10xf32>
    %eq3A_216 = arith.constant 9 : i32
    %eq3A_217 = vector.broadcast %eq3A_216 : i32 to vector<1x10xi32>
    %eq3A_218 = arith.cmpi eq, %iota3A, %eq3A_217 : vector<1x10xi32>
    %sub3A_219 = arith.subf %get3A_46, %get3A_44 : f32
    %jit3A_220 = arith.constant 0.000000e+00 : f32
    %broadcast_in_dim3A_221 = vector.broadcast %sub3A_219 : f32 to vector<1x10xf32>
    %broadcast_in_dim3A_222 = vector.broadcast %jit3A_220 : f32 to vector<1x10xf32>
    %select_n3A_223 = arith.select %eq3A_218, %broadcast_in_dim3A_221, %broadcast_in_dim3A_222 : vector<1x10xi1>, vector<1x10xf32>
    %add3A_224 = arith.addf %add3A_205, %select_n3A_223 : vector<1x10xf32>
    %max3A = arith.constant 1.000000e+00 : f32
    %max3A_225 = vector.broadcast %max3A : f32 to vector<1x10xf32>
    %max3A_226 = arith.maximumf %add3A_215, %max3A_225 : vector<1x10xf32>
    %div3A = arith.divf %add3A_224, %max3A_226 : vector<1x10xf32>
    %reduce_sum3A_227 = vector.shape_cast %div3A : vector<1x10xf32> to vector<1x1x10xf32>
    %reduce_sum3A_228 = arith.constant dense<0.000000e+00> : vector<1xf32>
    %reduce_sum3A_229 = vector.multi_reduction <add>, %reduce_sum3A_227, %reduce_sum3A_228 [1, 2] : vector<1x1x10xf32> to vector<1xf32>
    %reduce_sum3A_230 = vector.shape_cast %reduce_sum3A_229 : vector<1xf32> to vector<1x1x1xf32>
    %reduce_sum3A_231 = vector.extract %reduce_sum3A_230[0, 0, 0] : f32 from vector<1x1x1xf32>
    %mul3A = arith.constant 7.500000e-02 : f32
    %mul3A_232 = arith.mulf %reduce_sum3A_231, %mul3A : f32
    %swap3A = arith.constant 0 : index
    %swap3A_233 = memref.load %arg3[%swap3A] : memref<1xf32, #tpu.memory_space<smem>>
    memref.store %mul3A_232, %arg3[%swap3A] : memref<1xf32, #tpu.memory_space<smem>>
    return
  }
}

</mosaic_0001>

<sc_bundles>
// kernel: kernel.5.cloned.1.call-start
scs
__scs_entry_jumppad:
0x0: {  	(pc) =	sbr.rel $0x88, $3  }
0x1: {  	(tag) =	ssettag $0x0;
	lr =	simm.s32 $0x1  }
0x2: {  	[smem:$0x3F9F] =	sst lr;
	_ =	strace $0xD0000000  }
0x3: {  	_ = 	snop  }
0x4: {  	_ = 	snop  }
0x5: {  	_ = 	snop  }
0x6: {  	_ = 	snop  }
0x7: {  	_ = 	snop  }
__scs_overlays_trampoline_lowered:
0x8: {  	[smem:$0x3FAE] =	sst s0  }
0x9: {  	[smem:$0x3FAF] =	sst s1  }
0xa: {  	[smem:$0x3FB0] =	sst s2  }
0xb: {  	[smem:$0x3FB1] =	sst s3  }
0xc: {  	[smem:$0x3FB2] =	sst s4  }
0xd: {  	[smem:$0x3FB3] =	sst s5  }
0xe: {  	[smem:$0x3FB4] =	sst s6  }
0xf: {  	[smem:$0x3FB5] =	sst s7  }
0x10: {  	[smem:$0x3FB6] =	sst s8  }
0x11: {  	[smem:$0x3FB7] =	sst s9;
	s0 =	simm.s32 @!p0 $0x0  }
0x12: {  	s1 =	sld [smem:$0x3F9D];
	s0 =	simm.s32 @p0 $0x1  }
0x13: {  	[smem:$0x3FB8] =	sst s0;
	s0 =	simm.s32 @!p1 $0x0  }
0x14: {  	s2 =	sld [smem:$0x3F9C];
	s0 =	simm.s32 @p1 $0x1  }
0x15: {  	[smem:$0x3FB9] =	sst s0;
	s0 =	simm.s32 @!p2 $0x0  }
0x16: {  	s3 =	sld [smem:$0x3FDB];
	s0 =	simm.s32 @p2 $0x1  }
0x17: {  	s4 =	simm.s32 $0x1BF5;
	[smem:$0x3FBB] =	sst s0  }
0x18: {  	s0 =	sld [smem:$0x3F9E];
	_ =	swait.ge [sflag:s4], $0x0  }
0x19: {  	s7 =	sld [smem:$0x3F9F]  }
0x1a: {  	s8 =	sadd.s32 $0xFFFFE003, lr  }
0x1b: {  	s9 =	sadd.s32 $0xFFFFFEF7, lr;
	s5 =	simm.s32 $0xFFFFFFFF;
	p2 =	slt.u32 s8, $0xFFFFF086  }
0x1c: {  	p1 =	slt.u32 s9, $0xF7A;
	s5 =	simm.s32 @!p2 $0x0  }
0x1d: {  	s5 =	simm.s32 @p1 $0x1;
	p0 =	seq.s32 s7, s2  }
0x1e: {  	s7 =	smul.u32 @!p0 $0xF7A, s2;
	p2 =	seq.s32 @!p0 s5, $0x0  }
0x1f: {  	s9 =	smul.u32 $0xF7A, s1;
	s8 =	simm.s32 @!p0 $0x1BF5;
	p2 =	por !p2, p0  }
0x20: {  	[sflag:s8] =	ssyncset.s32 @!p0 $0xFFFFF086;
	s6 =	sadd.s32 @!p0 s3, s7;
	s7 =	simm.s32 @!p0 $0x108  }
0x21: {  	s3 =	sadd.s32 s3, s9;
	s6 =	sadd.s32 @!p0 $0x88, s6;
	s7 =	simm.s32 @p2 $0x1082  }
0x22: {  	[simem:s7], [sflag:s8] =	dma.local @!p0 [hbm:s6], $0xF7A  }
0x23: {  	s9 =	sor.u32 $0xD0000000, s2;
	s6 =	simm.s32 $0x108;
	_ =	swait.ge @!p0 [sflag:s8], $0x0  }
0x24: {  	s3 =	sadd.s32 $0x88, s3;
	s6 =	simm.s32 @!p1 $0x1082;
	[sflag:s4] =	ssyncset.s32 $0xFFFFF086  }
0x25: {  	[simem:s6], [sflag:s4] =	dma.local [hbm:s3], $0xF7A  }
0x26: {  	[smem:$0x3F9F] =	sst s1;
	(tag) =	ssettag s2;
	_ =	strace s9  }
0x27: {  	s1 =	sld [smem:$0x3FAF]  }
0x28: {  	s2 =	sld [smem:$0x3FB0]  }
0x29: {  	s4 =	sld [smem:$0x3FB2]  }
0x2a: {  	p0 =	seq.s32 s5, $0x0;
	s5 =	sld [smem:$0x3FB3]  }
0x2b: {  	s6 =	sld [smem:$0x3FB4]  }
0x2c: {  	s7 =	sld [smem:$0x3FB5]  }
0x2d: {  	s3 =	simm.s32 $0x108;
	s8 =	sld [smem:$0x3FB6]  }
0x2e: {  	s3 =	simm.s32 @!p0 $0x1082;
	s9 =	sld [smem:$0x3FB7]  }
0x2f: {  	lr =	sadd.s32 s0, s3;
	s0 =	sld [smem:$0x3FAE]  }
0x30: {  	s3 =	sld [smem:$0x3FB1]  }
0x31: {  	[smem:$0x3FBA] =	sst s10  }
0x32: {  	s10 =	sld [smem:$0x3FB8];
	_ =	sdelay $0x3  }
0x33: {  	p0 =	seq.s32 s10, $0x1;
	s10 =	sld [smem:$0x3FBA];
	_ =	sdelay $0x3  }
0x34: {  	[smem:$0x3FBA] =	sst s10  }
0x35: {  	s10 =	sld [smem:$0x3FB9];
	_ =	sdelay $0x3  }
0x36: {  	p1 =	seq.s32 s10, $0x1;
	s10 =	sld [smem:$0x3FBA];
	_ =	sdelay $0x3  }
0x37: {  	[smem:$0x3FBA] =	sst s10  }
0x38: {  	s10 =	sld [smem:$0x3FBB]  }
0x39: {  	_ = 	snop;
	(pc) =	sbr.ind lr, $3  }
0x3a: {  	_ = 	snop  }
0x3b: {  	_ = 	snop  }
0x3c: {  	p2 =	seq.s32 s10, $0x1;
	s10 =	sld [smem:$0x3FBA]  }
0x3d: {  	_ =	shalt  }
0x3e: {  	_ =	shalt  }
0x3f: {  	_ =	shalt  }
0x40: {  	_ =	shalt  }
0x41: {  	_ =	shalt  }
0x42: {  	_ =	shalt  }
0x43: {  	_ =	shalt  }
0x44: {  	_ =	shalt  }
0x45: {  	_ =	shalt  }
0x46: {  	_ =	shalt  }
0x47: {  	_ =	shalt  }
0x48: {  	_ =	shalt  }
0x49: {  	_ =	shalt  }
0x4a: {  	_ =	shalt  }
0x4b: {  	_ =	shalt  }
0x4c: {  	_ =	shalt  }
0x4d: {  	_ =	shalt  }
0x4e: {  	_ =	shalt  }
0x4f: {  	_ =	shalt  }
0x50: {  	_ =	shalt  }
0x51: {  	_ =	shalt  }
0x52: {  	_ =	shalt  }
0x53: {  	_ =	shalt  }
0x54: {  	_ =	shalt  }
0x55: {  	_ =	shalt  }
0x56: {  	_ =	shalt  }
0x57: {  	_ =	shalt  }
0x58: {  	_ =	shalt  }
0x59: {  	_ =	shalt  }
0x5a: {  	_ =	shalt  }
0x5b: {  	_ =	shalt  }
0x5c: {  	_ =	shalt  }
0x5d: {  	_ =	shalt  }
0x5e: {  	_ =	shalt  }
0x5f: {  	_ =	shalt  }
0x60: {  	_ =	shalt  }
0x61: {  	_ =	shalt  }
0x62: {  	_ =	shalt  }
0x63: {  	_ =	shalt  }
0x64: {  	_ =	shalt  }
0x65: {  	_ =	shalt  }
0x66: {  	_ =	shalt  }
0x67: {  	_ =	shalt  }
0x68: {  	_ =	shalt  }
0x69: {  	_ =	shalt  }
0x6a: {  	_ =	shalt  }
0x6b: {  	_ =	shalt  }
0x6c: {  	_ =	shalt  }
0x6d: {  	_ =	shalt  }
0x6e: {  	_ =	shalt  }
0x6f: {  	_ =	shalt  }
0x70: {  	_ =	shalt  }
0x71: {  	_ =	shalt  }
0x72: {  	_ =	shalt  }
0x73: {  	_ =	shalt  }
0x74: {  	_ =	shalt  }
0x75: {  	_ =	shalt  }
0x76: {  	_ =	shalt  }
0x77: {  	_ =	shalt  }
0x78: {  	_ =	shalt  }
0x79: {  	_ =	shalt  }
0x7a: {  	_ =	shalt  }
0x7b: {  	_ =	shalt  }
0x7c: {  	_ =	shalt  }
0x7d: {  	_ =	shalt  }
0x7e: {  	_ =	shalt  }
0x7f: {  	_ =	shalt  }
0x80: {  	_ =	shalt  }
0x81: {  	_ =	shalt  }
0x82: {  	_ =	shalt  }
0x83: {  	_ =	shalt  }
0x84: {  	_ =	shalt  }
0x85: {  	_ =	shalt  }
0x86: {  	_ =	shalt  }
0x87: {  	_ =	shalt  }
.Lfunc_end0:
.L_simem_size_0:
called_computation_lowered:
.L_overlay_start_0:
0x88: {  	s2 =	sld [smem:$0x3FD9]  }
0x89: {  	s3 =	sld [smem:$0x3FFE];
	_ =	sdelay $0x1  }
0x8a: {  	s1 =	srdreg.scid  }
0x8b: {  	s0 =	sand.u32 $0x1, s1  }
0x8c: {  	s17 =	sshll.u32 s0, $0xA;
	s2 =	sadd.s32 s3, s2  }
0x8d: {  	s2 =	sadd.s32 s2, s17  }
0x8e: {  	[smem:$0x3FC6] =	sst s2  }
0x8f: {  	_ = 	snop  }
0x90: {  	s2 =	sld [smem:$0x3FC9]  }
0x91: {  	s18 =	sld [smem:$0x3FC8];
	(tm) =	ssettm $0x1  }
0x92: {  	s4 =	sld [smem:$0x3FFB];
	_ =	sdelay $0x3  }
0x93: {  	_ =	strace s4  }
0x94: {  	s4 =	sld [smem:$0x3FFC];
	_ =	sdelay $0x3  }
0x95: {  	_ =	strace s4  }
0x96: {  	s4 =	sld [smem:$0x3FFD];
	_ =	sdelay $0x3  }
0x97: {  	_ =	strace s4  }
0x98: {  	_ =	strace $0x8FFFFFFF  }
0x99: {  	s19 =	sld [smem:$0x3FDB];
	_ =	sdelay $0x1  }
0x9a: {  	s5 =	simm.s32 $_scs_section_size  }
0x9b: {  	s6 =	simm.s32 $_size__tile_overlayer_lowered;
	s7 =	simm.s32 $_tile_overlayer_lowered  }
0x9c: {  	s22 =	simm.s32 $0x1BFF;
	s21 =	sshll.u32 s7, $0x1;
	s4 =	sadd.s32 s5, s19  }
0x9d: {  	s8 =	simm.s32 $0x0;
	s20 =	sshll.u32 s6, $0x1;
	s6 =	sadd.s32 s21, s4  }
0x9e: {  	[timem:s8], [sflag:s22] =	dma.local [hbm:s6], s20  }
0x9f: {  	_ =	swait.ge [sflag:s22], s20  }
0xa0: {  	s5 =	ssub.s32 $0x0, s20;
	[sflag:s22] =	ssyncset.done $0x0  }
0xa1: {  	[sflag:s22] =	ssyncadd.s32 s5;
	_ =	sdelay $0x1  }
0xa2: {  	s23 =	simm.s32 $0x1B8B  }
0xa3: {  	_ =	swait.ge [sflag:s23], $0x1  }
0xa4: {  	[sflag:s23] =	ssyncset.done $0x0  }
0xa5: {  	s25 =	simm.s32 $0x1B8E;
	s24 =	sld [smem:$0x3FFE];
	[sflag:s23] =	ssyncadd.s32 $0xFFFFFFFF  }
0xa6: {  	s26 =	simm.s32 $execute0_lowered;
	[smem:$0x3FD2] =	sst s25  }
0xa7: {  	s6 =	sshll.u32 s26, $0x1;
	_ =	strace $0x80000046;
	[dreg:$0x1] =	wrdreg $0xFFFFFFFF  }
0xa8: {  	s28 =	simm.s32 $_size_execute0_lowered;
	s4 =	sadd.s32 s4, s6;
	[dreg:$0x0] =	wrdreg $0x0  }
0xa9: {  	s6 =	sshll.u32 s28, $0x1;
	[dreg:$0x2] =	wrdreg s4  }
0xaa: {  	[dreg:$0x3] =	wrdreg s6  }
0xab: {  	[dreg:$0x4] =	wrdreg $0xC0  }
0xac: {  	_ =	task [dreg:s8], $0x5FFFF  }
0xad: {  	[dreg:$0x1] =	wrdreg $0xFFFFFFFF  }
0xae: {  	[dreg:$0x0] =	wrdreg $0x60  }
0xaf: {  	[dreg:$0x2] =	wrdreg s2  }
0xb0: {  	[dreg:$0x3] =	wrdreg s18  }
0xb1: {  	[dreg:$0x4] =	wrdreg s24  }
0xb2: {  	[dreg:$0x5] =	wrdreg $0x9  }
0xb3: {  	_ =	task.clear_ibuf [dreg:s8], $0x6FFFF;
	_ =	strace $0x90000046  }
0xb4: {  	s29 =	simm.s32 $0x9;
	_ =	strace $0x80000048  }
0xb5: {  	_ =	swait.ge [sflag:s29], $0x1  }
0xb6: {  	[sflag:s29] =	ssyncadd.s32 $0xFFFFFFFF  }
0xb7: {  	_ =	strace $0x90000048  }
0xb8: {  	_ =	sfence  }
0xb9: {  	s30 =	sld [smem:$0x0];
	_ =	sdelay $0x2  }
0xba: {  	s31 =	sshll.u32 s1, $0xD;
	s1 =	sshrl.u32 s1, $0x2  }
0xbb: {  	s3 =	sand.u32 $0x4000, s31;
	s1 =	sadd.s32 s1, s30  }
0xbc: {  	s0 =	sor.u32 s3, s0;
	s1 =	sshll.u32 s1, $0x11  }
0xbd: {  	s0 =	sor.u32 s1, s0  }
0xbe: {  	s0 =	sadd.s32 $0x8F2B, s0  }
0xbf: {  	[sflag:s0] =	ssyncadd.remote.s32 $0x1  }
0xc0: {  	_ =	sfence.sel $0xFFFF  }
0xc1: {  	[dreg:$0x0] =	wrdreg $0xFFFFFFFF;
	(pc) =	sbr.abs _section_cstart, $3  }
0xc2: {  	[dreg:$0x1] =	wrdreg $0xFFFFFFFF  }
0xc3: {  	_ =	task.clear_ibuf [dreg:s8], $0x2FFFF;
	_ =	strace $0x9FFFFFFF  }
0xc4: {  	(tm) =	ssettm $0x7FFFFFFF  }
0xc5: {  	_ =	shalt  }
tec
execute0_lowered:
.L_overlay_start_1:
0x0: {  	(tag) =	ssettag $0x1  }
0x1: {  	s1 =	srdreg.scid;
	s0 =	stileid.u32  }
0x2: {  	s1 =	sand.u32 $0x1, s1;
	s2 =	sshll.u32 s0, $0x1  }
0x3: {  	s29 =	sor.u32 s1, s2  }
0x4: {  	s3 =	smul.u32 $0x60000, s29  }
0x5: {  	s26 =	rddreg [dreg:$0x0]  }
0x6: {  	s28 =	rddreg [dreg:$0x1];
	s2 =	simm.s32 $0x0;
	s31 =	sshrl.u32 s3, $0x3  }
0x7: {  	[smem:$0x7FF] =	sst s2;
	s3 =	sadd.s32 $0x80000, s31  }
0x8: {  	s30 =	rddreg [dreg:$0x2];
	_ =	strace $0x80000047;
	s4 =	sadd.s32 s26, s3  }
0x9: {  	s19 =	sadd.s32 $0x80800, s31;
	s3 =	sadd.s32 s28, s3;
	[dreg:$0x4] =	wrdreg s4  }
0xa: {  	s20 =	sadd.s32 s26, s19;
	[dreg:$0x5] =	wrdreg s3  }
0xb: {  	s22 =	sadd.s32 $0x81000, s31;
	s21 =	sadd.s32 s28, s19;
	[dreg:$0x6] =	wrdreg s20  }
0xc: {  	s23 =	sadd.s32 s26, s22;
	[dreg:$0x7] =	wrdreg s21  }
0xd: {  	v0 =	vlaneseq.u32;
	s25 =	sadd.s32 $0x81800, s31;
	s24 =	sadd.s32 s28, s22;
	[dreg:$0x8] =	wrdreg s23  }
0xe: {  	v0 =	vmul.u32 $0x80, v0;
	s5 =	sadd.s32 $0x82000, s31;
	s0 =	sadd.s32 s26, s25;
	[dreg:$0x9] =	wrdreg s24  }
0xf: {  	s6 =	sadd.s32 s26, s5;
	[dreg:$0xa] =	wrdreg s0  }
0x10: {  	s8 =	sadd.s32 $0x82800, s31;
	s7 =	sadd.s32 s28, s5;
	[dreg:$0xc] =	wrdreg s6  }
0x11: {  	v1 =	vor.u32 $0x1, v0;
	s9 =	sadd.s32 s26, s8;
	[dreg:$0xd] =	wrdreg s7  }
0x12: {  	s10 =	sadd.s32 $0x83800, s31;
	s4 =	sadd.s32 s28, s25;
	[dreg:$0xe] =	wrdreg s9  }
0x13: {  	v2 =	vimm.f32 $0.0e+00;
	v3 =	vor.u32 $0x2, v0;
	s3 =	simm.s32 $0x10000;
	[dreg:$0xb] =	wrdreg s4;
	s4 =	sadd.s32 s28, s8  }
0x14: {  	s11 =	sadd.s32 s26, s10;
	[tilespmem:v0+s3+$0x0] =	vst.idx.msk $0xffff, v2;
	[dreg:$0xf] =	wrdreg s4;
	s4 =	simm.s32 $0x10800  }
0x15: {  	v4 =	vor.u32 $0x3, v0;
	s13 =	sadd.s32 $0x84000, s31;
	s12 =	sadd.s32 s28, s10;
	[dreg:$0x12] =	wrdreg s11;
	[tilespmem:v0+s4+$0x0] =	vst.idx.msk $0xffff, v2  }
0x16: {  	s14 =	sadd.s32 s26, s13;
	[dreg:$0x13] =	wrdreg s12;
	[tilespmem:v1+s3+$0x0] =	vst.idx.msk $0xffff, v2  }
0x17: {  	v5 =	vor.u32 $0x4, v0;
	s16 =	sadd.s32 $0x84800, s31;
	s15 =	sadd.s32 s28, s13;
	[dreg:$0x14] =	wrdreg s14;
	[tilespmem:v1+s4+$0x0] =	vst.idx.msk $0xffff, v2  }
0x18: {  	s17 =	sadd.s32 s26, s16;
	[dreg:$0x15] =	wrdreg s15;
	[tilespmem:v3+s3+$0x0] =	vst.idx.msk $0xffff, v2  }
0x19: {  	v6 =	vor.u32 $0x5, v0;
	s5 =	sadd.s32 $0x83000, s31;
	s18 =	sadd.s32 s28, s16;
	[dreg:$0x16] =	wrdreg s17;
	[tilespmem:v3+s4+$0x0] =	vst.idx.msk $0xffff, v2  }
0x1a: {  	s6 =	sadd.s32 s26, s5;
	[dreg:$0x17] =	wrdreg s18;
	[tilespmem:v4+s3+$0x0] =	vst.idx.msk $0xffff, v2  }
0x1b: {  	v7 =	vor.u32 $0x6, v0;
	s19 =	sadd.s32 $0x85000, s31;
	s5 =	sadd.s32 s28, s5;
	[dreg:$0x10] =	wrdreg s6;
	[tilespmem:v4+s4+$0x0] =	vst.idx.msk $0xffff, v2  }
0x1c: {  	s20 =	sadd.s32 s26, s19;
	[dreg:$0x11] =	wrdreg s5;
	[tilespmem:v5+s3+$0x0] =	vst.idx.msk $0xffff, v2  }
0x1d: {  	v8 =	vor.u32 $0x7, v0;
	s22 =	sadd.s32 $0x85800, s31;
	s21 =	sadd.s32 s28, s19;
	[dreg:$0x18] =	wrdreg s20;
	[tilespmem:v5+s4+$0x0] =	vst.idx.msk $0xffff, v2  }
0x1e: {  	s23 =	sadd.s32 s26, s22;
	[dreg:$0x19] =	wrdreg s21;
	[tilespmem:v6+s3+$0x0] =	vst.idx.msk $0xffff, v2  }
0x1f: {  	v9 =	vor.u32 $0x8, v0;
	s24 =	sadd.s32 s28, s22;
	s25 =	sadd.s32 $0x86000, s31;
	[dreg:$0x1a] =	wrdreg s23;
	[tilespmem:v6+s4+$0x0] =	vst.idx.msk $0xffff, v2  }
0x20: {  	[dreg:$0x1b] =	wrdreg s24;
	s0 =	sadd.s32 s26, s25;
	[tilespmem:v7+s3+$0x0] =	vst.idx.msk $0xffff, v2  }
0x21: {  	v10 =	vor.u32 $0x9, v0;
	s7 =	sadd.s32 s28, s25;
	[dreg:$0x1c] =	wrdreg s0;
	[tilespmem:v7+s4+$0x0] =	vst.idx.msk $0xffff, v2  }
0x22: {  	s11 =	sadd.s32 $0x87000, s31;
	[dreg:$0x1d] =	wrdreg s7;
	[tilespmem:v8+s3+$0x0] =	vst.idx.msk $0xffff, v2  }
0x23: {  	s12 =	sadd.s32 s26, s11;
	s7 =	rddreg [dreg:$0x4];
	[tilespmem:v8+s4+$0x0] =	vst.idx.msk $0xffff, v2  }
0x24: {  	s8 =	sadd.s32 $0x86800, s31;
	s5 =	sadd.s32 s28, s11;
	[smem:$0x7FB] =	sst s12;
	[tilespmem:v9+s3+$0x0] =	vst.idx.msk $0xffff, v2  }
0x25: {  	s9 =	sadd.s32 s26, s8;
	s10 =	sadd.s32 s28, s8;
	s8 =	rddreg [dreg:$0x5];
	[tilespmem:v9+s4+$0x0] =	vst.idx.msk $0xffff, v2  }
0x26: {  	[smem:$0x7FC] =	sst s5;
	[tilespmem:v10+s3+$0x0] =	vst.idx.msk $0xffff, v2  }
0x27: {  	[dreg:$0x1e] =	wrdreg s9;
	[tilespmem:v10+s4+$0x0] =	vst.idx.msk $0xffff, v2  }
0x28: {  	[tilespmem:s2], [sflag:$0x1] =	stream.linear.gather [hbm4b:s7+s2], $0x4000, $0x38;
	[tilespmem:$0x11000] =	vst v63  }
0x29: {  	s6 =	simm.s32 $0x1;
	s5 =	simm.s32 $0x8000;
	[dreg:$0x1f] =	wrdreg s10  }
0x2a: {  	[tilespmem:s5], [sflag:$0x1] =	stream.linear.gather [hbm4b:s8+s2], $0x4000, $0x38;
	[tilespmem:$0x11000] =	vst v63  }
0x2b: {  	_ =	swait.ge [sflag:s6], $0x4000  }
0x2c: {  	[sflag:s6] =	ssyncset.done $0x0  }
0x2d: {  	[sflag:s6] =	ssyncadd.s32 $0xFFFFC000  }
0x2e: {  	_ =	swait.ge [sflag:s6], $0x4000  }
0x2f: {  	[sflag:s6] =	ssyncset.done $0x0  }
0x30: {  	s7 =	simm.s32 $0x4000;
	s13 =	rddreg [dreg:$0x6];
	[sflag:s6] =	ssyncadd.s32 $0xFFFFC000  }
0x31: {  	[tilespmem:s7], [sflag:$0x2] =	stream.linear.gather [hbm4b:s13+s2], $0x4000, $0x38;
	[tilespmem:$0x11000] =	vst v63  }
0x32: {  	s9 =	simm.s32 $0x2;
	s8 =	simm.s32 $0xC000;
	s10 =	rddreg [dreg:$0x7]  }
0x33: {  	[tilespmem:s8], [sflag:$0x2] =	stream.linear.gather [hbm4b:s10+s2], $0x4000, $0x38;
	[tilespmem:$0x11000] =	vst v63  }
0x34: {  	_ =	swait.ge [sflag:s9], $0x4000  }
0x35: {  	[sflag:s9] =	ssyncset.done $0x0  }
0x36: {  	[sflag:s9] =	ssyncadd.s32 $0xFFFFC000  }
0x37: {  	_ =	swait.ge [sflag:s9], $0x4000  }
0x38: {  	[sflag:s9] =	ssyncset.done $0x0  }
0x39: {  	s14 =	rddreg [dreg:$0x8];
	[sflag:s9] =	ssyncadd.s32 $0xFFFFC000  }
0x3a: {  	[tilespmem:s2], [sflag:$0x1] =	stream.linear.gather [hbm4b:s14+s2], $0x4000, $0x38;
	[tilespmem:$0x11000] =	vst v63  }
0x3b: {  	s11 =	rddreg [dreg:$0x9]  }
0x3c: {  	[tilespmem:s5], [sflag:$0x1] =	stream.linear.gather [hbm4b:s11+s2], $0x4000, $0x38;
	[tilespmem:$0x11000] =	vst v63  }
0x3d: {  	_ =	swait.ge [sflag:s6], $0x4000  }
0x3e: {  	[sflag:s6] =	ssyncset.done $0x0  }
0x3f: {  	[sflag:s6] =	ssyncadd.s32 $0xFFFFC000  }
0x40: {  	_ =	swait.ge [sflag:s6], $0x4000  }
0x41: {  	[sflag:s6] =	ssyncset.done $0x0  }
0x42: {  	s15 =	rddreg [dreg:$0xa];
	[sflag:s6] =	ssyncadd.s32 $0xFFFFC000  }
0x43: {  	[tilespmem:s7], [sflag:$0x2] =	stream.linear.gather [hbm4b:s15+s2], $0x4000, $0x38;
	[tilespmem:$0x11000] =	vst v63  }
0x44: {  	s16 =	rddreg [dreg:$0xb]  }
0x45: {  	[tilespmem:s8], [sflag:$0x2] =	stream.linear.gather [hbm4b:s16+s2], $0x4000, $0x38;
	[tilespmem:$0x11000] =	vst v63  }
0x46: {  	_ =	swait.ge [sflag:s9], $0x4000  }
0x47: {  	[sflag:s9] =	ssyncset.done $0x0  }
0x48: {  	[sflag:s9] =	ssyncadd.s32 $0xFFFFC000  }
0x49: {  	_ =	swait.ge [sflag:s9], $0x4000  }
0x4a: {  	[sflag:s9] =	ssyncset.done $0x0  }
0x4b: {  	s17 =	rddreg [dreg:$0xc];
	[sflag:s9] =	ssyncadd.s32 $0xFFFFC000  }
0x4c: {  	[tilespmem:s2], [sflag:$0x1] =	stream.linear.gather [hbm4b:s17+s2], $0x4000, $0x38;
	[tilespmem:$0x11000] =	vst v63  }
0x4d: {  	s18 =	rddreg [dreg:$0xd]  }
0x4e: {  	[tilespmem:s5], [sflag:$0x1] =	stream.linear.gather [hbm4b:s18+s2], $0x4000, $0x38;
	[tilespmem:$0x11000] =	vst v63  }
0x4f: {  	_ =	swait.ge [sflag:s6], $0x4000  }
0x50: {  	[sflag:s6] =	ssyncset.done $0x0  }
0x51: {  	[sflag:s6] =	ssyncadd.s32 $0xFFFFC000  }
0x52: {  	_ =	swait.ge [sflag:s6], $0x4000  }
0x53: {  	[sflag:s6] =	ssyncset.done $0x0  }
0x54: {  	s19 =	rddreg [dreg:$0xe];
	[sflag:s6] =	ssyncadd.s32 $0xFFFFC000  }
0x55: {  	[tilespmem:s7], [sflag:$0x2] =	stream.linear.gather [hbm4b:s19+s2], $0x4000, $0x38;
	[tilespmem:$0x11000] =	vst v63  }
0x56: {  	s20 =	rddreg [dreg:$0xf]  }
0x57: {  	[tilespmem:s8], [sflag:$0x2] =	stream.linear.gather [hbm4b:s20+s2], $0x4000, $0x38;
	[tilespmem:$0x11000] =	vst v63  }
0x58: {  	_ =	swait.ge [sflag:s9], $0x4000  }
0x59: {  	[sflag:s9] =	ssyncset.done $0x0  }
0x5a: {  	[sflag:s9] =	ssyncadd.s32 $0xFFFFC000  }
0x5b: {  	_ =	swait.ge [sflag:s9], $0x4000  }
0x5c: {  	[sflag:s9] =	ssyncset.done $0x0  }
0x5d: {  	s21 =	rddreg [dreg:$0x10];
	[sflag:s9] =	ssyncadd.s32 $0xFFFFC000  }
0x5e: {  	[tilespmem:s2], [sflag:$0x1] =	stream.linear.gather [hbm4b:s21+s2], $0x4000, $0x38;
	[tilespmem:$0x11000] =	vst v63  }
0x5f: {  	s22 =	rddreg [dreg:$0x11]  }
0x60: {  	[tilespmem:s5], [sflag:$0x1] =	stream.linear.gather [hbm4b:s22+s2], $0x4000, $0x38;
	[tilespmem:$0x11000] =	vst v63  }
0x61: {  	_ =	swait.ge [sflag:s6], $0x4000  }
0x62: {  	[sflag:s6] =	ssyncset.done $0x0  }
0x63: {  	[sflag:s6] =	ssyncadd.s32 $0xFFFFC000  }
0x64: {  	_ =	swait.ge [sflag:s6], $0x4000  }
0x65: {  	[sflag:s6] =	ssyncset.done $0x0  }
0x66: {  	s23 =	rddreg [dreg:$0x12];
	[sflag:s6] =	ssyncadd.s32 $0xFFFFC000  }
0x67: {  	[tilespmem:s7], [sflag:$0x2] =	stream.linear.gather [hbm4b:s23+s2], $0x4000, $0x38;
	[tilespmem:$0x11000] =	vst v63  }
0x68: {  	s24 =	rddreg [dreg:$0x13]  }
0x69: {  	[tilespmem:s8], [sflag:$0x2] =	stream.linear.gather [hbm4b:s24+s2], $0x4000, $0x38;
	[tilespmem:$0x11000] =	vst v63  }
0x6a: {  	_ =	swait.ge [sflag:s9], $0x4000  }
0x6b: {  	[sflag:s9] =	ssyncset.done $0x0  }
0x6c: {  	[sflag:s9] =	ssyncadd.s32 $0xFFFFC000  }
0x6d: {  	_ =	swait.ge [sflag:s9], $0x4000  }
0x6e: {  	[sflag:s9] =	ssyncset.done $0x0  }
0x6f: {  	s25 =	rddreg [dreg:$0x14];
	[sflag:s9] =	ssyncadd.s32 $0xFFFFC000  }
0x70: {  	[tilespmem:s2], [sflag:$0x1] =	stream.linear.gather [hbm4b:s25+s2], $0x4000, $0x38;
	[tilespmem:$0x11000] =	vst v63  }
0x71: {  	s0 =	rddreg [dreg:$0x15]  }
0x72: {  	[tilespmem:s5], [sflag:$0x1] =	stream.linear.gather [hbm4b:s0+s2], $0x4000, $0x38;
	[tilespmem:$0x11000] =	vst v63  }
0x73: {  	_ =	swait.ge [sflag:s6], $0x4000  }
0x74: {  	[sflag:s6] =	ssyncset.done $0x0  }
0x75: {  	[sflag:s6] =	ssyncadd.s32 $0xFFFFC000  }
0x76: {  	_ =	swait.ge [sflag:s6], $0x4000  }
0x77: {  	[sflag:s6] =	ssyncset.done $0x0  }
0x78: {  	s12 =	rddreg [dreg:$0x16];
	[sflag:s6] =	ssyncadd.s32 $0xFFFFC000  }
0x79: {  	[tilespmem:s7], [sflag:$0x2] =	stream.linear.gather [hbm4b:s12+s2], $0x4000, $0x38;
	[tilespmem:$0x11000] =	vst v63  }
0x7a: {  	s13 =	rddreg [dreg:$0x17]  }
0x7b: {  	[tilespmem:s8], [sflag:$0x2] =	stream.linear.gather [hbm4b:s13+s2], $0x4000, $0x38;
	[tilespmem:$0x11000] =	vst v63  }
0x7c: {  	_ =	swait.ge [sflag:s9], $0x4000  }
0x7d: {  	[sflag:s9] =	ssyncset.done $0x0  }
0x7e: {  	[sflag:s9] =	ssyncadd.s32 $0xFFFFC000  }
0x7f: {  	_ =	swait.ge [sflag:s9], $0x4000  }
0x80: {  	[sflag:s9] =	ssyncset.done $0x0  }
0x81: {  	s14 =	rddreg [dreg:$0x18];
	[sflag:s9] =	ssyncadd.s32 $0xFFFFC000  }
0x82: {  	[tilespmem:s2], [sflag:$0x1] =	stream.linear.gather [hbm4b:s14+s2], $0x4000, $0x38;
	[tilespmem:$0x11000] =	vst v63  }
0x83: {  	s15 =	rddreg [dreg:$0x19]  }
0x84: {  	[tilespmem:s5], [sflag:$0x1] =	stream.linear.gather [hbm4b:s15+s2], $0x4000, $0x38;
	[tilespmem:$0x11000] =	vst v63  }
0x85: {  	_ =	swait.ge [sflag:s6], $0x4000  }
0x86: {  	[sflag:s6] =	ssyncset.done $0x0  }
0x87: {  	[sflag:s6] =	ssyncadd.s32 $0xFFFFC000  }
0x88: {  	_ =	swait.ge [sflag:s6], $0x4000  }
0x89: {  	[sflag:s6] =	ssyncset.done $0x0  }
0x8a: {  	s16 =	rddreg [dreg:$0x1a];
	[sflag:s6] =	ssyncadd.s32 $0xFFFFC000  }
0x8b: {  	[tilespmem:s7], [sflag:$0x2] =	stream.linear.gather [hbm4b:s16+s2], $0x4000, $0x38;
	[tilespmem:$0x11000] =	vst v63  }
0x8c: {  	s17 =	rddreg [dreg:$0x1b]  }
0x8d: {  	[tilespmem:s8], [sflag:$0x2] =	stream.linear.gather [hbm4b:s17+s2], $0x4000, $0x38;
	[tilespmem:$0x11000] =	vst v63  }
0x8e: {  	_ =	swait.ge [sflag:s9], $0x4000  }
0x8f: {  	[sflag:s9] =	ssyncset.done $0x0  }
0x90: {  	[sflag:s9] =	ssyncadd.s32 $0xFFFFC000  }
0x91: {  	_ =	swait.ge [sflag:s9], $0x4000  }
0x92: {  	[sflag:s9] =	ssyncset.done $0x0  }
0x93: {  	s18 =	rddreg [dreg:$0x1c];
	[sflag:s9] =	ssyncadd.s32 $0xFFFFC000  }
0x94: {  	[tilespmem:s2], [sflag:$0x1] =	stream.linear.gather [hbm4b:s18+s2], $0x4000, $0x38;
	[tilespmem:$0x11000] =	vst v63  }
0x95: {  	s19 =	rddreg [dreg:$0x1d]  }
0x96: {  	[tilespmem:s5], [sflag:$0x1] =	stream.linear.gather [hbm4b:s19+s2], $0x4000, $0x38;
	[tilespmem:$0x11000] =	vst v63  }
0x97: {  	_ =	swait.ge [sflag:s6], $0x4000  }
0x98: {  	[sflag:s6] =	ssyncset.done $0x0  }
0x99: {  	[sflag:s6] =	ssyncadd.s32 $0xFFFFC000  }
0x9a: {  	_ =	swait.ge [sflag:s6], $0x4000  }
0x9b: {  	[sflag:s6] =	ssyncset.done $0x0  }
0x9c: {  	s20 =	rddreg [dreg:$0x1e];
	[sflag:s6] =	ssyncadd.s32 $0xFFFFC000  }
0x9d: {  	[tilespmem:s7], [sflag:$0x2] =	stream.linear.gather [hbm4b:s20+s2], $0x4000, $0x38;
	[tilespmem:$0x11000] =	vst v63  }
0x9e: {  	s21 =	rddreg [dreg:$0x1f]  }
0x9f: {  	[tilespmem:s8], [sflag:$0x2] =	stream.linear.gather [hbm4b:s21+s2], $0x4000, $0x38;
	[tilespmem:$0x11000] =	vst v63  }
0xa0: {  	_ =	swait.ge [sflag:s9], $0x4000  }
0xa1: {  	[sflag:s9] =	ssyncset.done $0x0  }
0xa2: {  	[sflag:s9] =	ssyncadd.s32 $0xFFFFC000  }
0xa3: {  	_ =	swait.ge [sflag:s9], $0x4000  }
0xa4: {  	s22 =	sld [smem:$0x7FB]  }
0xa5: {  	[sflag:s9] =	ssyncset.done $0x0  }
0xa6: {  	s23 =	sld [smem:$0x7FC];
	[sflag:s9] =	ssyncadd.s32 $0xFFFFC000  }
0xa7: {  	[tilespmem:s2], [sflag:$0x1] =	stream.linear.gather [hbm4b:s22+s2], $0x4000, $0x38;
	[tilespmem:$0x11000] =	vst v63  }
0xa8: {  	_ = 	snop  }
0xa9: {  	[tilespmem:s5], [sflag:$0x1] =	stream.linear.gather [hbm4b:s23+s2], $0x4000, $0x38;
	[tilespmem:$0x11000] =	vst v63  }
0xaa: {  	_ =	swait.ge [sflag:s6], $0x4000  }
0xab: {  	[sflag:s6] =	ssyncset.done $0x0  }
0xac: {  	[sflag:s6] =	ssyncadd.s32 $0xFFFFC000  }
0xad: {  	_ =	swait.ge [sflag:s6], $0x4000  }
0xae: {  	s24 =	sadd.s32 $0x87800, s31;
	[sflag:s6] =	ssyncset.done $0x0  }
0xaf: {  	s25 =	sadd.s32 s26, s24;
	[sflag:s6] =	ssyncadd.s32 $0xFFFFC000  }
0xb0: {  	[tilespmem:s7], [sflag:$0x2] =	stream.linear.gather [hbm4b:s25+s2], $0x4000, $0x38;
	[tilespmem:$0x11000] =	vst v63  }
0xb1: {  	s0 =	sadd.s32 s28, s24;
	[smem:$0x7FD] =	sst s25  }
0xb2: {  	[tilespmem:s8], [sflag:$0x2] =	stream.linear.gather [hbm4b:s0+s2], $0x4000, $0x38;
	[tilespmem:$0x11000] =	vst v63  }
0xb3: {  	_ =	swait.ge [sflag:s9], $0x4000  }
0xb4: {  	[sflag:s9] =	ssyncset.done $0x0  }
0xb5: {  	[sflag:s9] =	ssyncadd.s32 $0xFFFFC000  }
0xb6: {  	_ =	swait.ge [sflag:s9], $0x4000  }
0xb7: {  	s13 =	sadd.s32 $0x88000, s31;
	[sflag:s9] =	ssyncset.done $0x0  }
0xb8: {  	s12 =	sadd.s32 s26, s13;
	[sflag:s9] =	ssyncadd.s32 $0xFFFFC000  }
0xb9: {  	[tilespmem:s2], [sflag:$0x1] =	stream.linear.gather [hbm4b:s12+s2], $0x4000, $0x38;
	[tilespmem:$0x11000] =	vst v63  }
0xba: {  	s13 =	sadd.s32 s28, s13  }
0xbb: {  	[tilespmem:s5], [sflag:$0x1] =	stream.linear.gather [hbm4b:s13+s2], $0x4000, $0x38;
	[tilespmem:$0x11000] =	vst v63  }
0xbc: {  	_ =	swait.ge [sflag:s6], $0x4000  }
0xbd: {  	[sflag:s6] =	ssyncset.done $0x0  }
0xbe: {  	[sflag:s6] =	ssyncadd.s32 $0xFFFFC000  }
0xbf: {  	_ =	swait.ge [sflag:s6], $0x4000  }
0xc0: {  	s15 =	sadd.s32 $0x88800, s31;
	[sflag:s6] =	ssyncset.done $0x0  }
0xc1: {  	s14 =	sadd.s32 s26, s15;
	[sflag:s6] =	ssyncadd.s32 $0xFFFFC000  }
0xc2: {  	[tilespmem:s7], [sflag:$0x2] =	stream.linear.gather [hbm4b:s14+s2], $0x4000, $0x38;
	[tilespmem:$0x11000] =	vst v63  }
0xc3: {  	s15 =	sadd.s32 s28, s15  }
0xc4: {  	[tilespmem:s8], [sflag:$0x2] =	stream.linear.gather [hbm4b:s15+s2], $0x4000, $0x38;
	[tilespmem:$0x11000] =	vst v63  }
0xc5: {  	_ =	swait.ge [sflag:s9], $0x4000  }
0xc6: {  	[sflag:s9] =	ssyncset.done $0x0  }
0xc7: {  	[sflag:s9] =	ssyncadd.s32 $0xFFFFC000  }
0xc8: {  	_ =	swait.ge [sflag:s9], $0x4000  }
0xc9: {  	s17 =	sadd.s32 $0x89000, s31;
	[sflag:s9] =	ssyncset.done $0x0  }
0xca: {  	s16 =	sadd.s32 s26, s17;
	[sflag:s9] =	ssyncadd.s32 $0xFFFFC000  }
0xcb: {  	[tilespmem:s2], [sflag:$0x1] =	stream.linear.gather [hbm4b:s16+s2], $0x4000, $0x38;
	[tilespmem:$0x11000] =	vst v63  }
0xcc: {  	s17 =	sadd.s32 s28, s17  }
0xcd: {  	[tilespmem:s5], [sflag:$0x1] =	stream.linear.gather [hbm4b:s17+s2], $0x4000, $0x38;
	[tilespmem:$0x11000] =	vst v63  }
0xce: {  	_ =	swait.ge [sflag:s6], $0x4000  }
0xcf: {  	[sflag:s6] =	ssyncset.done $0x0  }
0xd0: {  	[sflag:s6] =	ssyncadd.s32 $0xFFFFC000  }
0xd1: {  	_ =	swait.ge [sflag:s6], $0x4000  }
0xd2: {  	s19 =	sadd.s32 $0x89800, s31;
	[sflag:s6] =	ssyncset.done $0x0  }
0xd3: {  	s18 =	sadd.s32 s26, s19;
	[sflag:s6] =	ssyncadd.s32 $0xFFFFC000  }
0xd4: {  	[tilespmem:s7], [sflag:$0x2] =	stream.linear.gather [hbm4b:s18+s2], $0x4000, $0x38;
	[tilespmem:$0x11000] =	vst v63  }
0xd5: {  	s19 =	sadd.s32 s28, s19  }
0xd6: {  	[tilespmem:s8], [sflag:$0x2] =	stream.linear.gather [hbm4b:s19+s2], $0x4000, $0x38;
	[tilespmem:$0x11000] =	vst v63  }
0xd7: {  	_ =	swait.ge [sflag:s9], $0x4000  }
0xd8: {  	[sflag:s9] =	ssyncset.done $0x0  }
0xd9: {  	[sflag:s9] =	ssyncadd.s32 $0xFFFFC000  }
0xda: {  	_ =	swait.ge [sflag:s9], $0x4000  }
0xdb: {  	s21 =	sadd.s32 $0x8A000, s31;
	[sflag:s9] =	ssyncset.done $0x0  }
0xdc: {  	s20 =	sadd.s32 s26, s21;
	[sflag:s9] =	ssyncadd.s32 $0xFFFFC000  }
0xdd: {  	[tilespmem:s2], [sflag:$0x1] =	stream.linear.gather [hbm4b:s20+s2], $0x4000, $0x38;
	[tilespmem:$0x11000] =	vst v63  }
0xde: {  	s21 =	sadd.s32 s28, s21  }
0xdf: {  	[tilespmem:s5], [sflag:$0x1] =	stream.linear.gather [hbm4b:s21+s2], $0x4000, $0x38;
	[tilespmem:$0x11000] =	vst v63  }
0xe0: {  	_ =	swait.ge [sflag:s6], $0x4000  }
0xe1: {  	[sflag:s6] =	ssyncset.done $0x0  }
0xe2: {  	[sflag:s6] =	ssyncadd.s32 $0xFFFFC000  }
0xe3: {  	_ =	swait.ge [sflag:s6], $0x4000  }
0xe4: {  	s23 =	sadd.s32 $0x8A800, s31;
	[sflag:s6] =	ssyncset.done $0x0  }
0xe5: {  	s22 =	sadd.s32 s26, s23;
	[sflag:s6] =	ssyncadd.s32 $0xFFFFC000  }
0xe6: {  	[tilespmem:s7], [sflag:$0x2] =	stream.linear.gather [hbm4b:s22+s2], $0x4000, $0x38;
	[tilespmem:$0x11000] =	vst v63  }
0xe7: {  	s23 =	sadd.s32 s28, s23  }
0xe8: {  	[tilespmem:s8], [sflag:$0x2] =	stream.linear.gather [hbm4b:s23+s2], $0x4000, $0x38;
	[tilespmem:$0x11000] =	vst v63  }
0xe9: {  	_ =	swait.ge [sflag:s9], $0x4000  }
0xea: {  	[sflag:s9] =	ssyncset.done $0x0  }
0xeb: {  	[sflag:s9] =	ssyncadd.s32 $0xFFFFC000  }
0xec: {  	_ =	swait.ge [sflag:s9], $0x4000  }
0xed: {  	s25 =	sadd.s32 $0x8B000, s31;
	[sflag:s9] =	ssyncset.done $0x0  }
0xee: {  	s24 =	sadd.s32 s26, s25;
	[sflag:s9] =	ssyncadd.s32 $0xFFFFC000  }
0xef: {  	[tilespmem:s2], [sflag:$0x1] =	stream.linear.gather [hbm4b:s24+s2], $0x4000, $0x38;
	[tilespmem:$0x11000] =	vst v63  }
0xf0: {  	s25 =	sadd.s32 s28, s25  }
0xf1: {  	[tilespmem:s5], [sflag:$0x1] =	stream.linear.gather [hbm4b:s25+s2], $0x4000, $0x38;
	[tilespmem:$0x11000] =	vst v63  }
0xf2: {  	_ =	swait.ge [sflag:s6], $0x4000  }
0xf3: {  	[sflag:s6] =	ssyncset.done $0x0  }
0xf4: {  	[sflag:s6] =	ssyncadd.s32 $0xFFFFC000  }
0xf5: {  	_ =	swait.ge [sflag:s6], $0x4000  }
0xf6: {  	s31 =	sadd.s32 $0x8B800, s31;
	[sflag:s6] =	ssyncset.done $0x0  }
0xf7: {  	s26 =	sadd.s32 s26, s31;
	[sflag:s6] =	ssyncadd.s32 $0xFFFFC000  }
0xf8: {  	[tilespmem:s7], [sflag:$0x2] =	stream.linear.gather [hbm4b:s26+s2], $0x4000, $0x38;
	[tilespmem:$0x11000] =	vst v63  }
0xf9: {  	s28 =	sadd.s32 s28, s31  }
0xfa: {  	[tilespmem:s8], [sflag:$0x2] =	stream.linear.gather [hbm4b:s28+s2], $0x4000, $0x38;
	[tilespmem:$0x11000] =	vst v63  }
0xfb: {  	_ =	swait.ge [sflag:s9], $0x4000  }
0xfc: {  	s1 =	ssub.s32 $0x2, s1;
	[sflag:s9] =	ssyncset.done $0x0  }
0xfd: {  	s29 =	sshll.u32 s29, $0x8;
	s10 =	sshrl.u32 s1, $0x1;
	[sflag:s9] =	ssyncadd.s32 $0xFFFFC000  }
0xfe: {  	s11 =	smov.u32 s0;
	s31 =	sadd.s32 s29, s30;
	_ =	swait.ge [sflag:s9], $0x4000  }
0xff: {  	s30 =	simm.s32 $0x3;
	s0 =	ssub.s32 s1, s10;
	[sflag:s9] =	ssyncset.done $0x0  }
0x100: {  	s29 =	sadd.s32 $0xC00, s31;
	s0 =	smax.u32 s0, $0x1;
	[sflag:s9] =	ssyncadd.s32 $0xFFFFC000  }
0x101: {  	[hbm4b:s29+s2] =	stream.linear.scatter [tilespmem:s3], [sflag:$0x3], $0x800, $0x38;
	[tilespmem:$0x11000] =	vst v63  }
0x102: {  	p0 =	sne.s32 s0, $0x1;
	_ =	swait.ge [sflag:s30], $0x800  }
.Ltmp0:
0x103: {  	[sflag:s30] =	ssyncset.done $0x0;
	(pc) =	sbr.rel @!p0 .LBB2_2-.Ltmp0, $4  }
0x104: {  	s31 =	sadd.s32 $0x2C00, s31;
	[sflag:s30] =	ssyncadd.s32 $0xFFFFF800  }
0x105: {  	[hbm4b:s31+s2] =	stream.linear.scatter [tilespmem:s4], [sflag:$0x3], $0x800, $0x38;
	[tilespmem:$0x11000] =	vst v63  }
0x106: {  	_ =	swait.ge [sflag:s30], $0x800  }
0x107: {  	s1 =	sadd.s32 $0xFFFFFFFF, s0;
	[sflag:s30] =	ssyncset.done $0x0  }
.LBB2_1:
0x108: {  	[sflag:s30] =	ssyncadd.s32 $0xFFFFF800  }
0x109: {  	[tilespmem:v0+s3+$0x0] =	vst.idx.msk $0xffff, v2  }
0x10a: {  	[tilespmem:v0+s4+$0x0] =	vst.idx.msk $0xffff, v2  }
0x10b: {  	[tilespmem:v1+s3+$0x0] =	vst.idx.msk $0xffff, v2  }
0x10c: {  	[tilespmem:v1+s4+$0x0] =	vst.idx.msk $0xffff, v2  }
0x10d: {  	[tilespmem:v3+s3+$0x0] =	vst.idx.msk $0xffff, v2  }
0x10e: {  	[tilespmem:v3+s4+$0x0] =	vst.idx.msk $0xffff, v2  }
0x10f: {  	[tilespmem:v4+s3+$0x0] =	vst.idx.msk $0xffff, v2  }
0x110: {  	[tilespmem:v4+s4+$0x0] =	vst.idx.msk $0xffff, v2  }
0x111: {  	[tilespmem:v5+s3+$0x0] =	vst.idx.msk $0xffff, v2  }
0x112: {  	[tilespmem:v5+s4+$0x0] =	vst.idx.msk $0xffff, v2  }
0x113: {  	[tilespmem:v6+s3+$0x0] =	vst.idx.msk $0xffff, v2  }
0x114: {  	[tilespmem:v6+s4+$0x0] =	vst.idx.msk $0xffff, v2  }
0x115: {  	[tilespmem:v7+s3+$0x0] =	vst.idx.msk $0xffff, v2  }
0x116: {  	[tilespmem:v7+s4+$0x0] =	vst.idx.msk $0xffff, v2  }
0x117: {  	[tilespmem:v8+s3+$0x0] =	vst.idx.msk $0xffff, v2  }
0x118: {  	[tilespmem:v8+s4+$0x0] =	vst.idx.msk $0xffff, v2  }
0x119: {  	[tilespmem:v9+s3+$0x0] =	vst.idx.msk $0xffff, v2  }
0x11a: {  	[tilespmem:v9+s4+$0x0] =	vst.idx.msk $0xffff, v2  }
0x11b: {  	[tilespmem:v10+s3+$0x0] =	vst.idx.msk $0xffff, v2  }
0x11c: {  	s0 =	rddreg [dreg:$0x4];
	[tilespmem:v10+s4+$0x0] =	vst.idx.msk $0xffff, v2  }
0x11d: {  	[tilespmem:s2], [sflag:$0x1] =	stream.linear.gather [hbm4b:s0+s2], $0x4000, $0x38;
	[tilespmem:$0x11000] =	vst v63  }
0x11e: {  	s10 =	rddreg [dreg:$0x5]  }
0x11f: {  	[tilespmem:s5], [sflag:$0x1] =	stream.linear.gather [hbm4b:s10+s2], $0x4000, $0x38;
	[tilespmem:$0x11000] =	vst v63  }
0x120: {  	_ =	swait.ge [sflag:s6], $0x4000  }
0x121: {  	[sflag:s6] =	ssyncset.done $0x0  }
0x122: {  	[sflag:s6] =	ssyncadd.s32 $0xFFFFC000  }
0x123: {  	_ =	swait.ge [sflag:s6], $0x4000  }
0x124: {  	[sflag:s6] =	ssyncset.done $0x0  }
0x125: {  	s0 =	rddreg [dreg:$0x6];
	[sflag:s6] =	ssyncadd.s32 $0xFFFFC000  }
0x126: {  	[tilespmem:s7], [sflag:$0x2] =	stream.linear.gather [hbm4b:s0+s2], $0x4000, $0x38;
	[tilespmem:$0x11000] =	vst v63  }
0x127: {  	s10 =	rddreg [dreg:$0x7]  }
0x128: {  	[tilespmem:s8], [sflag:$0x2] =	stream.linear.gather [hbm4b:s10+s2], $0x4000, $0x38;
	[tilespmem:$0x11000] =	vst v63  }
0x129: {  	_ =	swait.ge [sflag:s9], $0x4000  }
0x12a: {  	[sflag:s9] =	ssyncset.done $0x0  }
0x12b: {  	[sflag:s9] =	ssyncadd.s32 $0xFFFFC000  }
0x12c: {  	_ =	swait.ge [sflag:s9], $0x4000  }
0x12d: {  	[sflag:s9] =	ssyncset.done $0x0  }
0x12e: {  	s0 =	rddreg [dreg:$0x8];
	[sflag:s9] =	ssyncadd.s32 $0xFFFFC000  }
0x12f: {  	[tilespmem:s2], [sflag:$0x1] =	stream.linear.gather [hbm4b:s0+s2], $0x4000, $0x38;
	[tilespmem:$0x11000] =	vst v63  }
0x130: {  	s10 =	rddreg [dreg:$0x9]  }
0x131: {  	[tilespmem:s5], [sflag:$0x1] =	stream.linear.gather [hbm4b:s10+s2], $0x4000, $0x38;
	[tilespmem:$0x11000] =	vst v63  }
0x132: {  	_ =	swait.ge [sflag:s6], $0x4000  }
0x133: {  	[sflag:s6] =	ssyncset.done $0x0  }
0x134: {  	[sflag:s6] =	ssyncadd.s32 $0xFFFFC000  }
0x135: {  	_ =	swait.ge [sflag:s6], $0x4000  }
0x136: {  	[sflag:s6] =	ssyncset.done $0x0  }
0x137: {  	s0 =	rddreg [dreg:$0xa];
	[sflag:s6] =	ssyncadd.s32 $0xFFFFC000  }
0x138: {  	[tilespmem:s7], [sflag:$0x2] =	stream.linear.gather [hbm4b:s0+s2], $0x4000, $0x38;
	[tilespmem:$0x11000] =	vst v63  }
0x139: {  	s10 =	rddreg [dreg:$0xb]  }
0x13a: {  	[tilespmem:s8], [sflag:$0x2] =	stream.linear.gather [hbm4b:s10+s2], $0x4000, $0x38;
	[tilespmem:$0x11000] =	vst v63  }
0x13b: {  	_ =	swait.ge [sflag:s9], $0x4000  }
0x13c: {  	[sflag:s9] =	ssyncset.done $0x0  }
0x13d: {  	[sflag:s9] =	ssyncadd.s32 $0xFFFFC000  }
0x13e: {  	_ =	swait.ge [sflag:s9], $0x4000  }
0x13f: {  	[sflag:s9] =	ssyncset.done $0x0  }
0x140: {  	s0 =	rddreg [dreg:$0xc];
	[sflag:s9] =	ssyncadd.s32 $0xFFFFC000  }
0x141: {  	[tilespmem:s2], [sflag:$0x1] =	stream.linear.gather [hbm4b:s0+s2], $0x4000, $0x38;
	[tilespmem:$0x11000] =	vst v63  }
0x142: {  	s10 =	rddreg [dreg:$0xd]  }
0x143: {  	[tilespmem:s5], [sflag:$0x1] =	stream.linear.gather [hbm4b:s10+s2], $0x4000, $0x38;
	[tilespmem:$0x11000] =	vst v63  }
0x144: {  	_ =	swait.ge [sflag:s6], $0x4000  }
0x145: {  	[sflag:s6] =	ssyncset.done $0x0  }
0x146: {  	[sflag:s6] =	ssyncadd.s32 $0xFFFFC000  }
0x147: {  	_ =	swait.ge [sflag:s6], $0x4000  }
0x148: {  	[sflag:s6] =	ssyncset.done $0x0  }
0x149: {  	s0 =	rddreg [dreg:$0xe];
	[sflag:s6] =	ssyncadd.s32 $0xFFFFC000  }
0x14a: {  	[tilespmem:s7], [sflag:$0x2] =	stream.linear.gather [hbm4b:s0+s2], $0x4000, $0x38;
	[tilespmem:$0x11000] =	vst v63  }
0x14b: {  	s10 =	rddreg [dreg:$0xf]  }
0x14c: {  	[tilespmem:s8], [sflag:$0x2] =	stream.linear.gather [hbm4b:s10+s2], $0x4000, $0x38;
	[tilespmem:$0x11000] =	vst v63  }
0x14d: {  	_ =	swait.ge [sflag:s9], $0x4000  }
0x14e: {  	[sflag:s9] =	ssyncset.done $0x0  }
0x14f: {  	[sflag:s9] =	ssyncadd.s32 $0xFFFFC000  }
0x150: {  	_ =	swait.ge [sflag:s9], $0x4000  }
0x151: {  	[sflag:s9] =	ssyncset.done $0x0  }
0x152: {  	s0 =	rddreg [dreg:$0x10];
	[sflag:s9] =	ssyncadd.s32 $0xFFFFC000  }
0x153: {  	[tilespmem:s2], [sflag:$0x1] =	stream.linear.gather [hbm4b:s0+s2], $0x4000, $0x38;
	[tilespmem:$0x11000] =	vst v63  }
0x154: {  	s10 =	rddreg [dreg:$0x11]  }
0x155: {  	[tilespmem:s5], [sflag:$0x1] =	stream.linear.gather [hbm4b:s10+s2], $0x4000, $0x38;
	[tilespmem:$0x11000] =	vst v63  }
0x156: {  	_ =	swait.ge [sflag:s6], $0x4000  }
0x157: {  	[sflag:s6] =	ssyncset.done $0x0  }
0x158: {  	[sflag:s6] =	ssyncadd.s32 $0xFFFFC000  }
0x159: {  	_ =	swait.ge [sflag:s6], $0x4000  }
0x15a: {  	[sflag:s6] =	ssyncset.done $0x0  }
0x15b: {  	s0 =	rddreg [dreg:$0x12];
	[sflag:s6] =	ssyncadd.s32 $0xFFFFC000  }
0x15c: {  	[tilespmem:s7], [sflag:$0x2] =	stream.linear.gather [hbm4b:s0+s2], $0x4000, $0x38;
	[tilespmem:$0x11000] =	vst v63  }
0x15d: {  	s10 =	rddreg [dreg:$0x13]  }
0x15e: {  	[tilespmem:s8], [sflag:$0x2] =	stream.linear.gather [hbm4b:s10+s2], $0x4000, $0x38;
	[tilespmem:$0x11000] =	vst v63  }
0x15f: {  	_ =	swait.ge [sflag:s9], $0x4000  }
0x160: {  	[sflag:s9] =	ssyncset.done $0x0  }
0x161: {  	[sflag:s9] =	ssyncadd.s32 $0xFFFFC000  }
0x162: {  	_ =	swait.ge [sflag:s9], $0x4000  }
0x163: {  	[sflag:s9] =	ssyncset.done $0x0  }
0x164: {  	s0 =	rddreg [dreg:$0x14];
	[sflag:s9] =	ssyncadd.s32 $0xFFFFC000  }
0x165: {  	[tilespmem:s2], [sflag:$0x1] =	stream.linear.gather [hbm4b:s0+s2], $0x4000, $0x38;
	[tilespmem:$0x11000] =	vst v63  }
0x166: {  	s10 =	rddreg [dreg:$0x15]  }
0x167: {  	[tilespmem:s5], [sflag:$0x1] =	stream.linear.gather [hbm4b:s10+s2], $0x4000, $0x38;
	[tilespmem:$0x11000] =	vst v63  }
0x168: {  	_ =	swait.ge [sflag:s6], $0x4000  }
0x169: {  	[sflag:s6] =	ssyncset.done $0x0  }
0x16a: {  	[sflag:s6] =	ssyncadd.s32 $0xFFFFC000  }
0x16b: {  	_ =	swait.ge [sflag:s6], $0x4000  }
0x16c: {  	[sflag:s6] =	ssyncset.done $0x0  }
0x16d: {  	s0 =	rddreg [dreg:$0x16];
	[sflag:s6] =	ssyncadd.s32 $0xFFFFC000  }
0x16e: {  	[tilespmem:s7], [sflag:$0x2] =	stream.linear.gather [hbm4b:s0+s2], $0x4000, $0x38;
	[tilespmem:$0x11000] =	vst v63  }
0x16f: {  	s10 =	rddreg [dreg:$0x17]  }
0x170: {  	[tilespmem:s8], [sflag:$0x2] =	stream.linear.gather [hbm4b:s10+s2], $0x4000, $0x38;
	[tilespmem:$0x11000] =	vst v63  }
0x171: {  	_ =	swait.ge [sflag:s9], $0x4000  }
0x172: {  	[sflag:s9] =	ssyncset.done $0x0  }
0x173: {  	[sflag:s9] =	ssyncadd.s32 $0xFFFFC000  }
0x174: {  	_ =	swait.ge [sflag:s9], $0x4000  }
0x175: {  	[sflag:s9] =	ssyncset.done $0x0  }
0x176: {  	s0 =	rddreg [dreg:$0x18];
	[sflag:s9] =	ssyncadd.s32 $0xFFFFC000  }
0x177: {  	[tilespmem:s2], [sflag:$0x1] =	stream.linear.gather [hbm4b:s0+s2], $0x4000, $0x38;
	[tilespmem:$0x11000] =	vst v63  }
0x178: {  	s10 =	rddreg [dreg:$0x19]  }
0x179: {  	[tilespmem:s5], [sflag:$0x1] =	stream.linear.gather [hbm4b:s10+s2], $0x4000, $0x38;
	[tilespmem:$0x11000] =	vst v63  }
0x17a: {  	_ =	swait.ge [sflag:s6], $0x4000  }
0x17b: {  	[sflag:s6] =	ssyncset.done $0x0  }
0x17c: {  	[sflag:s6] =	ssyncadd.s32 $0xFFFFC000  }
0x17d: {  	_ =	swait.ge [sflag:s6], $0x4000  }
0x17e: {  	[sflag:s6] =	ssyncset.done $0x0  }
0x17f: {  	s0 =	rddreg [dreg:$0x1a];
	[sflag:s6] =	ssyncadd.s32 $0xFFFFC000  }
0x180: {  	[tilespmem:s7], [sflag:$0x2] =	stream.linear.gather [hbm4b:s0+s2], $0x4000, $0x38;
	[tilespmem:$0x11000] =	vst v63  }
0x181: {  	s10 =	rddreg [dreg:$0x1b]  }
0x182: {  	[tilespmem:s8], [sflag:$0x2] =	stream.linear.gather [hbm4b:s10+s2], $0x4000, $0x38;
	[tilespmem:$0x11000] =	vst v63  }
0x183: {  	_ =	swait.ge [sflag:s9], $0x4000  }
0x184: {  	[sflag:s9] =	ssyncset.done $0x0  }
0x185: {  	[sflag:s9] =	ssyncadd.s32 $0xFFFFC000  }
0x186: {  	_ =	swait.ge [sflag:s9], $0x4000  }
0x187: {  	[sflag:s9] =	ssyncset.done $0x0  }
0x188: {  	s0 =	rddreg [dreg:$0x1c];
	[sflag:s9] =	ssyncadd.s32 $0xFFFFC000  }
0x189: {  	[tilespmem:s2], [sflag:$0x1] =	stream.linear.gather [hbm4b:s0+s2], $0x4000, $0x38;
	[tilespmem:$0x11000] =	vst v63  }
0x18a: {  	s10 =	rddreg [dreg:$0x1d]  }
0x18b: {  	[tilespmem:s5], [sflag:$0x1] =	stream.linear.gather [hbm4b:s10+s2], $0x4000, $0x38;
	[tilespmem:$0x11000] =	vst v63  }
0x18c: {  	_ =	swait.ge [sflag:s6], $0x4000  }
0x18d: {  	[sflag:s6] =	ssyncset.done $0x0  }
0x18e: {  	[sflag:s6] =	ssyncadd.s32 $0xFFFFC000  }
0x18f: {  	_ =	swait.ge [sflag:s6], $0x4000  }
0x190: {  	[sflag:s6] =	ssyncset.done $0x0  }
0x191: {  	s0 =	rddreg [dreg:$0x1e];
	[sflag:s6] =	ssyncadd.s32 $0xFFFFC000  }
0x192: {  	[tilespmem:s7], [sflag:$0x2] =	stream.linear.gather [hbm4b:s0+s2], $0x4000, $0x38;
	[tilespmem:$0x11000] =	vst v63  }
0x193: {  	s10 =	rddreg [dreg:$0x1f]  }
0x194: {  	[tilespmem:s8], [sflag:$0x2] =	stream.linear.gather [hbm4b:s10+s2], $0x4000, $0x38;
	[tilespmem:$0x11000] =	vst v63  }
0x195: {  	_ =	swait.ge [sflag:s9], $0x4000  }
0x196: {  	[sflag:s9] =	ssyncset.done $0x0  }
0x197: {  	[sflag:s9] =	ssyncadd.s32 $0xFFFFC000  }
0x198: {  	_ =	swait.ge [sflag:s9], $0x4000  }
0x199: {  	s0 =	sld [smem:$0x7FB]  }
0x19a: {  	[sflag:s9] =	ssyncset.done $0x0  }
0x19b: {  	s10 =	sld [smem:$0x7FC];
	[sflag:s9] =	ssyncadd.s32 $0xFFFFC000  }
0x19c: {  	[tilespmem:s2], [sflag:$0x1] =	stream.linear.gather [hbm4b:s0+s2], $0x4000, $0x38;
	[tilespmem:$0x11000] =	vst v63  }
0x19d: {  	_ = 	snop  }
0x19e: {  	[tilespmem:s5], [sflag:$0x1] =	stream.linear.gather [hbm4b:s10+s2], $0x4000, $0x38;
	[tilespmem:$0x11000] =	vst v63  }
0x19f: {  	_ =	swait.ge [sflag:s6], $0x4000  }
0x1a0: {  	[sflag:s6] =	ssyncset.done $0x0  }
0x1a1: {  	[sflag:s6] =	ssyncadd.s32 $0xFFFFC000  }
0x1a2: {  	_ =	swait.ge [sflag:s6], $0x4000  }
0x1a3: {  	s10 =	sld [smem:$0x7FD]  }
0x1a4: {  	[sflag:s6] =	ssyncset.done $0x0  }
0x1a5: {  	[sflag:s6] =	ssyncadd.s32 $0xFFFFC000  }
0x1a6: {  	[tilespmem:s7], [sflag:$0x2] =	stream.linear.gather [hbm4b:s10+s2], $0x4000, $0x38;
	[tilespmem:$0x11000] =	vst v63  }
0x1a7: {  	_ = 	snop  }
0x1a8: {  	[tilespmem:s8], [sflag:$0x2] =	stream.linear.gather [hbm4b:s11+s2], $0x4000, $0x38;
	[tilespmem:$0x11000] =	vst v63  }
0x1a9: {  	_ =	swait.ge [sflag:s9], $0x4000  }
0x1aa: {  	[sflag:s9] =	ssyncset.done $0x0  }
0x1ab: {  	[sflag:s9] =	ssyncadd.s32 $0xFFFFC000  }
0x1ac: {  	_ =	swait.ge [sflag:s9], $0x4000  }
0x1ad: {  	[sflag:s9] =	ssyncset.done $0x0  }
0x1ae: {  	[sflag:s9] =	ssyncadd.s32 $0xFFFFC000  }
0x1af: {  	[tilespmem:s2], [sflag:$0x1] =	stream.linear.gather [hbm4b:s12+s2], $0x4000, $0x38;
	[tilespmem:$0x11000] =	vst v63  }
0x1b0: {  	_ = 	snop  }
0x1b1: {  	[tilespmem:s5], [sflag:$0x1] =	stream.linear.gather [hbm4b:s13+s2], $0x4000, $0x38;
	[tilespmem:$0x11000] =	vst v63  }
0x1b2: {  	_ =	swait.ge [sflag:s6], $0x4000  }
0x1b3: {  	[sflag:s6] =	ssyncset.done $0x0  }
0x1b4: {  	[sflag:s6] =	ssyncadd.s32 $0xFFFFC000  }
0x1b5: {  	_ =	swait.ge [sflag:s6], $0x4000  }
0x1b6: {  	[sflag:s6] =	ssyncset.done $0x0  }
0x1b7: {  	[sflag:s6] =	ssyncadd.s32 $0xFFFFC000  }
0x1b8: {  	[tilespmem:s7], [sflag:$0x2] =	stream.linear.gather [hbm4b:s14+s2], $0x4000, $0x38;
	[tilespmem:$0x11000] =	vst v63  }
0x1b9: {  	_ = 	snop  }
0x1ba: {  	[tilespmem:s8], [sflag:$0x2] =	stream.linear.gather [hbm4b:s15+s2], $0x4000, $0x38;
	[tilespmem:$0x11000] =	vst v63  }
0x1bb: {  	_ =	swait.ge [sflag:s9], $0x4000  }
0x1bc: {  	[sflag:s9] =	ssyncset.done $0x0  }
0x1bd: {  	[sflag:s9] =	ssyncadd.s32 $0xFFFFC000  }
0x1be: {  	_ =	swait.ge [sflag:s9], $0x4000  }
0x1bf: {  	[sflag:s9] =	ssyncset.done $0x0  }
0x1c0: {  	[sflag:s9] =	ssyncadd.s32 $0xFFFFC000  }
0x1c1: {  	[tilespmem:s2], [sflag:$0x1] =	stream.linear.gather [hbm4b:s16+s2], $0x4000, $0x38;
	[tilespmem:$0x11000] =	vst v63  }
0x1c2: {  	_ = 	snop  }
0x1c3: {  	[tilespmem:s5], [sflag:$0x1] =	stream.linear.gather [hbm4b:s17+s2], $0x4000, $0x38;
	[tilespmem:$0x11000] =	vst v63  }
0x1c4: {  	_ =	swait.ge [sflag:s6], $0x4000  }
0x1c5: {  	[sflag:s6] =	ssyncset.done $0x0  }
0x1c6: {  	[sflag:s6] =	ssyncadd.s32 $0xFFFFC000  }
0x1c7: {  	_ =	swait.ge [sflag:s6], $0x4000  }
0x1c8: {  	[sflag:s6] =	ssyncset.done $0x0  }
0x1c9: {  	[sflag:s6] =	ssyncadd.s32 $0xFFFFC000  }
0x1ca: {  	[tilespmem:s7], [sflag:$0x2] =	stream.linear.gather [hbm4b:s18+s2], $0x4000, $0x38;
	[tilespmem:$0x11000] =	vst v63  }
0x1cb: {  	_ = 	snop  }
0x1cc: {  	[tilespmem:s8], [sflag:$0x2] =	stream.linear.gather [hbm4b:s19+s2], $0x4000, $0x38;
	[tilespmem:$0x11000] =	vst v63  }
0x1cd: {  	_ =	swait.ge [sflag:s9], $0x4000  }
0x1ce: {  	[sflag:s9] =	ssyncset.done $0x0  }
0x1cf: {  	[sflag:s9] =	ssyncadd.s32 $0xFFFFC000  }
0x1d0: {  	_ =	swait.ge [sflag:s9], $0x4000  }
0x1d1: {  	[sflag:s9] =	ssyncset.done $0x0  }
0x1d2: {  	[sflag:s9] =	ssyncadd.s32 $0xFFFFC000  }
0x1d3: {  	[tilespmem:s2], [sflag:$0x1] =	stream.linear.gather [hbm4b:s20+s2], $0x4000, $0x38;
	[tilespmem:$0x11000] =	vst v63  }
0x1d4: {  	_ = 	snop  }
0x1d5: {  	[tilespmem:s5], [sflag:$0x1] =	stream.linear.gather [hbm4b:s21+s2], $0x4000, $0x38;
	[tilespmem:$0x11000] =	vst v63  }
0x1d6: {  	_ =	swait.ge [sflag:s6], $0x4000  }
0x1d7: {  	[sflag:s6] =	ssyncset.done $0x0  }
0x1d8: {  	[sflag:s6] =	ssyncadd.s32 $0xFFFFC000  }
0x1d9: {  	_ =	swait.ge [sflag:s6], $0x4000  }
0x1da: {  	[sflag:s6] =	ssyncset.done $0x0  }
0x1db: {  	[sflag:s6] =	ssyncadd.s32 $0xFFFFC000  }
0x1dc: {  	[tilespmem:s7], [sflag:$0x2] =	stream.linear.gather [hbm4b:s22+s2], $0x4000, $0x38;
	[tilespmem:$0x11000] =	vst v63  }
0x1dd: {  	_ = 	snop  }
0x1de: {  	[tilespmem:s8], [sflag:$0x2] =	stream.linear.gather [hbm4b:s23+s2], $0x4000, $0x38;
	[tilespmem:$0x11000] =	vst v63  }
0x1df: {  	_ =	swait.ge [sflag:s9], $0x4000  }
0x1e0: {  	[sflag:s9] =	ssyncset.done $0x0  }
0x1e1: {  	[sflag:s9] =	ssyncadd.s32 $0xFFFFC000  }
0x1e2: {  	_ =	swait.ge [sflag:s9], $0x4000  }
0x1e3: {  	[sflag:s9] =	ssyncset.done $0x0  }
0x1e4: {  	[sflag:s9] =	ssyncadd.s32 $0xFFFFC000  }
0x1e5: {  	[tilespmem:s2], [sflag:$0x1] =	stream.linear.gather [hbm4b:s24+s2], $0x4000, $0x38;
	[tilespmem:$0x11000] =	vst v63  }
0x1e6: {  	_ = 	snop  }
0x1e7: {  	[tilespmem:s5], [sflag:$0x1] =	stream.linear.gather [hbm4b:s25+s2], $0x4000, $0x38;
	[tilespmem:$0x11000] =	vst v63  }
0x1e8: {  	_ =	swait.ge [sflag:s6], $0x4000  }
0x1e9: {  	[sflag:s6] =	ssyncset.done $0x0  }
0x1ea: {  	[sflag:s6] =	ssyncadd.s32 $0xFFFFC000  }
0x1eb: {  	_ =	swait.ge [sflag:s6], $0x4000  }
0x1ec: {  	[sflag:s6] =	ssyncset.done $0x0  }
0x1ed: {  	[sflag:s6] =	ssyncadd.s32 $0xFFFFC000  }
0x1ee: {  	[tilespmem:s7], [sflag:$0x2] =	stream.linear.gather [hbm4b:s26+s2], $0x4000, $0x38;
	[tilespmem:$0x11000] =	vst v63  }
0x1ef: {  	_ = 	snop  }
0x1f0: {  	[tilespmem:s8], [sflag:$0x2] =	stream.linear.gather [hbm4b:s28+s2], $0x4000, $0x38;
	[tilespmem:$0x11000] =	vst v63  }
0x1f1: {  	_ =	swait.ge [sflag:s9], $0x4000  }
0x1f2: {  	[sflag:s9] =	ssyncset.done $0x0  }
0x1f3: {  	[sflag:s9] =	ssyncadd.s32 $0xFFFFC000  }
0x1f4: {  	_ =	swait.ge [sflag:s9], $0x4000  }
0x1f5: {  	[sflag:s9] =	ssyncset.done $0x0  }
0x1f6: {  	[sflag:s9] =	ssyncadd.s32 $0xFFFFC000  }
0x1f7: {  	[hbm4b:s29+s2] =	stream.linear.scatter [tilespmem:s3], [sflag:$0x3], $0x800, $0x38;
	[tilespmem:$0x11000] =	vst v63  }
0x1f8: {  	p0 =	sne.s32 s1, $0x1;
	_ =	swait.ge [sflag:s30], $0x800  }
.Ltmp1:
0x1f9: {  	[sflag:s30] =	ssyncset.done $0x0;
	(pc) =	sbr.rel @p0 .LBB2_1-.Ltmp1, $4  }
0x1fa: {  	[sflag:s30] =	ssyncadd.s32 $0xFFFFF800  }
0x1fb: {  	[hbm4b:s31+s2] =	stream.linear.scatter [tilespmem:s4], [sflag:$0x3], $0x800, $0x38;
	[tilespmem:$0x11000] =	vst v63  }
0x1fc: {  	_ =	swait.ge [sflag:s30], $0x800  }
0x1fd: {  	s1 =	sadd.s32 $0xFFFFFFFF, s1;
	[sflag:s30] =	ssyncset.done $0x0  }
.LBB2_2:
0x1fe: {  	[sflag:s30] =	ssyncadd.s32 $0xFFFFF800  }
0x1ff: {  	_ =	sfence.sel $0x180000  }
0x200: {  	[bflag:$0x0] =	sbarrier.arrive $0xFFFF  }
0x201: {  	_ =	strace $0x90000047  }
0x202: {  	s0 =	stileid.u32;
	[bflag:$0x2] =	sbarrier.arrive $0xFFFF  }
0x203: {  	p0 =	sne.s32 s0, $0x0;
	s0 =	rddreg [dreg:$0x3]  }
0x204: {  	s0 =	sadd.s32 @!p0 $0x100000, s0  }
0x205: {  	[sflag:s0] =	ssyncadd.tile.s32 @!p0 $0x1;
	_ =	shalt  }
.Lfunc_end2:
_tile_overlayer_lowered:
.L_overlay_start_2:
0x206: {  	(tag) =	ssettag $0x2  }
0x207: {  	s0 =	rddreg [dreg:$0x0];
	s2 =	stileid.u32  }
0x208: {  	s1 =	rddreg [dreg:$0x1];
	p0 =	sne.s32 s2, $0x0  }
0x209: {  	s3 =	rddreg [dreg:$0x2];
	[bflag:$0x3] =	sbarrier.arrive $0xFFFF;
	s2 =	simm.s32 @!p0 $0x1C03  }
0x20a: {  	[timem:s3], [sflag:s2] =	dma.local @!p0 [hbm:s0], s1  }
0x20b: {  	s0 =	simm.s32 @!p0 $0x3  }
0x20c: {  	_ =	swait.ge @!p0 [sflag:s0], s1  }
0x20d: {  	s1 =	ssub.s32 @!p0 $0x0, s1;
	[sflag:s0] =	ssyncset.done @!p0 $0x0  }
0x20e: {  	[sflag:s0] =	ssyncadd.s32 @!p0 s1  }
0x20f: {  	[bflag:$0x3] =	sbarrier.arrive $0xFFFF  }
0x210: {  	_ =	shalt  }

</sc_bundles>
